<compile_context>
chip_gen: v7x
topology: tpu7x:2x2x1
jax: 0.10.2.dev20260603
libtpu: 0.0.44.dev20260713+nightly
codegen_flags: <defaults>
</compile_context>

<pallas_src>
import functools

import jax
import jax.numpy as jnp
from jax import lax
from jax.experimental import pallas as pl
from jax.experimental.pallas import tpu as pltpu
from jax.experimental.pallas import tpu_sc as plsc

_B = 4096
_T = 50
_D = 32
_ATT_H = 80
_LANES = 128
_NW = 32
_HROWS = _T * _B
_IDXROWS = _HROWS // _LANES
_WROWS = _IDXROWS // _NW
_CHUNK = 10
_NCHUNK = _WROWS // _CHUNK
_BB = 512


def _sc_gather_hist(idx_cat, idx_brand, cat_t, brand_t):
  f32 = jnp.float32
  mesh = plsc.VectorSubcoreMesh(core_axis_name="c", subcore_axis_name="s")
  out_type = [
      jax.ShapeDtypeStruct((_HROWS, _D), f32),
      jax.ShapeDtypeStruct((_HROWS, _D), f32),
  ]

  @functools.partial(
      pl.kernel, mesh=mesh, out_type=out_type,
      compiler_params=pltpu.CompilerParams(use_tc_tiling_on_sc=False),
      scratch_types=[
          pltpu.VMEM((_WROWS, _LANES), jnp.int32),
          pltpu.VMEM((_CHUNK * _LANES, _D), f32),
          pltpu.SemaphoreType.DMA,
      ])
  def body(idx_cat_h, idx_brand_h, cat_h, brand_h,
           kcat_h, kbrand_h, idx_v, rows_v, sem):
    wid = lax.axis_index("s") * 2 + lax.axis_index("c")
    w0 = wid * _WROWS

    def run_table(idx_h, tab_h, out_h):
      pltpu.sync_copy(idx_h.at[wid], idx_v)

      def chunk(c, carry):
        handles = [
            pltpu.async_copy(tab_h.at[idx_v.at[c * _CHUNK + j]],
                             rows_v.at[pl.ds(j * _LANES, _LANES)], sem)
            for j in range(_CHUNK)
        ]
        for h in handles:
          h.wait()
        pltpu.sync_copy(
            rows_v,
            out_h.at[pl.ds((w0 + c * _CHUNK) * _LANES, _CHUNK * _LANES)])
        return carry
      lax.fori_loop(0, _NCHUNK, chunk, 0)

    run_table(idx_cat_h, cat_h, kcat_h)
    run_table(idx_brand_h, brand_h, kbrand_h)

  return body(idx_cat, idx_brand, cat_t, brand_t)


def _sc_gather_small(idx_qc, idx_qb, idx_u, idx_i,
                     cat_t, brand_t, user_t, item_t):
  f32 = jnp.float32
  mesh = plsc.VectorSubcoreMesh(core_axis_name="c", subcore_axis_name="s")
  out_type = [jax.ShapeDtypeStruct((_B, _D), f32)] * 4

  @functools.partial(
      pl.kernel, mesh=mesh, out_type=out_type,
      compiler_params=pltpu.CompilerParams(use_tc_tiling_on_sc=False),
      scratch_types=[
          pltpu.VMEM((1, _LANES), jnp.int32),
          pltpu.VMEM((_LANES, _D), f32),
          pltpu.SemaphoreType.DMA,
      ])
  def body(idx_qc_h, idx_qb_h, idx_u_h, idx_i_h,
           cat_h, brand_h, user_h, item_h,
           qc_h, qb_h, u_h, i_h, idx_s, rows_s, sem):
    wid = lax.axis_index("s") * 2 + lax.axis_index("c")
    for idx_h, tab_h, out_h in ((idx_qc_h, cat_h, qc_h),
                                (idx_qb_h, brand_h, qb_h),
                                (idx_u_h, user_h, u_h),
                                (idx_i_h, item_h, i_h)):
      pltpu.sync_copy(idx_h.at[wid], idx_s)
      pltpu.async_copy(tab_h.at[idx_s.at[0]], rows_s, sem).wait()
      pltpu.sync_copy(rows_s, out_h.at[pl.ds(wid * _LANES, _LANES)])

  return body(idx_qc, idx_qb, idx_u, idx_i, cat_t, brand_t, user_t, item_t)


def _tc_body(kcat_ref, kbrand_ref, qc_ref, qb_ref, u_ref, i_ref, dense_ref,
             wa_ref, wcomb_ref, b1_ref, w2_ref, b2_ref,
             w1a_ref, w1b_ref, w1c_ref, w1d_ref, w1e_ref, db1_ref,
             w2d_ref, db2_ref, w3_ref, db3_ref, out_ref):
  f32 = jnp.float32
  dot = functools.partial(jnp.dot, preferred_element_type=f32)
  qT = jnp.concatenate([qc_ref[...], qb_ref[...]], axis=0)
  qA = dot(wa_ref[...], qT) + b1_ref[...]
  w2 = w2_ref[...]
  b2 = b2_ref[0, 0]

  m = jnp.full((1, _BB), -1e30, f32)
  den = jnp.zeros((1, _BB), f32)
  acc = jnp.zeros((2 * _D, _BB), f32)
  for t in range(_T):
    ktT = jnp.concatenate([kcat_ref[t], kbrand_ref[t]], axis=0)
    kk = jnp.concatenate([ktT, qT * ktT], axis=0)
    h = jnp.maximum(qA + dot(wcomb_ref[...], kk), 0.0)
    s = jnp.sum(h * w2, axis=0, keepdims=True) + b2
    m2 = jnp.maximum(m, s)
    alpha = jnp.exp(m - m2)
    p = jnp.exp(s - m2)
    den = den * alpha + p
    acc = acc * alpha + p * ktT
    m = m2
  att = acc / den

  h1 = jnp.maximum(
      dot(w1a_ref[...], dense_ref[...]) + dot(w1b_ref[...], qT)
      + dot(w1c_ref[...], att) + dot(w1d_ref[...], u_ref[...])
      + dot(w1e_ref[...], i_ref[...]) + db1_ref[...], 0.0)
  h2 = jnp.maximum(dot(w2d_ref[...], h1) + db2_ref[...], 0.0)
  z = jnp.sum(h2 * w3_ref[...], axis=0, keepdims=True) + db3_ref[0, 0]
  out_ref[...] = 1.0 / (1.0 + jnp.exp(-z))


def _full(shape):
  return pl.BlockSpec(shape, lambda i: (0,) * len(shape))


def kernel(dense_features, item_category, item_brand, user_pv_category_list,
           user_pv_brand_list, user_id, item_id,
           category_table, brand_table, user_table, item_table,
           att_w1, att_b1, att_w2, att_b2,
           dnn_w1, dnn_b1, dnn_w2, dnn_b2, dnn_w3, dnn_b3):
  i32 = jnp.int32
  idx_cat = user_pv_category_list.astype(i32).T.reshape(_NW, _WROWS, _LANES)
  idx_brand = user_pv_brand_list.astype(i32).T.reshape(_NW, _WROWS, _LANES)
  idx_qc = item_category.astype(i32).reshape(_NW, 1, _LANES)
  idx_qb = item_brand.astype(i32).reshape(_NW, 1, _LANES)
  idx_u = user_id.astype(i32).reshape(_NW, 1, _LANES)
  idx_i = item_id.astype(i32).reshape(_NW, 1, _LANES)

  kcat, kbrand = _sc_gather_hist(idx_cat, idx_brand,
                                 category_table, brand_table)
  qc, qb, u_emb, i_emb = _sc_gather_small(
      idx_qc, idx_qb, idx_u, idx_i,
      category_table, brand_table, user_table, item_table)

  kcatT = kcat.reshape(_T, _B, _D).transpose(0, 2, 1)
  kbrandT = kbrand.reshape(_T, _B, _D).transpose(0, 2, 1)
  qcT = qc.T
  qbT = qb.T
  uT = u_emb.T
  iT = i_emb.T
  denseT = dense_features.T

  wd = att_w1[4 * _D:6 * _D]
  wa_t = (att_w1[0:2 * _D] + wd).T
  wcomb_t = jnp.concatenate(
      [(att_w1[2 * _D:4 * _D] - wd).T, att_w1[6 * _D:8 * _D].T],
      axis=1)
  b1c = att_b1.reshape(_ATT_H, 1)
  w2c = att_w2.reshape(_ATT_H, 1)
  b2c = att_b2.reshape(1, 1)
  w1a = dnn_w1[0:13].T
  w1b = dnn_w1[13:13 + 64].T
  w1c = dnn_w1[77:77 + 64].T
  w1d = dnn_w1[141:141 + 32].T
  w1e = dnn_w1[173:173 + 32].T
  db1c = dnn_b1.reshape(-1, 1)
  w2d = dnn_w2.T
  db2c = dnn_b2.reshape(-1, 1)
  w3c = dnn_w3.reshape(-1, 1)
  db3c = dnn_b3.reshape(1, 1)

  grid = (_B // _BB,)
  outT = pl.pallas_call(
      _tc_body,
      grid=grid,
      in_specs=[
          pl.BlockSpec((_T, _D, _BB), lambda i: (0, 0, i)),
          pl.BlockSpec((_T, _D, _BB), lambda i: (0, 0, i)),
          pl.BlockSpec((_D, _BB), lambda i: (0, i)),
          pl.BlockSpec((_D, _BB), lambda i: (0, i)),
          pl.BlockSpec((_D, _BB), lambda i: (0, i)),
          pl.BlockSpec((_D, _BB), lambda i: (0, i)),
          pl.BlockSpec((13, _BB), lambda i: (0, i)),
          _full(wa_t.shape),
          _full(wcomb_t.shape),
          _full(b1c.shape),
          _full(w2c.shape),
          _full(b2c.shape),
          _full(w1a.shape),
          _full(w1b.shape),
          _full(w1c.shape),
          _full(w1d.shape),
          _full(w1e.shape),
          _full(db1c.shape),
          _full(w2d.shape),
          _full(db2c.shape),
          _full(w3c.shape),
          _full(db3c.shape),
      ],
      out_specs=pl.BlockSpec((1, _BB), lambda i: (0, i)),
      out_shape=jax.ShapeDtypeStruct((1, _B), jnp.float32),
  )(kcatT, kbrandT, qcT, qbT, uT, iT, denseT,
    wa_t, wcomb_t, b1c, w2c, b2c,
    w1a, w1b, w1c, w1d, w1e, db1c, w2d, db2c, w3c, db3c)
  return outT.reshape(_B, 1)

# --- scband reference (transcript-rebuilt; emitter-appended) ---
"""Pipeline reference for scband-din-model-42932493091070 (READ-ONLY COPY).

The authoritative reference and input builder live on the scoring server;
editing this copy changes nothing except your own understanding.
"""

import jax, jax.numpy as jnp
import numpy as np

B = 4096
T = 50
V = 100000
D = 32
NUM = 13
ATT_H = 80
DNN1 = 256
DNN2 = 128


def setup_inputs(seed: int = 0):
    key = jax.random.key(seed)
    ks = jax.random.split(key, 20)
    u = lambda k, shape: jax.random.uniform(k, shape, minval=-0.001, maxval=0.001, dtype=jnp.float32)
    g = lambda k, shape: jax.random.normal(k, shape, dtype=jnp.float32) * (1.0 / np.sqrt(shape[0]))
    return {
        "dense_features": jax.random.normal(ks[0], (B, NUM), dtype=jnp.float32),
        "item_category": jax.random.randint(ks[1], (B,), 0, V),
        "item_brand": jax.random.randint(ks[2], (B,), 0, V),
        "user_pv_category_list": jax.random.randint(ks[3], (B, T), 0, V),
        "user_pv_brand_list": jax.random.randint(ks[4], (B, T), 0, V),
        "user_id": jax.random.randint(ks[5], (B,), 0, V),
        "item_id": jax.random.randint(ks[6], (B,), 0, V),
        "category_table": u(ks[7], (V, D)),
        "brand_table": u(ks[8], (V, D)),
        "user_table": u(ks[9], (V, D)),
        "item_table": u(ks[10], (V, D)),
        "att_w1": g(ks[11], (8 * D, ATT_H)),
        "att_b1": jnp.zeros((ATT_H,), dtype=jnp.float32),
        "att_w2": g(ks[12], (ATT_H, 1)),
        "att_b2": jnp.zeros((1,), dtype=jnp.float32),
        "dnn_w1": g(ks[13], (NUM + 6 * D, DNN1)),
        "dnn_b1": jnp.zeros((DNN1,), dtype=jnp.float32),
        "dnn_w2": g(ks[14], (DNN1, DNN2)),
        "dnn_b2": jnp.zeros((DNN2,), dtype=jnp.float32),
        "dnn_w3": g(ks[15], (DNN2, 1)),
        "dnn_b3": jnp.zeros((1,), dtype=jnp.float32),
    }


def _forward(dense_features, category_table, brand_table, user_table, item_table,
             att_w1, att_b1, att_w2, att_b2,
             dnn_w1, dnn_b1, dnn_w2, dnn_b2, dnn_w3, dnn_b3,
             item_category, item_brand, user_pv_category_list, user_pv_brand_list,
             user_id, item_id):
    # query embeddings (item_category, item_brand), reshaped to [B, 1, D] semantics
    q = jnp.concatenate([
        jnp.take(category_table, item_category, axis=0),
        jnp.take(brand_table, item_brand, axis=0),
    ], axis=-1)  # [B, 2D]
    # history (non-pooling) embeddings -> [B, T, 2D]
    keys = jnp.concatenate([
        jnp.take(category_table, user_pv_category_list, axis=0),
        jnp.take(brand_table, user_pv_brand_list, axis=0),
    ], axis=-1)
    # DIN local activation unit
    q_t = jnp.broadcast_to(q[:, None, :], keys.shape)
    att_in = jnp.concatenate([q_t, keys, q_t - keys, q_t * keys], axis=-1)  # [B, T, 8D]
    h = jax.nn.relu(att_in @ att_w1 + att_b1)
    scores = (h @ att_w2 + att_b2)[..., 0]  # [B, T]
    # key_len == max_varlength for all rows, so all positions are valid
    w = jax.nn.softmax(scores, axis=-1)
    att_out = jnp.einsum("bt,btd->bd", w, keys)  # [B, 2D]
    # remaining categorical fields (pooled / single-id embeddings)
    u_emb = jnp.take(user_table, user_id, axis=0)
    i_emb = jnp.take(item_table, item_id, axis=0)
    # DNN over concat of dense, query, attention output, other embeddings
    x = jnp.concatenate([dense_features, q, att_out, u_emb, i_emb], axis=-1)
    h1 = jax.nn.relu(x @ dnn_w1 + dnn_b1)
    h2 = jax.nn.relu(h1 @ dnn_w2 + dnn_b2)
    logits = jax.nn.sigmoid(h2 @ dnn_w3 + dnn_b3)  # [B, 1]
    return logits


def reference(dense_features, item_category, item_brand, user_pv_category_list,
              user_pv_brand_list, user_id, item_id,
              category_table, brand_table, user_table, item_table,
              att_w1, att_b1, att_w2, att_b2,
              dnn_w1, dnn_b1, dnn_w2, dnn_b2, dnn_w3, dnn_b3):
    return _forward(dense_features, category_table, brand_table, user_table, item_table,
                    att_w1, att_b1, att_w2, att_b2,
                    dnn_w1, dnn_b1, dnn_w2, dnn_b2, dnn_w3, dnn_b3,
                    item_category, item_brand, user_pv_category_list,
                    user_pv_brand_list, user_id, item_id)

if __name__ == "__main__":
    import jax
    _d = setup_inputs()
    print(jax.jit(kernel)(*tuple(_d.values())))

</pallas_src>

<mosaic_0001>
#map = affine_map<(d0, d1) -> (0, 0, 0)>
#map1 = affine_map<(d0, d1) -> (0, 0)>
module attributes {stable_mosaic.version = 14 : i64} {
  func.func @body(%arg0: i32, %arg1: i32, %arg2: memref<32x1x128xi32, #tpu.memory_space<hbm>>, %arg3: memref<32x1x128xi32, #tpu.memory_space<hbm>>, %arg4: memref<32x1x128xi32, #tpu.memory_space<hbm>>, %arg5: memref<32x1x128xi32, #tpu.memory_space<hbm>>, %arg6: memref<100000x32xf32, #tpu.memory_space<hbm>>, %arg7: memref<100000x32xf32, #tpu.memory_space<hbm>>, %arg8: memref<100000x32xf32, #tpu.memory_space<hbm>>, %arg9: memref<100000x32xf32, #tpu.memory_space<hbm>>, %arg10: memref<4096x32xf32, #tpu.memory_space<hbm>>, %arg11: memref<4096x32xf32, #tpu.memory_space<hbm>>, %arg12: memref<4096x32xf32, #tpu.memory_space<hbm>>, %arg13: memref<4096x32xf32, #tpu.memory_space<hbm>>, %arg14: memref<1x128xi32, #tpu.memory_space<vmem>>, %arg15: memref<128x32xf32, #tpu.memory_space<vmem>>, %arg16: memref<!tpu.dma_semaphore, #tpu.memory_space<semaphore_mem>>) attributes {dimension_semantics = [#tpu.dimension_semantics<core_parallel>, #tpu.dimension_semantics<subcore_parallel>], iteration_bounds = array<i64: 2, 16>, scalar_prefetch = 0 : i64, scratch_operands = 3 : i64, tpu.core_type = #tpu.core_type<sc_vector_subcore>, window_params = [{transform_indices = #map}, {transform_indices = #map}, {transform_indices = #map}, {transform_indices = #map}, {transform_indices = #map1}, {transform_indices = #map1}, {transform_indices = #map1}, {transform_indices = #map1}, {transform_indices = #map1}, {transform_indices = #map1}, {transform_indices = #map1}, {transform_indices = #map1}]} {
    %mul3A = arith.constant 2 : i32
    %mul3A_0 = arith.muli %arg1, %mul3A : i32
    %add3A = arith.addi %mul3A_0, %arg0 : i32
    "tpu.region"() ({
      %run_scoped3A = tpu.sem_alloc : memref<!tpu.dma_semaphore, #tpu.memory_space<semaphore_mem>>
      %dma_start3A_63 = arith.constant 0 : i32
      %dma_start3A_64 = arith.constant 0 : i32
      %dma_start3A_65 = tpu.memref_slice %arg2[%add3A, %dma_start3A_63, %dma_start3A_64] : memref<32x1x128xi32, #tpu.memory_space<hbm>> -> memref<1x1x128xi32, #tpu.memory_space<hbm>>
      %dma_start3A_66 = tpu.memref_squeeze %dma_start3A_65 : memref<1x1x128xi32, #tpu.memory_space<hbm>> -> memref<1x128xi32, #tpu.memory_space<hbm>>
      %dma_start3A_67 = arith.constant 0 : i32
      %dma_start3A_68 = arith.constant 0 : i32
      %dma_start3A_69 = tpu.memref_slice %arg2[%add3A, %dma_start3A_67, %dma_start3A_68] : memref<32x1x128xi32, #tpu.memory_space<hbm>> -> memref<1x1x128xi32, #tpu.memory_space<hbm>>
      %dma_start3A_70 = tpu.memref_squeeze %dma_start3A_69 : memref<1x1x128xi32, #tpu.memory_space<hbm>> -> memref<1x128xi32, #tpu.memory_space<hbm>>
      tpu.enqueue_dma source(%dma_start3A_70 : memref<1x128xi32, #tpu.memory_space<hbm>>) target(%arg14 : memref<1x128xi32, #tpu.memory_space<vmem>>) target_semaphore(%run_scoped3A : memref<!tpu.dma_semaphore, #tpu.memory_space<semaphore_mem>>)
      %dma_wait3A_71 = arith.constant 0 : i32
      %dma_wait3A_72 = arith.constant 0 : i32
      %dma_wait3A_73 = tpu.memref_slice %arg2[%add3A, %dma_wait3A_71, %dma_wait3A_72] : memref<32x1x128xi32, #tpu.memory_space<hbm>> -> memref<1x1x128xi32, #tpu.memory_space<hbm>>
      %dma_wait3A_74 = tpu.memref_squeeze %dma_wait3A_73 : memref<1x1x128xi32, #tpu.memory_space<hbm>> -> memref<1x128xi32, #tpu.memory_space<hbm>>
      %dma_wait3A_75 = arith.constant 0 : i32
      %dma_wait3A_76 = arith.constant 0 : i32
      %dma_wait3A_77 = tpu.memref_slice %arg2[%add3A, %dma_wait3A_75, %dma_wait3A_76] : memref<32x1x128xi32, #tpu.memory_space<hbm>> -> memref<1x1x128xi32, #tpu.memory_space<hbm>>
      %dma_wait3A_78 = tpu.memref_squeeze %dma_wait3A_77 : memref<1x1x128xi32, #tpu.memory_space<hbm>> -> memref<1x128xi32, #tpu.memory_space<hbm>>
      tpu.wait_dma2 semaphore(%run_scoped3A : memref<!tpu.dma_semaphore, #tpu.memory_space<semaphore_mem>>) src(%dma_wait3A_78 : memref<1x128xi32, #tpu.memory_space<hbm>>) dst(%arg14 : memref<1x128xi32, #tpu.memory_space<vmem>>)
      tpu.yield
    }) : () -> ()
    %dma_start3A = arith.constant 0 : i32
    %dma_start3A_1 = arith.constant 0 : i32
    %dma_start3A_2 = tpu.memref_slice %arg14[%dma_start3A, %dma_start3A_1] : memref<1x128xi32, #tpu.memory_space<vmem>> -> memref<1x128xi32, #tpu.memory_space<vmem>>
    %dma_start3A_3 = tpu.memref_squeeze %dma_start3A_2 : memref<1x128xi32, #tpu.memory_space<vmem>> -> memref<128xi32, #tpu.memory_space<vmem>>
    %dma_start3A_4 = arith.constant 0 : i32
    %dma_start3A_5 = arith.constant 0 : i32
    %dma_start3A_6 = tpu.memref_slice %arg6[%dma_start3A_4, %dma_start3A_5] : memref<100000x32xf32, #tpu.memory_space<hbm>> -> memref<100000x32xf32, #tpu.memory_space<hbm>>
    tpu.enqueue_indirect_dma source(%dma_start3A_6 : memref<100000x32xf32, #tpu.memory_space<hbm>>) target(%arg15 : memref<128x32xf32, #tpu.memory_space<vmem>>) offsets(%dma_start3A_3 : memref<128xi32, #tpu.memory_space<vmem>>) semaphore(%arg16 : memref<!tpu.dma_semaphore, #tpu.memory_space<semaphore_mem>>)
    %dma_wait3A = arith.constant 0 : i32
    %dma_wait3A_7 = arith.constant 0 : i32
    %dma_wait3A_8 = tpu.memref_slice %arg14[%dma_wait3A, %dma_wait3A_7] : memref<1x128xi32, #tpu.memory_space<vmem>> -> memref<1x128xi32, #tpu.memory_space<vmem>>
    %dma_wait3A_9 = tpu.memref_squeeze %dma_wait3A_8 : memref<1x128xi32, #tpu.memory_space<vmem>> -> memref<128xi32, #tpu.memory_space<vmem>>
    %dma_wait3A_10 = arith.constant 0 : i32
    %dma_wait3A_11 = arith.constant 0 : i32
    %dma_wait3A_12 = tpu.memref_slice %arg6[%dma_wait3A_10, %dma_wait3A_11] : memref<100000x32xf32, #tpu.memory_space<hbm>> -> memref<100000x32xf32, #tpu.memory_space<hbm>>
    tpu.wait_indirect_dma semaphore(%arg16 : memref<!tpu.dma_semaphore, #tpu.memory_space<semaphore_mem>>) src(%dma_wait3A_12 : memref<100000x32xf32, #tpu.memory_space<hbm>>) dst(%arg15 : memref<128x32xf32, #tpu.memory_space<vmem>>)
    %mul3A_13 = arith.constant 128 : i32
    %mul3A_14 = arith.muli %add3A, %mul3A_13 : i32
    "tpu.region"() ({
      %run_scoped3A = tpu.sem_alloc : memref<!tpu.dma_semaphore, #tpu.memory_space<semaphore_mem>>
      %dma_start3A_63 = arith.constant 0 : i32
      %dma_start3A_64 = tpu.memref_slice %arg10[%mul3A_14, %dma_start3A_63] : memref<4096x32xf32, #tpu.memory_space<hbm>> -> memref<128x32xf32, #tpu.memory_space<hbm>>
      %dma_start3A_65 = arith.constant 0 : i32
      %dma_start3A_66 = tpu.memref_slice %arg10[%mul3A_14, %dma_start3A_65] : memref<4096x32xf32, #tpu.memory_space<hbm>> -> memref<128x32xf32, #tpu.memory_space<hbm>>
      tpu.enqueue_dma source(%arg15 : memref<128x32xf32, #tpu.memory_space<vmem>>) target(%dma_start3A_66 : memref<128x32xf32, #tpu.memory_space<hbm>>) target_semaphore(%run_scoped3A : memref<!tpu.dma_semaphore, #tpu.memory_space<semaphore_mem>>)
      %dma_wait3A_67 = arith.constant 0 : i32
      %dma_wait3A_68 = tpu.memref_slice %arg10[%mul3A_14, %dma_wait3A_67] : memref<4096x32xf32, #tpu.memory_space<hbm>> -> memref<128x32xf32, #tpu.memory_space<hbm>>
      %dma_wait3A_69 = arith.constant 0 : i32
      %dma_wait3A_70 = tpu.memref_slice %arg10[%mul3A_14, %dma_wait3A_69] : memref<4096x32xf32, #tpu.memory_space<hbm>> -> memref<128x32xf32, #tpu.memory_space<hbm>>
      tpu.wait_dma2 semaphore(%run_scoped3A : memref<!tpu.dma_semaphore, #tpu.memory_space<semaphore_mem>>) src(%arg15 : memref<128x32xf32, #tpu.memory_space<vmem>>) dst(%dma_wait3A_70 : memref<128x32xf32, #tpu.memory_space<hbm>>)
      tpu.yield
    }) : () -> ()
    "tpu.region"() ({
      %run_scoped3A = tpu.sem_alloc : memref<!tpu.dma_semaphore, #tpu.memory_space<semaphore_mem>>
      %dma_start3A_63 = arith.constant 0 : i32
      %dma_start3A_64 = arith.constant 0 : i32
      %dma_start3A_65 = tpu.memref_slice %arg3[%add3A, %dma_start3A_63, %dma_start3A_64] : memref<32x1x128xi32, #tpu.memory_space<hbm>> -> memref<1x1x128xi32, #tpu.memory_space<hbm>>
      %dma_start3A_66 = tpu.memref_squeeze %dma_start3A_65 : memref<1x1x128xi32, #tpu.memory_space<hbm>> -> memref<1x128xi32, #tpu.memory_space<hbm>>
      %dma_start3A_67 = arith.constant 0 : i32
      %dma_start3A_68 = arith.constant 0 : i32
      %dma_start3A_69 = tpu.memref_slice %arg3[%add3A, %dma_start3A_67, %dma_start3A_68] : memref<32x1x128xi32, #tpu.memory_space<hbm>> -> memref<1x1x128xi32, #tpu.memory_space<hbm>>
      %dma_start3A_70 = tpu.memref_squeeze %dma_start3A_69 : memref<1x1x128xi32, #tpu.memory_space<hbm>> -> memref<1x128xi32, #tpu.memory_space<hbm>>
      tpu.enqueue_dma source(%dma_start3A_70 : memref<1x128xi32, #tpu.memory_space<hbm>>) target(%arg14 : memref<1x128xi32, #tpu.memory_space<vmem>>) target_semaphore(%run_scoped3A : memref<!tpu.dma_semaphore, #tpu.memory_space<semaphore_mem>>)
      %dma_wait3A_71 = arith.constant 0 : i32
      %dma_wait3A_72 = arith.constant 0 : i32
      %dma_wait3A_73 = tpu.memref_slice %arg3[%add3A, %dma_wait3A_71, %dma_wait3A_72] : memref<32x1x128xi32, #tpu.memory_space<hbm>> -> memref<1x1x128xi32, #tpu.memory_space<hbm>>
      %dma_wait3A_74 = tpu.memref_squeeze %dma_wait3A_73 : memref<1x1x128xi32, #tpu.memory_space<hbm>> -> memref<1x128xi32, #tpu.memory_space<hbm>>
      %dma_wait3A_75 = arith.constant 0 : i32
      %dma_wait3A_76 = arith.constant 0 : i32
      %dma_wait3A_77 = tpu.memref_slice %arg3[%add3A, %dma_wait3A_75, %dma_wait3A_76] : memref<32x1x128xi32, #tpu.memory_space<hbm>> -> memref<1x1x128xi32, #tpu.memory_space<hbm>>
      %dma_wait3A_78 = tpu.memref_squeeze %dma_wait3A_77 : memref<1x1x128xi32, #tpu.memory_space<hbm>> -> memref<1x128xi32, #tpu.memory_space<hbm>>
      tpu.wait_dma2 semaphore(%run_scoped3A : memref<!tpu.dma_semaphore, #tpu.memory_space<semaphore_mem>>) src(%dma_wait3A_78 : memref<1x128xi32, #tpu.memory_space<hbm>>) dst(%arg14 : memref<1x128xi32, #tpu.memory_space<vmem>>)
      tpu.yield
    }) : () -> ()
    %dma_start3A_15 = arith.constant 0 : i32
    %dma_start3A_16 = arith.constant 0 : i32
    %dma_start3A_17 = tpu.memref_slice %arg14[%dma_start3A_15, %dma_start3A_16] : memref<1x128xi32, #tpu.memory_space<vmem>> -> memref<1x128xi32, #tpu.memory_space<vmem>>
    %dma_start3A_18 = tpu.memref_squeeze %dma_start3A_17 : memref<1x128xi32, #tpu.memory_space<vmem>> -> memref<128xi32, #tpu.memory_space<vmem>>
    %dma_start3A_19 = arith.constant 0 : i32
    %dma_start3A_20 = arith.constant 0 : i32
    %dma_start3A_21 = tpu.memref_slice %arg7[%dma_start3A_19, %dma_start3A_20] : memref<100000x32xf32, #tpu.memory_space<hbm>> -> memref<100000x32xf32, #tpu.memory_space<hbm>>
    tpu.enqueue_indirect_dma source(%dma_start3A_21 : memref<100000x32xf32, #tpu.memory_space<hbm>>) target(%arg15 : memref<128x32xf32, #tpu.memory_space<vmem>>) offsets(%dma_start3A_18 : memref<128xi32, #tpu.memory_space<vmem>>) semaphore(%arg16 : memref<!tpu.dma_semaphore, #tpu.memory_space<semaphore_mem>>)
    %dma_wait3A_22 = arith.constant 0 : i32
    %dma_wait3A_23 = arith.constant 0 : i32
    %dma_wait3A_24 = tpu.memref_slice %arg14[%dma_wait3A_22, %dma_wait3A_23] : memref<1x128xi32, #tpu.memory_space<vmem>> -> memref<1x128xi32, #tpu.memory_space<vmem>>
    %dma_wait3A_25 = tpu.memref_squeeze %dma_wait3A_24 : memref<1x128xi32, #tpu.memory_space<vmem>> -> memref<128xi32, #tpu.memory_space<vmem>>
    %dma_wait3A_26 = arith.constant 0 : i32
    %dma_wait3A_27 = arith.constant 0 : i32
    %dma_wait3A_28 = tpu.memref_slice %arg7[%dma_wait3A_26, %dma_wait3A_27] : memref<100000x32xf32, #tpu.memory_space<hbm>> -> memref<100000x32xf32, #tpu.memory_space<hbm>>
    tpu.wait_indirect_dma semaphore(%arg16 : memref<!tpu.dma_semaphore, #tpu.memory_space<semaphore_mem>>) src(%dma_wait3A_28 : memref<100000x32xf32, #tpu.memory_space<hbm>>) dst(%arg15 : memref<128x32xf32, #tpu.memory_space<vmem>>)
    %mul3A_29 = arith.constant 128 : i32
    %mul3A_30 = arith.muli %add3A, %mul3A_29 : i32
    "tpu.region"() ({
      %run_scoped3A = tpu.sem_alloc : memref<!tpu.dma_semaphore, #tpu.memory_space<semaphore_mem>>
      %dma_start3A_63 = arith.constant 0 : i32
      %dma_start3A_64 = tpu.memref_slice %arg11[%mul3A_30, %dma_start3A_63] : memref<4096x32xf32, #tpu.memory_space<hbm>> -> memref<128x32xf32, #tpu.memory_space<hbm>>
      %dma_start3A_65 = arith.constant 0 : i32
      %dma_start3A_66 = tpu.memref_slice %arg11[%mul3A_30, %dma_start3A_65] : memref<4096x32xf32, #tpu.memory_space<hbm>> -> memref<128x32xf32, #tpu.memory_space<hbm>>
      tpu.enqueue_dma source(%arg15 : memref<128x32xf32, #tpu.memory_space<vmem>>) target(%dma_start3A_66 : memref<128x32xf32, #tpu.memory_space<hbm>>) target_semaphore(%run_scoped3A : memref<!tpu.dma_semaphore, #tpu.memory_space<semaphore_mem>>)
      %dma_wait3A_67 = arith.constant 0 : i32
      %dma_wait3A_68 = tpu.memref_slice %arg11[%mul3A_30, %dma_wait3A_67] : memref<4096x32xf32, #tpu.memory_space<hbm>> -> memref<128x32xf32, #tpu.memory_space<hbm>>
      %dma_wait3A_69 = arith.constant 0 : i32
      %dma_wait3A_70 = tpu.memref_slice %arg11[%mul3A_30, %dma_wait3A_69] : memref<4096x32xf32, #tpu.memory_space<hbm>> -> memref<128x32xf32, #tpu.memory_space<hbm>>
      tpu.wait_dma2 semaphore(%run_scoped3A : memref<!tpu.dma_semaphore, #tpu.memory_space<semaphore_mem>>) src(%arg15 : memref<128x32xf32, #tpu.memory_space<vmem>>) dst(%dma_wait3A_70 : memref<128x32xf32, #tpu.memory_space<hbm>>)
      tpu.yield
    }) : () -> ()
    "tpu.region"() ({
      %run_scoped3A = tpu.sem_alloc : memref<!tpu.dma_semaphore, #tpu.memory_space<semaphore_mem>>
      %dma_start3A_63 = arith.constant 0 : i32
      %dma_start3A_64 = arith.constant 0 : i32
      %dma_start3A_65 = tpu.memref_slice %arg4[%add3A, %dma_start3A_63, %dma_start3A_64] : memref<32x1x128xi32, #tpu.memory_space<hbm>> -> memref<1x1x128xi32, #tpu.memory_space<hbm>>
      %dma_start3A_66 = tpu.memref_squeeze %dma_start3A_65 : memref<1x1x128xi32, #tpu.memory_space<hbm>> -> memref<1x128xi32, #tpu.memory_space<hbm>>
      %dma_start3A_67 = arith.constant 0 : i32
      %dma_start3A_68 = arith.constant 0 : i32
      %dma_start3A_69 = tpu.memref_slice %arg4[%add3A, %dma_start3A_67, %dma_start3A_68] : memref<32x1x128xi32, #tpu.memory_space<hbm>> -> memref<1x1x128xi32, #tpu.memory_space<hbm>>
      %dma_start3A_70 = tpu.memref_squeeze %dma_start3A_69 : memref<1x1x128xi32, #tpu.memory_space<hbm>> -> memref<1x128xi32, #tpu.memory_space<hbm>>
      tpu.enqueue_dma source(%dma_start3A_70 : memref<1x128xi32, #tpu.memory_space<hbm>>) target(%arg14 : memref<1x128xi32, #tpu.memory_space<vmem>>) target_semaphore(%run_scoped3A : memref<!tpu.dma_semaphore, #tpu.memory_space<semaphore_mem>>)
      %dma_wait3A_71 = arith.constant 0 : i32
      %dma_wait3A_72 = arith.constant 0 : i32
      %dma_wait3A_73 = tpu.memref_slice %arg4[%add3A, %dma_wait3A_71, %dma_wait3A_72] : memref<32x1x128xi32, #tpu.memory_space<hbm>> -> memref<1x1x128xi32, #tpu.memory_space<hbm>>
      %dma_wait3A_74 = tpu.memref_squeeze %dma_wait3A_73 : memref<1x1x128xi32, #tpu.memory_space<hbm>> -> memref<1x128xi32, #tpu.memory_space<hbm>>
      %dma_wait3A_75 = arith.constant 0 : i32
      %dma_wait3A_76 = arith.constant 0 : i32
      %dma_wait3A_77 = tpu.memref_slice %arg4[%add3A, %dma_wait3A_75, %dma_wait3A_76] : memref<32x1x128xi32, #tpu.memory_space<hbm>> -> memref<1x1x128xi32, #tpu.memory_space<hbm>>
      %dma_wait3A_78 = tpu.memref_squeeze %dma_wait3A_77 : memref<1x1x128xi32, #tpu.memory_space<hbm>> -> memref<1x128xi32, #tpu.memory_space<hbm>>
      tpu.wait_dma2 semaphore(%run_scoped3A : memref<!tpu.dma_semaphore, #tpu.memory_space<semaphore_mem>>) src(%dma_wait3A_78 : memref<1x128xi32, #tpu.memory_space<hbm>>) dst(%arg14 : memref<1x128xi32, #tpu.memory_space<vmem>>)
      tpu.yield
    }) : () -> ()
    %dma_start3A_31 = arith.constant 0 : i32
    %dma_start3A_32 = arith.constant 0 : i32
    %dma_start3A_33 = tpu.memref_slice %arg14[%dma_start3A_31, %dma_start3A_32] : memref<1x128xi32, #tpu.memory_space<vmem>> -> memref<1x128xi32, #tpu.memory_space<vmem>>
    %dma_start3A_34 = tpu.memref_squeeze %dma_start3A_33 : memref<1x128xi32, #tpu.memory_space<vmem>> -> memref<128xi32, #tpu.memory_space<vmem>>
    %dma_start3A_35 = arith.constant 0 : i32
    %dma_start3A_36 = arith.constant 0 : i32
    %dma_start3A_37 = tpu.memref_slice %arg8[%dma_start3A_35, %dma_start3A_36] : memref<100000x32xf32, #tpu.memory_space<hbm>> -> memref<100000x32xf32, #tpu.memory_space<hbm>>
    tpu.enqueue_indirect_dma source(%dma_start3A_37 : memref<100000x32xf32, #tpu.memory_space<hbm>>) target(%arg15 : memref<128x32xf32, #tpu.memory_space<vmem>>) offsets(%dma_start3A_34 : memref<128xi32, #tpu.memory_space<vmem>>) semaphore(%arg16 : memref<!tpu.dma_semaphore, #tpu.memory_space<semaphore_mem>>)
    %dma_wait3A_38 = arith.constant 0 : i32
    %dma_wait3A_39 = arith.constant 0 : i32
    %dma_wait3A_40 = tpu.memref_slice %arg14[%dma_wait3A_38, %dma_wait3A_39] : memref<1x128xi32, #tpu.memory_space<vmem>> -> memref<1x128xi32, #tpu.memory_space<vmem>>
    %dma_wait3A_41 = tpu.memref_squeeze %dma_wait3A_40 : memref<1x128xi32, #tpu.memory_space<vmem>> -> memref<128xi32, #tpu.memory_space<vmem>>
    %dma_wait3A_42 = arith.constant 0 : i32
    %dma_wait3A_43 = arith.constant 0 : i32
    %dma_wait3A_44 = tpu.memref_slice %arg8[%dma_wait3A_42, %dma_wait3A_43] : memref<100000x32xf32, #tpu.memory_space<hbm>> -> memref<100000x32xf32, #tpu.memory_space<hbm>>
    tpu.wait_indirect_dma semaphore(%arg16 : memref<!tpu.dma_semaphore, #tpu.memory_space<semaphore_mem>>) src(%dma_wait3A_44 : memref<100000x32xf32, #tpu.memory_space<hbm>>) dst(%arg15 : memref<128x32xf32, #tpu.memory_space<vmem>>)
    %mul3A_45 = arith.constant 128 : i32
    %mul3A_46 = arith.muli %add3A, %mul3A_45 : i32
    "tpu.region"() ({
      %run_scoped3A = tpu.sem_alloc : memref<!tpu.dma_semaphore, #tpu.memory_space<semaphore_mem>>
      %dma_start3A_63 = arith.constant 0 : i32
      %dma_start3A_64 = tpu.memref_slice %arg12[%mul3A_46, %dma_start3A_63] : memref<4096x32xf32, #tpu.memory_space<hbm>> -> memref<128x32xf32, #tpu.memory_space<hbm>>
      %dma_start3A_65 = arith.constant 0 : i32
      %dma_start3A_66 = tpu.memref_slice %arg12[%mul3A_46, %dma_start3A_65] : memref<4096x32xf32, #tpu.memory_space<hbm>> -> memref<128x32xf32, #tpu.memory_space<hbm>>
      tpu.enqueue_dma source(%arg15 : memref<128x32xf32, #tpu.memory_space<vmem>>) target(%dma_start3A_66 : memref<128x32xf32, #tpu.memory_space<hbm>>) target_semaphore(%run_scoped3A : memref<!tpu.dma_semaphore, #tpu.memory_space<semaphore_mem>>)
      %dma_wait3A_67 = arith.constant 0 : i32
      %dma_wait3A_68 = tpu.memref_slice %arg12[%mul3A_46, %dma_wait3A_67] : memref<4096x32xf32, #tpu.memory_space<hbm>> -> memref<128x32xf32, #tpu.memory_space<hbm>>
      %dma_wait3A_69 = arith.constant 0 : i32
      %dma_wait3A_70 = tpu.memref_slice %arg12[%mul3A_46, %dma_wait3A_69] : memref<4096x32xf32, #tpu.memory_space<hbm>> -> memref<128x32xf32, #tpu.memory_space<hbm>>
      tpu.wait_dma2 semaphore(%run_scoped3A : memref<!tpu.dma_semaphore, #tpu.memory_space<semaphore_mem>>) src(%arg15 : memref<128x32xf32, #tpu.memory_space<vmem>>) dst(%dma_wait3A_70 : memref<128x32xf32, #tpu.memory_space<hbm>>)
      tpu.yield
    }) : () -> ()
    "tpu.region"() ({
      %run_scoped3A = tpu.sem_alloc : memref<!tpu.dma_semaphore, #tpu.memory_space<semaphore_mem>>
      %dma_start3A_63 = arith.constant 0 : i32
      %dma_start3A_64 = arith.constant 0 : i32
      %dma_start3A_65 = tpu.memref_slice %arg5[%add3A, %dma_start3A_63, %dma_start3A_64] : memref<32x1x128xi32, #tpu.memory_space<hbm>> -> memref<1x1x128xi32, #tpu.memory_space<hbm>>
      %dma_start3A_66 = tpu.memref_squeeze %dma_start3A_65 : memref<1x1x128xi32, #tpu.memory_space<hbm>> -> memref<1x128xi32, #tpu.memory_space<hbm>>
      %dma_start3A_67 = arith.constant 0 : i32
      %dma_start3A_68 = arith.constant 0 : i32
      %dma_start3A_69 = tpu.memref_slice %arg5[%add3A, %dma_start3A_67, %dma_start3A_68] : memref<32x1x128xi32, #tpu.memory_space<hbm>> -> memref<1x1x128xi32, #tpu.memory_space<hbm>>
      %dma_start3A_70 = tpu.memref_squeeze %dma_start3A_69 : memref<1x1x128xi32, #tpu.memory_space<hbm>> -> memref<1x128xi32, #tpu.memory_space<hbm>>
      tpu.enqueue_dma source(%dma_start3A_70 : memref<1x128xi32, #tpu.memory_space<hbm>>) target(%arg14 : memref<1x128xi32, #tpu.memory_space<vmem>>) target_semaphore(%run_scoped3A : memref<!tpu.dma_semaphore, #tpu.memory_space<semaphore_mem>>)
      %dma_wait3A_71 = arith.constant 0 : i32
      %dma_wait3A_72 = arith.constant 0 : i32
      %dma_wait3A_73 = tpu.memref_slice %arg5[%add3A, %dma_wait3A_71, %dma_wait3A_72] : memref<32x1x128xi32, #tpu.memory_space<hbm>> -> memref<1x1x128xi32, #tpu.memory_space<hbm>>
      %dma_wait3A_74 = tpu.memref_squeeze %dma_wait3A_73 : memref<1x1x128xi32, #tpu.memory_space<hbm>> -> memref<1x128xi32, #tpu.memory_space<hbm>>
      %dma_wait3A_75 = arith.constant 0 : i32
      %dma_wait3A_76 = arith.constant 0 : i32
      %dma_wait3A_77 = tpu.memref_slice %arg5[%add3A, %dma_wait3A_75, %dma_wait3A_76] : memref<32x1x128xi32, #tpu.memory_space<hbm>> -> memref<1x1x128xi32, #tpu.memory_space<hbm>>
      %dma_wait3A_78 = tpu.memref_squeeze %dma_wait3A_77 : memref<1x1x128xi32, #tpu.memory_space<hbm>> -> memref<1x128xi32, #tpu.memory_space<hbm>>
      tpu.wait_dma2 semaphore(%run_scoped3A : memref<!tpu.dma_semaphore, #tpu.memory_space<semaphore_mem>>) src(%dma_wait3A_78 : memref<1x128xi32, #tpu.memory_space<hbm>>) dst(%arg14 : memref<1x128xi32, #tpu.memory_space<vmem>>)
      tpu.yield
    }) : () -> ()
    %dma_start3A_47 = arith.constant 0 : i32
    %dma_start3A_48 = arith.constant 0 : i32
    %dma_start3A_49 = tpu.memref_slice %arg14[%dma_start3A_47, %dma_start3A_48] : memref<1x128xi32, #tpu.memory_space<vmem>> -> memref<1x128xi32, #tpu.memory_space<vmem>>
    %dma_start3A_50 = tpu.memref_squeeze %dma_start3A_49 : memref<1x128xi32, #tpu.memory_space<vmem>> -> memref<128xi32, #tpu.memory_space<vmem>>
    %dma_start3A_51 = arith.constant 0 : i32
    %dma_start3A_52 = arith.constant 0 : i32
    %dma_start3A_53 = tpu.memref_slice %arg9[%dma_start3A_51, %dma_start3A_52] : memref<100000x32xf32, #tpu.memory_space<hbm>> -> memref<100000x32xf32, #tpu.memory_space<hbm>>
    tpu.enqueue_indirect_dma source(%dma_start3A_53 : memref<100000x32xf32, #tpu.memory_space<hbm>>) target(%arg15 : memref<128x32xf32, #tpu.memory_space<vmem>>) offsets(%dma_start3A_50 : memref<128xi32, #tpu.memory_space<vmem>>) semaphore(%arg16 : memref<!tpu.dma_semaphore, #tpu.memory_space<semaphore_mem>>)
    %dma_wait3A_54 = arith.constant 0 : i32
    %dma_wait3A_55 = arith.constant 0 : i32
    %dma_wait3A_56 = tpu.memref_slice %arg14[%dma_wait3A_54, %dma_wait3A_55] : memref<1x128xi32, #tpu.memory_space<vmem>> -> memref<1x128xi32, #tpu.memory_space<vmem>>
    %dma_wait3A_57 = tpu.memref_squeeze %dma_wait3A_56 : memref<1x128xi32, #tpu.memory_space<vmem>> -> memref<128xi32, #tpu.memory_space<vmem>>
    %dma_wait3A_58 = arith.constant 0 : i32
    %dma_wait3A_59 = arith.constant 0 : i32
    %dma_wait3A_60 = tpu.memref_slice %arg9[%dma_wait3A_58, %dma_wait3A_59] : memref<100000x32xf32, #tpu.memory_space<hbm>> -> memref<100000x32xf32, #tpu.memory_space<hbm>>
    tpu.wait_indirect_dma semaphore(%arg16 : memref<!tpu.dma_semaphore, #tpu.memory_space<semaphore_mem>>) src(%dma_wait3A_60 : memref<100000x32xf32, #tpu.memory_space<hbm>>) dst(%arg15 : memref<128x32xf32, #tpu.memory_space<vmem>>)
    %mul3A_61 = arith.constant 128 : i32
    %mul3A_62 = arith.muli %add3A, %mul3A_61 : i32
    "tpu.region"() ({
      %run_scoped3A = tpu.sem_alloc : memref<!tpu.dma_semaphore, #tpu.memory_space<semaphore_mem>>
      %dma_start3A_63 = arith.constant 0 : i32
      %dma_start3A_64 = tpu.memref_slice %arg13[%mul3A_62, %dma_start3A_63] : memref<4096x32xf32, #tpu.memory_space<hbm>> -> memref<128x32xf32, #tpu.memory_space<hbm>>
      %dma_start3A_65 = arith.constant 0 : i32
      %dma_start3A_66 = tpu.memref_slice %arg13[%mul3A_62, %dma_start3A_65] : memref<4096x32xf32, #tpu.memory_space<hbm>> -> memref<128x32xf32, #tpu.memory_space<hbm>>
      tpu.enqueue_dma source(%arg15 : memref<128x32xf32, #tpu.memory_space<vmem>>) target(%dma_start3A_66 : memref<128x32xf32, #tpu.memory_space<hbm>>) target_semaphore(%run_scoped3A : memref<!tpu.dma_semaphore, #tpu.memory_space<semaphore_mem>>)
      %dma_wait3A_67 = arith.constant 0 : i32
      %dma_wait3A_68 = tpu.memref_slice %arg13[%mul3A_62, %dma_wait3A_67] : memref<4096x32xf32, #tpu.memory_space<hbm>> -> memref<128x32xf32, #tpu.memory_space<hbm>>
      %dma_wait3A_69 = arith.constant 0 : i32
      %dma_wait3A_70 = tpu.memref_slice %arg13[%mul3A_62, %dma_wait3A_69] : memref<4096x32xf32, #tpu.memory_space<hbm>> -> memref<128x32xf32, #tpu.memory_space<hbm>>
      tpu.wait_dma2 semaphore(%run_scoped3A : memref<!tpu.dma_semaphore, #tpu.memory_space<semaphore_mem>>) src(%arg15 : memref<128x32xf32, #tpu.memory_space<vmem>>) dst(%dma_wait3A_70 : memref<128x32xf32, #tpu.memory_space<hbm>>)
      tpu.yield
    }) : () -> ()
    return
  }
}

#map = affine_map<(d0, d1) -> (0, 0, 0)>
#map1 = affine_map<(d0, d1) -> (0, 0)>
module attributes {stable_mosaic.version = 14 : i64} {
  func.func @body(%arg0: i32, %arg1: i32, %arg2: memref<32x50x128xi32, #tpu.memory_space<hbm>>, %arg3: memref<32x50x128xi32, #tpu.memory_space<hbm>>, %arg4: memref<100000x32xf32, #tpu.memory_space<hbm>>, %arg5: memref<100000x32xf32, #tpu.memory_space<hbm>>, %arg6: memref<204800x32xf32, #tpu.memory_space<hbm>>, %arg7: memref<204800x32xf32, #tpu.memory_space<hbm>>, %arg8: memref<50x128xi32, #tpu.memory_space<vmem>>, %arg9: memref<1280x32xf32, #tpu.memory_space<vmem>>, %arg10: memref<!tpu.dma_semaphore, #tpu.memory_space<semaphore_mem>>) attributes {dimension_semantics = [#tpu.dimension_semantics<core_parallel>, #tpu.dimension_semantics<subcore_parallel>], iteration_bounds = array<i64: 2, 16>, scalar_prefetch = 0 : i64, scratch_operands = 3 : i64, tpu.core_type = #tpu.core_type<sc_vector_subcore>, window_params = [{transform_indices = #map}, {transform_indices = #map}, {transform_indices = #map1}, {transform_indices = #map1}, {transform_indices = #map1}, {transform_indices = #map1}]} {
    %mul3A = arith.constant 2 : i32
    %mul3A_0 = arith.muli %arg1, %mul3A : i32
    %add3A = arith.addi %mul3A_0, %arg0 : i32
    %mul3A_1 = arith.constant 50 : i32
    %mul3A_2 = arith.muli %add3A, %mul3A_1 : i32
    "tpu.region"() ({
      %run_scoped3A = tpu.sem_alloc : memref<!tpu.dma_semaphore, #tpu.memory_space<semaphore_mem>>
      %dma_start3A = arith.constant 0 : i32
      %dma_start3A_14 = arith.constant 0 : i32
      %dma_start3A_15 = tpu.memref_slice %arg2[%add3A, %dma_start3A, %dma_start3A_14] : memref<32x50x128xi32, #tpu.memory_space<hbm>> -> memref<1x50x128xi32, #tpu.memory_space<hbm>>
      %dma_start3A_16 = tpu.memref_squeeze %dma_start3A_15 : memref<1x50x128xi32, #tpu.memory_space<hbm>> -> memref<50x128xi32, #tpu.memory_space<hbm>>
      %dma_start3A_17 = arith.constant 0 : i32
      %dma_start3A_18 = arith.constant 0 : i32
      %dma_start3A_19 = tpu.memref_slice %arg2[%add3A, %dma_start3A_17, %dma_start3A_18] : memref<32x50x128xi32, #tpu.memory_space<hbm>> -> memref<1x50x128xi32, #tpu.memory_space<hbm>>
      %dma_start3A_20 = tpu.memref_squeeze %dma_start3A_19 : memref<1x50x128xi32, #tpu.memory_space<hbm>> -> memref<50x128xi32, #tpu.memory_space<hbm>>
      tpu.enqueue_dma source(%dma_start3A_20 : memref<50x128xi32, #tpu.memory_space<hbm>>) target(%arg8 : memref<50x128xi32, #tpu.memory_space<vmem>>) target_semaphore(%run_scoped3A : memref<!tpu.dma_semaphore, #tpu.memory_space<semaphore_mem>>)
      %dma_wait3A = arith.constant 0 : i32
      %dma_wait3A_21 = arith.constant 0 : i32
      %dma_wait3A_22 = tpu.memref_slice %arg2[%add3A, %dma_wait3A, %dma_wait3A_21] : memref<32x50x128xi32, #tpu.memory_space<hbm>> -> memref<1x50x128xi32, #tpu.memory_space<hbm>>
      %dma_wait3A_23 = tpu.memref_squeeze %dma_wait3A_22 : memref<1x50x128xi32, #tpu.memory_space<hbm>> -> memref<50x128xi32, #tpu.memory_space<hbm>>
      %dma_wait3A_24 = arith.constant 0 : i32
      %dma_wait3A_25 = arith.constant 0 : i32
      %dma_wait3A_26 = tpu.memref_slice %arg2[%add3A, %dma_wait3A_24, %dma_wait3A_25] : memref<32x50x128xi32, #tpu.memory_space<hbm>> -> memref<1x50x128xi32, #tpu.memory_space<hbm>>
      %dma_wait3A_27 = tpu.memref_squeeze %dma_wait3A_26 : memref<1x50x128xi32, #tpu.memory_space<hbm>> -> memref<50x128xi32, #tpu.memory_space<hbm>>
      tpu.wait_dma2 semaphore(%run_scoped3A : memref<!tpu.dma_semaphore, #tpu.memory_space<semaphore_mem>>) src(%dma_wait3A_27 : memref<50x128xi32, #tpu.memory_space<hbm>>) dst(%arg8 : memref<50x128xi32, #tpu.memory_space<vmem>>)
      tpu.yield
    }) : () -> ()
    %scan3A = arith.constant 0 : i32
    %scan3A_3 = arith.constant 0 : i32
    %scan3A_4 = arith.constant 5 : i32
    %scan3A_5 = arith.addi %scan3A_3, %scan3A_4 : i32
    %scan3A_6 = arith.constant 1 : i32
    scf.for %scan3A_14 = %scan3A_3 to %scan3A_5 step %scan3A_6  : i32 {
      %mul3A_15 = arith.constant 10 : i32
      %mul3A_16 = arith.muli %scan3A_14, %mul3A_15 : i32
      %add3A_17 = arith.constant 0 : i32
      %add3A_18 = arith.addi %mul3A_16, %add3A_17 : i32
      %dma_start3A = arith.constant 0 : i32
      %dma_start3A_19 = arith.constant 0 : i32
      %dma_start3A_20 = tpu.memref_slice %arg9[%dma_start3A, %dma_start3A_19] : memref<1280x32xf32, #tpu.memory_space<vmem>> -> memref<128x32xf32, #tpu.memory_space<vmem>>
      %dma_start3A_21 = arith.constant 0 : i32
      %dma_start3A_22 = tpu.memref_slice %arg8[%add3A_18, %dma_start3A_21] : memref<50x128xi32, #tpu.memory_space<vmem>> -> memref<1x128xi32, #tpu.memory_space<vmem>>
      %dma_start3A_23 = tpu.memref_squeeze %dma_start3A_22 : memref<1x128xi32, #tpu.memory_space<vmem>> -> memref<128xi32, #tpu.memory_space<vmem>>
      %dma_start3A_24 = arith.constant 0 : i32
      %dma_start3A_25 = arith.constant 0 : i32
      %dma_start3A_26 = tpu.memref_slice %arg4[%dma_start3A_24, %dma_start3A_25] : memref<100000x32xf32, #tpu.memory_space<hbm>> -> memref<100000x32xf32, #tpu.memory_space<hbm>>
      tpu.enqueue_indirect_dma source(%dma_start3A_26 : memref<100000x32xf32, #tpu.memory_space<hbm>>) target(%dma_start3A_20 : memref<128x32xf32, #tpu.memory_space<vmem>>) offsets(%dma_start3A_23 : memref<128xi32, #tpu.memory_space<vmem>>) semaphore(%arg10 : memref<!tpu.dma_semaphore, #tpu.memory_space<semaphore_mem>>)
      %mul3A_27 = arith.constant 10 : i32
      %mul3A_28 = arith.muli %scan3A_14, %mul3A_27 : i32
      %add3A_29 = arith.constant 1 : i32
      %add3A_30 = arith.addi %mul3A_28, %add3A_29 : i32
      %dma_start3A_31 = arith.constant 128 : i32
      %dma_start3A_32 = arith.constant 0 : i32
      %dma_start3A_33 = tpu.memref_slice %arg9[%dma_start3A_31, %dma_start3A_32] : memref<1280x32xf32, #tpu.memory_space<vmem>> -> memref<128x32xf32, #tpu.memory_space<vmem>>
      %dma_start3A_34 = arith.constant 0 : i32
      %dma_start3A_35 = tpu.memref_slice %arg8[%add3A_30, %dma_start3A_34] : memref<50x128xi32, #tpu.memory_space<vmem>> -> memref<1x128xi32, #tpu.memory_space<vmem>>
      %dma_start3A_36 = tpu.memref_squeeze %dma_start3A_35 : memref<1x128xi32, #tpu.memory_space<vmem>> -> memref<128xi32, #tpu.memory_space<vmem>>
      %dma_start3A_37 = arith.constant 0 : i32
      %dma_start3A_38 = arith.constant 0 : i32
      %dma_start3A_39 = tpu.memref_slice %arg4[%dma_start3A_37, %dma_start3A_38] : memref<100000x32xf32, #tpu.memory_space<hbm>> -> memref<100000x32xf32, #tpu.memory_space<hbm>>
      tpu.enqueue_indirect_dma source(%dma_start3A_39 : memref<100000x32xf32, #tpu.memory_space<hbm>>) target(%dma_start3A_33 : memref<128x32xf32, #tpu.memory_space<vmem>>) offsets(%dma_start3A_36 : memref<128xi32, #tpu.memory_space<vmem>>) semaphore(%arg10 : memref<!tpu.dma_semaphore, #tpu.memory_space<semaphore_mem>>)
      %mul3A_40 = arith.constant 10 : i32
      %mul3A_41 = arith.muli %scan3A_14, %mul3A_40 : i32
      %add3A_42 = arith.constant 2 : i32
      %add3A_43 = arith.addi %mul3A_41, %add3A_42 : i32
      %dma_start3A_44 = arith.constant 256 : i32
      %dma_start3A_45 = arith.constant 0 : i32
      %dma_start3A_46 = tpu.memref_slice %arg9[%dma_start3A_44, %dma_start3A_45] : memref<1280x32xf32, #tpu.memory_space<vmem>> -> memref<128x32xf32, #tpu.memory_space<vmem>>
      %dma_start3A_47 = arith.constant 0 : i32
      %dma_start3A_48 = tpu.memref_slice %arg8[%add3A_43, %dma_start3A_47] : memref<50x128xi32, #tpu.memory_space<vmem>> -> memref<1x128xi32, #tpu.memory_space<vmem>>
      %dma_start3A_49 = tpu.memref_squeeze %dma_start3A_48 : memref<1x128xi32, #tpu.memory_space<vmem>> -> memref<128xi32, #tpu.memory_space<vmem>>
      %dma_start3A_50 = arith.constant 0 : i32
      %dma_start3A_51 = arith.constant 0 : i32
      %dma_start3A_52 = tpu.memref_slice %arg4[%dma_start3A_50, %dma_start3A_51] : memref<100000x32xf32, #tpu.memory_space<hbm>> -> memref<100000x32xf32, #tpu.memory_space<hbm>>
      tpu.enqueue_indirect_dma source(%dma_start3A_52 : memref<100000x32xf32, #tpu.memory_space<hbm>>) target(%dma_start3A_46 : memref<128x32xf32, #tpu.memory_space<vmem>>) offsets(%dma_start3A_49 : memref<128xi32, #tpu.memory_space<vmem>>) semaphore(%arg10 : memref<!tpu.dma_semaphore, #tpu.memory_space<semaphore_mem>>)
      %mul3A_53 = arith.constant 10 : i32
      %mul3A_54 = arith.muli %scan3A_14, %mul3A_53 : i32
      %add3A_55 = arith.constant 3 : i32
      %add3A_56 = arith.addi %mul3A_54, %add3A_55 : i32
      %dma_start3A_57 = arith.constant 384 : i32
      %dma_start3A_58 = arith.constant 0 : i32
      %dma_start3A_59 = tpu.memref_slice %arg9[%dma_start3A_57, %dma_start3A_58] : memref<1280x32xf32, #tpu.memory_space<vmem>> -> memref<128x32xf32, #tpu.memory_space<vmem>>
      %dma_start3A_60 = arith.constant 0 : i32
      %dma_start3A_61 = tpu.memref_slice %arg8[%add3A_56, %dma_start3A_60] : memref<50x128xi32, #tpu.memory_space<vmem>> -> memref<1x128xi32, #tpu.memory_space<vmem>>
      %dma_start3A_62 = tpu.memref_squeeze %dma_start3A_61 : memref<1x128xi32, #tpu.memory_space<vmem>> -> memref<128xi32, #tpu.memory_space<vmem>>
      %dma_start3A_63 = arith.constant 0 : i32
      %dma_start3A_64 = arith.constant 0 : i32
      %dma_start3A_65 = tpu.memref_slice %arg4[%dma_start3A_63, %dma_start3A_64] : memref<100000x32xf32, #tpu.memory_space<hbm>> -> memref<100000x32xf32, #tpu.memory_space<hbm>>
      tpu.enqueue_indirect_dma source(%dma_start3A_65 : memref<100000x32xf32, #tpu.memory_space<hbm>>) target(%dma_start3A_59 : memref<128x32xf32, #tpu.memory_space<vmem>>) offsets(%dma_start3A_62 : memref<128xi32, #tpu.memory_space<vmem>>) semaphore(%arg10 : memref<!tpu.dma_semaphore, #tpu.memory_space<semaphore_mem>>)
      %mul3A_66 = arith.constant 10 : i32
      %mul3A_67 = arith.muli %scan3A_14, %mul3A_66 : i32
      %add3A_68 = arith.constant 4 : i32
      %add3A_69 = arith.addi %mul3A_67, %add3A_68 : i32
      %dma_start3A_70 = arith.constant 512 : i32
      %dma_start3A_71 = arith.constant 0 : i32
      %dma_start3A_72 = tpu.memref_slice %arg9[%dma_start3A_70, %dma_start3A_71] : memref<1280x32xf32, #tpu.memory_space<vmem>> -> memref<128x32xf32, #tpu.memory_space<vmem>>
      %dma_start3A_73 = arith.constant 0 : i32
      %dma_start3A_74 = tpu.memref_slice %arg8[%add3A_69, %dma_start3A_73] : memref<50x128xi32, #tpu.memory_space<vmem>> -> memref<1x128xi32, #tpu.memory_space<vmem>>
      %dma_start3A_75 = tpu.memref_squeeze %dma_start3A_74 : memref<1x128xi32, #tpu.memory_space<vmem>> -> memref<128xi32, #tpu.memory_space<vmem>>
      %dma_start3A_76 = arith.constant 0 : i32
      %dma_start3A_77 = arith.constant 0 : i32
      %dma_start3A_78 = tpu.memref_slice %arg4[%dma_start3A_76, %dma_start3A_77] : memref<100000x32xf32, #tpu.memory_space<hbm>> -> memref<100000x32xf32, #tpu.memory_space<hbm>>
      tpu.enqueue_indirect_dma source(%dma_start3A_78 : memref<100000x32xf32, #tpu.memory_space<hbm>>) target(%dma_start3A_72 : memref<128x32xf32, #tpu.memory_space<vmem>>) offsets(%dma_start3A_75 : memref<128xi32, #tpu.memory_space<vmem>>) semaphore(%arg10 : memref<!tpu.dma_semaphore, #tpu.memory_space<semaphore_mem>>)
      %mul3A_79 = arith.constant 10 : i32
      %mul3A_80 = arith.muli %scan3A_14, %mul3A_79 : i32
      %add3A_81 = arith.constant 5 : i32
      %add3A_82 = arith.addi %mul3A_80, %add3A_81 : i32
      %dma_start3A_83 = arith.constant 640 : i32
      %dma_start3A_84 = arith.constant 0 : i32
      %dma_start3A_85 = tpu.memref_slice %arg9[%dma_start3A_83, %dma_start3A_84] : memref<1280x32xf32, #tpu.memory_space<vmem>> -> memref<128x32xf32, #tpu.memory_space<vmem>>
      %dma_start3A_86 = arith.constant 0 : i32
      %dma_start3A_87 = tpu.memref_slice %arg8[%add3A_82, %dma_start3A_86] : memref<50x128xi32, #tpu.memory_space<vmem>> -> memref<1x128xi32, #tpu.memory_space<vmem>>
      %dma_start3A_88 = tpu.memref_squeeze %dma_start3A_87 : memref<1x128xi32, #tpu.memory_space<vmem>> -> memref<128xi32, #tpu.memory_space<vmem>>
      %dma_start3A_89 = arith.constant 0 : i32
      %dma_start3A_90 = arith.constant 0 : i32
      %dma_start3A_91 = tpu.memref_slice %arg4[%dma_start3A_89, %dma_start3A_90] : memref<100000x32xf32, #tpu.memory_space<hbm>> -> memref<100000x32xf32, #tpu.memory_space<hbm>>
      tpu.enqueue_indirect_dma source(%dma_start3A_91 : memref<100000x32xf32, #tpu.memory_space<hbm>>) target(%dma_start3A_85 : memref<128x32xf32, #tpu.memory_space<vmem>>) offsets(%dma_start3A_88 : memref<128xi32, #tpu.memory_space<vmem>>) semaphore(%arg10 : memref<!tpu.dma_semaphore, #tpu.memory_space<semaphore_mem>>)
      %mul3A_92 = arith.constant 10 : i32
      %mul3A_93 = arith.muli %scan3A_14, %mul3A_92 : i32
      %add3A_94 = arith.constant 6 : i32
      %add3A_95 = arith.addi %mul3A_93, %add3A_94 : i32
      %dma_start3A_96 = arith.constant 768 : i32
      %dma_start3A_97 = arith.constant 0 : i32
      %dma_start3A_98 = tpu.memref_slice %arg9[%dma_start3A_96, %dma_start3A_97] : memref<1280x32xf32, #tpu.memory_space<vmem>> -> memref<128x32xf32, #tpu.memory_space<vmem>>
      %dma_start3A_99 = arith.constant 0 : i32
      %dma_start3A_100 = tpu.memref_slice %arg8[%add3A_95, %dma_start3A_99] : memref<50x128xi32, #tpu.memory_space<vmem>> -> memref<1x128xi32, #tpu.memory_space<vmem>>
      %dma_start3A_101 = tpu.memref_squeeze %dma_start3A_100 : memref<1x128xi32, #tpu.memory_space<vmem>> -> memref<128xi32, #tpu.memory_space<vmem>>
      %dma_start3A_102 = arith.constant 0 : i32
      %dma_start3A_103 = arith.constant 0 : i32
      %dma_start3A_104 = tpu.memref_slice %arg4[%dma_start3A_102, %dma_start3A_103] : memref<100000x32xf32, #tpu.memory_space<hbm>> -> memref<100000x32xf32, #tpu.memory_space<hbm>>
      tpu.enqueue_indirect_dma source(%dma_start3A_104 : memref<100000x32xf32, #tpu.memory_space<hbm>>) target(%dma_start3A_98 : memref<128x32xf32, #tpu.memory_space<vmem>>) offsets(%dma_start3A_101 : memref<128xi32, #tpu.memory_space<vmem>>) semaphore(%arg10 : memref<!tpu.dma_semaphore, #tpu.memory_space<semaphore_mem>>)
      %mul3A_105 = arith.constant 10 : i32
      %mul3A_106 = arith.muli %scan3A_14, %mul3A_105 : i32
      %add3A_107 = arith.constant 7 : i32
      %add3A_108 = arith.addi %mul3A_106, %add3A_107 : i32
      %dma_start3A_109 = arith.constant 896 : i32
      %dma_start3A_110 = arith.constant 0 : i32
      %dma_start3A_111 = tpu.memref_slice %arg9[%dma_start3A_109, %dma_start3A_110] : memref<1280x32xf32, #tpu.memory_space<vmem>> -> memref<128x32xf32, #tpu.memory_space<vmem>>
      %dma_start3A_112 = arith.constant 0 : i32
      %dma_start3A_113 = tpu.memref_slice %arg8[%add3A_108, %dma_start3A_112] : memref<50x128xi32, #tpu.memory_space<vmem>> -> memref<1x128xi32, #tpu.memory_space<vmem>>
      %dma_start3A_114 = tpu.memref_squeeze %dma_start3A_113 : memref<1x128xi32, #tpu.memory_space<vmem>> -> memref<128xi32, #tpu.memory_space<vmem>>
      %dma_start3A_115 = arith.constant 0 : i32
      %dma_start3A_116 = arith.constant 0 : i32
      %dma_start3A_117 = tpu.memref_slice %arg4[%dma_start3A_115, %dma_start3A_116] : memref<100000x32xf32, #tpu.memory_space<hbm>> -> memref<100000x32xf32, #tpu.memory_space<hbm>>
      tpu.enqueue_indirect_dma source(%dma_start3A_117 : memref<100000x32xf32, #tpu.memory_space<hbm>>) target(%dma_start3A_111 : memref<128x32xf32, #tpu.memory_space<vmem>>) offsets(%dma_start3A_114 : memref<128xi32, #tpu.memory_space<vmem>>) semaphore(%arg10 : memref<!tpu.dma_semaphore, #tpu.memory_space<semaphore_mem>>)
      %mul3A_118 = arith.constant 10 : i32
      %mul3A_119 = arith.muli %scan3A_14, %mul3A_118 : i32
      %add3A_120 = arith.constant 8 : i32
      %add3A_121 = arith.addi %mul3A_119, %add3A_120 : i32
      %dma_start3A_122 = arith.constant 1024 : i32
      %dma_start3A_123 = arith.constant 0 : i32
      %dma_start3A_124 = tpu.memref_slice %arg9[%dma_start3A_122, %dma_start3A_123] : memref<1280x32xf32, #tpu.memory_space<vmem>> -> memref<128x32xf32, #tpu.memory_space<vmem>>
      %dma_start3A_125 = arith.constant 0 : i32
      %dma_start3A_126 = tpu.memref_slice %arg8[%add3A_121, %dma_start3A_125] : memref<50x128xi32, #tpu.memory_space<vmem>> -> memref<1x128xi32, #tpu.memory_space<vmem>>
      %dma_start3A_127 = tpu.memref_squeeze %dma_start3A_126 : memref<1x128xi32, #tpu.memory_space<vmem>> -> memref<128xi32, #tpu.memory_space<vmem>>
      %dma_start3A_128 = arith.constant 0 : i32
      %dma_start3A_129 = arith.constant 0 : i32
      %dma_start3A_130 = tpu.memref_slice %arg4[%dma_start3A_128, %dma_start3A_129] : memref<100000x32xf32, #tpu.memory_space<hbm>> -> memref<100000x32xf32, #tpu.memory_space<hbm>>
      tpu.enqueue_indirect_dma source(%dma_start3A_130 : memref<100000x32xf32, #tpu.memory_space<hbm>>) target(%dma_start3A_124 : memref<128x32xf32, #tpu.memory_space<vmem>>) offsets(%dma_start3A_127 : memref<128xi32, #tpu.memory_space<vmem>>) semaphore(%arg10 : memref<!tpu.dma_semaphore, #tpu.memory_space<semaphore_mem>>)
      %mul3A_131 = arith.constant 10 : i32
      %mul3A_132 = arith.muli %scan3A_14, %mul3A_131 : i32
      %add3A_133 = arith.constant 9 : i32
      %add3A_134 = arith.addi %mul3A_132, %add3A_133 : i32
      %dma_start3A_135 = arith.constant 1152 : i32
      %dma_start3A_136 = arith.constant 0 : i32
      %dma_start3A_137 = tpu.memref_slice %arg9[%dma_start3A_135, %dma_start3A_136] : memref<1280x32xf32, #tpu.memory_space<vmem>> -> memref<128x32xf32, #tpu.memory_space<vmem>>
      %dma_start3A_138 = arith.constant 0 : i32
      %dma_start3A_139 = tpu.memref_slice %arg8[%add3A_134, %dma_start3A_138] : memref<50x128xi32, #tpu.memory_space<vmem>> -> memref<1x128xi32, #tpu.memory_space<vmem>>
      %dma_start3A_140 = tpu.memref_squeeze %dma_start3A_139 : memref<1x128xi32, #tpu.memory_space<vmem>> -> memref<128xi32, #tpu.memory_space<vmem>>
      %dma_start3A_141 = arith.constant 0 : i32
      %dma_start3A_142 = arith.constant 0 : i32
      %dma_start3A_143 = tpu.memref_slice %arg4[%dma_start3A_141, %dma_start3A_142] : memref<100000x32xf32, #tpu.memory_space<hbm>> -> memref<100000x32xf32, #tpu.memory_space<hbm>>
      tpu.enqueue_indirect_dma source(%dma_start3A_143 : memref<100000x32xf32, #tpu.memory_space<hbm>>) target(%dma_start3A_137 : memref<128x32xf32, #tpu.memory_space<vmem>>) offsets(%dma_start3A_140 : memref<128xi32, #tpu.memory_space<vmem>>) semaphore(%arg10 : memref<!tpu.dma_semaphore, #tpu.memory_space<semaphore_mem>>)
      %dma_wait3A = arith.constant 0 : i32
      %dma_wait3A_144 = arith.constant 0 : i32
      %dma_wait3A_145 = tpu.memref_slice %arg9[%dma_wait3A, %dma_wait3A_144] : memref<1280x32xf32, #tpu.memory_space<vmem>> -> memref<128x32xf32, #tpu.memory_space<vmem>>
      %dma_wait3A_146 = arith.constant 0 : i32
      %dma_wait3A_147 = tpu.memref_slice %arg8[%add3A_18, %dma_wait3A_146] : memref<50x128xi32, #tpu.memory_space<vmem>> -> memref<1x128xi32, #tpu.memory_space<vmem>>
      %dma_wait3A_148 = tpu.memref_squeeze %dma_wait3A_147 : memref<1x128xi32, #tpu.memory_space<vmem>> -> memref<128xi32, #tpu.memory_space<vmem>>
      %dma_wait3A_149 = arith.constant 0 : i32
      %dma_wait3A_150 = arith.constant 0 : i32
      %dma_wait3A_151 = tpu.memref_slice %arg4[%dma_wait3A_149, %dma_wait3A_150] : memref<100000x32xf32, #tpu.memory_space<hbm>> -> memref<100000x32xf32, #tpu.memory_space<hbm>>
      tpu.wait_indirect_dma semaphore(%arg10 : memref<!tpu.dma_semaphore, #tpu.memory_space<semaphore_mem>>) src(%dma_wait3A_151 : memref<100000x32xf32, #tpu.memory_space<hbm>>) dst(%dma_wait3A_145 : memref<128x32xf32, #tpu.memory_space<vmem>>)
      %dma_wait3A_152 = arith.constant 128 : i32
      %dma_wait3A_153 = arith.constant 0 : i32
      %dma_wait3A_154 = tpu.memref_slice %arg9[%dma_wait3A_152, %dma_wait3A_153] : memref<1280x32xf32, #tpu.memory_space<vmem>> -> memref<128x32xf32, #tpu.memory_space<vmem>>
      %dma_wait3A_155 = arith.constant 0 : i32
      %dma_wait3A_156 = tpu.memref_slice %arg8[%add3A_30, %dma_wait3A_155] : memref<50x128xi32, #tpu.memory_space<vmem>> -> memref<1x128xi32, #tpu.memory_space<vmem>>
      %dma_wait3A_157 = tpu.memref_squeeze %dma_wait3A_156 : memref<1x128xi32, #tpu.memory_space<vmem>> -> memref<128xi32, #tpu.memory_space<vmem>>
      %dma_wait3A_158 = arith.constant 0 : i32
      %dma_wait3A_159 = arith.constant 0 : i32
      %dma_wait3A_160 = tpu.memref_slice %arg4[%dma_wait3A_158, %dma_wait3A_159] : memref<100000x32xf32, #tpu.memory_space<hbm>> -> memref<100000x32xf32, #tpu.memory_space<hbm>>
      tpu.wait_indirect_dma semaphore(%arg10 : memref<!tpu.dma_semaphore, #tpu.memory_space<semaphore_mem>>) src(%dma_wait3A_160 : memref<100000x32xf32, #tpu.memory_space<hbm>>) dst(%dma_wait3A_154 : memref<128x32xf32, #tpu.memory_space<vmem>>)
      %dma_wait3A_161 = arith.constant 256 : i32
      %dma_wait3A_162 = arith.constant 0 : i32
      %dma_wait3A_163 = tpu.memref_slice %arg9[%dma_wait3A_161, %dma_wait3A_162] : memref<1280x32xf32, #tpu.memory_space<vmem>> -> memref<128x32xf32, #tpu.memory_space<vmem>>
      %dma_wait3A_164 = arith.constant 0 : i32
      %dma_wait3A_165 = tpu.memref_slice %arg8[%add3A_43, %dma_wait3A_164] : memref<50x128xi32, #tpu.memory_space<vmem>> -> memref<1x128xi32, #tpu.memory_space<vmem>>
      %dma_wait3A_166 = tpu.memref_squeeze %dma_wait3A_165 : memref<1x128xi32, #tpu.memory_space<vmem>> -> memref<128xi32, #tpu.memory_space<vmem>>
      %dma_wait3A_167 = arith.constant 0 : i32
      %dma_wait3A_168 = arith.constant 0 : i32
      %dma_wait3A_169 = tpu.memref_slice %arg4[%dma_wait3A_167, %dma_wait3A_168] : memref<100000x32xf32, #tpu.memory_space<hbm>> -> memref<100000x32xf32, #tpu.memory_space<hbm>>
      tpu.wait_indirect_dma semaphore(%arg10 : memref<!tpu.dma_semaphore, #tpu.memory_space<semaphore_mem>>) src(%dma_wait3A_169 : memref<100000x32xf32, #tpu.memory_space<hbm>>) dst(%dma_wait3A_163 : memref<128x32xf32, #tpu.memory_space<vmem>>)
      %dma_wait3A_170 = arith.constant 384 : i32
      %dma_wait3A_171 = arith.constant 0 : i32
      %dma_wait3A_172 = tpu.memref_slice %arg9[%dma_wait3A_170, %dma_wait3A_171] : memref<1280x32xf32, #tpu.memory_space<vmem>> -> memref<128x32xf32, #tpu.memory_space<vmem>>
      %dma_wait3A_173 = arith.constant 0 : i32
      %dma_wait3A_174 = tpu.memref_slice %arg8[%add3A_56, %dma_wait3A_173] : memref<50x128xi32, #tpu.memory_space<vmem>> -> memref<1x128xi32, #tpu.memory_space<vmem>>
      %dma_wait3A_175 = tpu.memref_squeeze %dma_wait3A_174 : memref<1x128xi32, #tpu.memory_space<vmem>> -> memref<128xi32, #tpu.memory_space<vmem>>
      %dma_wait3A_176 = arith.constant 0 : i32
      %dma_wait3A_177 = arith.constant 0 : i32
      %dma_wait3A_178 = tpu.memref_slice %arg4[%dma_wait3A_176, %dma_wait3A_177] : memref<100000x32xf32, #tpu.memory_space<hbm>> -> memref<100000x32xf32, #tpu.memory_space<hbm>>
      tpu.wait_indirect_dma semaphore(%arg10 : memref<!tpu.dma_semaphore, #tpu.memory_space<semaphore_mem>>) src(%dma_wait3A_178 : memref<100000x32xf32, #tpu.memory_space<hbm>>) dst(%dma_wait3A_172 : memref<128x32xf32, #tpu.memory_space<vmem>>)
      %dma_wait3A_179 = arith.constant 512 : i32
      %dma_wait3A_180 = arith.constant 0 : i32
      %dma_wait3A_181 = tpu.memref_slice %arg9[%dma_wait3A_179, %dma_wait3A_180] : memref<1280x32xf32, #tpu.memory_space<vmem>> -> memref<128x32xf32, #tpu.memory_space<vmem>>
      %dma_wait3A_182 = arith.constant 0 : i32
      %dma_wait3A_183 = tpu.memref_slice %arg8[%add3A_69, %dma_wait3A_182] : memref<50x128xi32, #tpu.memory_space<vmem>> -> memref<1x128xi32, #tpu.memory_space<vmem>>
      %dma_wait3A_184 = tpu.memref_squeeze %dma_wait3A_183 : memref<1x128xi32, #tpu.memory_space<vmem>> -> memref<128xi32, #tpu.memory_space<vmem>>
      %dma_wait3A_185 = arith.constant 0 : i32
      %dma_wait3A_186 = arith.constant 0 : i32
      %dma_wait3A_187 = tpu.memref_slice %arg4[%dma_wait3A_185, %dma_wait3A_186] : memref<100000x32xf32, #tpu.memory_space<hbm>> -> memref<100000x32xf32, #tpu.memory_space<hbm>>
      tpu.wait_indirect_dma semaphore(%arg10 : memref<!tpu.dma_semaphore, #tpu.memory_space<semaphore_mem>>) src(%dma_wait3A_187 : memref<100000x32xf32, #tpu.memory_space<hbm>>) dst(%dma_wait3A_181 : memref<128x32xf32, #tpu.memory_space<vmem>>)
      %dma_wait3A_188 = arith.constant 640 : i32
      %dma_wait3A_189 = arith.constant 0 : i32
      %dma_wait3A_190 = tpu.memref_slice %arg9[%dma_wait3A_188, %dma_wait3A_189] : memref<1280x32xf32, #tpu.memory_space<vmem>> -> memref<128x32xf32, #tpu.memory_space<vmem>>
      %dma_wait3A_191 = arith.constant 0 : i32
      %dma_wait3A_192 = tpu.memref_slice %arg8[%add3A_82, %dma_wait3A_191] : memref<50x128xi32, #tpu.memory_space<vmem>> -> memref<1x128xi32, #tpu.memory_space<vmem>>
      %dma_wait3A_193 = tpu.memref_squeeze %dma_wait3A_192 : memref<1x128xi32, #tpu.memory_space<vmem>> -> memref<128xi32, #tpu.memory_space<vmem>>
      %dma_wait3A_194 = arith.constant 0 : i32
      %dma_wait3A_195 = arith.constant 0 : i32
      %dma_wait3A_196 = tpu.memref_slice %arg4[%dma_wait3A_194, %dma_wait3A_195] : memref<100000x32xf32, #tpu.memory_space<hbm>> -> memref<100000x32xf32, #tpu.memory_space<hbm>>
      tpu.wait_indirect_dma semaphore(%arg10 : memref<!tpu.dma_semaphore, #tpu.memory_space<semaphore_mem>>) src(%dma_wait3A_196 : memref<100000x32xf32, #tpu.memory_space<hbm>>) dst(%dma_wait3A_190 : memref<128x32xf32, #tpu.memory_space<vmem>>)
      %dma_wait3A_197 = arith.constant 768 : i32
      %dma_wait3A_198 = arith.constant 0 : i32
      %dma_wait3A_199 = tpu.memref_slice %arg9[%dma_wait3A_197, %dma_wait3A_198] : memref<1280x32xf32, #tpu.memory_space<vmem>> -> memref<128x32xf32, #tpu.memory_space<vmem>>
      %dma_wait3A_200 = arith.constant 0 : i32
      %dma_wait3A_201 = tpu.memref_slice %arg8[%add3A_95, %dma_wait3A_200] : memref<50x128xi32, #tpu.memory_space<vmem>> -> memref<1x128xi32, #tpu.memory_space<vmem>>
      %dma_wait3A_202 = tpu.memref_squeeze %dma_wait3A_201 : memref<1x128xi32, #tpu.memory_space<vmem>> -> memref<128xi32, #tpu.memory_space<vmem>>
      %dma_wait3A_203 = arith.constant 0 : i32
      %dma_wait3A_204 = arith.constant 0 : i32
      %dma_wait3A_205 = tpu.memref_slice %arg4[%dma_wait3A_203, %dma_wait3A_204] : memref<100000x32xf32, #tpu.memory_space<hbm>> -> memref<100000x32xf32, #tpu.memory_space<hbm>>
      tpu.wait_indirect_dma semaphore(%arg10 : memref<!tpu.dma_semaphore, #tpu.memory_space<semaphore_mem>>) src(%dma_wait3A_205 : memref<100000x32xf32, #tpu.memory_space<hbm>>) dst(%dma_wait3A_199 : memref<128x32xf32, #tpu.memory_space<vmem>>)
      %dma_wait3A_206 = arith.constant 896 : i32
      %dma_wait3A_207 = arith.constant 0 : i32
      %dma_wait3A_208 = tpu.memref_slice %arg9[%dma_wait3A_206, %dma_wait3A_207] : memref<1280x32xf32, #tpu.memory_space<vmem>> -> memref<128x32xf32, #tpu.memory_space<vmem>>
      %dma_wait3A_209 = arith.constant 0 : i32
      %dma_wait3A_210 = tpu.memref_slice %arg8[%add3A_108, %dma_wait3A_209] : memref<50x128xi32, #tpu.memory_space<vmem>> -> memref<1x128xi32, #tpu.memory_space<vmem>>
      %dma_wait3A_211 = tpu.memref_squeeze %dma_wait3A_210 : memref<1x128xi32, #tpu.memory_space<vmem>> -> memref<128xi32, #tpu.memory_space<vmem>>
      %dma_wait3A_212 = arith.constant 0 : i32
      %dma_wait3A_213 = arith.constant 0 : i32
      %dma_wait3A_214 = tpu.memref_slice %arg4[%dma_wait3A_212, %dma_wait3A_213] : memref<100000x32xf32, #tpu.memory_space<hbm>> -> memref<100000x32xf32, #tpu.memory_space<hbm>>
      tpu.wait_indirect_dma semaphore(%arg10 : memref<!tpu.dma_semaphore, #tpu.memory_space<semaphore_mem>>) src(%dma_wait3A_214 : memref<100000x32xf32, #tpu.memory_space<hbm>>) dst(%dma_wait3A_208 : memref<128x32xf32, #tpu.memory_space<vmem>>)
      %dma_wait3A_215 = arith.constant 1024 : i32
      %dma_wait3A_216 = arith.constant 0 : i32
      %dma_wait3A_217 = tpu.memref_slice %arg9[%dma_wait3A_215, %dma_wait3A_216] : memref<1280x32xf32, #tpu.memory_space<vmem>> -> memref<128x32xf32, #tpu.memory_space<vmem>>
      %dma_wait3A_218 = arith.constant 0 : i32
      %dma_wait3A_219 = tpu.memref_slice %arg8[%add3A_121, %dma_wait3A_218] : memref<50x128xi32, #tpu.memory_space<vmem>> -> memref<1x128xi32, #tpu.memory_space<vmem>>
      %dma_wait3A_220 = tpu.memref_squeeze %dma_wait3A_219 : memref<1x128xi32, #tpu.memory_space<vmem>> -> memref<128xi32, #tpu.memory_space<vmem>>
      %dma_wait3A_221 = arith.constant 0 : i32
      %dma_wait3A_222 = arith.constant 0 : i32
      %dma_wait3A_223 = tpu.memref_slice %arg4[%dma_wait3A_221, %dma_wait3A_222] : memref<100000x32xf32, #tpu.memory_space<hbm>> -> memref<100000x32xf32, #tpu.memory_space<hbm>>
      tpu.wait_indirect_dma semaphore(%arg10 : memref<!tpu.dma_semaphore, #tpu.memory_space<semaphore_mem>>) src(%dma_wait3A_223 : memref<100000x32xf32, #tpu.memory_space<hbm>>) dst(%dma_wait3A_217 : memref<128x32xf32, #tpu.memory_space<vmem>>)
      %dma_wait3A_224 = arith.constant 1152 : i32
      %dma_wait3A_225 = arith.constant 0 : i32
      %dma_wait3A_226 = tpu.memref_slice %arg9[%dma_wait3A_224, %dma_wait3A_225] : memref<1280x32xf32, #tpu.memory_space<vmem>> -> memref<128x32xf32, #tpu.memory_space<vmem>>
      %dma_wait3A_227 = arith.constant 0 : i32
      %dma_wait3A_228 = tpu.memref_slice %arg8[%add3A_134, %dma_wait3A_227] : memref<50x128xi32, #tpu.memory_space<vmem>> -> memref<1x128xi32, #tpu.memory_space<vmem>>
      %dma_wait3A_229 = tpu.memref_squeeze %dma_wait3A_228 : memref<1x128xi32, #tpu.memory_space<vmem>> -> memref<128xi32, #tpu.memory_space<vmem>>
      %dma_wait3A_230 = arith.constant 0 : i32
      %dma_wait3A_231 = arith.constant 0 : i32
      %dma_wait3A_232 = tpu.memref_slice %arg4[%dma_wait3A_230, %dma_wait3A_231] : memref<100000x32xf32, #tpu.memory_space<hbm>> -> memref<100000x32xf32, #tpu.memory_space<hbm>>
      tpu.wait_indirect_dma semaphore(%arg10 : memref<!tpu.dma_semaphore, #tpu.memory_space<semaphore_mem>>) src(%dma_wait3A_232 : memref<100000x32xf32, #tpu.memory_space<hbm>>) dst(%dma_wait3A_226 : memref<128x32xf32, #tpu.memory_space<vmem>>)
      %mul3A_233 = arith.constant 10 : i32
      %mul3A_234 = arith.muli %scan3A_14, %mul3A_233 : i32
      %add3A_235 = arith.addi %mul3A_2, %mul3A_234 : i32
      %mul3A_236 = arith.constant 128 : i32
      %mul3A_237 = arith.muli %add3A_235, %mul3A_236 : i32
      "tpu.region"() ({
        %run_scoped3A = tpu.sem_alloc : memref<!tpu.dma_semaphore, #tpu.memory_space<semaphore_mem>>
        %dma_start3A_238 = arith.constant 0 : i32
        %dma_start3A_239 = tpu.memref_slice %arg6[%mul3A_237, %dma_start3A_238] : memref<204800x32xf32, #tpu.memory_space<hbm>> -> memref<1280x32xf32, #tpu.memory_space<hbm>>
        %dma_start3A_240 = arith.constant 0 : i32
        %dma_start3A_241 = tpu.memref_slice %arg6[%mul3A_237, %dma_start3A_240] : memref<204800x32xf32, #tpu.memory_space<hbm>> -> memref<1280x32xf32, #tpu.memory_space<hbm>>
        tpu.enqueue_dma source(%arg9 : memref<1280x32xf32, #tpu.memory_space<vmem>>) target(%dma_start3A_241 : memref<1280x32xf32, #tpu.memory_space<hbm>>) target_semaphore(%run_scoped3A : memref<!tpu.dma_semaphore, #tpu.memory_space<semaphore_mem>>)
        %dma_wait3A_242 = arith.constant 0 : i32
        %dma_wait3A_243 = tpu.memref_slice %arg6[%mul3A_237, %dma_wait3A_242] : memref<204800x32xf32, #tpu.memory_space<hbm>> -> memref<1280x32xf32, #tpu.memory_space<hbm>>
        %dma_wait3A_244 = arith.constant 0 : i32
        %dma_wait3A_245 = tpu.memref_slice %arg6[%mul3A_237, %dma_wait3A_244] : memref<204800x32xf32, #tpu.memory_space<hbm>> -> memref<1280x32xf32, #tpu.memory_space<hbm>>
        tpu.wait_dma2 semaphore(%run_scoped3A : memref<!tpu.dma_semaphore, #tpu.memory_space<semaphore_mem>>) src(%arg9 : memref<1280x32xf32, #tpu.memory_space<vmem>>) dst(%dma_wait3A_245 : memref<1280x32xf32, #tpu.memory_space<hbm>>)
        tpu.yield
      }) : () -> ()
    }
    %scan3A_7 = arith.constant 5 : i32
    "tpu.region"() ({
      %run_scoped3A = tpu.sem_alloc : memref<!tpu.dma_semaphore, #tpu.memory_space<semaphore_mem>>
      %dma_start3A = arith.constant 0 : i32
      %dma_start3A_14 = arith.constant 0 : i32
      %dma_start3A_15 = tpu.memref_slice %arg3[%add3A, %dma_start3A, %dma_start3A_14] : memref<32x50x128xi32, #tpu.memory_space<hbm>> -> memref<1x50x128xi32, #tpu.memory_space<hbm>>
      %dma_start3A_16 = tpu.memref_squeeze %dma_start3A_15 : memref<1x50x128xi32, #tpu.memory_space<hbm>> -> memref<50x128xi32, #tpu.memory_space<hbm>>
      %dma_start3A_17 = arith.constant 0 : i32
      %dma_start3A_18 = arith.constant 0 : i32
      %dma_start3A_19 = tpu.memref_slice %arg3[%add3A, %dma_start3A_17, %dma_start3A_18] : memref<32x50x128xi32, #tpu.memory_space<hbm>> -> memref<1x50x128xi32, #tpu.memory_space<hbm>>
      %dma_start3A_20 = tpu.memref_squeeze %dma_start3A_19 : memref<1x50x128xi32, #tpu.memory_space<hbm>> -> memref<50x128xi32, #tpu.memory_space<hbm>>
      tpu.enqueue_dma source(%dma_start3A_20 : memref<50x128xi32, #tpu.memory_space<hbm>>) target(%arg8 : memref<50x128xi32, #tpu.memory_space<vmem>>) target_semaphore(%run_scoped3A : memref<!tpu.dma_semaphore, #tpu.memory_space<semaphore_mem>>)
      %dma_wait3A = arith.constant 0 : i32
      %dma_wait3A_21 = arith.constant 0 : i32
      %dma_wait3A_22 = tpu.memref_slice %arg3[%add3A, %dma_wait3A, %dma_wait3A_21] : memref<32x50x128xi32, #tpu.memory_space<hbm>> -> memref<1x50x128xi32, #tpu.memory_space<hbm>>
      %dma_wait3A_23 = tpu.memref_squeeze %dma_wait3A_22 : memref<1x50x128xi32, #tpu.memory_space<hbm>> -> memref<50x128xi32, #tpu.memory_space<hbm>>
      %dma_wait3A_24 = arith.constant 0 : i32
      %dma_wait3A_25 = arith.constant 0 : i32
      %dma_wait3A_26 = tpu.memref_slice %arg3[%add3A, %dma_wait3A_24, %dma_wait3A_25] : memref<32x50x128xi32, #tpu.memory_space<hbm>> -> memref<1x50x128xi32, #tpu.memory_space<hbm>>
      %dma_wait3A_27 = tpu.memref_squeeze %dma_wait3A_26 : memref<1x50x128xi32, #tpu.memory_space<hbm>> -> memref<50x128xi32, #tpu.memory_space<hbm>>
      tpu.wait_dma2 semaphore(%run_scoped3A : memref<!tpu.dma_semaphore, #tpu.memory_space<semaphore_mem>>) src(%dma_wait3A_27 : memref<50x128xi32, #tpu.memory_space<hbm>>) dst(%arg8 : memref<50x128xi32, #tpu.memory_space<vmem>>)
      tpu.yield
    }) : () -> ()
    %scan3A_8 = arith.constant 0 : i32
    %scan3A_9 = arith.constant 0 : i32
    %scan3A_10 = arith.constant 5 : i32
    %scan3A_11 = arith.addi %scan3A_9, %scan3A_10 : i32
    %scan3A_12 = arith.constant 1 : i32
    scf.for %scan3A_14 = %scan3A_9 to %scan3A_11 step %scan3A_12  : i32 {
      %mul3A_15 = arith.constant 10 : i32
      %mul3A_16 = arith.muli %scan3A_14, %mul3A_15 : i32
      %add3A_17 = arith.constant 0 : i32
      %add3A_18 = arith.addi %mul3A_16, %add3A_17 : i32
      %dma_start3A = arith.constant 0 : i32
      %dma_start3A_19 = arith.constant 0 : i32
      %dma_start3A_20 = tpu.memref_slice %arg9[%dma_start3A, %dma_start3A_19] : memref<1280x32xf32, #tpu.memory_space<vmem>> -> memref<128x32xf32, #tpu.memory_space<vmem>>
      %dma_start3A_21 = arith.constant 0 : i32
      %dma_start3A_22 = tpu.memref_slice %arg8[%add3A_18, %dma_start3A_21] : memref<50x128xi32, #tpu.memory_space<vmem>> -> memref<1x128xi32, #tpu.memory_space<vmem>>
      %dma_start3A_23 = tpu.memref_squeeze %dma_start3A_22 : memref<1x128xi32, #tpu.memory_space<vmem>> -> memref<128xi32, #tpu.memory_space<vmem>>
      %dma_start3A_24 = arith.constant 0 : i32
      %dma_start3A_25 = arith.constant 0 : i32
      %dma_start3A_26 = tpu.memref_slice %arg5[%dma_start3A_24, %dma_start3A_25] : memref<100000x32xf32, #tpu.memory_space<hbm>> -> memref<100000x32xf32, #tpu.memory_space<hbm>>
      tpu.enqueue_indirect_dma source(%dma_start3A_26 : memref<100000x32xf32, #tpu.memory_space<hbm>>) target(%dma_start3A_20 : memref<128x32xf32, #tpu.memory_space<vmem>>) offsets(%dma_start3A_23 : memref<128xi32, #tpu.memory_space<vmem>>) semaphore(%arg10 : memref<!tpu.dma_semaphore, #tpu.memory_space<semaphore_mem>>)
      %mul3A_27 = arith.constant 10 : i32
      %mul3A_28 = arith.muli %scan3A_14, %mul3A_27 : i32
      %add3A_29 = arith.constant 1 : i32
      %add3A_30 = arith.addi %mul3A_28, %add3A_29 : i32
      %dma_start3A_31 = arith.constant 128 : i32
      %dma_start3A_32 = arith.constant 0 : i32
      %dma_start3A_33 = tpu.memref_slice %arg9[%dma_start3A_31, %dma_start3A_32] : memref<1280x32xf32, #tpu.memory_space<vmem>> -> memref<128x32xf32, #tpu.memory_space<vmem>>
      %dma_start3A_34 = arith.constant 0 : i32
      %dma_start3A_35 = tpu.memref_slice %arg8[%add3A_30, %dma_start3A_34] : memref<50x128xi32, #tpu.memory_space<vmem>> -> memref<1x128xi32, #tpu.memory_space<vmem>>
      %dma_start3A_36 = tpu.memref_squeeze %dma_start3A_35 : memref<1x128xi32, #tpu.memory_space<vmem>> -> memref<128xi32, #tpu.memory_space<vmem>>
      %dma_start3A_37 = arith.constant 0 : i32
      %dma_start3A_38 = arith.constant 0 : i32
      %dma_start3A_39 = tpu.memref_slice %arg5[%dma_start3A_37, %dma_start3A_38] : memref<100000x32xf32, #tpu.memory_space<hbm>> -> memref<100000x32xf32, #tpu.memory_space<hbm>>
      tpu.enqueue_indirect_dma source(%dma_start3A_39 : memref<100000x32xf32, #tpu.memory_space<hbm>>) target(%dma_start3A_33 : memref<128x32xf32, #tpu.memory_space<vmem>>) offsets(%dma_start3A_36 : memref<128xi32, #tpu.memory_space<vmem>>) semaphore(%arg10 : memref<!tpu.dma_semaphore, #tpu.memory_space<semaphore_mem>>)
      %mul3A_40 = arith.constant 10 : i32
      %mul3A_41 = arith.muli %scan3A_14, %mul3A_40 : i32
      %add3A_42 = arith.constant 2 : i32
      %add3A_43 = arith.addi %mul3A_41, %add3A_42 : i32
      %dma_start3A_44 = arith.constant 256 : i32
      %dma_start3A_45 = arith.constant 0 : i32
      %dma_start3A_46 = tpu.memref_slice %arg9[%dma_start3A_44, %dma_start3A_45] : memref<1280x32xf32, #tpu.memory_space<vmem>> -> memref<128x32xf32, #tpu.memory_space<vmem>>
      %dma_start3A_47 = arith.constant 0 : i32
      %dma_start3A_48 = tpu.memref_slice %arg8[%add3A_43, %dma_start3A_47] : memref<50x128xi32, #tpu.memory_space<vmem>> -> memref<1x128xi32, #tpu.memory_space<vmem>>
      %dma_start3A_49 = tpu.memref_squeeze %dma_start3A_48 : memref<1x128xi32, #tpu.memory_space<vmem>> -> memref<128xi32, #tpu.memory_space<vmem>>
      %dma_start3A_50 = arith.constant 0 : i32
      %dma_start3A_51 = arith.constant 0 : i32
      %dma_start3A_52 = tpu.memref_slice %arg5[%dma_start3A_50, %dma_start3A_51] : memref<100000x32xf32, #tpu.memory_space<hbm>> -> memref<100000x32xf32, #tpu.memory_space<hbm>>
      tpu.enqueue_indirect_dma source(%dma_start3A_52 : memref<100000x32xf32, #tpu.memory_space<hbm>>) target(%dma_start3A_46 : memref<128x32xf32, #tpu.memory_space<vmem>>) offsets(%dma_start3A_49 : memref<128xi32, #tpu.memory_space<vmem>>) semaphore(%arg10 : memref<!tpu.dma_semaphore, #tpu.memory_space<semaphore_mem>>)
      %mul3A_53 = arith.constant 10 : i32
      %mul3A_54 = arith.muli %scan3A_14, %mul3A_53 : i32
      %add3A_55 = arith.constant 3 : i32
      %add3A_56 = arith.addi %mul3A_54, %add3A_55 : i32
      %dma_start3A_57 = arith.constant 384 : i32
      %dma_start3A_58 = arith.constant 0 : i32
      %dma_start3A_59 = tpu.memref_slice %arg9[%dma_start3A_57, %dma_start3A_58] : memref<1280x32xf32, #tpu.memory_space<vmem>> -> memref<128x32xf32, #tpu.memory_space<vmem>>
      %dma_start3A_60 = arith.constant 0 : i32
      %dma_start3A_61 = tpu.memref_slice %arg8[%add3A_56, %dma_start3A_60] : memref<50x128xi32, #tpu.memory_space<vmem>> -> memref<1x128xi32, #tpu.memory_space<vmem>>
      %dma_start3A_62 = tpu.memref_squeeze %dma_start3A_61 : memref<1x128xi32, #tpu.memory_space<vmem>> -> memref<128xi32, #tpu.memory_space<vmem>>
      %dma_start3A_63 = arith.constant 0 : i32
      %dma_start3A_64 = arith.constant 0 : i32
      %dma_start3A_65 = tpu.memref_slice %arg5[%dma_start3A_63, %dma_start3A_64] : memref<100000x32xf32, #tpu.memory_space<hbm>> -> memref<100000x32xf32, #tpu.memory_space<hbm>>
      tpu.enqueue_indirect_dma source(%dma_start3A_65 : memref<100000x32xf32, #tpu.memory_space<hbm>>) target(%dma_start3A_59 : memref<128x32xf32, #tpu.memory_space<vmem>>) offsets(%dma_start3A_62 : memref<128xi32, #tpu.memory_space<vmem>>) semaphore(%arg10 : memref<!tpu.dma_semaphore, #tpu.memory_space<semaphore_mem>>)
      %mul3A_66 = arith.constant 10 : i32
      %mul3A_67 = arith.muli %scan3A_14, %mul3A_66 : i32
      %add3A_68 = arith.constant 4 : i32
      %add3A_69 = arith.addi %mul3A_67, %add3A_68 : i32
      %dma_start3A_70 = arith.constant 512 : i32
      %dma_start3A_71 = arith.constant 0 : i32
      %dma_start3A_72 = tpu.memref_slice %arg9[%dma_start3A_70, %dma_start3A_71] : memref<1280x32xf32, #tpu.memory_space<vmem>> -> memref<128x32xf32, #tpu.memory_space<vmem>>
      %dma_start3A_73 = arith.constant 0 : i32
      %dma_start3A_74 = tpu.memref_slice %arg8[%add3A_69, %dma_start3A_73] : memref<50x128xi32, #tpu.memory_space<vmem>> -> memref<1x128xi32, #tpu.memory_space<vmem>>
      %dma_start3A_75 = tpu.memref_squeeze %dma_start3A_74 : memref<1x128xi32, #tpu.memory_space<vmem>> -> memref<128xi32, #tpu.memory_space<vmem>>
      %dma_start3A_76 = arith.constant 0 : i32
      %dma_start3A_77 = arith.constant 0 : i32
      %dma_start3A_78 = tpu.memref_slice %arg5[%dma_start3A_76, %dma_start3A_77] : memref<100000x32xf32, #tpu.memory_space<hbm>> -> memref<100000x32xf32, #tpu.memory_space<hbm>>
      tpu.enqueue_indirect_dma source(%dma_start3A_78 : memref<100000x32xf32, #tpu.memory_space<hbm>>) target(%dma_start3A_72 : memref<128x32xf32, #tpu.memory_space<vmem>>) offsets(%dma_start3A_75 : memref<128xi32, #tpu.memory_space<vmem>>) semaphore(%arg10 : memref<!tpu.dma_semaphore, #tpu.memory_space<semaphore_mem>>)
      %mul3A_79 = arith.constant 10 : i32
      %mul3A_80 = arith.muli %scan3A_14, %mul3A_79 : i32
      %add3A_81 = arith.constant 5 : i32
      %add3A_82 = arith.addi %mul3A_80, %add3A_81 : i32
      %dma_start3A_83 = arith.constant 640 : i32
      %dma_start3A_84 = arith.constant 0 : i32
      %dma_start3A_85 = tpu.memref_slice %arg9[%dma_start3A_83, %dma_start3A_84] : memref<1280x32xf32, #tpu.memory_space<vmem>> -> memref<128x32xf32, #tpu.memory_space<vmem>>
      %dma_start3A_86 = arith.constant 0 : i32
      %dma_start3A_87 = tpu.memref_slice %arg8[%add3A_82, %dma_start3A_86] : memref<50x128xi32, #tpu.memory_space<vmem>> -> memref<1x128xi32, #tpu.memory_space<vmem>>
      %dma_start3A_88 = tpu.memref_squeeze %dma_start3A_87 : memref<1x128xi32, #tpu.memory_space<vmem>> -> memref<128xi32, #tpu.memory_space<vmem>>
      %dma_start3A_89 = arith.constant 0 : i32
      %dma_start3A_90 = arith.constant 0 : i32
      %dma_start3A_91 = tpu.memref_slice %arg5[%dma_start3A_89, %dma_start3A_90] : memref<100000x32xf32, #tpu.memory_space<hbm>> -> memref<100000x32xf32, #tpu.memory_space<hbm>>
      tpu.enqueue_indirect_dma source(%dma_start3A_91 : memref<100000x32xf32, #tpu.memory_space<hbm>>) target(%dma_start3A_85 : memref<128x32xf32, #tpu.memory_space<vmem>>) offsets(%dma_start3A_88 : memref<128xi32, #tpu.memory_space<vmem>>) semaphore(%arg10 : memref<!tpu.dma_semaphore, #tpu.memory_space<semaphore_mem>>)
      %mul3A_92 = arith.constant 10 : i32
      %mul3A_93 = arith.muli %scan3A_14, %mul3A_92 : i32
      %add3A_94 = arith.constant 6 : i32
      %add3A_95 = arith.addi %mul3A_93, %add3A_94 : i32
      %dma_start3A_96 = arith.constant 768 : i32
      %dma_start3A_97 = arith.constant 0 : i32
      %dma_start3A_98 = tpu.memref_slice %arg9[%dma_start3A_96, %dma_start3A_97] : memref<1280x32xf32, #tpu.memory_space<vmem>> -> memref<128x32xf32, #tpu.memory_space<vmem>>
      %dma_start3A_99 = arith.constant 0 : i32
      %dma_start3A_100 = tpu.memref_slice %arg8[%add3A_95, %dma_start3A_99] : memref<50x128xi32, #tpu.memory_space<vmem>> -> memref<1x128xi32, #tpu.memory_space<vmem>>
      %dma_start3A_101 = tpu.memref_squeeze %dma_start3A_100 : memref<1x128xi32, #tpu.memory_space<vmem>> -> memref<128xi32, #tpu.memory_space<vmem>>
      %dma_start3A_102 = arith.constant 0 : i32
      %dma_start3A_103 = arith.constant 0 : i32
      %dma_start3A_104 = tpu.memref_slice %arg5[%dma_start3A_102, %dma_start3A_103] : memref<100000x32xf32, #tpu.memory_space<hbm>> -> memref<100000x32xf32, #tpu.memory_space<hbm>>
      tpu.enqueue_indirect_dma source(%dma_start3A_104 : memref<100000x32xf32, #tpu.memory_space<hbm>>) target(%dma_start3A_98 : memref<128x32xf32, #tpu.memory_space<vmem>>) offsets(%dma_start3A_101 : memref<128xi32, #tpu.memory_space<vmem>>) semaphore(%arg10 : memref<!tpu.dma_semaphore, #tpu.memory_space<semaphore_mem>>)
      %mul3A_105 = arith.constant 10 : i32
      %mul3A_106 = arith.muli %scan3A_14, %mul3A_105 : i32
      %add3A_107 = arith.constant 7 : i32
      %add3A_108 = arith.addi %mul3A_106, %add3A_107 : i32
      %dma_start3A_109 = arith.constant 896 : i32
      %dma_start3A_110 = arith.constant 0 : i32
      %dma_start3A_111 = tpu.memref_slice %arg9[%dma_start3A_109, %dma_start3A_110] : memref<1280x32xf32, #tpu.memory_space<vmem>> -> memref<128x32xf32, #tpu.memory_space<vmem>>
      %dma_start3A_112 = arith.constant 0 : i32
      %dma_start3A_113 = tpu.memref_slice %arg8[%add3A_108, %dma_start3A_112] : memref<50x128xi32, #tpu.memory_space<vmem>> -> memref<1x128xi32, #tpu.memory_space<vmem>>
      %dma_start3A_114 = tpu.memref_squeeze %dma_start3A_113 : memref<1x128xi32, #tpu.memory_space<vmem>> -> memref<128xi32, #tpu.memory_space<vmem>>
      %dma_start3A_115 = arith.constant 0 : i32
      %dma_start3A_116 = arith.constant 0 : i32
      %dma_start3A_117 = tpu.memref_slice %arg5[%dma_start3A_115, %dma_start3A_116] : memref<100000x32xf32, #tpu.memory_space<hbm>> -> memref<100000x32xf32, #tpu.memory_space<hbm>>
      tpu.enqueue_indirect_dma source(%dma_start3A_117 : memref<100000x32xf32, #tpu.memory_space<hbm>>) target(%dma_start3A_111 : memref<128x32xf32, #tpu.memory_space<vmem>>) offsets(%dma_start3A_114 : memref<128xi32, #tpu.memory_space<vmem>>) semaphore(%arg10 : memref<!tpu.dma_semaphore, #tpu.memory_space<semaphore_mem>>)
      %mul3A_118 = arith.constant 10 : i32
      %mul3A_119 = arith.muli %scan3A_14, %mul3A_118 : i32
      %add3A_120 = arith.constant 8 : i32
      %add3A_121 = arith.addi %mul3A_119, %add3A_120 : i32
      %dma_start3A_122 = arith.constant 1024 : i32
      %dma_start3A_123 = arith.constant 0 : i32
      %dma_start3A_124 = tpu.memref_slice %arg9[%dma_start3A_122, %dma_start3A_123] : memref<1280x32xf32, #tpu.memory_space<vmem>> -> memref<128x32xf32, #tpu.memory_space<vmem>>
      %dma_start3A_125 = arith.constant 0 : i32
      %dma_start3A_126 = tpu.memref_slice %arg8[%add3A_121, %dma_start3A_125] : memref<50x128xi32, #tpu.memory_space<vmem>> -> memref<1x128xi32, #tpu.memory_space<vmem>>
      %dma_start3A_127 = tpu.memref_squeeze %dma_start3A_126 : memref<1x128xi32, #tpu.memory_space<vmem>> -> memref<128xi32, #tpu.memory_space<vmem>>
      %dma_start3A_128 = arith.constant 0 : i32
      %dma_start3A_129 = arith.constant 0 : i32
      %dma_start3A_130 = tpu.memref_slice %arg5[%dma_start3A_128, %dma_start3A_129] : memref<100000x32xf32, #tpu.memory_space<hbm>> -> memref<100000x32xf32, #tpu.memory_space<hbm>>
      tpu.enqueue_indirect_dma source(%dma_start3A_130 : memref<100000x32xf32, #tpu.memory_space<hbm>>) target(%dma_start3A_124 : memref<128x32xf32, #tpu.memory_space<vmem>>) offsets(%dma_start3A_127 : memref<128xi32, #tpu.memory_space<vmem>>) semaphore(%arg10 : memref<!tpu.dma_semaphore, #tpu.memory_space<semaphore_mem>>)
      %mul3A_131 = arith.constant 10 : i32
      %mul3A_132 = arith.muli %scan3A_14, %mul3A_131 : i32
      %add3A_133 = arith.constant 9 : i32
      %add3A_134 = arith.addi %mul3A_132, %add3A_133 : i32
      %dma_start3A_135 = arith.constant 1152 : i32
      %dma_start3A_136 = arith.constant 0 : i32
      %dma_start3A_137 = tpu.memref_slice %arg9[%dma_start3A_135, %dma_start3A_136] : memref<1280x32xf32, #tpu.memory_space<vmem>> -> memref<128x32xf32, #tpu.memory_space<vmem>>
      %dma_start3A_138 = arith.constant 0 : i32
      %dma_start3A_139 = tpu.memref_slice %arg8[%add3A_134, %dma_start3A_138] : memref<50x128xi32, #tpu.memory_space<vmem>> -> memref<1x128xi32, #tpu.memory_space<vmem>>
      %dma_start3A_140 = tpu.memref_squeeze %dma_start3A_139 : memref<1x128xi32, #tpu.memory_space<vmem>> -> memref<128xi32, #tpu.memory_space<vmem>>
      %dma_start3A_141 = arith.constant 0 : i32
      %dma_start3A_142 = arith.constant 0 : i32
      %dma_start3A_143 = tpu.memref_slice %arg5[%dma_start3A_141, %dma_start3A_142] : memref<100000x32xf32, #tpu.memory_space<hbm>> -> memref<100000x32xf32, #tpu.memory_space<hbm>>
      tpu.enqueue_indirect_dma source(%dma_start3A_143 : memref<100000x32xf32, #tpu.memory_space<hbm>>) target(%dma_start3A_137 : memref<128x32xf32, #tpu.memory_space<vmem>>) offsets(%dma_start3A_140 : memref<128xi32, #tpu.memory_space<vmem>>) semaphore(%arg10 : memref<!tpu.dma_semaphore, #tpu.memory_space<semaphore_mem>>)
      %dma_wait3A = arith.constant 0 : i32
      %dma_wait3A_144 = arith.constant 0 : i32
      %dma_wait3A_145 = tpu.memref_slice %arg9[%dma_wait3A, %dma_wait3A_144] : memref<1280x32xf32, #tpu.memory_space<vmem>> -> memref<128x32xf32, #tpu.memory_space<vmem>>
      %dma_wait3A_146 = arith.constant 0 : i32
      %dma_wait3A_147 = tpu.memref_slice %arg8[%add3A_18, %dma_wait3A_146] : memref<50x128xi32, #tpu.memory_space<vmem>> -> memref<1x128xi32, #tpu.memory_space<vmem>>
      %dma_wait3A_148 = tpu.memref_squeeze %dma_wait3A_147 : memref<1x128xi32, #tpu.memory_space<vmem>> -> memref<128xi32, #tpu.memory_space<vmem>>
      %dma_wait3A_149 = arith.constant 0 : i32
      %dma_wait3A_150 = arith.constant 0 : i32
      %dma_wait3A_151 = tpu.memref_slice %arg5[%dma_wait3A_149, %dma_wait3A_150] : memref<100000x32xf32, #tpu.memory_space<hbm>> -> memref<100000x32xf32, #tpu.memory_space<hbm>>
      tpu.wait_indirect_dma semaphore(%arg10 : memref<!tpu.dma_semaphore, #tpu.memory_space<semaphore_mem>>) src(%dma_wait3A_151 : memref<100000x32xf32, #tpu.memory_space<hbm>>) dst(%dma_wait3A_145 : memref<128x32xf32, #tpu.memory_space<vmem>>)
      %dma_wait3A_152 = arith.constant 128 : i32
      %dma_wait3A_153 = arith.constant 0 : i32
      %dma_wait3A_154 = tpu.memref_slice %arg9[%dma_wait3A_152, %dma_wait3A_153] : memref<1280x32xf32, #tpu.memory_space<vmem>> -> memref<128x32xf32, #tpu.memory_space<vmem>>
      %dma_wait3A_155 = arith.constant 0 : i32
      %dma_wait3A_156 = tpu.memref_slice %arg8[%add3A_30, %dma_wait3A_155] : memref<50x128xi32, #tpu.memory_space<vmem>> -> memref<1x128xi32, #tpu.memory_space<vmem>>
      %dma_wait3A_157 = tpu.memref_squeeze %dma_wait3A_156 : memref<1x128xi32, #tpu.memory_space<vmem>> -> memref<128xi32, #tpu.memory_space<vmem>>
      %dma_wait3A_158 = arith.constant 0 : i32
      %dma_wait3A_159 = arith.constant 0 : i32
      %dma_wait3A_160 = tpu.memref_slice %arg5[%dma_wait3A_158, %dma_wait3A_159] : memref<100000x32xf32, #tpu.memory_space<hbm>> -> memref<100000x32xf32, #tpu.memory_space<hbm>>
      tpu.wait_indirect_dma semaphore(%arg10 : memref<!tpu.dma_semaphore, #tpu.memory_space<semaphore_mem>>) src(%dma_wait3A_160 : memref<100000x32xf32, #tpu.memory_space<hbm>>) dst(%dma_wait3A_154 : memref<128x32xf32, #tpu.memory_space<vmem>>)
      %dma_wait3A_161 = arith.constant 256 : i32
      %dma_wait3A_162 = arith.constant 0 : i32
      %dma_wait3A_163 = tpu.memref_slice %arg9[%dma_wait3A_161, %dma_wait3A_162] : memref<1280x32xf32, #tpu.memory_space<vmem>> -> memref<128x32xf32, #tpu.memory_space<vmem>>
      %dma_wait3A_164 = arith.constant 0 : i32
      %dma_wait3A_165 = tpu.memref_slice %arg8[%add3A_43, %dma_wait3A_164] : memref<50x128xi32, #tpu.memory_space<vmem>> -> memref<1x128xi32, #tpu.memory_space<vmem>>
      %dma_wait3A_166 = tpu.memref_squeeze %dma_wait3A_165 : memref<1x128xi32, #tpu.memory_space<vmem>> -> memref<128xi32, #tpu.memory_space<vmem>>
      %dma_wait3A_167 = arith.constant 0 : i32
      %dma_wait3A_168 = arith.constant 0 : i32
      %dma_wait3A_169 = tpu.memref_slice %arg5[%dma_wait3A_167, %dma_wait3A_168] : memref<100000x32xf32, #tpu.memory_space<hbm>> -> memref<100000x32xf32, #tpu.memory_space<hbm>>
      tpu.wait_indirect_dma semaphore(%arg10 : memref<!tpu.dma_semaphore, #tpu.memory_space<semaphore_mem>>) src(%dma_wait3A_169 : memref<100000x32xf32, #tpu.memory_space<hbm>>) dst(%dma_wait3A_163 : memref<128x32xf32, #tpu.memory_space<vmem>>)
      %dma_wait3A_170 = arith.constant 384 : i32
      %dma_wait3A_171 = arith.constant 0 : i32
      %dma_wait3A_172 = tpu.memref_slice %arg9[%dma_wait3A_170, %dma_wait3A_171] : memref<1280x32xf32, #tpu.memory_space<vmem>> -> memref<128x32xf32, #tpu.memory_space<vmem>>
      %dma_wait3A_173 = arith.constant 0 : i32
      %dma_wait3A_174 = tpu.memref_slice %arg8[%add3A_56, %dma_wait3A_173] : memref<50x128xi32, #tpu.memory_space<vmem>> -> memref<1x128xi32, #tpu.memory_space<vmem>>
      %dma_wait3A_175 = tpu.memref_squeeze %dma_wait3A_174 : memref<1x128xi32, #tpu.memory_space<vmem>> -> memref<128xi32, #tpu.memory_space<vmem>>
      %dma_wait3A_176 = arith.constant 0 : i32
      %dma_wait3A_177 = arith.constant 0 : i32
      %dma_wait3A_178 = tpu.memref_slice %arg5[%dma_wait3A_176, %dma_wait3A_177] : memref<100000x32xf32, #tpu.memory_space<hbm>> -> memref<100000x32xf32, #tpu.memory_space<hbm>>
      tpu.wait_indirect_dma semaphore(%arg10 : memref<!tpu.dma_semaphore, #tpu.memory_space<semaphore_mem>>) src(%dma_wait3A_178 : memref<100000x32xf32, #tpu.memory_space<hbm>>) dst(%dma_wait3A_172 : memref<128x32xf32, #tpu.memory_space<vmem>>)
      %dma_wait3A_179 = arith.constant 512 : i32
      %dma_wait3A_180 = arith.constant 0 : i32
      %dma_wait3A_181 = tpu.memref_slice %arg9[%dma_wait3A_179, %dma_wait3A_180] : memref<1280x32xf32, #tpu.memory_space<vmem>> -> memref<128x32xf32, #tpu.memory_space<vmem>>
      %dma_wait3A_182 = arith.constant 0 : i32
      %dma_wait3A_183 = tpu.memref_slice %arg8[%add3A_69, %dma_wait3A_182] : memref<50x128xi32, #tpu.memory_space<vmem>> -> memref<1x128xi32, #tpu.memory_space<vmem>>
      %dma_wait3A_184 = tpu.memref_squeeze %dma_wait3A_183 : memref<1x128xi32, #tpu.memory_space<vmem>> -> memref<128xi32, #tpu.memory_space<vmem>>
      %dma_wait3A_185 = arith.constant 0 : i32
      %dma_wait3A_186 = arith.constant 0 : i32
      %dma_wait3A_187 = tpu.memref_slice %arg5[%dma_wait3A_185, %dma_wait3A_186] : memref<100000x32xf32, #tpu.memory_space<hbm>> -> memref<100000x32xf32, #tpu.memory_space<hbm>>
      tpu.wait_indirect_dma semaphore(%arg10 : memref<!tpu.dma_semaphore, #tpu.memory_space<semaphore_mem>>) src(%dma_wait3A_187 : memref<100000x32xf32, #tpu.memory_space<hbm>>) dst(%dma_wait3A_181 : memref<128x32xf32, #tpu.memory_space<vmem>>)
      %dma_wait3A_188 = arith.constant 640 : i32
      %dma_wait3A_189 = arith.constant 0 : i32
      %dma_wait3A_190 = tpu.memref_slice %arg9[%dma_wait3A_188, %dma_wait3A_189] : memref<1280x32xf32, #tpu.memory_space<vmem>> -> memref<128x32xf32, #tpu.memory_space<vmem>>
      %dma_wait3A_191 = arith.constant 0 : i32
      %dma_wait3A_192 = tpu.memref_slice %arg8[%add3A_82, %dma_wait3A_191] : memref<50x128xi32, #tpu.memory_space<vmem>> -> memref<1x128xi32, #tpu.memory_space<vmem>>
      %dma_wait3A_193 = tpu.memref_squeeze %dma_wait3A_192 : memref<1x128xi32, #tpu.memory_space<vmem>> -> memref<128xi32, #tpu.memory_space<vmem>>
      %dma_wait3A_194 = arith.constant 0 : i32
      %dma_wait3A_195 = arith.constant 0 : i32
      %dma_wait3A_196 = tpu.memref_slice %arg5[%dma_wait3A_194, %dma_wait3A_195] : memref<100000x32xf32, #tpu.memory_space<hbm>> -> memref<100000x32xf32, #tpu.memory_space<hbm>>
      tpu.wait_indirect_dma semaphore(%arg10 : memref<!tpu.dma_semaphore, #tpu.memory_space<semaphore_mem>>) src(%dma_wait3A_196 : memref<100000x32xf32, #tpu.memory_space<hbm>>) dst(%dma_wait3A_190 : memref<128x32xf32, #tpu.memory_space<vmem>>)
      %dma_wait3A_197 = arith.constant 768 : i32
      %dma_wait3A_198 = arith.constant 0 : i32
      %dma_wait3A_199 = tpu.memref_slice %arg9[%dma_wait3A_197, %dma_wait3A_198] : memref<1280x32xf32, #tpu.memory_space<vmem>> -> memref<128x32xf32, #tpu.memory_space<vmem>>
      %dma_wait3A_200 = arith.constant 0 : i32
      %dma_wait3A_201 = tpu.memref_slice %arg8[%add3A_95, %dma_wait3A_200] : memref<50x128xi32, #tpu.memory_space<vmem>> -> memref<1x128xi32, #tpu.memory_space<vmem>>
      %dma_wait3A_202 = tpu.memref_squeeze %dma_wait3A_201 : memref<1x128xi32, #tpu.memory_space<vmem>> -> memref<128xi32, #tpu.memory_space<vmem>>
      %dma_wait3A_203 = arith.constant 0 : i32
      %dma_wait3A_204 = arith.constant 0 : i32
      %dma_wait3A_205 = tpu.memref_slice %arg5[%dma_wait3A_203, %dma_wait3A_204] : memref<100000x32xf32, #tpu.memory_space<hbm>> -> memref<100000x32xf32, #tpu.memory_space<hbm>>
      tpu.wait_indirect_dma semaphore(%arg10 : memref<!tpu.dma_semaphore, #tpu.memory_space<semaphore_mem>>) src(%dma_wait3A_205 : memref<100000x32xf32, #tpu.memory_space<hbm>>) dst(%dma_wait3A_199 : memref<128x32xf32, #tpu.memory_space<vmem>>)
      %dma_wait3A_206 = arith.constant 896 : i32
      %dma_wait3A_207 = arith.constant 0 : i32
      %dma_wait3A_208 = tpu.memref_slice %arg9[%dma_wait3A_206, %dma_wait3A_207] : memref<1280x32xf32, #tpu.memory_space<vmem>> -> memref<128x32xf32, #tpu.memory_space<vmem>>
      %dma_wait3A_209 = arith.constant 0 : i32
      %dma_wait3A_210 = tpu.memref_slice %arg8[%add3A_108, %dma_wait3A_209] : memref<50x128xi32, #tpu.memory_space<vmem>> -> memref<1x128xi32, #tpu.memory_space<vmem>>
      %dma_wait3A_211 = tpu.memref_squeeze %dma_wait3A_210 : memref<1x128xi32, #tpu.memory_space<vmem>> -> memref<128xi32, #tpu.memory_space<vmem>>
      %dma_wait3A_212 = arith.constant 0 : i32
      %dma_wait3A_213 = arith.constant 0 : i32
      %dma_wait3A_214 = tpu.memref_slice %arg5[%dma_wait3A_212, %dma_wait3A_213] : memref<100000x32xf32, #tpu.memory_space<hbm>> -> memref<100000x32xf32, #tpu.memory_space<hbm>>
      tpu.wait_indirect_dma semaphore(%arg10 : memref<!tpu.dma_semaphore, #tpu.memory_space<semaphore_mem>>) src(%dma_wait3A_214 : memref<100000x32xf32, #tpu.memory_space<hbm>>) dst(%dma_wait3A_208 : memref<128x32xf32, #tpu.memory_space<vmem>>)
      %dma_wait3A_215 = arith.constant 1024 : i32
      %dma_wait3A_216 = arith.constant 0 : i32
      %dma_wait3A_217 = tpu.memref_slice %arg9[%dma_wait3A_215, %dma_wait3A_216] : memref<1280x32xf32, #tpu.memory_space<vmem>> -> memref<128x32xf32, #tpu.memory_space<vmem>>
      %dma_wait3A_218 = arith.constant 0 : i32
      %dma_wait3A_219 = tpu.memref_slice %arg8[%add3A_121, %dma_wait3A_218] : memref<50x128xi32, #tpu.memory_space<vmem>> -> memref<1x128xi32, #tpu.memory_space<vmem>>
      %dma_wait3A_220 = tpu.memref_squeeze %dma_wait3A_219 : memref<1x128xi32, #tpu.memory_space<vmem>> -> memref<128xi32, #tpu.memory_space<vmem>>
      %dma_wait3A_221 = arith.constant 0 : i32
      %dma_wait3A_222 = arith.constant 0 : i32
      %dma_wait3A_223 = tpu.memref_slice %arg5[%dma_wait3A_221, %dma_wait3A_222] : memref<100000x32xf32, #tpu.memory_space<hbm>> -> memref<100000x32xf32, #tpu.memory_space<hbm>>
      tpu.wait_indirect_dma semaphore(%arg10 : memref<!tpu.dma_semaphore, #tpu.memory_space<semaphore_mem>>) src(%dma_wait3A_223 : memref<100000x32xf32, #tpu.memory_space<hbm>>) dst(%dma_wait3A_217 : memref<128x32xf32, #tpu.memory_space<vmem>>)
      %dma_wait3A_224 = arith.constant 1152 : i32
      %dma_wait3A_225 = arith.constant 0 : i32
      %dma_wait3A_226 = tpu.memref_slice %arg9[%dma_wait3A_224, %dma_wait3A_225] : memref<1280x32xf32, #tpu.memory_space<vmem>> -> memref<128x32xf32, #tpu.memory_space<vmem>>
      %dma_wait3A_227 = arith.constant 0 : i32
      %dma_wait3A_228 = tpu.memref_slice %arg8[%add3A_134, %dma_wait3A_227] : memref<50x128xi32, #tpu.memory_space<vmem>> -> memref<1x128xi32, #tpu.memory_space<vmem>>
      %dma_wait3A_229 = tpu.memref_squeeze %dma_wait3A_228 : memref<1x128xi32, #tpu.memory_space<vmem>> -> memref<128xi32, #tpu.memory_space<vmem>>
      %dma_wait3A_230 = arith.constant 0 : i32
      %dma_wait3A_231 = arith.constant 0 : i32
      %dma_wait3A_232 = tpu.memref_slice %arg5[%dma_wait3A_230, %dma_wait3A_231] : memref<100000x32xf32, #tpu.memory_space<hbm>> -> memref<100000x32xf32, #tpu.memory_space<hbm>>
      tpu.wait_indirect_dma semaphore(%arg10 : memref<!tpu.dma_semaphore, #tpu.memory_space<semaphore_mem>>) src(%dma_wait3A_232 : memref<100000x32xf32, #tpu.memory_space<hbm>>) dst(%dma_wait3A_226 : memref<128x32xf32, #tpu.memory_space<vmem>>)
      %mul3A_233 = arith.constant 10 : i32
      %mul3A_234 = arith.muli %scan3A_14, %mul3A_233 : i32
      %add3A_235 = arith.addi %mul3A_2, %mul3A_234 : i32
      %mul3A_236 = arith.constant 128 : i32
      %mul3A_237 = arith.muli %add3A_235, %mul3A_236 : i32
      "tpu.region"() ({
        %run_scoped3A = tpu.sem_alloc : memref<!tpu.dma_semaphore, #tpu.memory_space<semaphore_mem>>
        %dma_start3A_238 = arith.constant 0 : i32
        %dma_start3A_239 = tpu.memref_slice %arg7[%mul3A_237, %dma_start3A_238] : memref<204800x32xf32, #tpu.memory_space<hbm>> -> memref<1280x32xf32, #tpu.memory_space<hbm>>
        %dma_start3A_240 = arith.constant 0 : i32
        %dma_start3A_241 = tpu.memref_slice %arg7[%mul3A_237, %dma_start3A_240] : memref<204800x32xf32, #tpu.memory_space<hbm>> -> memref<1280x32xf32, #tpu.memory_space<hbm>>
        tpu.enqueue_dma source(%arg9 : memref<1280x32xf32, #tpu.memory_space<vmem>>) target(%dma_start3A_241 : memref<1280x32xf32, #tpu.memory_space<hbm>>) target_semaphore(%run_scoped3A : memref<!tpu.dma_semaphore, #tpu.memory_space<semaphore_mem>>)
        %dma_wait3A_242 = arith.constant 0 : i32
        %dma_wait3A_243 = tpu.memref_slice %arg7[%mul3A_237, %dma_wait3A_242] : memref<204800x32xf32, #tpu.memory_space<hbm>> -> memref<1280x32xf32, #tpu.memory_space<hbm>>
        %dma_wait3A_244 = arith.constant 0 : i32
        %dma_wait3A_245 = tpu.memref_slice %arg7[%mul3A_237, %dma_wait3A_244] : memref<204800x32xf32, #tpu.memory_space<hbm>> -> memref<1280x32xf32, #tpu.memory_space<hbm>>
        tpu.wait_dma2 semaphore(%run_scoped3A : memref<!tpu.dma_semaphore, #tpu.memory_space<semaphore_mem>>) src(%arg9 : memref<1280x32xf32, #tpu.memory_space<vmem>>) dst(%dma_wait3A_245 : memref<1280x32xf32, #tpu.memory_space<hbm>>)
        tpu.yield
      }) : () -> ()
    }
    %scan3A_13 = arith.constant 5 : i32
    return
  }
}

module attributes {stable_mosaic.version = 14 : i64} {
  func.func @_tc_body(%arg0: i32, %arg1: memref<50x32x512xf32, #tpu.memory_space<vmem>>, %arg2: memref<50x32x512xf32, #tpu.memory_space<vmem>>, %arg3: memref<32x512xf32, #tpu.memory_space<vmem>>, %arg4: memref<32x512xf32, #tpu.memory_space<vmem>>, %arg5: memref<32x512xf32, #tpu.memory_space<vmem>>, %arg6: memref<32x512xf32, #tpu.memory_space<vmem>>, %arg7: memref<13x512xf32, #tpu.memory_space<vmem>>, %arg8: memref<80x64xf32, #tpu.memory_space<vmem>>, %arg9: memref<80x128xf32, #tpu.memory_space<vmem>>, %arg10: memref<80x1xf32, #tpu.memory_space<vmem>>, %arg11: memref<80x1xf32, #tpu.memory_space<vmem>>, %arg12: memref<1x1xf32, #tpu.memory_space<vmem>>, %arg13: memref<256x13xf32, #tpu.memory_space<vmem>>, %arg14: memref<256x64xf32, #tpu.memory_space<vmem>>, %arg15: memref<256x64xf32, #tpu.memory_space<vmem>>, %arg16: memref<256x32xf32, #tpu.memory_space<vmem>>, %arg17: memref<256x32xf32, #tpu.memory_space<vmem>>, %arg18: memref<256x1xf32, #tpu.memory_space<vmem>>, %arg19: memref<128x256xf32, #tpu.memory_space<vmem>>, %arg20: memref<128x1xf32, #tpu.memory_space<vmem>>, %arg21: memref<128x1xf32, #tpu.memory_space<vmem>>, %arg22: memref<1x1xf32, #tpu.memory_space<vmem>>, %arg23: memref<1x512xf32, #tpu.memory_space<vmem>>) attributes {dimension_semantics = [#tpu.dimension_semantics<arbitrary>], iteration_bounds = array<i64: 8>, scalar_prefetch = 0 : i64, scratch_operands = 0 : i64, tpu.core_type = #tpu.core_type<tc>, window_params = [{transform_indices = @transform_0, window_bounds = array<i64: 50, 32, 512>}, {transform_indices = @transform_1, window_bounds = array<i64: 50, 32, 512>}, {transform_indices = @transform_2, window_bounds = array<i64: 32, 512>}, {transform_indices = @transform_3, window_bounds = array<i64: 32, 512>}, {transform_indices = @transform_4, window_bounds = array<i64: 32, 512>}, {transform_indices = @transform_5, window_bounds = array<i64: 32, 512>}, {transform_indices = @transform_6, window_bounds = array<i64: 13, 512>}, {pipeline_mode = #tpu.pipeline_mode<synchronous>, transform_indices = @transform_7, window_bounds = array<i64: 80, 64>}, {pipeline_mode = #tpu.pipeline_mode<synchronous>, transform_indices = @transform_8, window_bounds = array<i64: 80, 128>}, {pipeline_mode = #tpu.pipeline_mode<synchronous>, transform_indices = @transform_9, window_bounds = array<i64: 80, 1>}, {pipeline_mode = #tpu.pipeline_mode<synchronous>, transform_indices = @transform_10, window_bounds = array<i64: 80, 1>}, {pipeline_mode = #tpu.pipeline_mode<synchronous>, transform_indices = @transform_11, window_bounds = array<i64: 1, 1>}, {pipeline_mode = #tpu.pipeline_mode<synchronous>, transform_indices = @transform_12, window_bounds = array<i64: 256, 13>}, {pipeline_mode = #tpu.pipeline_mode<synchronous>, transform_indices = @transform_13, window_bounds = array<i64: 256, 64>}, {pipeline_mode = #tpu.pipeline_mode<synchronous>, transform_indices = @transform_14, window_bounds = array<i64: 256, 64>}, {pipeline_mode = #tpu.pipeline_mode<synchronous>, transform_indices = @transform_15, window_bounds = array<i64: 256, 32>}, {pipeline_mode = #tpu.pipeline_mode<synchronous>, transform_indices = @transform_16, window_bounds = array<i64: 256, 32>}, {pipeline_mode = #tpu.pipeline_mode<synchronous>, transform_indices = @transform_17, window_bounds = array<i64: 256, 1>}, {pipeline_mode = #tpu.pipeline_mode<synchronous>, transform_indices = @transform_18, window_bounds = array<i64: 128, 256>}, {pipeline_mode = #tpu.pipeline_mode<synchronous>, transform_indices = @transform_19, window_bounds = array<i64: 128, 1>}, {pipeline_mode = #tpu.pipeline_mode<synchronous>, transform_indices = @transform_20, window_bounds = array<i64: 128, 1>}, {pipeline_mode = #tpu.pipeline_mode<synchronous>, transform_indices = @transform_21, window_bounds = array<i64: 1, 1>}, {transform_indices = @transform_22, window_bounds = array<i64: 1, 512>}]} {
    %get3A = arith.constant 0 : index
    %get3A_0 = arith.constant 0 : index
    %get3A_1 = vector.load %arg3[%get3A, %get3A_0] : memref<32x512xf32, #tpu.memory_space<vmem>>, vector<32x512xf32>
    %get3A_2 = arith.constant 0 : index
    %get3A_3 = arith.constant 0 : index
    %get3A_4 = vector.load %arg4[%get3A_2, %get3A_3] : memref<32x512xf32, #tpu.memory_space<vmem>>, vector<32x512xf32>
    %concatenate3A = tpu.concatenate %get3A_1, %get3A_4 in 0 : vector<32x512xf32>, vector<32x512xf32> -> vector<64x512xf32>
    %get3A_5 = arith.constant 0 : index
    %get3A_6 = arith.constant 0 : index
    %get3A_7 = vector.load %arg8[%get3A_5, %get3A_6] : memref<80x64xf32, #tpu.memory_space<vmem>>, vector<80x64xf32>
    %dot_general3A = arith.constant dense<0.000000e+00> : vector<80x512xf32>
    %dot_general3A_8 = tpu.matmul %get3A_7, %concatenate3A, %dot_general3A {dimension_numbers = #tpu.dot_dimension_numbers<[1], [0], [0], [1], [0, 0, 1, 1], [], []>, transpose_lhs_hint = false} : vector<80x64xf32>, vector<64x512xf32>, vector<80x512xf32> -> vector<80x512xf32>
    %get3A_9 = arith.constant 0 : index
    %get3A_10 = arith.constant 0 : index
    %get3A_11 = vector.load %arg10[%get3A_9, %get3A_10] : memref<80x1xf32, #tpu.memory_space<vmem>>, vector<80x1xf32>
    %add3A = vector.broadcast %get3A_11 : vector<80x1xf32> to vector<80x512xf32>
    %add3A_12 = arith.addf %dot_general3A_8, %add3A : vector<80x512xf32>
    %get3A_13 = arith.constant 0 : index
    %get3A_14 = arith.constant 0 : index
    %get3A_15 = vector.load %arg11[%get3A_13, %get3A_14] : memref<80x1xf32, #tpu.memory_space<vmem>>, vector<80x1xf32>
    %get3A_16 = arith.constant 0 : index
    %get3A_17 = arith.constant 0 : index
    %get3A_18 = vector.load %arg12[%get3A_16, %get3A_17] : memref<1x1xf32, #tpu.memory_space<vmem>>, vector<1x1xf32>
    %get3A_19 = vector.extract %get3A_18[0, 0] : f32 from vector<1x1xf32>
    %broadcast_in_dim3A = arith.constant -1.000000e+30 : f32
    %broadcast_in_dim3A_20 = vector.broadcast %broadcast_in_dim3A : f32 to vector<1x512xf32>
    %broadcast_in_dim3A_21 = arith.constant 0.000000e+00 : f32
    %broadcast_in_dim3A_22 = vector.broadcast %broadcast_in_dim3A_21 : f32 to vector<1x512xf32>
    %broadcast_in_dim3A_23 = arith.constant 0.000000e+00 : f32
    %broadcast_in_dim3A_24 = vector.broadcast %broadcast_in_dim3A_23 : f32 to vector<64x512xf32>
    %get3A_25 = arith.constant 0 : index
    %get3A_26 = arith.constant 0 : index
    %get3A_27 = arith.constant 0 : index
    %get3A_28 = vector.load %arg1[%get3A_25, %get3A_26, %get3A_27] : memref<50x32x512xf32, #tpu.memory_space<vmem>>, vector<1x32x512xf32>
    %get3A_29 = vector.shape_cast %get3A_28 : vector<1x32x512xf32> to vector<32x512xf32>
    %get3A_30 = arith.constant 0 : index
    %get3A_31 = arith.constant 0 : index
    %get3A_32 = arith.constant 0 : index
    %get3A_33 = vector.load %arg2[%get3A_30, %get3A_31, %get3A_32] : memref<50x32x512xf32, #tpu.memory_space<vmem>>, vector<1x32x512xf32>
    %get3A_34 = vector.shape_cast %get3A_33 : vector<1x32x512xf32> to vector<32x512xf32>
    %concatenate3A_35 = tpu.concatenate %get3A_29, %get3A_34 in 0 : vector<32x512xf32>, vector<32x512xf32> -> vector<64x512xf32>
    %mul3A = arith.mulf %concatenate3A, %concatenate3A_35 : vector<64x512xf32>
    %concatenate3A_36 = tpu.concatenate %concatenate3A_35, %mul3A in 0 : vector<64x512xf32>, vector<64x512xf32> -> vector<128x512xf32>
    %get3A_37 = arith.constant 0 : index
    %get3A_38 = arith.constant 0 : index
    %get3A_39 = vector.load %arg9[%get3A_37, %get3A_38] : memref<80x128xf32, #tpu.memory_space<vmem>>, vector<80x128xf32>
    %dot_general3A_40 = arith.constant dense<0.000000e+00> : vector<80x512xf32>
    %dot_general3A_41 = tpu.matmul %get3A_39, %concatenate3A_36, %dot_general3A_40 {dimension_numbers = #tpu.dot_dimension_numbers<[1], [0], [0], [1], [0, 0, 1, 1], [], []>, transpose_lhs_hint = false} : vector<80x128xf32>, vector<128x512xf32>, vector<80x512xf32> -> vector<80x512xf32>
    %add3A_42 = arith.addf %add3A_12, %dot_general3A_41 : vector<80x512xf32>
    %max3A = arith.constant 0.000000e+00 : f32
    %max3A_43 = vector.broadcast %max3A : f32 to vector<80x512xf32>
    %max3A_44 = arith.maximumf %add3A_42, %max3A_43 : vector<80x512xf32>
    %mul3A_45 = vector.broadcast %get3A_15 : vector<80x1xf32> to vector<80x512xf32>
    %mul3A_46 = arith.mulf %max3A_44, %mul3A_45 : vector<80x512xf32>
    %reduce_sum3A = arith.constant dense<0.000000e+00> : vector<512xf32>
    %reduce_sum3A_47 = vector.multi_reduction <add>, %mul3A_46, %reduce_sum3A [0] : vector<80x512xf32> to vector<512xf32>
    %broadcast_in_dim3A_48 = vector.shape_cast %reduce_sum3A_47 : vector<512xf32> to vector<1x512xf32>
    %add3A_49 = vector.broadcast %get3A_19 : f32 to vector<1x512xf32>
    %add3A_50 = arith.addf %broadcast_in_dim3A_48, %add3A_49 : vector<1x512xf32>
    %max3A_51 = arith.maximumf %broadcast_in_dim3A_20, %add3A_50 : vector<1x512xf32>
    %sub3A = arith.subf %broadcast_in_dim3A_20, %max3A_51 : vector<1x512xf32>
    %exp3A = math.exp %sub3A : vector<1x512xf32>
    %sub3A_52 = arith.subf %add3A_50, %max3A_51 : vector<1x512xf32>
    %exp3A_53 = math.exp %sub3A_52 : vector<1x512xf32>
    %mul3A_54 = arith.mulf %broadcast_in_dim3A_22, %exp3A : vector<1x512xf32>
    %add3A_55 = arith.addf %mul3A_54, %exp3A_53 : vector<1x512xf32>
    %mul3A_56 = vector.broadcast %exp3A : vector<1x512xf32> to vector<64x512xf32>
    %mul3A_57 = arith.mulf %broadcast_in_dim3A_24, %mul3A_56 : vector<64x512xf32>
    %mul3A_58 = vector.broadcast %exp3A_53 : vector<1x512xf32> to vector<64x512xf32>
    %mul3A_59 = arith.mulf %mul3A_58, %concatenate3A_35 : vector<64x512xf32>
    %add3A_60 = arith.addf %mul3A_57, %mul3A_59 : vector<64x512xf32>
    %get3A_61 = arith.constant 1 : index
    %get3A_62 = arith.constant 0 : index
    %get3A_63 = arith.constant 0 : index
    %get3A_64 = vector.load %arg1[%get3A_61, %get3A_62, %get3A_63] : memref<50x32x512xf32, #tpu.memory_space<vmem>>, vector<1x32x512xf32>
    %get3A_65 = vector.shape_cast %get3A_64 : vector<1x32x512xf32> to vector<32x512xf32>
    %get3A_66 = arith.constant 1 : index
    %get3A_67 = arith.constant 0 : index
    %get3A_68 = arith.constant 0 : index
    %get3A_69 = vector.load %arg2[%get3A_66, %get3A_67, %get3A_68] : memref<50x32x512xf32, #tpu.memory_space<vmem>>, vector<1x32x512xf32>
    %get3A_70 = vector.shape_cast %get3A_69 : vector<1x32x512xf32> to vector<32x512xf32>
    %concatenate3A_71 = tpu.concatenate %get3A_65, %get3A_70 in 0 : vector<32x512xf32>, vector<32x512xf32> -> vector<64x512xf32>
    %mul3A_72 = arith.mulf %concatenate3A, %concatenate3A_71 : vector<64x512xf32>
    %concatenate3A_73 = tpu.concatenate %concatenate3A_71, %mul3A_72 in 0 : vector<64x512xf32>, vector<64x512xf32> -> vector<128x512xf32>
    %get3A_74 = arith.constant 0 : index
    %get3A_75 = arith.constant 0 : index
    %get3A_76 = vector.load %arg9[%get3A_74, %get3A_75] : memref<80x128xf32, #tpu.memory_space<vmem>>, vector<80x128xf32>
    %dot_general3A_77 = arith.constant dense<0.000000e+00> : vector<80x512xf32>
    %dot_general3A_78 = tpu.matmul %get3A_76, %concatenate3A_73, %dot_general3A_77 {dimension_numbers = #tpu.dot_dimension_numbers<[1], [0], [0], [1], [0, 0, 1, 1], [], []>, transpose_lhs_hint = false} : vector<80x128xf32>, vector<128x512xf32>, vector<80x512xf32> -> vector<80x512xf32>
    %add3A_79 = arith.addf %add3A_12, %dot_general3A_78 : vector<80x512xf32>
    %max3A_80 = arith.constant 0.000000e+00 : f32
    %max3A_81 = vector.broadcast %max3A_80 : f32 to vector<80x512xf32>
    %max3A_82 = arith.maximumf %add3A_79, %max3A_81 : vector<80x512xf32>
    %mul3A_83 = vector.broadcast %get3A_15 : vector<80x1xf32> to vector<80x512xf32>
    %mul3A_84 = arith.mulf %max3A_82, %mul3A_83 : vector<80x512xf32>
    %reduce_sum3A_85 = arith.constant dense<0.000000e+00> : vector<512xf32>
    %reduce_sum3A_86 = vector.multi_reduction <add>, %mul3A_84, %reduce_sum3A_85 [0] : vector<80x512xf32> to vector<512xf32>
    %broadcast_in_dim3A_87 = vector.shape_cast %reduce_sum3A_86 : vector<512xf32> to vector<1x512xf32>
    %add3A_88 = vector.broadcast %get3A_19 : f32 to vector<1x512xf32>
    %add3A_89 = arith.addf %broadcast_in_dim3A_87, %add3A_88 : vector<1x512xf32>
    %max3A_90 = arith.maximumf %max3A_51, %add3A_89 : vector<1x512xf32>
    %sub3A_91 = arith.subf %max3A_51, %max3A_90 : vector<1x512xf32>
    %exp3A_92 = math.exp %sub3A_91 : vector<1x512xf32>
    %sub3A_93 = arith.subf %add3A_89, %max3A_90 : vector<1x512xf32>
    %exp3A_94 = math.exp %sub3A_93 : vector<1x512xf32>
    %mul3A_95 = arith.mulf %add3A_55, %exp3A_92 : vector<1x512xf32>
    %add3A_96 = arith.addf %mul3A_95, %exp3A_94 : vector<1x512xf32>
    %mul3A_97 = vector.broadcast %exp3A_92 : vector<1x512xf32> to vector<64x512xf32>
    %mul3A_98 = arith.mulf %add3A_60, %mul3A_97 : vector<64x512xf32>
    %mul3A_99 = vector.broadcast %exp3A_94 : vector<1x512xf32> to vector<64x512xf32>
    %mul3A_100 = arith.mulf %mul3A_99, %concatenate3A_71 : vector<64x512xf32>
    %add3A_101 = arith.addf %mul3A_98, %mul3A_100 : vector<64x512xf32>
    %get3A_102 = arith.constant 2 : index
    %get3A_103 = arith.constant 0 : index
    %get3A_104 = arith.constant 0 : index
    %get3A_105 = vector.load %arg1[%get3A_102, %get3A_103, %get3A_104] : memref<50x32x512xf32, #tpu.memory_space<vmem>>, vector<1x32x512xf32>
    %get3A_106 = vector.shape_cast %get3A_105 : vector<1x32x512xf32> to vector<32x512xf32>
    %get3A_107 = arith.constant 2 : index
    %get3A_108 = arith.constant 0 : index
    %get3A_109 = arith.constant 0 : index
    %get3A_110 = vector.load %arg2[%get3A_107, %get3A_108, %get3A_109] : memref<50x32x512xf32, #tpu.memory_space<vmem>>, vector<1x32x512xf32>
    %get3A_111 = vector.shape_cast %get3A_110 : vector<1x32x512xf32> to vector<32x512xf32>
    %concatenate3A_112 = tpu.concatenate %get3A_106, %get3A_111 in 0 : vector<32x512xf32>, vector<32x512xf32> -> vector<64x512xf32>
    %mul3A_113 = arith.mulf %concatenate3A, %concatenate3A_112 : vector<64x512xf32>
    %concatenate3A_114 = tpu.concatenate %concatenate3A_112, %mul3A_113 in 0 : vector<64x512xf32>, vector<64x512xf32> -> vector<128x512xf32>
    %get3A_115 = arith.constant 0 : index
    %get3A_116 = arith.constant 0 : index
    %get3A_117 = vector.load %arg9[%get3A_115, %get3A_116] : memref<80x128xf32, #tpu.memory_space<vmem>>, vector<80x128xf32>
    %dot_general3A_118 = arith.constant dense<0.000000e+00> : vector<80x512xf32>
    %dot_general3A_119 = tpu.matmul %get3A_117, %concatenate3A_114, %dot_general3A_118 {dimension_numbers = #tpu.dot_dimension_numbers<[1], [0], [0], [1], [0, 0, 1, 1], [], []>, transpose_lhs_hint = false} : vector<80x128xf32>, vector<128x512xf32>, vector<80x512xf32> -> vector<80x512xf32>
    %add3A_120 = arith.addf %add3A_12, %dot_general3A_119 : vector<80x512xf32>
    %max3A_121 = arith.constant 0.000000e+00 : f32
    %max3A_122 = vector.broadcast %max3A_121 : f32 to vector<80x512xf32>
    %max3A_123 = arith.maximumf %add3A_120, %max3A_122 : vector<80x512xf32>
    %mul3A_124 = vector.broadcast %get3A_15 : vector<80x1xf32> to vector<80x512xf32>
    %mul3A_125 = arith.mulf %max3A_123, %mul3A_124 : vector<80x512xf32>
    %reduce_sum3A_126 = arith.constant dense<0.000000e+00> : vector<512xf32>
    %reduce_sum3A_127 = vector.multi_reduction <add>, %mul3A_125, %reduce_sum3A_126 [0] : vector<80x512xf32> to vector<512xf32>
    %broadcast_in_dim3A_128 = vector.shape_cast %reduce_sum3A_127 : vector<512xf32> to vector<1x512xf32>
    %add3A_129 = vector.broadcast %get3A_19 : f32 to vector<1x512xf32>
    %add3A_130 = arith.addf %broadcast_in_dim3A_128, %add3A_129 : vector<1x512xf32>
    %max3A_131 = arith.maximumf %max3A_90, %add3A_130 : vector<1x512xf32>
    %sub3A_132 = arith.subf %max3A_90, %max3A_131 : vector<1x512xf32>
    %exp3A_133 = math.exp %sub3A_132 : vector<1x512xf32>
    %sub3A_134 = arith.subf %add3A_130, %max3A_131 : vector<1x512xf32>
    %exp3A_135 = math.exp %sub3A_134 : vector<1x512xf32>
    %mul3A_136 = arith.mulf %add3A_96, %exp3A_133 : vector<1x512xf32>
    %add3A_137 = arith.addf %mul3A_136, %exp3A_135 : vector<1x512xf32>
    %mul3A_138 = vector.broadcast %exp3A_133 : vector<1x512xf32> to vector<64x512xf32>
    %mul3A_139 = arith.mulf %add3A_101, %mul3A_138 : vector<64x512xf32>
    %mul3A_140 = vector.broadcast %exp3A_135 : vector<1x512xf32> to vector<64x512xf32>
    %mul3A_141 = arith.mulf %mul3A_140, %concatenate3A_112 : vector<64x512xf32>
    %add3A_142 = arith.addf %mul3A_139, %mul3A_141 : vector<64x512xf32>
    %get3A_143 = arith.constant 3 : index
    %get3A_144 = arith.constant 0 : index
    %get3A_145 = arith.constant 0 : index
    %get3A_146 = vector.load %arg1[%get3A_143, %get3A_144, %get3A_145] : memref<50x32x512xf32, #tpu.memory_space<vmem>>, vector<1x32x512xf32>
    %get3A_147 = vector.shape_cast %get3A_146 : vector<1x32x512xf32> to vector<32x512xf32>
    %get3A_148 = arith.constant 3 : index
    %get3A_149 = arith.constant 0 : index
    %get3A_150 = arith.constant 0 : index
    %get3A_151 = vector.load %arg2[%get3A_148, %get3A_149, %get3A_150] : memref<50x32x512xf32, #tpu.memory_space<vmem>>, vector<1x32x512xf32>
    %get3A_152 = vector.shape_cast %get3A_151 : vector<1x32x512xf32> to vector<32x512xf32>
    %concatenate3A_153 = tpu.concatenate %get3A_147, %get3A_152 in 0 : vector<32x512xf32>, vector<32x512xf32> -> vector<64x512xf32>
    %mul3A_154 = arith.mulf %concatenate3A, %concatenate3A_153 : vector<64x512xf32>
    %concatenate3A_155 = tpu.concatenate %concatenate3A_153, %mul3A_154 in 0 : vector<64x512xf32>, vector<64x512xf32> -> vector<128x512xf32>
    %get3A_156 = arith.constant 0 : index
    %get3A_157 = arith.constant 0 : index
    %get3A_158 = vector.load %arg9[%get3A_156, %get3A_157] : memref<80x128xf32, #tpu.memory_space<vmem>>, vector<80x128xf32>
    %dot_general3A_159 = arith.constant dense<0.000000e+00> : vector<80x512xf32>
    %dot_general3A_160 = tpu.matmul %get3A_158, %concatenate3A_155, %dot_general3A_159 {dimension_numbers = #tpu.dot_dimension_numbers<[1], [0], [0], [1], [0, 0, 1, 1], [], []>, transpose_lhs_hint = false} : vector<80x128xf32>, vector<128x512xf32>, vector<80x512xf32> -> vector<80x512xf32>
    %add3A_161 = arith.addf %add3A_12, %dot_general3A_160 : vector<80x512xf32>
    %max3A_162 = arith.constant 0.000000e+00 : f32
    %max3A_163 = vector.broadcast %max3A_162 : f32 to vector<80x512xf32>
    %max3A_164 = arith.maximumf %add3A_161, %max3A_163 : vector<80x512xf32>
    %mul3A_165 = vector.broadcast %get3A_15 : vector<80x1xf32> to vector<80x512xf32>
    %mul3A_166 = arith.mulf %max3A_164, %mul3A_165 : vector<80x512xf32>
    %reduce_sum3A_167 = arith.constant dense<0.000000e+00> : vector<512xf32>
    %reduce_sum3A_168 = vector.multi_reduction <add>, %mul3A_166, %reduce_sum3A_167 [0] : vector<80x512xf32> to vector<512xf32>
    %broadcast_in_dim3A_169 = vector.shape_cast %reduce_sum3A_168 : vector<512xf32> to vector<1x512xf32>
    %add3A_170 = vector.broadcast %get3A_19 : f32 to vector<1x512xf32>
    %add3A_171 = arith.addf %broadcast_in_dim3A_169, %add3A_170 : vector<1x512xf32>
    %max3A_172 = arith.maximumf %max3A_131, %add3A_171 : vector<1x512xf32>
    %sub3A_173 = arith.subf %max3A_131, %max3A_172 : vector<1x512xf32>
    %exp3A_174 = math.exp %sub3A_173 : vector<1x512xf32>
    %sub3A_175 = arith.subf %add3A_171, %max3A_172 : vector<1x512xf32>
    %exp3A_176 = math.exp %sub3A_175 : vector<1x512xf32>
    %mul3A_177 = arith.mulf %add3A_137, %exp3A_174 : vector<1x512xf32>
    %add3A_178 = arith.addf %mul3A_177, %exp3A_176 : vector<1x512xf32>
    %mul3A_179 = vector.broadcast %exp3A_174 : vector<1x512xf32> to vector<64x512xf32>
    %mul3A_180 = arith.mulf %add3A_142, %mul3A_179 : vector<64x512xf32>
    %mul3A_181 = vector.broadcast %exp3A_176 : vector<1x512xf32> to vector<64x512xf32>
    %mul3A_182 = arith.mulf %mul3A_181, %concatenate3A_153 : vector<64x512xf32>
    %add3A_183 = arith.addf %mul3A_180, %mul3A_182 : vector<64x512xf32>
    %get3A_184 = arith.constant 4 : index
    %get3A_185 = arith.constant 0 : index
    %get3A_186 = arith.constant 0 : index
    %get3A_187 = vector.load %arg1[%get3A_184, %get3A_185, %get3A_186] : memref<50x32x512xf32, #tpu.memory_space<vmem>>, vector<1x32x512xf32>
    %get3A_188 = vector.shape_cast %get3A_187 : vector<1x32x512xf32> to vector<32x512xf32>
    %get3A_189 = arith.constant 4 : index
    %get3A_190 = arith.constant 0 : index
    %get3A_191 = arith.constant 0 : index
    %get3A_192 = vector.load %arg2[%get3A_189, %get3A_190, %get3A_191] : memref<50x32x512xf32, #tpu.memory_space<vmem>>, vector<1x32x512xf32>
    %get3A_193 = vector.shape_cast %get3A_192 : vector<1x32x512xf32> to vector<32x512xf32>
    %concatenate3A_194 = tpu.concatenate %get3A_188, %get3A_193 in 0 : vector<32x512xf32>, vector<32x512xf32> -> vector<64x512xf32>
    %mul3A_195 = arith.mulf %concatenate3A, %concatenate3A_194 : vector<64x512xf32>
    %concatenate3A_196 = tpu.concatenate %concatenate3A_194, %mul3A_195 in 0 : vector<64x512xf32>, vector<64x512xf32> -> vector<128x512xf32>
    %get3A_197 = arith.constant 0 : index
    %get3A_198 = arith.constant 0 : index
    %get3A_199 = vector.load %arg9[%get3A_197, %get3A_198] : memref<80x128xf32, #tpu.memory_space<vmem>>, vector<80x128xf32>
    %dot_general3A_200 = arith.constant dense<0.000000e+00> : vector<80x512xf32>
    %dot_general3A_201 = tpu.matmul %get3A_199, %concatenate3A_196, %dot_general3A_200 {dimension_numbers = #tpu.dot_dimension_numbers<[1], [0], [0], [1], [0, 0, 1, 1], [], []>, transpose_lhs_hint = false} : vector<80x128xf32>, vector<128x512xf32>, vector<80x512xf32> -> vector<80x512xf32>
    %add3A_202 = arith.addf %add3A_12, %dot_general3A_201 : vector<80x512xf32>
    %max3A_203 = arith.constant 0.000000e+00 : f32
    %max3A_204 = vector.broadcast %max3A_203 : f32 to vector<80x512xf32>
    %max3A_205 = arith.maximumf %add3A_202, %max3A_204 : vector<80x512xf32>
    %mul3A_206 = vector.broadcast %get3A_15 : vector<80x1xf32> to vector<80x512xf32>
    %mul3A_207 = arith.mulf %max3A_205, %mul3A_206 : vector<80x512xf32>
    %reduce_sum3A_208 = arith.constant dense<0.000000e+00> : vector<512xf32>
    %reduce_sum3A_209 = vector.multi_reduction <add>, %mul3A_207, %reduce_sum3A_208 [0] : vector<80x512xf32> to vector<512xf32>
    %broadcast_in_dim3A_210 = vector.shape_cast %reduce_sum3A_209 : vector<512xf32> to vector<1x512xf32>
    %add3A_211 = vector.broadcast %get3A_19 : f32 to vector<1x512xf32>
    %add3A_212 = arith.addf %broadcast_in_dim3A_210, %add3A_211 : vector<1x512xf32>
    %max3A_213 = arith.maximumf %max3A_172, %add3A_212 : vector<1x512xf32>
    %sub3A_214 = arith.subf %max3A_172, %max3A_213 : vector<1x512xf32>
    %exp3A_215 = math.exp %sub3A_214 : vector<1x512xf32>
    %sub3A_216 = arith.subf %add3A_212, %max3A_213 : vector<1x512xf32>
    %exp3A_217 = math.exp %sub3A_216 : vector<1x512xf32>
    %mul3A_218 = arith.mulf %add3A_178, %exp3A_215 : vector<1x512xf32>
    %add3A_219 = arith.addf %mul3A_218, %exp3A_217 : vector<1x512xf32>
    %mul3A_220 = vector.broadcast %exp3A_215 : vector<1x512xf32> to vector<64x512xf32>
    %mul3A_221 = arith.mulf %add3A_183, %mul3A_220 : vector<64x512xf32>
    %mul3A_222 = vector.broadcast %exp3A_217 : vector<1x512xf32> to vector<64x512xf32>
    %mul3A_223 = arith.mulf %mul3A_222, %concatenate3A_194 : vector<64x512xf32>
    %add3A_224 = arith.addf %mul3A_221, %mul3A_223 : vector<64x512xf32>
    %get3A_225 = arith.constant 5 : index
    %get3A_226 = arith.constant 0 : index
    %get3A_227 = arith.constant 0 : index
    %get3A_228 = vector.load %arg1[%get3A_225, %get3A_226, %get3A_227] : memref<50x32x512xf32, #tpu.memory_space<vmem>>, vector<1x32x512xf32>
    %get3A_229 = vector.shape_cast %get3A_228 : vector<1x32x512xf32> to vector<32x512xf32>
    %get3A_230 = arith.constant 5 : index
    %get3A_231 = arith.constant 0 : index
    %get3A_232 = arith.constant 0 : index
    %get3A_233 = vector.load %arg2[%get3A_230, %get3A_231, %get3A_232] : memref<50x32x512xf32, #tpu.memory_space<vmem>>, vector<1x32x512xf32>
    %get3A_234 = vector.shape_cast %get3A_233 : vector<1x32x512xf32> to vector<32x512xf32>
    %concatenate3A_235 = tpu.concatenate %get3A_229, %get3A_234 in 0 : vector<32x512xf32>, vector<32x512xf32> -> vector<64x512xf32>
    %mul3A_236 = arith.mulf %concatenate3A, %concatenate3A_235 : vector<64x512xf32>
    %concatenate3A_237 = tpu.concatenate %concatenate3A_235, %mul3A_236 in 0 : vector<64x512xf32>, vector<64x512xf32> -> vector<128x512xf32>
    %get3A_238 = arith.constant 0 : index
    %get3A_239 = arith.constant 0 : index
    %get3A_240 = vector.load %arg9[%get3A_238, %get3A_239] : memref<80x128xf32, #tpu.memory_space<vmem>>, vector<80x128xf32>
    %dot_general3A_241 = arith.constant dense<0.000000e+00> : vector<80x512xf32>
    %dot_general3A_242 = tpu.matmul %get3A_240, %concatenate3A_237, %dot_general3A_241 {dimension_numbers = #tpu.dot_dimension_numbers<[1], [0], [0], [1], [0, 0, 1, 1], [], []>, transpose_lhs_hint = false} : vector<80x128xf32>, vector<128x512xf32>, vector<80x512xf32> -> vector<80x512xf32>
    %add3A_243 = arith.addf %add3A_12, %dot_general3A_242 : vector<80x512xf32>
    %max3A_244 = arith.constant 0.000000e+00 : f32
    %max3A_245 = vector.broadcast %max3A_244 : f32 to vector<80x512xf32>
    %max3A_246 = arith.maximumf %add3A_243, %max3A_245 : vector<80x512xf32>
    %mul3A_247 = vector.broadcast %get3A_15 : vector<80x1xf32> to vector<80x512xf32>
    %mul3A_248 = arith.mulf %max3A_246, %mul3A_247 : vector<80x512xf32>
    %reduce_sum3A_249 = arith.constant dense<0.000000e+00> : vector<512xf32>
    %reduce_sum3A_250 = vector.multi_reduction <add>, %mul3A_248, %reduce_sum3A_249 [0] : vector<80x512xf32> to vector<512xf32>
    %broadcast_in_dim3A_251 = vector.shape_cast %reduce_sum3A_250 : vector<512xf32> to vector<1x512xf32>
    %add3A_252 = vector.broadcast %get3A_19 : f32 to vector<1x512xf32>
    %add3A_253 = arith.addf %broadcast_in_dim3A_251, %add3A_252 : vector<1x512xf32>
    %max3A_254 = arith.maximumf %max3A_213, %add3A_253 : vector<1x512xf32>
    %sub3A_255 = arith.subf %max3A_213, %max3A_254 : vector<1x512xf32>
    %exp3A_256 = math.exp %sub3A_255 : vector<1x512xf32>
    %sub3A_257 = arith.subf %add3A_253, %max3A_254 : vector<1x512xf32>
    %exp3A_258 = math.exp %sub3A_257 : vector<1x512xf32>
    %mul3A_259 = arith.mulf %add3A_219, %exp3A_256 : vector<1x512xf32>
    %add3A_260 = arith.addf %mul3A_259, %exp3A_258 : vector<1x512xf32>
    %mul3A_261 = vector.broadcast %exp3A_256 : vector<1x512xf32> to vector<64x512xf32>
    %mul3A_262 = arith.mulf %add3A_224, %mul3A_261 : vector<64x512xf32>
    %mul3A_263 = vector.broadcast %exp3A_258 : vector<1x512xf32> to vector<64x512xf32>
    %mul3A_264 = arith.mulf %mul3A_263, %concatenate3A_235 : vector<64x512xf32>
    %add3A_265 = arith.addf %mul3A_262, %mul3A_264 : vector<64x512xf32>
    %get3A_266 = arith.constant 6 : index
    %get3A_267 = arith.constant 0 : index
    %get3A_268 = arith.constant 0 : index
    %get3A_269 = vector.load %arg1[%get3A_266, %get3A_267, %get3A_268] : memref<50x32x512xf32, #tpu.memory_space<vmem>>, vector<1x32x512xf32>
    %get3A_270 = vector.shape_cast %get3A_269 : vector<1x32x512xf32> to vector<32x512xf32>
    %get3A_271 = arith.constant 6 : index
    %get3A_272 = arith.constant 0 : index
    %get3A_273 = arith.constant 0 : index
    %get3A_274 = vector.load %arg2[%get3A_271, %get3A_272, %get3A_273] : memref<50x32x512xf32, #tpu.memory_space<vmem>>, vector<1x32x512xf32>
    %get3A_275 = vector.shape_cast %get3A_274 : vector<1x32x512xf32> to vector<32x512xf32>
    %concatenate3A_276 = tpu.concatenate %get3A_270, %get3A_275 in 0 : vector<32x512xf32>, vector<32x512xf32> -> vector<64x512xf32>
    %mul3A_277 = arith.mulf %concatenate3A, %concatenate3A_276 : vector<64x512xf32>
    %concatenate3A_278 = tpu.concatenate %concatenate3A_276, %mul3A_277 in 0 : vector<64x512xf32>, vector<64x512xf32> -> vector<128x512xf32>
    %get3A_279 = arith.constant 0 : index
    %get3A_280 = arith.constant 0 : index
    %get3A_281 = vector.load %arg9[%get3A_279, %get3A_280] : memref<80x128xf32, #tpu.memory_space<vmem>>, vector<80x128xf32>
    %dot_general3A_282 = arith.constant dense<0.000000e+00> : vector<80x512xf32>
    %dot_general3A_283 = tpu.matmul %get3A_281, %concatenate3A_278, %dot_general3A_282 {dimension_numbers = #tpu.dot_dimension_numbers<[1], [0], [0], [1], [0, 0, 1, 1], [], []>, transpose_lhs_hint = false} : vector<80x128xf32>, vector<128x512xf32>, vector<80x512xf32> -> vector<80x512xf32>
    %add3A_284 = arith.addf %add3A_12, %dot_general3A_283 : vector<80x512xf32>
    %max3A_285 = arith.constant 0.000000e+00 : f32
    %max3A_286 = vector.broadcast %max3A_285 : f32 to vector<80x512xf32>
    %max3A_287 = arith.maximumf %add3A_284, %max3A_286 : vector<80x512xf32>
    %mul3A_288 = vector.broadcast %get3A_15 : vector<80x1xf32> to vector<80x512xf32>
    %mul3A_289 = arith.mulf %max3A_287, %mul3A_288 : vector<80x512xf32>
    %reduce_sum3A_290 = arith.constant dense<0.000000e+00> : vector<512xf32>
    %reduce_sum3A_291 = vector.multi_reduction <add>, %mul3A_289, %reduce_sum3A_290 [0] : vector<80x512xf32> to vector<512xf32>
    %broadcast_in_dim3A_292 = vector.shape_cast %reduce_sum3A_291 : vector<512xf32> to vector<1x512xf32>
    %add3A_293 = vector.broadcast %get3A_19 : f32 to vector<1x512xf32>
    %add3A_294 = arith.addf %broadcast_in_dim3A_292, %add3A_293 : vector<1x512xf32>
    %max3A_295 = arith.maximumf %max3A_254, %add3A_294 : vector<1x512xf32>
    %sub3A_296 = arith.subf %max3A_254, %max3A_295 : vector<1x512xf32>
    %exp3A_297 = math.exp %sub3A_296 : vector<1x512xf32>
    %sub3A_298 = arith.subf %add3A_294, %max3A_295 : vector<1x512xf32>
    %exp3A_299 = math.exp %sub3A_298 : vector<1x512xf32>
    %mul3A_300 = arith.mulf %add3A_260, %exp3A_297 : vector<1x512xf32>
    %add3A_301 = arith.addf %mul3A_300, %exp3A_299 : vector<1x512xf32>
    %mul3A_302 = vector.broadcast %exp3A_297 : vector<1x512xf32> to vector<64x512xf32>
    %mul3A_303 = arith.mulf %add3A_265, %mul3A_302 : vector<64x512xf32>
    %mul3A_304 = vector.broadcast %exp3A_299 : vector<1x512xf32> to vector<64x512xf32>
    %mul3A_305 = arith.mulf %mul3A_304, %concatenate3A_276 : vector<64x512xf32>
    %add3A_306 = arith.addf %mul3A_303, %mul3A_305 : vector<64x512xf32>
    %get3A_307 = arith.constant 7 : index
    %get3A_308 = arith.constant 0 : index
    %get3A_309 = arith.constant 0 : index
    %get3A_310 = vector.load %arg1[%get3A_307, %get3A_308, %get3A_309] : memref<50x32x512xf32, #tpu.memory_space<vmem>>, vector<1x32x512xf32>
    %get3A_311 = vector.shape_cast %get3A_310 : vector<1x32x512xf32> to vector<32x512xf32>
    %get3A_312 = arith.constant 7 : index
    %get3A_313 = arith.constant 0 : index
    %get3A_314 = arith.constant 0 : index
    %get3A_315 = vector.load %arg2[%get3A_312, %get3A_313, %get3A_314] : memref<50x32x512xf32, #tpu.memory_space<vmem>>, vector<1x32x512xf32>
    %get3A_316 = vector.shape_cast %get3A_315 : vector<1x32x512xf32> to vector<32x512xf32>
    %concatenate3A_317 = tpu.concatenate %get3A_311, %get3A_316 in 0 : vector<32x512xf32>, vector<32x512xf32> -> vector<64x512xf32>
    %mul3A_318 = arith.mulf %concatenate3A, %concatenate3A_317 : vector<64x512xf32>
    %concatenate3A_319 = tpu.concatenate %concatenate3A_317, %mul3A_318 in 0 : vector<64x512xf32>, vector<64x512xf32> -> vector<128x512xf32>
    %get3A_320 = arith.constant 0 : index
    %get3A_321 = arith.constant 0 : index
    %get3A_322 = vector.load %arg9[%get3A_320, %get3A_321] : memref<80x128xf32, #tpu.memory_space<vmem>>, vector<80x128xf32>
    %dot_general3A_323 = arith.constant dense<0.000000e+00> : vector<80x512xf32>
    %dot_general3A_324 = tpu.matmul %get3A_322, %concatenate3A_319, %dot_general3A_323 {dimension_numbers = #tpu.dot_dimension_numbers<[1], [0], [0], [1], [0, 0, 1, 1], [], []>, transpose_lhs_hint = false} : vector<80x128xf32>, vector<128x512xf32>, vector<80x512xf32> -> vector<80x512xf32>
    %add3A_325 = arith.addf %add3A_12, %dot_general3A_324 : vector<80x512xf32>
    %max3A_326 = arith.constant 0.000000e+00 : f32
    %max3A_327 = vector.broadcast %max3A_326 : f32 to vector<80x512xf32>
    %max3A_328 = arith.maximumf %add3A_325, %max3A_327 : vector<80x512xf32>
    %mul3A_329 = vector.broadcast %get3A_15 : vector<80x1xf32> to vector<80x512xf32>
    %mul3A_330 = arith.mulf %max3A_328, %mul3A_329 : vector<80x512xf32>
    %reduce_sum3A_331 = arith.constant dense<0.000000e+00> : vector<512xf32>
    %reduce_sum3A_332 = vector.multi_reduction <add>, %mul3A_330, %reduce_sum3A_331 [0] : vector<80x512xf32> to vector<512xf32>
    %broadcast_in_dim3A_333 = vector.shape_cast %reduce_sum3A_332 : vector<512xf32> to vector<1x512xf32>
    %add3A_334 = vector.broadcast %get3A_19 : f32 to vector<1x512xf32>
    %add3A_335 = arith.addf %broadcast_in_dim3A_333, %add3A_334 : vector<1x512xf32>
    %max3A_336 = arith.maximumf %max3A_295, %add3A_335 : vector<1x512xf32>
    %sub3A_337 = arith.subf %max3A_295, %max3A_336 : vector<1x512xf32>
    %exp3A_338 = math.exp %sub3A_337 : vector<1x512xf32>
    %sub3A_339 = arith.subf %add3A_335, %max3A_336 : vector<1x512xf32>
    %exp3A_340 = math.exp %sub3A_339 : vector<1x512xf32>
    %mul3A_341 = arith.mulf %add3A_301, %exp3A_338 : vector<1x512xf32>
    %add3A_342 = arith.addf %mul3A_341, %exp3A_340 : vector<1x512xf32>
    %mul3A_343 = vector.broadcast %exp3A_338 : vector<1x512xf32> to vector<64x512xf32>
    %mul3A_344 = arith.mulf %add3A_306, %mul3A_343 : vector<64x512xf32>
    %mul3A_345 = vector.broadcast %exp3A_340 : vector<1x512xf32> to vector<64x512xf32>
    %mul3A_346 = arith.mulf %mul3A_345, %concatenate3A_317 : vector<64x512xf32>
    %add3A_347 = arith.addf %mul3A_344, %mul3A_346 : vector<64x512xf32>
    %get3A_348 = arith.constant 8 : index
    %get3A_349 = arith.constant 0 : index
    %get3A_350 = arith.constant 0 : index
    %get3A_351 = vector.load %arg1[%get3A_348, %get3A_349, %get3A_350] : memref<50x32x512xf32, #tpu.memory_space<vmem>>, vector<1x32x512xf32>
    %get3A_352 = vector.shape_cast %get3A_351 : vector<1x32x512xf32> to vector<32x512xf32>
    %get3A_353 = arith.constant 8 : index
    %get3A_354 = arith.constant 0 : index
    %get3A_355 = arith.constant 0 : index
    %get3A_356 = vector.load %arg2[%get3A_353, %get3A_354, %get3A_355] : memref<50x32x512xf32, #tpu.memory_space<vmem>>, vector<1x32x512xf32>
    %get3A_357 = vector.shape_cast %get3A_356 : vector<1x32x512xf32> to vector<32x512xf32>
    %concatenate3A_358 = tpu.concatenate %get3A_352, %get3A_357 in 0 : vector<32x512xf32>, vector<32x512xf32> -> vector<64x512xf32>
    %mul3A_359 = arith.mulf %concatenate3A, %concatenate3A_358 : vector<64x512xf32>
    %concatenate3A_360 = tpu.concatenate %concatenate3A_358, %mul3A_359 in 0 : vector<64x512xf32>, vector<64x512xf32> -> vector<128x512xf32>
    %get3A_361 = arith.constant 0 : index
    %get3A_362 = arith.constant 0 : index
    %get3A_363 = vector.load %arg9[%get3A_361, %get3A_362] : memref<80x128xf32, #tpu.memory_space<vmem>>, vector<80x128xf32>
    %dot_general3A_364 = arith.constant dense<0.000000e+00> : vector<80x512xf32>
    %dot_general3A_365 = tpu.matmul %get3A_363, %concatenate3A_360, %dot_general3A_364 {dimension_numbers = #tpu.dot_dimension_numbers<[1], [0], [0], [1], [0, 0, 1, 1], [], []>, transpose_lhs_hint = false} : vector<80x128xf32>, vector<128x512xf32>, vector<80x512xf32> -> vector<80x512xf32>
    %add3A_366 = arith.addf %add3A_12, %dot_general3A_365 : vector<80x512xf32>
    %max3A_367 = arith.constant 0.000000e+00 : f32
    %max3A_368 = vector.broadcast %max3A_367 : f32 to vector<80x512xf32>
    %max3A_369 = arith.maximumf %add3A_366, %max3A_368 : vector<80x512xf32>
    %mul3A_370 = vector.broadcast %get3A_15 : vector<80x1xf32> to vector<80x512xf32>
    %mul3A_371 = arith.mulf %max3A_369, %mul3A_370 : vector<80x512xf32>
    %reduce_sum3A_372 = arith.constant dense<0.000000e+00> : vector<512xf32>
    %reduce_sum3A_373 = vector.multi_reduction <add>, %mul3A_371, %reduce_sum3A_372 [0] : vector<80x512xf32> to vector<512xf32>
    %broadcast_in_dim3A_374 = vector.shape_cast %reduce_sum3A_373 : vector<512xf32> to vector<1x512xf32>
    %add3A_375 = vector.broadcast %get3A_19 : f32 to vector<1x512xf32>
    %add3A_376 = arith.addf %broadcast_in_dim3A_374, %add3A_375 : vector<1x512xf32>
    %max3A_377 = arith.maximumf %max3A_336, %add3A_376 : vector<1x512xf32>
    %sub3A_378 = arith.subf %max3A_336, %max3A_377 : vector<1x512xf32>
    %exp3A_379 = math.exp %sub3A_378 : vector<1x512xf32>
    %sub3A_380 = arith.subf %add3A_376, %max3A_377 : vector<1x512xf32>
    %exp3A_381 = math.exp %sub3A_380 : vector<1x512xf32>
    %mul3A_382 = arith.mulf %add3A_342, %exp3A_379 : vector<1x512xf32>
    %add3A_383 = arith.addf %mul3A_382, %exp3A_381 : vector<1x512xf32>
    %mul3A_384 = vector.broadcast %exp3A_379 : vector<1x512xf32> to vector<64x512xf32>
    %mul3A_385 = arith.mulf %add3A_347, %mul3A_384 : vector<64x512xf32>
    %mul3A_386 = vector.broadcast %exp3A_381 : vector<1x512xf32> to vector<64x512xf32>
    %mul3A_387 = arith.mulf %mul3A_386, %concatenate3A_358 : vector<64x512xf32>
    %add3A_388 = arith.addf %mul3A_385, %mul3A_387 : vector<64x512xf32>
    %get3A_389 = arith.constant 9 : index
    %get3A_390 = arith.constant 0 : index
    %get3A_391 = arith.constant 0 : index
    %get3A_392 = vector.load %arg1[%get3A_389, %get3A_390, %get3A_391] : memref<50x32x512xf32, #tpu.memory_space<vmem>>, vector<1x32x512xf32>
    %get3A_393 = vector.shape_cast %get3A_392 : vector<1x32x512xf32> to vector<32x512xf32>
    %get3A_394 = arith.constant 9 : index
    %get3A_395 = arith.constant 0 : index
    %get3A_396 = arith.constant 0 : index
    %get3A_397 = vector.load %arg2[%get3A_394, %get3A_395, %get3A_396] : memref<50x32x512xf32, #tpu.memory_space<vmem>>, vector<1x32x512xf32>
    %get3A_398 = vector.shape_cast %get3A_397 : vector<1x32x512xf32> to vector<32x512xf32>
    %concatenate3A_399 = tpu.concatenate %get3A_393, %get3A_398 in 0 : vector<32x512xf32>, vector<32x512xf32> -> vector<64x512xf32>
    %mul3A_400 = arith.mulf %concatenate3A, %concatenate3A_399 : vector<64x512xf32>
    %concatenate3A_401 = tpu.concatenate %concatenate3A_399, %mul3A_400 in 0 : vector<64x512xf32>, vector<64x512xf32> -> vector<128x512xf32>
    %get3A_402 = arith.constant 0 : index
    %get3A_403 = arith.constant 0 : index
    %get3A_404 = vector.load %arg9[%get3A_402, %get3A_403] : memref<80x128xf32, #tpu.memory_space<vmem>>, vector<80x128xf32>
    %dot_general3A_405 = arith.constant dense<0.000000e+00> : vector<80x512xf32>
    %dot_general3A_406 = tpu.matmul %get3A_404, %concatenate3A_401, %dot_general3A_405 {dimension_numbers = #tpu.dot_dimension_numbers<[1], [0], [0], [1], [0, 0, 1, 1], [], []>, transpose_lhs_hint = false} : vector<80x128xf32>, vector<128x512xf32>, vector<80x512xf32> -> vector<80x512xf32>
    %add3A_407 = arith.addf %add3A_12, %dot_general3A_406 : vector<80x512xf32>
    %max3A_408 = arith.constant 0.000000e+00 : f32
    %max3A_409 = vector.broadcast %max3A_408 : f32 to vector<80x512xf32>
    %max3A_410 = arith.maximumf %add3A_407, %max3A_409 : vector<80x512xf32>
    %mul3A_411 = vector.broadcast %get3A_15 : vector<80x1xf32> to vector<80x512xf32>
    %mul3A_412 = arith.mulf %max3A_410, %mul3A_411 : vector<80x512xf32>
    %reduce_sum3A_413 = arith.constant dense<0.000000e+00> : vector<512xf32>
    %reduce_sum3A_414 = vector.multi_reduction <add>, %mul3A_412, %reduce_sum3A_413 [0] : vector<80x512xf32> to vector<512xf32>
    %broadcast_in_dim3A_415 = vector.shape_cast %reduce_sum3A_414 : vector<512xf32> to vector<1x512xf32>
    %add3A_416 = vector.broadcast %get3A_19 : f32 to vector<1x512xf32>
    %add3A_417 = arith.addf %broadcast_in_dim3A_415, %add3A_416 : vector<1x512xf32>
    %max3A_418 = arith.maximumf %max3A_377, %add3A_417 : vector<1x512xf32>
    %sub3A_419 = arith.subf %max3A_377, %max3A_418 : vector<1x512xf32>
    %exp3A_420 = math.exp %sub3A_419 : vector<1x512xf32>
    %sub3A_421 = arith.subf %add3A_417, %max3A_418 : vector<1x512xf32>
    %exp3A_422 = math.exp %sub3A_421 : vector<1x512xf32>
    %mul3A_423 = arith.mulf %add3A_383, %exp3A_420 : vector<1x512xf32>
    %add3A_424 = arith.addf %mul3A_423, %exp3A_422 : vector<1x512xf32>
    %mul3A_425 = vector.broadcast %exp3A_420 : vector<1x512xf32> to vector<64x512xf32>
    %mul3A_426 = arith.mulf %add3A_388, %mul3A_425 : vector<64x512xf32>
    %mul3A_427 = vector.broadcast %exp3A_422 : vector<1x512xf32> to vector<64x512xf32>
    %mul3A_428 = arith.mulf %mul3A_427, %concatenate3A_399 : vector<64x512xf32>
    %add3A_429 = arith.addf %mul3A_426, %mul3A_428 : vector<64x512xf32>
    %get3A_430 = arith.constant 10 : index
    %get3A_431 = arith.constant 0 : index
    %get3A_432 = arith.constant 0 : index
    %get3A_433 = vector.load %arg1[%get3A_430, %get3A_431, %get3A_432] : memref<50x32x512xf32, #tpu.memory_space<vmem>>, vector<1x32x512xf32>
    %get3A_434 = vector.shape_cast %get3A_433 : vector<1x32x512xf32> to vector<32x512xf32>
    %get3A_435 = arith.constant 10 : index
    %get3A_436 = arith.constant 0 : index
    %get3A_437 = arith.constant 0 : index
    %get3A_438 = vector.load %arg2[%get3A_435, %get3A_436, %get3A_437] : memref<50x32x512xf32, #tpu.memory_space<vmem>>, vector<1x32x512xf32>
    %get3A_439 = vector.shape_cast %get3A_438 : vector<1x32x512xf32> to vector<32x512xf32>
    %concatenate3A_440 = tpu.concatenate %get3A_434, %get3A_439 in 0 : vector<32x512xf32>, vector<32x512xf32> -> vector<64x512xf32>
    %mul3A_441 = arith.mulf %concatenate3A, %concatenate3A_440 : vector<64x512xf32>
    %concatenate3A_442 = tpu.concatenate %concatenate3A_440, %mul3A_441 in 0 : vector<64x512xf32>, vector<64x512xf32> -> vector<128x512xf32>
    %get3A_443 = arith.constant 0 : index
    %get3A_444 = arith.constant 0 : index
    %get3A_445 = vector.load %arg9[%get3A_443, %get3A_444] : memref<80x128xf32, #tpu.memory_space<vmem>>, vector<80x128xf32>
    %dot_general3A_446 = arith.constant dense<0.000000e+00> : vector<80x512xf32>
    %dot_general3A_447 = tpu.matmul %get3A_445, %concatenate3A_442, %dot_general3A_446 {dimension_numbers = #tpu.dot_dimension_numbers<[1], [0], [0], [1], [0, 0, 1, 1], [], []>, transpose_lhs_hint = false} : vector<80x128xf32>, vector<128x512xf32>, vector<80x512xf32> -> vector<80x512xf32>
    %add3A_448 = arith.addf %add3A_12, %dot_general3A_447 : vector<80x512xf32>
    %max3A_449 = arith.constant 0.000000e+00 : f32
    %max3A_450 = vector.broadcast %max3A_449 : f32 to vector<80x512xf32>
    %max3A_451 = arith.maximumf %add3A_448, %max3A_450 : vector<80x512xf32>
    %mul3A_452 = vector.broadcast %get3A_15 : vector<80x1xf32> to vector<80x512xf32>
    %mul3A_453 = arith.mulf %max3A_451, %mul3A_452 : vector<80x512xf32>
    %reduce_sum3A_454 = arith.constant dense<0.000000e+00> : vector<512xf32>
    %reduce_sum3A_455 = vector.multi_reduction <add>, %mul3A_453, %reduce_sum3A_454 [0] : vector<80x512xf32> to vector<512xf32>
    %broadcast_in_dim3A_456 = vector.shape_cast %reduce_sum3A_455 : vector<512xf32> to vector<1x512xf32>
    %add3A_457 = vector.broadcast %get3A_19 : f32 to vector<1x512xf32>
    %add3A_458 = arith.addf %broadcast_in_dim3A_456, %add3A_457 : vector<1x512xf32>
    %max3A_459 = arith.maximumf %max3A_418, %add3A_458 : vector<1x512xf32>
    %sub3A_460 = arith.subf %max3A_418, %max3A_459 : vector<1x512xf32>
    %exp3A_461 = math.exp %sub3A_460 : vector<1x512xf32>
    %sub3A_462 = arith.subf %add3A_458, %max3A_459 : vector<1x512xf32>
    %exp3A_463 = math.exp %sub3A_462 : vector<1x512xf32>
    %mul3A_464 = arith.mulf %add3A_424, %exp3A_461 : vector<1x512xf32>
    %add3A_465 = arith.addf %mul3A_464, %exp3A_463 : vector<1x512xf32>
    %mul3A_466 = vector.broadcast %exp3A_461 : vector<1x512xf32> to vector<64x512xf32>
    %mul3A_467 = arith.mulf %add3A_429, %mul3A_466 : vector<64x512xf32>
    %mul3A_468 = vector.broadcast %exp3A_463 : vector<1x512xf32> to vector<64x512xf32>
    %mul3A_469 = arith.mulf %mul3A_468, %concatenate3A_440 : vector<64x512xf32>
    %add3A_470 = arith.addf %mul3A_467, %mul3A_469 : vector<64x512xf32>
    %get3A_471 = arith.constant 11 : index
    %get3A_472 = arith.constant 0 : index
    %get3A_473 = arith.constant 0 : index
    %get3A_474 = vector.load %arg1[%get3A_471, %get3A_472, %get3A_473] : memref<50x32x512xf32, #tpu.memory_space<vmem>>, vector<1x32x512xf32>
    %get3A_475 = vector.shape_cast %get3A_474 : vector<1x32x512xf32> to vector<32x512xf32>
    %get3A_476 = arith.constant 11 : index
    %get3A_477 = arith.constant 0 : index
    %get3A_478 = arith.constant 0 : index
    %get3A_479 = vector.load %arg2[%get3A_476, %get3A_477, %get3A_478] : memref<50x32x512xf32, #tpu.memory_space<vmem>>, vector<1x32x512xf32>
    %get3A_480 = vector.shape_cast %get3A_479 : vector<1x32x512xf32> to vector<32x512xf32>
    %concatenate3A_481 = tpu.concatenate %get3A_475, %get3A_480 in 0 : vector<32x512xf32>, vector<32x512xf32> -> vector<64x512xf32>
    %mul3A_482 = arith.mulf %concatenate3A, %concatenate3A_481 : vector<64x512xf32>
    %concatenate3A_483 = tpu.concatenate %concatenate3A_481, %mul3A_482 in 0 : vector<64x512xf32>, vector<64x512xf32> -> vector<128x512xf32>
    %get3A_484 = arith.constant 0 : index
    %get3A_485 = arith.constant 0 : index
    %get3A_486 = vector.load %arg9[%get3A_484, %get3A_485] : memref<80x128xf32, #tpu.memory_space<vmem>>, vector<80x128xf32>
    %dot_general3A_487 = arith.constant dense<0.000000e+00> : vector<80x512xf32>
    %dot_general3A_488 = tpu.matmul %get3A_486, %concatenate3A_483, %dot_general3A_487 {dimension_numbers = #tpu.dot_dimension_numbers<[1], [0], [0], [1], [0, 0, 1, 1], [], []>, transpose_lhs_hint = false} : vector<80x128xf32>, vector<128x512xf32>, vector<80x512xf32> -> vector<80x512xf32>
    %add3A_489 = arith.addf %add3A_12, %dot_general3A_488 : vector<80x512xf32>
    %max3A_490 = arith.constant 0.000000e+00 : f32
    %max3A_491 = vector.broadcast %max3A_490 : f32 to vector<80x512xf32>
    %max3A_492 = arith.maximumf %add3A_489, %max3A_491 : vector<80x512xf32>
    %mul3A_493 = vector.broadcast %get3A_15 : vector<80x1xf32> to vector<80x512xf32>
    %mul3A_494 = arith.mulf %max3A_492, %mul3A_493 : vector<80x512xf32>
    %reduce_sum3A_495 = arith.constant dense<0.000000e+00> : vector<512xf32>
    %reduce_sum3A_496 = vector.multi_reduction <add>, %mul3A_494, %reduce_sum3A_495 [0] : vector<80x512xf32> to vector<512xf32>
    %broadcast_in_dim3A_497 = vector.shape_cast %reduce_sum3A_496 : vector<512xf32> to vector<1x512xf32>
    %add3A_498 = vector.broadcast %get3A_19 : f32 to vector<1x512xf32>
    %add3A_499 = arith.addf %broadcast_in_dim3A_497, %add3A_498 : vector<1x512xf32>
    %max3A_500 = arith.maximumf %max3A_459, %add3A_499 : vector<1x512xf32>
    %sub3A_501 = arith.subf %max3A_459, %max3A_500 : vector<1x512xf32>
    %exp3A_502 = math.exp %sub3A_501 : vector<1x512xf32>
    %sub3A_503 = arith.subf %add3A_499, %max3A_500 : vector<1x512xf32>
    %exp3A_504 = math.exp %sub3A_503 : vector<1x512xf32>
    %mul3A_505 = arith.mulf %add3A_465, %exp3A_502 : vector<1x512xf32>
    %add3A_506 = arith.addf %mul3A_505, %exp3A_504 : vector<1x512xf32>
    %mul3A_507 = vector.broadcast %exp3A_502 : vector<1x512xf32> to vector<64x512xf32>
    %mul3A_508 = arith.mulf %add3A_470, %mul3A_507 : vector<64x512xf32>
    %mul3A_509 = vector.broadcast %exp3A_504 : vector<1x512xf32> to vector<64x512xf32>
    %mul3A_510 = arith.mulf %mul3A_509, %concatenate3A_481 : vector<64x512xf32>
    %add3A_511 = arith.addf %mul3A_508, %mul3A_510 : vector<64x512xf32>
    %get3A_512 = arith.constant 12 : index
    %get3A_513 = arith.constant 0 : index
    %get3A_514 = arith.constant 0 : index
    %get3A_515 = vector.load %arg1[%get3A_512, %get3A_513, %get3A_514] : memref<50x32x512xf32, #tpu.memory_space<vmem>>, vector<1x32x512xf32>
    %get3A_516 = vector.shape_cast %get3A_515 : vector<1x32x512xf32> to vector<32x512xf32>
    %get3A_517 = arith.constant 12 : index
    %get3A_518 = arith.constant 0 : index
    %get3A_519 = arith.constant 0 : index
    %get3A_520 = vector.load %arg2[%get3A_517, %get3A_518, %get3A_519] : memref<50x32x512xf32, #tpu.memory_space<vmem>>, vector<1x32x512xf32>
    %get3A_521 = vector.shape_cast %get3A_520 : vector<1x32x512xf32> to vector<32x512xf32>
    %concatenate3A_522 = tpu.concatenate %get3A_516, %get3A_521 in 0 : vector<32x512xf32>, vector<32x512xf32> -> vector<64x512xf32>
    %mul3A_523 = arith.mulf %concatenate3A, %concatenate3A_522 : vector<64x512xf32>
    %concatenate3A_524 = tpu.concatenate %concatenate3A_522, %mul3A_523 in 0 : vector<64x512xf32>, vector<64x512xf32> -> vector<128x512xf32>
    %get3A_525 = arith.constant 0 : index
    %get3A_526 = arith.constant 0 : index
    %get3A_527 = vector.load %arg9[%get3A_525, %get3A_526] : memref<80x128xf32, #tpu.memory_space<vmem>>, vector<80x128xf32>
    %dot_general3A_528 = arith.constant dense<0.000000e+00> : vector<80x512xf32>
    %dot_general3A_529 = tpu.matmul %get3A_527, %concatenate3A_524, %dot_general3A_528 {dimension_numbers = #tpu.dot_dimension_numbers<[1], [0], [0], [1], [0, 0, 1, 1], [], []>, transpose_lhs_hint = false} : vector<80x128xf32>, vector<128x512xf32>, vector<80x512xf32> -> vector<80x512xf32>
    %add3A_530 = arith.addf %add3A_12, %dot_general3A_529 : vector<80x512xf32>
    %max3A_531 = arith.constant 0.000000e+00 : f32
    %max3A_532 = vector.broadcast %max3A_531 : f32 to vector<80x512xf32>
    %max3A_533 = arith.maximumf %add3A_530, %max3A_532 : vector<80x512xf32>
    %mul3A_534 = vector.broadcast %get3A_15 : vector<80x1xf32> to vector<80x512xf32>
    %mul3A_535 = arith.mulf %max3A_533, %mul3A_534 : vector<80x512xf32>
    %reduce_sum3A_536 = arith.constant dense<0.000000e+00> : vector<512xf32>
    %reduce_sum3A_537 = vector.multi_reduction <add>, %mul3A_535, %reduce_sum3A_536 [0] : vector<80x512xf32> to vector<512xf32>
    %broadcast_in_dim3A_538 = vector.shape_cast %reduce_sum3A_537 : vector<512xf32> to vector<1x512xf32>
    %add3A_539 = vector.broadcast %get3A_19 : f32 to vector<1x512xf32>
    %add3A_540 = arith.addf %broadcast_in_dim3A_538, %add3A_539 : vector<1x512xf32>
    %max3A_541 = arith.maximumf %max3A_500, %add3A_540 : vector<1x512xf32>
    %sub3A_542 = arith.subf %max3A_500, %max3A_541 : vector<1x512xf32>
    %exp3A_543 = math.exp %sub3A_542 : vector<1x512xf32>
    %sub3A_544 = arith.subf %add3A_540, %max3A_541 : vector<1x512xf32>
    %exp3A_545 = math.exp %sub3A_544 : vector<1x512xf32>
    %mul3A_546 = arith.mulf %add3A_506, %exp3A_543 : vector<1x512xf32>
    %add3A_547 = arith.addf %mul3A_546, %exp3A_545 : vector<1x512xf32>
    %mul3A_548 = vector.broadcast %exp3A_543 : vector<1x512xf32> to vector<64x512xf32>
    %mul3A_549 = arith.mulf %add3A_511, %mul3A_548 : vector<64x512xf32>
    %mul3A_550 = vector.broadcast %exp3A_545 : vector<1x512xf32> to vector<64x512xf32>
    %mul3A_551 = arith.mulf %mul3A_550, %concatenate3A_522 : vector<64x512xf32>
    %add3A_552 = arith.addf %mul3A_549, %mul3A_551 : vector<64x512xf32>
    %get3A_553 = arith.constant 13 : index
    %get3A_554 = arith.constant 0 : index
    %get3A_555 = arith.constant 0 : index
    %get3A_556 = vector.load %arg1[%get3A_553, %get3A_554, %get3A_555] : memref<50x32x512xf32, #tpu.memory_space<vmem>>, vector<1x32x512xf32>
    %get3A_557 = vector.shape_cast %get3A_556 : vector<1x32x512xf32> to vector<32x512xf32>
    %get3A_558 = arith.constant 13 : index
    %get3A_559 = arith.constant 0 : index
    %get3A_560 = arith.constant 0 : index
    %get3A_561 = vector.load %arg2[%get3A_558, %get3A_559, %get3A_560] : memref<50x32x512xf32, #tpu.memory_space<vmem>>, vector<1x32x512xf32>
    %get3A_562 = vector.shape_cast %get3A_561 : vector<1x32x512xf32> to vector<32x512xf32>
    %concatenate3A_563 = tpu.concatenate %get3A_557, %get3A_562 in 0 : vector<32x512xf32>, vector<32x512xf32> -> vector<64x512xf32>
    %mul3A_564 = arith.mulf %concatenate3A, %concatenate3A_563 : vector<64x512xf32>
    %concatenate3A_565 = tpu.concatenate %concatenate3A_563, %mul3A_564 in 0 : vector<64x512xf32>, vector<64x512xf32> -> vector<128x512xf32>
    %get3A_566 = arith.constant 0 : index
    %get3A_567 = arith.constant 0 : index
    %get3A_568 = vector.load %arg9[%get3A_566, %get3A_567] : memref<80x128xf32, #tpu.memory_space<vmem>>, vector<80x128xf32>
    %dot_general3A_569 = arith.constant dense<0.000000e+00> : vector<80x512xf32>
    %dot_general3A_570 = tpu.matmul %get3A_568, %concatenate3A_565, %dot_general3A_569 {dimension_numbers = #tpu.dot_dimension_numbers<[1], [0], [0], [1], [0, 0, 1, 1], [], []>, transpose_lhs_hint = false} : vector<80x128xf32>, vector<128x512xf32>, vector<80x512xf32> -> vector<80x512xf32>
    %add3A_571 = arith.addf %add3A_12, %dot_general3A_570 : vector<80x512xf32>
    %max3A_572 = arith.constant 0.000000e+00 : f32
    %max3A_573 = vector.broadcast %max3A_572 : f32 to vector<80x512xf32>
    %max3A_574 = arith.maximumf %add3A_571, %max3A_573 : vector<80x512xf32>
    %mul3A_575 = vector.broadcast %get3A_15 : vector<80x1xf32> to vector<80x512xf32>
    %mul3A_576 = arith.mulf %max3A_574, %mul3A_575 : vector<80x512xf32>
    %reduce_sum3A_577 = arith.constant dense<0.000000e+00> : vector<512xf32>
    %reduce_sum3A_578 = vector.multi_reduction <add>, %mul3A_576, %reduce_sum3A_577 [0] : vector<80x512xf32> to vector<512xf32>
    %broadcast_in_dim3A_579 = vector.shape_cast %reduce_sum3A_578 : vector<512xf32> to vector<1x512xf32>
    %add3A_580 = vector.broadcast %get3A_19 : f32 to vector<1x512xf32>
    %add3A_581 = arith.addf %broadcast_in_dim3A_579, %add3A_580 : vector<1x512xf32>
    %max3A_582 = arith.maximumf %max3A_541, %add3A_581 : vector<1x512xf32>
    %sub3A_583 = arith.subf %max3A_541, %max3A_582 : vector<1x512xf32>
    %exp3A_584 = math.exp %sub3A_583 : vector<1x512xf32>
    %sub3A_585 = arith.subf %add3A_581, %max3A_582 : vector<1x512xf32>
    %exp3A_586 = math.exp %sub3A_585 : vector<1x512xf32>
    %mul3A_587 = arith.mulf %add3A_547, %exp3A_584 : vector<1x512xf32>
    %add3A_588 = arith.addf %mul3A_587, %exp3A_586 : vector<1x512xf32>
    %mul3A_589 = vector.broadcast %exp3A_584 : vector<1x512xf32> to vector<64x512xf32>
    %mul3A_590 = arith.mulf %add3A_552, %mul3A_589 : vector<64x512xf32>
    %mul3A_591 = vector.broadcast %exp3A_586 : vector<1x512xf32> to vector<64x512xf32>
    %mul3A_592 = arith.mulf %mul3A_591, %concatenate3A_563 : vector<64x512xf32>
    %add3A_593 = arith.addf %mul3A_590, %mul3A_592 : vector<64x512xf32>
    %get3A_594 = arith.constant 14 : index
    %get3A_595 = arith.constant 0 : index
    %get3A_596 = arith.constant 0 : index
    %get3A_597 = vector.load %arg1[%get3A_594, %get3A_595, %get3A_596] : memref<50x32x512xf32, #tpu.memory_space<vmem>>, vector<1x32x512xf32>
    %get3A_598 = vector.shape_cast %get3A_597 : vector<1x32x512xf32> to vector<32x512xf32>
    %get3A_599 = arith.constant 14 : index
    %get3A_600 = arith.constant 0 : index
    %get3A_601 = arith.constant 0 : index
    %get3A_602 = vector.load %arg2[%get3A_599, %get3A_600, %get3A_601] : memref<50x32x512xf32, #tpu.memory_space<vmem>>, vector<1x32x512xf32>
    %get3A_603 = vector.shape_cast %get3A_602 : vector<1x32x512xf32> to vector<32x512xf32>
    %concatenate3A_604 = tpu.concatenate %get3A_598, %get3A_603 in 0 : vector<32x512xf32>, vector<32x512xf32> -> vector<64x512xf32>
    %mul3A_605 = arith.mulf %concatenate3A, %concatenate3A_604 : vector<64x512xf32>
    %concatenate3A_606 = tpu.concatenate %concatenate3A_604, %mul3A_605 in 0 : vector<64x512xf32>, vector<64x512xf32> -> vector<128x512xf32>
    %get3A_607 = arith.constant 0 : index
    %get3A_608 = arith.constant 0 : index
    %get3A_609 = vector.load %arg9[%get3A_607, %get3A_608] : memref<80x128xf32, #tpu.memory_space<vmem>>, vector<80x128xf32>
    %dot_general3A_610 = arith.constant dense<0.000000e+00> : vector<80x512xf32>
    %dot_general3A_611 = tpu.matmul %get3A_609, %concatenate3A_606, %dot_general3A_610 {dimension_numbers = #tpu.dot_dimension_numbers<[1], [0], [0], [1], [0, 0, 1, 1], [], []>, transpose_lhs_hint = false} : vector<80x128xf32>, vector<128x512xf32>, vector<80x512xf32> -> vector<80x512xf32>
    %add3A_612 = arith.addf %add3A_12, %dot_general3A_611 : vector<80x512xf32>
    %max3A_613 = arith.constant 0.000000e+00 : f32
    %max3A_614 = vector.broadcast %max3A_613 : f32 to vector<80x512xf32>
    %max3A_615 = arith.maximumf %add3A_612, %max3A_614 : vector<80x512xf32>
    %mul3A_616 = vector.broadcast %get3A_15 : vector<80x1xf32> to vector<80x512xf32>
    %mul3A_617 = arith.mulf %max3A_615, %mul3A_616 : vector<80x512xf32>
    %reduce_sum3A_618 = arith.constant dense<0.000000e+00> : vector<512xf32>
    %reduce_sum3A_619 = vector.multi_reduction <add>, %mul3A_617, %reduce_sum3A_618 [0] : vector<80x512xf32> to vector<512xf32>
    %broadcast_in_dim3A_620 = vector.shape_cast %reduce_sum3A_619 : vector<512xf32> to vector<1x512xf32>
    %add3A_621 = vector.broadcast %get3A_19 : f32 to vector<1x512xf32>
    %add3A_622 = arith.addf %broadcast_in_dim3A_620, %add3A_621 : vector<1x512xf32>
    %max3A_623 = arith.maximumf %max3A_582, %add3A_622 : vector<1x512xf32>
    %sub3A_624 = arith.subf %max3A_582, %max3A_623 : vector<1x512xf32>
    %exp3A_625 = math.exp %sub3A_624 : vector<1x512xf32>
    %sub3A_626 = arith.subf %add3A_622, %max3A_623 : vector<1x512xf32>
    %exp3A_627 = math.exp %sub3A_626 : vector<1x512xf32>
    %mul3A_628 = arith.mulf %add3A_588, %exp3A_625 : vector<1x512xf32>
    %add3A_629 = arith.addf %mul3A_628, %exp3A_627 : vector<1x512xf32>
    %mul3A_630 = vector.broadcast %exp3A_625 : vector<1x512xf32> to vector<64x512xf32>
    %mul3A_631 = arith.mulf %add3A_593, %mul3A_630 : vector<64x512xf32>
    %mul3A_632 = vector.broadcast %exp3A_627 : vector<1x512xf32> to vector<64x512xf32>
    %mul3A_633 = arith.mulf %mul3A_632, %concatenate3A_604 : vector<64x512xf32>
    %add3A_634 = arith.addf %mul3A_631, %mul3A_633 : vector<64x512xf32>
    %get3A_635 = arith.constant 15 : index
    %get3A_636 = arith.constant 0 : index
    %get3A_637 = arith.constant 0 : index
    %get3A_638 = vector.load %arg1[%get3A_635, %get3A_636, %get3A_637] : memref<50x32x512xf32, #tpu.memory_space<vmem>>, vector<1x32x512xf32>
    %get3A_639 = vector.shape_cast %get3A_638 : vector<1x32x512xf32> to vector<32x512xf32>
    %get3A_640 = arith.constant 15 : index
    %get3A_641 = arith.constant 0 : index
    %get3A_642 = arith.constant 0 : index
    %get3A_643 = vector.load %arg2[%get3A_640, %get3A_641, %get3A_642] : memref<50x32x512xf32, #tpu.memory_space<vmem>>, vector<1x32x512xf32>
    %get3A_644 = vector.shape_cast %get3A_643 : vector<1x32x512xf32> to vector<32x512xf32>
    %concatenate3A_645 = tpu.concatenate %get3A_639, %get3A_644 in 0 : vector<32x512xf32>, vector<32x512xf32> -> vector<64x512xf32>
    %mul3A_646 = arith.mulf %concatenate3A, %concatenate3A_645 : vector<64x512xf32>
    %concatenate3A_647 = tpu.concatenate %concatenate3A_645, %mul3A_646 in 0 : vector<64x512xf32>, vector<64x512xf32> -> vector<128x512xf32>
    %get3A_648 = arith.constant 0 : index
    %get3A_649 = arith.constant 0 : index
    %get3A_650 = vector.load %arg9[%get3A_648, %get3A_649] : memref<80x128xf32, #tpu.memory_space<vmem>>, vector<80x128xf32>
    %dot_general3A_651 = arith.constant dense<0.000000e+00> : vector<80x512xf32>
    %dot_general3A_652 = tpu.matmul %get3A_650, %concatenate3A_647, %dot_general3A_651 {dimension_numbers = #tpu.dot_dimension_numbers<[1], [0], [0], [1], [0, 0, 1, 1], [], []>, transpose_lhs_hint = false} : vector<80x128xf32>, vector<128x512xf32>, vector<80x512xf32> -> vector<80x512xf32>
    %add3A_653 = arith.addf %add3A_12, %dot_general3A_652 : vector<80x512xf32>
    %max3A_654 = arith.constant 0.000000e+00 : f32
    %max3A_655 = vector.broadcast %max3A_654 : f32 to vector<80x512xf32>
    %max3A_656 = arith.maximumf %add3A_653, %max3A_655 : vector<80x512xf32>
    %mul3A_657 = vector.broadcast %get3A_15 : vector<80x1xf32> to vector<80x512xf32>
    %mul3A_658 = arith.mulf %max3A_656, %mul3A_657 : vector<80x512xf32>
    %reduce_sum3A_659 = arith.constant dense<0.000000e+00> : vector<512xf32>
    %reduce_sum3A_660 = vector.multi_reduction <add>, %mul3A_658, %reduce_sum3A_659 [0] : vector<80x512xf32> to vector<512xf32>
    %broadcast_in_dim3A_661 = vector.shape_cast %reduce_sum3A_660 : vector<512xf32> to vector<1x512xf32>
    %add3A_662 = vector.broadcast %get3A_19 : f32 to vector<1x512xf32>
    %add3A_663 = arith.addf %broadcast_in_dim3A_661, %add3A_662 : vector<1x512xf32>
    %max3A_664 = arith.maximumf %max3A_623, %add3A_663 : vector<1x512xf32>
    %sub3A_665 = arith.subf %max3A_623, %max3A_664 : vector<1x512xf32>
    %exp3A_666 = math.exp %sub3A_665 : vector<1x512xf32>
    %sub3A_667 = arith.subf %add3A_663, %max3A_664 : vector<1x512xf32>
    %exp3A_668 = math.exp %sub3A_667 : vector<1x512xf32>
    %mul3A_669 = arith.mulf %add3A_629, %exp3A_666 : vector<1x512xf32>
    %add3A_670 = arith.addf %mul3A_669, %exp3A_668 : vector<1x512xf32>
    %mul3A_671 = vector.broadcast %exp3A_666 : vector<1x512xf32> to vector<64x512xf32>
    %mul3A_672 = arith.mulf %add3A_634, %mul3A_671 : vector<64x512xf32>
    %mul3A_673 = vector.broadcast %exp3A_668 : vector<1x512xf32> to vector<64x512xf32>
    %mul3A_674 = arith.mulf %mul3A_673, %concatenate3A_645 : vector<64x512xf32>
    %add3A_675 = arith.addf %mul3A_672, %mul3A_674 : vector<64x512xf32>
    %get3A_676 = arith.constant 16 : index
    %get3A_677 = arith.constant 0 : index
    %get3A_678 = arith.constant 0 : index
    %get3A_679 = vector.load %arg1[%get3A_676, %get3A_677, %get3A_678] : memref<50x32x512xf32, #tpu.memory_space<vmem>>, vector<1x32x512xf32>
    %get3A_680 = vector.shape_cast %get3A_679 : vector<1x32x512xf32> to vector<32x512xf32>
    %get3A_681 = arith.constant 16 : index
    %get3A_682 = arith.constant 0 : index
    %get3A_683 = arith.constant 0 : index
    %get3A_684 = vector.load %arg2[%get3A_681, %get3A_682, %get3A_683] : memref<50x32x512xf32, #tpu.memory_space<vmem>>, vector<1x32x512xf32>
    %get3A_685 = vector.shape_cast %get3A_684 : vector<1x32x512xf32> to vector<32x512xf32>
    %concatenate3A_686 = tpu.concatenate %get3A_680, %get3A_685 in 0 : vector<32x512xf32>, vector<32x512xf32> -> vector<64x512xf32>
    %mul3A_687 = arith.mulf %concatenate3A, %concatenate3A_686 : vector<64x512xf32>
    %concatenate3A_688 = tpu.concatenate %concatenate3A_686, %mul3A_687 in 0 : vector<64x512xf32>, vector<64x512xf32> -> vector<128x512xf32>
    %get3A_689 = arith.constant 0 : index
    %get3A_690 = arith.constant 0 : index
    %get3A_691 = vector.load %arg9[%get3A_689, %get3A_690] : memref<80x128xf32, #tpu.memory_space<vmem>>, vector<80x128xf32>
    %dot_general3A_692 = arith.constant dense<0.000000e+00> : vector<80x512xf32>
    %dot_general3A_693 = tpu.matmul %get3A_691, %concatenate3A_688, %dot_general3A_692 {dimension_numbers = #tpu.dot_dimension_numbers<[1], [0], [0], [1], [0, 0, 1, 1], [], []>, transpose_lhs_hint = false} : vector<80x128xf32>, vector<128x512xf32>, vector<80x512xf32> -> vector<80x512xf32>
    %add3A_694 = arith.addf %add3A_12, %dot_general3A_693 : vector<80x512xf32>
    %max3A_695 = arith.constant 0.000000e+00 : f32
    %max3A_696 = vector.broadcast %max3A_695 : f32 to vector<80x512xf32>
    %max3A_697 = arith.maximumf %add3A_694, %max3A_696 : vector<80x512xf32>
    %mul3A_698 = vector.broadcast %get3A_15 : vector<80x1xf32> to vector<80x512xf32>
    %mul3A_699 = arith.mulf %max3A_697, %mul3A_698 : vector<80x512xf32>
    %reduce_sum3A_700 = arith.constant dense<0.000000e+00> : vector<512xf32>
    %reduce_sum3A_701 = vector.multi_reduction <add>, %mul3A_699, %reduce_sum3A_700 [0] : vector<80x512xf32> to vector<512xf32>
    %broadcast_in_dim3A_702 = vector.shape_cast %reduce_sum3A_701 : vector<512xf32> to vector<1x512xf32>
    %add3A_703 = vector.broadcast %get3A_19 : f32 to vector<1x512xf32>
    %add3A_704 = arith.addf %broadcast_in_dim3A_702, %add3A_703 : vector<1x512xf32>
    %max3A_705 = arith.maximumf %max3A_664, %add3A_704 : vector<1x512xf32>
    %sub3A_706 = arith.subf %max3A_664, %max3A_705 : vector<1x512xf32>
    %exp3A_707 = math.exp %sub3A_706 : vector<1x512xf32>
    %sub3A_708 = arith.subf %add3A_704, %max3A_705 : vector<1x512xf32>
    %exp3A_709 = math.exp %sub3A_708 : vector<1x512xf32>
    %mul3A_710 = arith.mulf %add3A_670, %exp3A_707 : vector<1x512xf32>
    %add3A_711 = arith.addf %mul3A_710, %exp3A_709 : vector<1x512xf32>
    %mul3A_712 = vector.broadcast %exp3A_707 : vector<1x512xf32> to vector<64x512xf32>
    %mul3A_713 = arith.mulf %add3A_675, %mul3A_712 : vector<64x512xf32>
    %mul3A_714 = vector.broadcast %exp3A_709 : vector<1x512xf32> to vector<64x512xf32>
    %mul3A_715 = arith.mulf %mul3A_714, %concatenate3A_686 : vector<64x512xf32>
    %add3A_716 = arith.addf %mul3A_713, %mul3A_715 : vector<64x512xf32>
    %get3A_717 = arith.constant 17 : index
    %get3A_718 = arith.constant 0 : index
    %get3A_719 = arith.constant 0 : index
    %get3A_720 = vector.load %arg1[%get3A_717, %get3A_718, %get3A_719] : memref<50x32x512xf32, #tpu.memory_space<vmem>>, vector<1x32x512xf32>
    %get3A_721 = vector.shape_cast %get3A_720 : vector<1x32x512xf32> to vector<32x512xf32>
    %get3A_722 = arith.constant 17 : index
    %get3A_723 = arith.constant 0 : index
    %get3A_724 = arith.constant 0 : index
    %get3A_725 = vector.load %arg2[%get3A_722, %get3A_723, %get3A_724] : memref<50x32x512xf32, #tpu.memory_space<vmem>>, vector<1x32x512xf32>
    %get3A_726 = vector.shape_cast %get3A_725 : vector<1x32x512xf32> to vector<32x512xf32>
    %concatenate3A_727 = tpu.concatenate %get3A_721, %get3A_726 in 0 : vector<32x512xf32>, vector<32x512xf32> -> vector<64x512xf32>
    %mul3A_728 = arith.mulf %concatenate3A, %concatenate3A_727 : vector<64x512xf32>
    %concatenate3A_729 = tpu.concatenate %concatenate3A_727, %mul3A_728 in 0 : vector<64x512xf32>, vector<64x512xf32> -> vector<128x512xf32>
    %get3A_730 = arith.constant 0 : index
    %get3A_731 = arith.constant 0 : index
    %get3A_732 = vector.load %arg9[%get3A_730, %get3A_731] : memref<80x128xf32, #tpu.memory_space<vmem>>, vector<80x128xf32>
    %dot_general3A_733 = arith.constant dense<0.000000e+00> : vector<80x512xf32>
    %dot_general3A_734 = tpu.matmul %get3A_732, %concatenate3A_729, %dot_general3A_733 {dimension_numbers = #tpu.dot_dimension_numbers<[1], [0], [0], [1], [0, 0, 1, 1], [], []>, transpose_lhs_hint = false} : vector<80x128xf32>, vector<128x512xf32>, vector<80x512xf32> -> vector<80x512xf32>
    %add3A_735 = arith.addf %add3A_12, %dot_general3A_734 : vector<80x512xf32>
    %max3A_736 = arith.constant 0.000000e+00 : f32
    %max3A_737 = vector.broadcast %max3A_736 : f32 to vector<80x512xf32>
    %max3A_738 = arith.maximumf %add3A_735, %max3A_737 : vector<80x512xf32>
    %mul3A_739 = vector.broadcast %get3A_15 : vector<80x1xf32> to vector<80x512xf32>
    %mul3A_740 = arith.mulf %max3A_738, %mul3A_739 : vector<80x512xf32>
    %reduce_sum3A_741 = arith.constant dense<0.000000e+00> : vector<512xf32>
    %reduce_sum3A_742 = vector.multi_reduction <add>, %mul3A_740, %reduce_sum3A_741 [0] : vector<80x512xf32> to vector<512xf32>
    %broadcast_in_dim3A_743 = vector.shape_cast %reduce_sum3A_742 : vector<512xf32> to vector<1x512xf32>
    %add3A_744 = vector.broadcast %get3A_19 : f32 to vector<1x512xf32>
    %add3A_745 = arith.addf %broadcast_in_dim3A_743, %add3A_744 : vector<1x512xf32>
    %max3A_746 = arith.maximumf %max3A_705, %add3A_745 : vector<1x512xf32>
    %sub3A_747 = arith.subf %max3A_705, %max3A_746 : vector<1x512xf32>
    %exp3A_748 = math.exp %sub3A_747 : vector<1x512xf32>
    %sub3A_749 = arith.subf %add3A_745, %max3A_746 : vector<1x512xf32>
    %exp3A_750 = math.exp %sub3A_749 : vector<1x512xf32>
    %mul3A_751 = arith.mulf %add3A_711, %exp3A_748 : vector<1x512xf32>
    %add3A_752 = arith.addf %mul3A_751, %exp3A_750 : vector<1x512xf32>
    %mul3A_753 = vector.broadcast %exp3A_748 : vector<1x512xf32> to vector<64x512xf32>
    %mul3A_754 = arith.mulf %add3A_716, %mul3A_753 : vector<64x512xf32>
    %mul3A_755 = vector.broadcast %exp3A_750 : vector<1x512xf32> to vector<64x512xf32>
    %mul3A_756 = arith.mulf %mul3A_755, %concatenate3A_727 : vector<64x512xf32>
    %add3A_757 = arith.addf %mul3A_754, %mul3A_756 : vector<64x512xf32>
    %get3A_758 = arith.constant 18 : index
    %get3A_759 = arith.constant 0 : index
    %get3A_760 = arith.constant 0 : index
    %get3A_761 = vector.load %arg1[%get3A_758, %get3A_759, %get3A_760] : memref<50x32x512xf32, #tpu.memory_space<vmem>>, vector<1x32x512xf32>
    %get3A_762 = vector.shape_cast %get3A_761 : vector<1x32x512xf32> to vector<32x512xf32>
    %get3A_763 = arith.constant 18 : index
    %get3A_764 = arith.constant 0 : index
    %get3A_765 = arith.constant 0 : index
    %get3A_766 = vector.load %arg2[%get3A_763, %get3A_764, %get3A_765] : memref<50x32x512xf32, #tpu.memory_space<vmem>>, vector<1x32x512xf32>
    %get3A_767 = vector.shape_cast %get3A_766 : vector<1x32x512xf32> to vector<32x512xf32>
    %concatenate3A_768 = tpu.concatenate %get3A_762, %get3A_767 in 0 : vector<32x512xf32>, vector<32x512xf32> -> vector<64x512xf32>
    %mul3A_769 = arith.mulf %concatenate3A, %concatenate3A_768 : vector<64x512xf32>
    %concatenate3A_770 = tpu.concatenate %concatenate3A_768, %mul3A_769 in 0 : vector<64x512xf32>, vector<64x512xf32> -> vector<128x512xf32>
    %get3A_771 = arith.constant 0 : index
    %get3A_772 = arith.constant 0 : index
    %get3A_773 = vector.load %arg9[%get3A_771, %get3A_772] : memref<80x128xf32, #tpu.memory_space<vmem>>, vector<80x128xf32>
    %dot_general3A_774 = arith.constant dense<0.000000e+00> : vector<80x512xf32>
    %dot_general3A_775 = tpu.matmul %get3A_773, %concatenate3A_770, %dot_general3A_774 {dimension_numbers = #tpu.dot_dimension_numbers<[1], [0], [0], [1], [0, 0, 1, 1], [], []>, transpose_lhs_hint = false} : vector<80x128xf32>, vector<128x512xf32>, vector<80x512xf32> -> vector<80x512xf32>
    %add3A_776 = arith.addf %add3A_12, %dot_general3A_775 : vector<80x512xf32>
    %max3A_777 = arith.constant 0.000000e+00 : f32
    %max3A_778 = vector.broadcast %max3A_777 : f32 to vector<80x512xf32>
    %max3A_779 = arith.maximumf %add3A_776, %max3A_778 : vector<80x512xf32>
    %mul3A_780 = vector.broadcast %get3A_15 : vector<80x1xf32> to vector<80x512xf32>
    %mul3A_781 = arith.mulf %max3A_779, %mul3A_780 : vector<80x512xf32>
    %reduce_sum3A_782 = arith.constant dense<0.000000e+00> : vector<512xf32>
    %reduce_sum3A_783 = vector.multi_reduction <add>, %mul3A_781, %reduce_sum3A_782 [0] : vector<80x512xf32> to vector<512xf32>
    %broadcast_in_dim3A_784 = vector.shape_cast %reduce_sum3A_783 : vector<512xf32> to vector<1x512xf32>
    %add3A_785 = vector.broadcast %get3A_19 : f32 to vector<1x512xf32>
    %add3A_786 = arith.addf %broadcast_in_dim3A_784, %add3A_785 : vector<1x512xf32>
    %max3A_787 = arith.maximumf %max3A_746, %add3A_786 : vector<1x512xf32>
    %sub3A_788 = arith.subf %max3A_746, %max3A_787 : vector<1x512xf32>
    %exp3A_789 = math.exp %sub3A_788 : vector<1x512xf32>
    %sub3A_790 = arith.subf %add3A_786, %max3A_787 : vector<1x512xf32>
    %exp3A_791 = math.exp %sub3A_790 : vector<1x512xf32>
    %mul3A_792 = arith.mulf %add3A_752, %exp3A_789 : vector<1x512xf32>
    %add3A_793 = arith.addf %mul3A_792, %exp3A_791 : vector<1x512xf32>
    %mul3A_794 = vector.broadcast %exp3A_789 : vector<1x512xf32> to vector<64x512xf32>
    %mul3A_795 = arith.mulf %add3A_757, %mul3A_794 : vector<64x512xf32>
    %mul3A_796 = vector.broadcast %exp3A_791 : vector<1x512xf32> to vector<64x512xf32>
    %mul3A_797 = arith.mulf %mul3A_796, %concatenate3A_768 : vector<64x512xf32>
    %add3A_798 = arith.addf %mul3A_795, %mul3A_797 : vector<64x512xf32>
    %get3A_799 = arith.constant 19 : index
    %get3A_800 = arith.constant 0 : index
    %get3A_801 = arith.constant 0 : index
    %get3A_802 = vector.load %arg1[%get3A_799, %get3A_800, %get3A_801] : memref<50x32x512xf32, #tpu.memory_space<vmem>>, vector<1x32x512xf32>
    %get3A_803 = vector.shape_cast %get3A_802 : vector<1x32x512xf32> to vector<32x512xf32>
    %get3A_804 = arith.constant 19 : index
    %get3A_805 = arith.constant 0 : index
    %get3A_806 = arith.constant 0 : index
    %get3A_807 = vector.load %arg2[%get3A_804, %get3A_805, %get3A_806] : memref<50x32x512xf32, #tpu.memory_space<vmem>>, vector<1x32x512xf32>
    %get3A_808 = vector.shape_cast %get3A_807 : vector<1x32x512xf32> to vector<32x512xf32>
    %concatenate3A_809 = tpu.concatenate %get3A_803, %get3A_808 in 0 : vector<32x512xf32>, vector<32x512xf32> -> vector<64x512xf32>
    %mul3A_810 = arith.mulf %concatenate3A, %concatenate3A_809 : vector<64x512xf32>
    %concatenate3A_811 = tpu.concatenate %concatenate3A_809, %mul3A_810 in 0 : vector<64x512xf32>, vector<64x512xf32> -> vector<128x512xf32>
    %get3A_812 = arith.constant 0 : index
    %get3A_813 = arith.constant 0 : index
    %get3A_814 = vector.load %arg9[%get3A_812, %get3A_813] : memref<80x128xf32, #tpu.memory_space<vmem>>, vector<80x128xf32>
    %dot_general3A_815 = arith.constant dense<0.000000e+00> : vector<80x512xf32>
    %dot_general3A_816 = tpu.matmul %get3A_814, %concatenate3A_811, %dot_general3A_815 {dimension_numbers = #tpu.dot_dimension_numbers<[1], [0], [0], [1], [0, 0, 1, 1], [], []>, transpose_lhs_hint = false} : vector<80x128xf32>, vector<128x512xf32>, vector<80x512xf32> -> vector<80x512xf32>
    %add3A_817 = arith.addf %add3A_12, %dot_general3A_816 : vector<80x512xf32>
    %max3A_818 = arith.constant 0.000000e+00 : f32
    %max3A_819 = vector.broadcast %max3A_818 : f32 to vector<80x512xf32>
    %max3A_820 = arith.maximumf %add3A_817, %max3A_819 : vector<80x512xf32>
    %mul3A_821 = vector.broadcast %get3A_15 : vector<80x1xf32> to vector<80x512xf32>
    %mul3A_822 = arith.mulf %max3A_820, %mul3A_821 : vector<80x512xf32>
    %reduce_sum3A_823 = arith.constant dense<0.000000e+00> : vector<512xf32>
    %reduce_sum3A_824 = vector.multi_reduction <add>, %mul3A_822, %reduce_sum3A_823 [0] : vector<80x512xf32> to vector<512xf32>
    %broadcast_in_dim3A_825 = vector.shape_cast %reduce_sum3A_824 : vector<512xf32> to vector<1x512xf32>
    %add3A_826 = vector.broadcast %get3A_19 : f32 to vector<1x512xf32>
    %add3A_827 = arith.addf %broadcast_in_dim3A_825, %add3A_826 : vector<1x512xf32>
    %max3A_828 = arith.maximumf %max3A_787, %add3A_827 : vector<1x512xf32>
    %sub3A_829 = arith.subf %max3A_787, %max3A_828 : vector<1x512xf32>
    %exp3A_830 = math.exp %sub3A_829 : vector<1x512xf32>
    %sub3A_831 = arith.subf %add3A_827, %max3A_828 : vector<1x512xf32>
    %exp3A_832 = math.exp %sub3A_831 : vector<1x512xf32>
    %mul3A_833 = arith.mulf %add3A_793, %exp3A_830 : vector<1x512xf32>
    %add3A_834 = arith.addf %mul3A_833, %exp3A_832 : vector<1x512xf32>
    %mul3A_835 = vector.broadcast %exp3A_830 : vector<1x512xf32> to vector<64x512xf32>
    %mul3A_836 = arith.mulf %add3A_798, %mul3A_835 : vector<64x512xf32>
    %mul3A_837 = vector.broadcast %exp3A_832 : vector<1x512xf32> to vector<64x512xf32>
    %mul3A_838 = arith.mulf %mul3A_837, %concatenate3A_809 : vector<64x512xf32>
    %add3A_839 = arith.addf %mul3A_836, %mul3A_838 : vector<64x512xf32>
    %get3A_840 = arith.constant 20 : index
    %get3A_841 = arith.constant 0 : index
    %get3A_842 = arith.constant 0 : index
    %get3A_843 = vector.load %arg1[%get3A_840, %get3A_841, %get3A_842] : memref<50x32x512xf32, #tpu.memory_space<vmem>>, vector<1x32x512xf32>
    %get3A_844 = vector.shape_cast %get3A_843 : vector<1x32x512xf32> to vector<32x512xf32>
    %get3A_845 = arith.constant 20 : index
    %get3A_846 = arith.constant 0 : index
    %get3A_847 = arith.constant 0 : index
    %get3A_848 = vector.load %arg2[%get3A_845, %get3A_846, %get3A_847] : memref<50x32x512xf32, #tpu.memory_space<vmem>>, vector<1x32x512xf32>
    %get3A_849 = vector.shape_cast %get3A_848 : vector<1x32x512xf32> to vector<32x512xf32>
    %concatenate3A_850 = tpu.concatenate %get3A_844, %get3A_849 in 0 : vector<32x512xf32>, vector<32x512xf32> -> vector<64x512xf32>
    %mul3A_851 = arith.mulf %concatenate3A, %concatenate3A_850 : vector<64x512xf32>
    %concatenate3A_852 = tpu.concatenate %concatenate3A_850, %mul3A_851 in 0 : vector<64x512xf32>, vector<64x512xf32> -> vector<128x512xf32>
    %get3A_853 = arith.constant 0 : index
    %get3A_854 = arith.constant 0 : index
    %get3A_855 = vector.load %arg9[%get3A_853, %get3A_854] : memref<80x128xf32, #tpu.memory_space<vmem>>, vector<80x128xf32>
    %dot_general3A_856 = arith.constant dense<0.000000e+00> : vector<80x512xf32>
    %dot_general3A_857 = tpu.matmul %get3A_855, %concatenate3A_852, %dot_general3A_856 {dimension_numbers = #tpu.dot_dimension_numbers<[1], [0], [0], [1], [0, 0, 1, 1], [], []>, transpose_lhs_hint = false} : vector<80x128xf32>, vector<128x512xf32>, vector<80x512xf32> -> vector<80x512xf32>
    %add3A_858 = arith.addf %add3A_12, %dot_general3A_857 : vector<80x512xf32>
    %max3A_859 = arith.constant 0.000000e+00 : f32
    %max3A_860 = vector.broadcast %max3A_859 : f32 to vector<80x512xf32>
    %max3A_861 = arith.maximumf %add3A_858, %max3A_860 : vector<80x512xf32>
    %mul3A_862 = vector.broadcast %get3A_15 : vector<80x1xf32> to vector<80x512xf32>
    %mul3A_863 = arith.mulf %max3A_861, %mul3A_862 : vector<80x512xf32>
    %reduce_sum3A_864 = arith.constant dense<0.000000e+00> : vector<512xf32>
    %reduce_sum3A_865 = vector.multi_reduction <add>, %mul3A_863, %reduce_sum3A_864 [0] : vector<80x512xf32> to vector<512xf32>
    %broadcast_in_dim3A_866 = vector.shape_cast %reduce_sum3A_865 : vector<512xf32> to vector<1x512xf32>
    %add3A_867 = vector.broadcast %get3A_19 : f32 to vector<1x512xf32>
    %add3A_868 = arith.addf %broadcast_in_dim3A_866, %add3A_867 : vector<1x512xf32>
    %max3A_869 = arith.maximumf %max3A_828, %add3A_868 : vector<1x512xf32>
    %sub3A_870 = arith.subf %max3A_828, %max3A_869 : vector<1x512xf32>
    %exp3A_871 = math.exp %sub3A_870 : vector<1x512xf32>
    %sub3A_872 = arith.subf %add3A_868, %max3A_869 : vector<1x512xf32>
    %exp3A_873 = math.exp %sub3A_872 : vector<1x512xf32>
    %mul3A_874 = arith.mulf %add3A_834, %exp3A_871 : vector<1x512xf32>
    %add3A_875 = arith.addf %mul3A_874, %exp3A_873 : vector<1x512xf32>
    %mul3A_876 = vector.broadcast %exp3A_871 : vector<1x512xf32> to vector<64x512xf32>
    %mul3A_877 = arith.mulf %add3A_839, %mul3A_876 : vector<64x512xf32>
    %mul3A_878 = vector.broadcast %exp3A_873 : vector<1x512xf32> to vector<64x512xf32>
    %mul3A_879 = arith.mulf %mul3A_878, %concatenate3A_850 : vector<64x512xf32>
    %add3A_880 = arith.addf %mul3A_877, %mul3A_879 : vector<64x512xf32>
    %get3A_881 = arith.constant 21 : index
    %get3A_882 = arith.constant 0 : index
    %get3A_883 = arith.constant 0 : index
    %get3A_884 = vector.load %arg1[%get3A_881, %get3A_882, %get3A_883] : memref<50x32x512xf32, #tpu.memory_space<vmem>>, vector<1x32x512xf32>
    %get3A_885 = vector.shape_cast %get3A_884 : vector<1x32x512xf32> to vector<32x512xf32>
    %get3A_886 = arith.constant 21 : index
    %get3A_887 = arith.constant 0 : index
    %get3A_888 = arith.constant 0 : index
    %get3A_889 = vector.load %arg2[%get3A_886, %get3A_887, %get3A_888] : memref<50x32x512xf32, #tpu.memory_space<vmem>>, vector<1x32x512xf32>
    %get3A_890 = vector.shape_cast %get3A_889 : vector<1x32x512xf32> to vector<32x512xf32>
    %concatenate3A_891 = tpu.concatenate %get3A_885, %get3A_890 in 0 : vector<32x512xf32>, vector<32x512xf32> -> vector<64x512xf32>
    %mul3A_892 = arith.mulf %concatenate3A, %concatenate3A_891 : vector<64x512xf32>
    %concatenate3A_893 = tpu.concatenate %concatenate3A_891, %mul3A_892 in 0 : vector<64x512xf32>, vector<64x512xf32> -> vector<128x512xf32>
    %get3A_894 = arith.constant 0 : index
    %get3A_895 = arith.constant 0 : index
    %get3A_896 = vector.load %arg9[%get3A_894, %get3A_895] : memref<80x128xf32, #tpu.memory_space<vmem>>, vector<80x128xf32>
    %dot_general3A_897 = arith.constant dense<0.000000e+00> : vector<80x512xf32>
    %dot_general3A_898 = tpu.matmul %get3A_896, %concatenate3A_893, %dot_general3A_897 {dimension_numbers = #tpu.dot_dimension_numbers<[1], [0], [0], [1], [0, 0, 1, 1], [], []>, transpose_lhs_hint = false} : vector<80x128xf32>, vector<128x512xf32>, vector<80x512xf32> -> vector<80x512xf32>
    %add3A_899 = arith.addf %add3A_12, %dot_general3A_898 : vector<80x512xf32>
    %max3A_900 = arith.constant 0.000000e+00 : f32
    %max3A_901 = vector.broadcast %max3A_900 : f32 to vector<80x512xf32>
    %max3A_902 = arith.maximumf %add3A_899, %max3A_901 : vector<80x512xf32>
    %mul3A_903 = vector.broadcast %get3A_15 : vector<80x1xf32> to vector<80x512xf32>
    %mul3A_904 = arith.mulf %max3A_902, %mul3A_903 : vector<80x512xf32>
    %reduce_sum3A_905 = arith.constant dense<0.000000e+00> : vector<512xf32>
    %reduce_sum3A_906 = vector.multi_reduction <add>, %mul3A_904, %reduce_sum3A_905 [0] : vector<80x512xf32> to vector<512xf32>
    %broadcast_in_dim3A_907 = vector.shape_cast %reduce_sum3A_906 : vector<512xf32> to vector<1x512xf32>
    %add3A_908 = vector.broadcast %get3A_19 : f32 to vector<1x512xf32>
    %add3A_909 = arith.addf %broadcast_in_dim3A_907, %add3A_908 : vector<1x512xf32>
    %max3A_910 = arith.maximumf %max3A_869, %add3A_909 : vector<1x512xf32>
    %sub3A_911 = arith.subf %max3A_869, %max3A_910 : vector<1x512xf32>
    %exp3A_912 = math.exp %sub3A_911 : vector<1x512xf32>
    %sub3A_913 = arith.subf %add3A_909, %max3A_910 : vector<1x512xf32>
    %exp3A_914 = math.exp %sub3A_913 : vector<1x512xf32>
    %mul3A_915 = arith.mulf %add3A_875, %exp3A_912 : vector<1x512xf32>
    %add3A_916 = arith.addf %mul3A_915, %exp3A_914 : vector<1x512xf32>
    %mul3A_917 = vector.broadcast %exp3A_912 : vector<1x512xf32> to vector<64x512xf32>
    %mul3A_918 = arith.mulf %add3A_880, %mul3A_917 : vector<64x512xf32>
    %mul3A_919 = vector.broadcast %exp3A_914 : vector<1x512xf32> to vector<64x512xf32>
    %mul3A_920 = arith.mulf %mul3A_919, %concatenate3A_891 : vector<64x512xf32>
    %add3A_921 = arith.addf %mul3A_918, %mul3A_920 : vector<64x512xf32>
    %get3A_922 = arith.constant 22 : index
    %get3A_923 = arith.constant 0 : index
    %get3A_924 = arith.constant 0 : index
    %get3A_925 = vector.load %arg1[%get3A_922, %get3A_923, %get3A_924] : memref<50x32x512xf32, #tpu.memory_space<vmem>>, vector<1x32x512xf32>
    %get3A_926 = vector.shape_cast %get3A_925 : vector<1x32x512xf32> to vector<32x512xf32>
    %get3A_927 = arith.constant 22 : index
    %get3A_928 = arith.constant 0 : index
    %get3A_929 = arith.constant 0 : index
    %get3A_930 = vector.load %arg2[%get3A_927, %get3A_928, %get3A_929] : memref<50x32x512xf32, #tpu.memory_space<vmem>>, vector<1x32x512xf32>
    %get3A_931 = vector.shape_cast %get3A_930 : vector<1x32x512xf32> to vector<32x512xf32>
    %concatenate3A_932 = tpu.concatenate %get3A_926, %get3A_931 in 0 : vector<32x512xf32>, vector<32x512xf32> -> vector<64x512xf32>
    %mul3A_933 = arith.mulf %concatenate3A, %concatenate3A_932 : vector<64x512xf32>
    %concatenate3A_934 = tpu.concatenate %concatenate3A_932, %mul3A_933 in 0 : vector<64x512xf32>, vector<64x512xf32> -> vector<128x512xf32>
    %get3A_935 = arith.constant 0 : index
    %get3A_936 = arith.constant 0 : index
    %get3A_937 = vector.load %arg9[%get3A_935, %get3A_936] : memref<80x128xf32, #tpu.memory_space<vmem>>, vector<80x128xf32>
    %dot_general3A_938 = arith.constant dense<0.000000e+00> : vector<80x512xf32>
    %dot_general3A_939 = tpu.matmul %get3A_937, %concatenate3A_934, %dot_general3A_938 {dimension_numbers = #tpu.dot_dimension_numbers<[1], [0], [0], [1], [0, 0, 1, 1], [], []>, transpose_lhs_hint = false} : vector<80x128xf32>, vector<128x512xf32>, vector<80x512xf32> -> vector<80x512xf32>
    %add3A_940 = arith.addf %add3A_12, %dot_general3A_939 : vector<80x512xf32>
    %max3A_941 = arith.constant 0.000000e+00 : f32
    %max3A_942 = vector.broadcast %max3A_941 : f32 to vector<80x512xf32>
    %max3A_943 = arith.maximumf %add3A_940, %max3A_942 : vector<80x512xf32>
    %mul3A_944 = vector.broadcast %get3A_15 : vector<80x1xf32> to vector<80x512xf32>
    %mul3A_945 = arith.mulf %max3A_943, %mul3A_944 : vector<80x512xf32>
    %reduce_sum3A_946 = arith.constant dense<0.000000e+00> : vector<512xf32>
    %reduce_sum3A_947 = vector.multi_reduction <add>, %mul3A_945, %reduce_sum3A_946 [0] : vector<80x512xf32> to vector<512xf32>
    %broadcast_in_dim3A_948 = vector.shape_cast %reduce_sum3A_947 : vector<512xf32> to vector<1x512xf32>
    %add3A_949 = vector.broadcast %get3A_19 : f32 to vector<1x512xf32>
    %add3A_950 = arith.addf %broadcast_in_dim3A_948, %add3A_949 : vector<1x512xf32>
    %max3A_951 = arith.maximumf %max3A_910, %add3A_950 : vector<1x512xf32>
    %sub3A_952 = arith.subf %max3A_910, %max3A_951 : vector<1x512xf32>
    %exp3A_953 = math.exp %sub3A_952 : vector<1x512xf32>
    %sub3A_954 = arith.subf %add3A_950, %max3A_951 : vector<1x512xf32>
    %exp3A_955 = math.exp %sub3A_954 : vector<1x512xf32>
    %mul3A_956 = arith.mulf %add3A_916, %exp3A_953 : vector<1x512xf32>
    %add3A_957 = arith.addf %mul3A_956, %exp3A_955 : vector<1x512xf32>
    %mul3A_958 = vector.broadcast %exp3A_953 : vector<1x512xf32> to vector<64x512xf32>
    %mul3A_959 = arith.mulf %add3A_921, %mul3A_958 : vector<64x512xf32>
    %mul3A_960 = vector.broadcast %exp3A_955 : vector<1x512xf32> to vector<64x512xf32>
    %mul3A_961 = arith.mulf %mul3A_960, %concatenate3A_932 : vector<64x512xf32>
    %add3A_962 = arith.addf %mul3A_959, %mul3A_961 : vector<64x512xf32>
    %get3A_963 = arith.constant 23 : index
    %get3A_964 = arith.constant 0 : index
    %get3A_965 = arith.constant 0 : index
    %get3A_966 = vector.load %arg1[%get3A_963, %get3A_964, %get3A_965] : memref<50x32x512xf32, #tpu.memory_space<vmem>>, vector<1x32x512xf32>
    %get3A_967 = vector.shape_cast %get3A_966 : vector<1x32x512xf32> to vector<32x512xf32>
    %get3A_968 = arith.constant 23 : index
    %get3A_969 = arith.constant 0 : index
    %get3A_970 = arith.constant 0 : index
    %get3A_971 = vector.load %arg2[%get3A_968, %get3A_969, %get3A_970] : memref<50x32x512xf32, #tpu.memory_space<vmem>>, vector<1x32x512xf32>
    %get3A_972 = vector.shape_cast %get3A_971 : vector<1x32x512xf32> to vector<32x512xf32>
    %concatenate3A_973 = tpu.concatenate %get3A_967, %get3A_972 in 0 : vector<32x512xf32>, vector<32x512xf32> -> vector<64x512xf32>
    %mul3A_974 = arith.mulf %concatenate3A, %concatenate3A_973 : vector<64x512xf32>
    %concatenate3A_975 = tpu.concatenate %concatenate3A_973, %mul3A_974 in 0 : vector<64x512xf32>, vector<64x512xf32> -> vector<128x512xf32>
    %get3A_976 = arith.constant 0 : index
    %get3A_977 = arith.constant 0 : index
    %get3A_978 = vector.load %arg9[%get3A_976, %get3A_977] : memref<80x128xf32, #tpu.memory_space<vmem>>, vector<80x128xf32>
    %dot_general3A_979 = arith.constant dense<0.000000e+00> : vector<80x512xf32>
    %dot_general3A_980 = tpu.matmul %get3A_978, %concatenate3A_975, %dot_general3A_979 {dimension_numbers = #tpu.dot_dimension_numbers<[1], [0], [0], [1], [0, 0, 1, 1], [], []>, transpose_lhs_hint = false} : vector<80x128xf32>, vector<128x512xf32>, vector<80x512xf32> -> vector<80x512xf32>
    %add3A_981 = arith.addf %add3A_12, %dot_general3A_980 : vector<80x512xf32>
    %max3A_982 = arith.constant 0.000000e+00 : f32
    %max3A_983 = vector.broadcast %max3A_982 : f32 to vector<80x512xf32>
    %max3A_984 = arith.maximumf %add3A_981, %max3A_983 : vector<80x512xf32>
    %mul3A_985 = vector.broadcast %get3A_15 : vector<80x1xf32> to vector<80x512xf32>
    %mul3A_986 = arith.mulf %max3A_984, %mul3A_985 : vector<80x512xf32>
    %reduce_sum3A_987 = arith.constant dense<0.000000e+00> : vector<512xf32>
    %reduce_sum3A_988 = vector.multi_reduction <add>, %mul3A_986, %reduce_sum3A_987 [0] : vector<80x512xf32> to vector<512xf32>
    %broadcast_in_dim3A_989 = vector.shape_cast %reduce_sum3A_988 : vector<512xf32> to vector<1x512xf32>
    %add3A_990 = vector.broadcast %get3A_19 : f32 to vector<1x512xf32>
    %add3A_991 = arith.addf %broadcast_in_dim3A_989, %add3A_990 : vector<1x512xf32>
    %max3A_992 = arith.maximumf %max3A_951, %add3A_991 : vector<1x512xf32>
    %sub3A_993 = arith.subf %max3A_951, %max3A_992 : vector<1x512xf32>
    %exp3A_994 = math.exp %sub3A_993 : vector<1x512xf32>
    %sub3A_995 = arith.subf %add3A_991, %max3A_992 : vector<1x512xf32>
    %exp3A_996 = math.exp %sub3A_995 : vector<1x512xf32>
    %mul3A_997 = arith.mulf %add3A_957, %exp3A_994 : vector<1x512xf32>
    %add3A_998 = arith.addf %mul3A_997, %exp3A_996 : vector<1x512xf32>
    %mul3A_999 = vector.broadcast %exp3A_994 : vector<1x512xf32> to vector<64x512xf32>
    %mul3A_1000 = arith.mulf %add3A_962, %mul3A_999 : vector<64x512xf32>
    %mul3A_1001 = vector.broadcast %exp3A_996 : vector<1x512xf32> to vector<64x512xf32>
    %mul3A_1002 = arith.mulf %mul3A_1001, %concatenate3A_973 : vector<64x512xf32>
    %add3A_1003 = arith.addf %mul3A_1000, %mul3A_1002 : vector<64x512xf32>
    %get3A_1004 = arith.constant 24 : index
    %get3A_1005 = arith.constant 0 : index
    %get3A_1006 = arith.constant 0 : index
    %get3A_1007 = vector.load %arg1[%get3A_1004, %get3A_1005, %get3A_1006] : memref<50x32x512xf32, #tpu.memory_space<vmem>>, vector<1x32x512xf32>
    %get3A_1008 = vector.shape_cast %get3A_1007 : vector<1x32x512xf32> to vector<32x512xf32>
    %get3A_1009 = arith.constant 24 : index
    %get3A_1010 = arith.constant 0 : index
    %get3A_1011 = arith.constant 0 : index
    %get3A_1012 = vector.load %arg2[%get3A_1009, %get3A_1010, %get3A_1011] : memref<50x32x512xf32, #tpu.memory_space<vmem>>, vector<1x32x512xf32>
    %get3A_1013 = vector.shape_cast %get3A_1012 : vector<1x32x512xf32> to vector<32x512xf32>
    %concatenate3A_1014 = tpu.concatenate %get3A_1008, %get3A_1013 in 0 : vector<32x512xf32>, vector<32x512xf32> -> vector<64x512xf32>
    %mul3A_1015 = arith.mulf %concatenate3A, %concatenate3A_1014 : vector<64x512xf32>
    %concatenate3A_1016 = tpu.concatenate %concatenate3A_1014, %mul3A_1015 in 0 : vector<64x512xf32>, vector<64x512xf32> -> vector<128x512xf32>
    %get3A_1017 = arith.constant 0 : index
    %get3A_1018 = arith.constant 0 : index
    %get3A_1019 = vector.load %arg9[%get3A_1017, %get3A_1018] : memref<80x128xf32, #tpu.memory_space<vmem>>, vector<80x128xf32>
    %dot_general3A_1020 = arith.constant dense<0.000000e+00> : vector<80x512xf32>
    %dot_general3A_1021 = tpu.matmul %get3A_1019, %concatenate3A_1016, %dot_general3A_1020 {dimension_numbers = #tpu.dot_dimension_numbers<[1], [0], [0], [1], [0, 0, 1, 1], [], []>, transpose_lhs_hint = false} : vector<80x128xf32>, vector<128x512xf32>, vector<80x512xf32> -> vector<80x512xf32>
    %add3A_1022 = arith.addf %add3A_12, %dot_general3A_1021 : vector<80x512xf32>
    %max3A_1023 = arith.constant 0.000000e+00 : f32
    %max3A_1024 = vector.broadcast %max3A_1023 : f32 to vector<80x512xf32>
    %max3A_1025 = arith.maximumf %add3A_1022, %max3A_1024 : vector<80x512xf32>
    %mul3A_1026 = vector.broadcast %get3A_15 : vector<80x1xf32> to vector<80x512xf32>
    %mul3A_1027 = arith.mulf %max3A_1025, %mul3A_1026 : vector<80x512xf32>
    %reduce_sum3A_1028 = arith.constant dense<0.000000e+00> : vector<512xf32>
    %reduce_sum3A_1029 = vector.multi_reduction <add>, %mul3A_1027, %reduce_sum3A_1028 [0] : vector<80x512xf32> to vector<512xf32>
    %broadcast_in_dim3A_1030 = vector.shape_cast %reduce_sum3A_1029 : vector<512xf32> to vector<1x512xf32>
    %add3A_1031 = vector.broadcast %get3A_19 : f32 to vector<1x512xf32>
    %add3A_1032 = arith.addf %broadcast_in_dim3A_1030, %add3A_1031 : vector<1x512xf32>
    %max3A_1033 = arith.maximumf %max3A_992, %add3A_1032 : vector<1x512xf32>
    %sub3A_1034 = arith.subf %max3A_992, %max3A_1033 : vector<1x512xf32>
    %exp3A_1035 = math.exp %sub3A_1034 : vector<1x512xf32>
    %sub3A_1036 = arith.subf %add3A_1032, %max3A_1033 : vector<1x512xf32>
    %exp3A_1037 = math.exp %sub3A_1036 : vector<1x512xf32>
    %mul3A_1038 = arith.mulf %add3A_998, %exp3A_1035 : vector<1x512xf32>
    %add3A_1039 = arith.addf %mul3A_1038, %exp3A_1037 : vector<1x512xf32>
    %mul3A_1040 = vector.broadcast %exp3A_1035 : vector<1x512xf32> to vector<64x512xf32>
    %mul3A_1041 = arith.mulf %add3A_1003, %mul3A_1040 : vector<64x512xf32>
    %mul3A_1042 = vector.broadcast %exp3A_1037 : vector<1x512xf32> to vector<64x512xf32>
    %mul3A_1043 = arith.mulf %mul3A_1042, %concatenate3A_1014 : vector<64x512xf32>
    %add3A_1044 = arith.addf %mul3A_1041, %mul3A_1043 : vector<64x512xf32>
    %get3A_1045 = arith.constant 25 : index
    %get3A_1046 = arith.constant 0 : index
    %get3A_1047 = arith.constant 0 : index
    %get3A_1048 = vector.load %arg1[%get3A_1045, %get3A_1046, %get3A_1047] : memref<50x32x512xf32, #tpu.memory_space<vmem>>, vector<1x32x512xf32>
    %get3A_1049 = vector.shape_cast %get3A_1048 : vector<1x32x512xf32> to vector<32x512xf32>
    %get3A_1050 = arith.constant 25 : index
    %get3A_1051 = arith.constant 0 : index
    %get3A_1052 = arith.constant 0 : index
    %get3A_1053 = vector.load %arg2[%get3A_1050, %get3A_1051, %get3A_1052] : memref<50x32x512xf32, #tpu.memory_space<vmem>>, vector<1x32x512xf32>
    %get3A_1054 = vector.shape_cast %get3A_1053 : vector<1x32x512xf32> to vector<32x512xf32>
    %concatenate3A_1055 = tpu.concatenate %get3A_1049, %get3A_1054 in 0 : vector<32x512xf32>, vector<32x512xf32> -> vector<64x512xf32>
    %mul3A_1056 = arith.mulf %concatenate3A, %concatenate3A_1055 : vector<64x512xf32>
    %concatenate3A_1057 = tpu.concatenate %concatenate3A_1055, %mul3A_1056 in 0 : vector<64x512xf32>, vector<64x512xf32> -> vector<128x512xf32>
    %get3A_1058 = arith.constant 0 : index
    %get3A_1059 = arith.constant 0 : index
    %get3A_1060 = vector.load %arg9[%get3A_1058, %get3A_1059] : memref<80x128xf32, #tpu.memory_space<vmem>>, vector<80x128xf32>
    %dot_general3A_1061 = arith.constant dense<0.000000e+00> : vector<80x512xf32>
    %dot_general3A_1062 = tpu.matmul %get3A_1060, %concatenate3A_1057, %dot_general3A_1061 {dimension_numbers = #tpu.dot_dimension_numbers<[1], [0], [0], [1], [0, 0, 1, 1], [], []>, transpose_lhs_hint = false} : vector<80x128xf32>, vector<128x512xf32>, vector<80x512xf32> -> vector<80x512xf32>
    %add3A_1063 = arith.addf %add3A_12, %dot_general3A_1062 : vector<80x512xf32>
    %max3A_1064 = arith.constant 0.000000e+00 : f32
    %max3A_1065 = vector.broadcast %max3A_1064 : f32 to vector<80x512xf32>
    %max3A_1066 = arith.maximumf %add3A_1063, %max3A_1065 : vector<80x512xf32>
    %mul3A_1067 = vector.broadcast %get3A_15 : vector<80x1xf32> to vector<80x512xf32>
    %mul3A_1068 = arith.mulf %max3A_1066, %mul3A_1067 : vector<80x512xf32>
    %reduce_sum3A_1069 = arith.constant dense<0.000000e+00> : vector<512xf32>
    %reduce_sum3A_1070 = vector.multi_reduction <add>, %mul3A_1068, %reduce_sum3A_1069 [0] : vector<80x512xf32> to vector<512xf32>
    %broadcast_in_dim3A_1071 = vector.shape_cast %reduce_sum3A_1070 : vector<512xf32> to vector<1x512xf32>
    %add3A_1072 = vector.broadcast %get3A_19 : f32 to vector<1x512xf32>
    %add3A_1073 = arith.addf %broadcast_in_dim3A_1071, %add3A_1072 : vector<1x512xf32>
    %max3A_1074 = arith.maximumf %max3A_1033, %add3A_1073 : vector<1x512xf32>
    %sub3A_1075 = arith.subf %max3A_1033, %max3A_1074 : vector<1x512xf32>
    %exp3A_1076 = math.exp %sub3A_1075 : vector<1x512xf32>
    %sub3A_1077 = arith.subf %add3A_1073, %max3A_1074 : vector<1x512xf32>
    %exp3A_1078 = math.exp %sub3A_1077 : vector<1x512xf32>
    %mul3A_1079 = arith.mulf %add3A_1039, %exp3A_1076 : vector<1x512xf32>
    %add3A_1080 = arith.addf %mul3A_1079, %exp3A_1078 : vector<1x512xf32>
    %mul3A_1081 = vector.broadcast %exp3A_1076 : vector<1x512xf32> to vector<64x512xf32>
    %mul3A_1082 = arith.mulf %add3A_1044, %mul3A_1081 : vector<64x512xf32>
    %mul3A_1083 = vector.broadcast %exp3A_1078 : vector<1x512xf32> to vector<64x512xf32>
    %mul3A_1084 = arith.mulf %mul3A_1083, %concatenate3A_1055 : vector<64x512xf32>
    %add3A_1085 = arith.addf %mul3A_1082, %mul3A_1084 : vector<64x512xf32>
    %get3A_1086 = arith.constant 26 : index
    %get3A_1087 = arith.constant 0 : index
    %get3A_1088 = arith.constant 0 : index
    %get3A_1089 = vector.load %arg1[%get3A_1086, %get3A_1087, %get3A_1088] : memref<50x32x512xf32, #tpu.memory_space<vmem>>, vector<1x32x512xf32>
    %get3A_1090 = vector.shape_cast %get3A_1089 : vector<1x32x512xf32> to vector<32x512xf32>
    %get3A_1091 = arith.constant 26 : index
    %get3A_1092 = arith.constant 0 : index
    %get3A_1093 = arith.constant 0 : index
    %get3A_1094 = vector.load %arg2[%get3A_1091, %get3A_1092, %get3A_1093] : memref<50x32x512xf32, #tpu.memory_space<vmem>>, vector<1x32x512xf32>
    %get3A_1095 = vector.shape_cast %get3A_1094 : vector<1x32x512xf32> to vector<32x512xf32>
    %concatenate3A_1096 = tpu.concatenate %get3A_1090, %get3A_1095 in 0 : vector<32x512xf32>, vector<32x512xf32> -> vector<64x512xf32>
    %mul3A_1097 = arith.mulf %concatenate3A, %concatenate3A_1096 : vector<64x512xf32>
    %concatenate3A_1098 = tpu.concatenate %concatenate3A_1096, %mul3A_1097 in 0 : vector<64x512xf32>, vector<64x512xf32> -> vector<128x512xf32>
    %get3A_1099 = arith.constant 0 : index
    %get3A_1100 = arith.constant 0 : index
    %get3A_1101 = vector.load %arg9[%get3A_1099, %get3A_1100] : memref<80x128xf32, #tpu.memory_space<vmem>>, vector<80x128xf32>
    %dot_general3A_1102 = arith.constant dense<0.000000e+00> : vector<80x512xf32>
    %dot_general3A_1103 = tpu.matmul %get3A_1101, %concatenate3A_1098, %dot_general3A_1102 {dimension_numbers = #tpu.dot_dimension_numbers<[1], [0], [0], [1], [0, 0, 1, 1], [], []>, transpose_lhs_hint = false} : vector<80x128xf32>, vector<128x512xf32>, vector<80x512xf32> -> vector<80x512xf32>
    %add3A_1104 = arith.addf %add3A_12, %dot_general3A_1103 : vector<80x512xf32>
    %max3A_1105 = arith.constant 0.000000e+00 : f32
    %max3A_1106 = vector.broadcast %max3A_1105 : f32 to vector<80x512xf32>
    %max3A_1107 = arith.maximumf %add3A_1104, %max3A_1106 : vector<80x512xf32>
    %mul3A_1108 = vector.broadcast %get3A_15 : vector<80x1xf32> to vector<80x512xf32>
    %mul3A_1109 = arith.mulf %max3A_1107, %mul3A_1108 : vector<80x512xf32>
    %reduce_sum3A_1110 = arith.constant dense<0.000000e+00> : vector<512xf32>
    %reduce_sum3A_1111 = vector.multi_reduction <add>, %mul3A_1109, %reduce_sum3A_1110 [0] : vector<80x512xf32> to vector<512xf32>
    %broadcast_in_dim3A_1112 = vector.shape_cast %reduce_sum3A_1111 : vector<512xf32> to vector<1x512xf32>
    %add3A_1113 = vector.broadcast %get3A_19 : f32 to vector<1x512xf32>
    %add3A_1114 = arith.addf %broadcast_in_dim3A_1112, %add3A_1113 : vector<1x512xf32>
    %max3A_1115 = arith.maximumf %max3A_1074, %add3A_1114 : vector<1x512xf32>
    %sub3A_1116 = arith.subf %max3A_1074, %max3A_1115 : vector<1x512xf32>
    %exp3A_1117 = math.exp %sub3A_1116 : vector<1x512xf32>
    %sub3A_1118 = arith.subf %add3A_1114, %max3A_1115 : vector<1x512xf32>
    %exp3A_1119 = math.exp %sub3A_1118 : vector<1x512xf32>
    %mul3A_1120 = arith.mulf %add3A_1080, %exp3A_1117 : vector<1x512xf32>
    %add3A_1121 = arith.addf %mul3A_1120, %exp3A_1119 : vector<1x512xf32>
    %mul3A_1122 = vector.broadcast %exp3A_1117 : vector<1x512xf32> to vector<64x512xf32>
    %mul3A_1123 = arith.mulf %add3A_1085, %mul3A_1122 : vector<64x512xf32>
    %mul3A_1124 = vector.broadcast %exp3A_1119 : vector<1x512xf32> to vector<64x512xf32>
    %mul3A_1125 = arith.mulf %mul3A_1124, %concatenate3A_1096 : vector<64x512xf32>
    %add3A_1126 = arith.addf %mul3A_1123, %mul3A_1125 : vector<64x512xf32>
    %get3A_1127 = arith.constant 27 : index
    %get3A_1128 = arith.constant 0 : index
    %get3A_1129 = arith.constant 0 : index
    %get3A_1130 = vector.load %arg1[%get3A_1127, %get3A_1128, %get3A_1129] : memref<50x32x512xf32, #tpu.memory_space<vmem>>, vector<1x32x512xf32>
    %get3A_1131 = vector.shape_cast %get3A_1130 : vector<1x32x512xf32> to vector<32x512xf32>
    %get3A_1132 = arith.constant 27 : index
    %get3A_1133 = arith.constant 0 : index
    %get3A_1134 = arith.constant 0 : index
    %get3A_1135 = vector.load %arg2[%get3A_1132, %get3A_1133, %get3A_1134] : memref<50x32x512xf32, #tpu.memory_space<vmem>>, vector<1x32x512xf32>
    %get3A_1136 = vector.shape_cast %get3A_1135 : vector<1x32x512xf32> to vector<32x512xf32>
    %concatenate3A_1137 = tpu.concatenate %get3A_1131, %get3A_1136 in 0 : vector<32x512xf32>, vector<32x512xf32> -> vector<64x512xf32>
    %mul3A_1138 = arith.mulf %concatenate3A, %concatenate3A_1137 : vector<64x512xf32>
    %concatenate3A_1139 = tpu.concatenate %concatenate3A_1137, %mul3A_1138 in 0 : vector<64x512xf32>, vector<64x512xf32> -> vector<128x512xf32>
    %get3A_1140 = arith.constant 0 : index
    %get3A_1141 = arith.constant 0 : index
    %get3A_1142 = vector.load %arg9[%get3A_1140, %get3A_1141] : memref<80x128xf32, #tpu.memory_space<vmem>>, vector<80x128xf32>
    %dot_general3A_1143 = arith.constant dense<0.000000e+00> : vector<80x512xf32>
    %dot_general3A_1144 = tpu.matmul %get3A_1142, %concatenate3A_1139, %dot_general3A_1143 {dimension_numbers = #tpu.dot_dimension_numbers<[1], [0], [0], [1], [0, 0, 1, 1], [], []>, transpose_lhs_hint = false} : vector<80x128xf32>, vector<128x512xf32>, vector<80x512xf32> -> vector<80x512xf32>
    %add3A_1145 = arith.addf %add3A_12, %dot_general3A_1144 : vector<80x512xf32>
    %max3A_1146 = arith.constant 0.000000e+00 : f32
    %max3A_1147 = vector.broadcast %max3A_1146 : f32 to vector<80x512xf32>
    %max3A_1148 = arith.maximumf %add3A_1145, %max3A_1147 : vector<80x512xf32>
    %mul3A_1149 = vector.broadcast %get3A_15 : vector<80x1xf32> to vector<80x512xf32>
    %mul3A_1150 = arith.mulf %max3A_1148, %mul3A_1149 : vector<80x512xf32>
    %reduce_sum3A_1151 = arith.constant dense<0.000000e+00> : vector<512xf32>
    %reduce_sum3A_1152 = vector.multi_reduction <add>, %mul3A_1150, %reduce_sum3A_1151 [0] : vector<80x512xf32> to vector<512xf32>
    %broadcast_in_dim3A_1153 = vector.shape_cast %reduce_sum3A_1152 : vector<512xf32> to vector<1x512xf32>
    %add3A_1154 = vector.broadcast %get3A_19 : f32 to vector<1x512xf32>
    %add3A_1155 = arith.addf %broadcast_in_dim3A_1153, %add3A_1154 : vector<1x512xf32>
    %max3A_1156 = arith.maximumf %max3A_1115, %add3A_1155 : vector<1x512xf32>
    %sub3A_1157 = arith.subf %max3A_1115, %max3A_1156 : vector<1x512xf32>
    %exp3A_1158 = math.exp %sub3A_1157 : vector<1x512xf32>
    %sub3A_1159 = arith.subf %add3A_1155, %max3A_1156 : vector<1x512xf32>
    %exp3A_1160 = math.exp %sub3A_1159 : vector<1x512xf32>
    %mul3A_1161 = arith.mulf %add3A_1121, %exp3A_1158 : vector<1x512xf32>
    %add3A_1162 = arith.addf %mul3A_1161, %exp3A_1160 : vector<1x512xf32>
    %mul3A_1163 = vector.broadcast %exp3A_1158 : vector<1x512xf32> to vector<64x512xf32>
    %mul3A_1164 = arith.mulf %add3A_1126, %mul3A_1163 : vector<64x512xf32>
    %mul3A_1165 = vector.broadcast %exp3A_1160 : vector<1x512xf32> to vector<64x512xf32>
    %mul3A_1166 = arith.mulf %mul3A_1165, %concatenate3A_1137 : vector<64x512xf32>
    %add3A_1167 = arith.addf %mul3A_1164, %mul3A_1166 : vector<64x512xf32>
    %get3A_1168 = arith.constant 28 : index
    %get3A_1169 = arith.constant 0 : index
    %get3A_1170 = arith.constant 0 : index
    %get3A_1171 = vector.load %arg1[%get3A_1168, %get3A_1169, %get3A_1170] : memref<50x32x512xf32, #tpu.memory_space<vmem>>, vector<1x32x512xf32>
    %get3A_1172 = vector.shape_cast %get3A_1171 : vector<1x32x512xf32> to vector<32x512xf32>
    %get3A_1173 = arith.constant 28 : index
    %get3A_1174 = arith.constant 0 : index
    %get3A_1175 = arith.constant 0 : index
    %get3A_1176 = vector.load %arg2[%get3A_1173, %get3A_1174, %get3A_1175] : memref<50x32x512xf32, #tpu.memory_space<vmem>>, vector<1x32x512xf32>
    %get3A_1177 = vector.shape_cast %get3A_1176 : vector<1x32x512xf32> to vector<32x512xf32>
    %concatenate3A_1178 = tpu.concatenate %get3A_1172, %get3A_1177 in 0 : vector<32x512xf32>, vector<32x512xf32> -> vector<64x512xf32>
    %mul3A_1179 = arith.mulf %concatenate3A, %concatenate3A_1178 : vector<64x512xf32>
    %concatenate3A_1180 = tpu.concatenate %concatenate3A_1178, %mul3A_1179 in 0 : vector<64x512xf32>, vector<64x512xf32> -> vector<128x512xf32>
    %get3A_1181 = arith.constant 0 : index
    %get3A_1182 = arith.constant 0 : index
    %get3A_1183 = vector.load %arg9[%get3A_1181, %get3A_1182] : memref<80x128xf32, #tpu.memory_space<vmem>>, vector<80x128xf32>
    %dot_general3A_1184 = arith.constant dense<0.000000e+00> : vector<80x512xf32>
    %dot_general3A_1185 = tpu.matmul %get3A_1183, %concatenate3A_1180, %dot_general3A_1184 {dimension_numbers = #tpu.dot_dimension_numbers<[1], [0], [0], [1], [0, 0, 1, 1], [], []>, transpose_lhs_hint = false} : vector<80x128xf32>, vector<128x512xf32>, vector<80x512xf32> -> vector<80x512xf32>
    %add3A_1186 = arith.addf %add3A_12, %dot_general3A_1185 : vector<80x512xf32>
    %max3A_1187 = arith.constant 0.000000e+00 : f32
    %max3A_1188 = vector.broadcast %max3A_1187 : f32 to vector<80x512xf32>
    %max3A_1189 = arith.maximumf %add3A_1186, %max3A_1188 : vector<80x512xf32>
    %mul3A_1190 = vector.broadcast %get3A_15 : vector<80x1xf32> to vector<80x512xf32>
    %mul3A_1191 = arith.mulf %max3A_1189, %mul3A_1190 : vector<80x512xf32>
    %reduce_sum3A_1192 = arith.constant dense<0.000000e+00> : vector<512xf32>
    %reduce_sum3A_1193 = vector.multi_reduction <add>, %mul3A_1191, %reduce_sum3A_1192 [0] : vector<80x512xf32> to vector<512xf32>
    %broadcast_in_dim3A_1194 = vector.shape_cast %reduce_sum3A_1193 : vector<512xf32> to vector<1x512xf32>
    %add3A_1195 = vector.broadcast %get3A_19 : f32 to vector<1x512xf32>
    %add3A_1196 = arith.addf %broadcast_in_dim3A_1194, %add3A_1195 : vector<1x512xf32>
    %max3A_1197 = arith.maximumf %max3A_1156, %add3A_1196 : vector<1x512xf32>
    %sub3A_1198 = arith.subf %max3A_1156, %max3A_1197 : vector<1x512xf32>
    %exp3A_1199 = math.exp %sub3A_1198 : vector<1x512xf32>
    %sub3A_1200 = arith.subf %add3A_1196, %max3A_1197 : vector<1x512xf32>
    %exp3A_1201 = math.exp %sub3A_1200 : vector<1x512xf32>
    %mul3A_1202 = arith.mulf %add3A_1162, %exp3A_1199 : vector<1x512xf32>
    %add3A_1203 = arith.addf %mul3A_1202, %exp3A_1201 : vector<1x512xf32>
    %mul3A_1204 = vector.broadcast %exp3A_1199 : vector<1x512xf32> to vector<64x512xf32>
    %mul3A_1205 = arith.mulf %add3A_1167, %mul3A_1204 : vector<64x512xf32>
    %mul3A_1206 = vector.broadcast %exp3A_1201 : vector<1x512xf32> to vector<64x512xf32>
    %mul3A_1207 = arith.mulf %mul3A_1206, %concatenate3A_1178 : vector<64x512xf32>
    %add3A_1208 = arith.addf %mul3A_1205, %mul3A_1207 : vector<64x512xf32>
    %get3A_1209 = arith.constant 29 : index
    %get3A_1210 = arith.constant 0 : index
    %get3A_1211 = arith.constant 0 : index
    %get3A_1212 = vector.load %arg1[%get3A_1209, %get3A_1210, %get3A_1211] : memref<50x32x512xf32, #tpu.memory_space<vmem>>, vector<1x32x512xf32>
    %get3A_1213 = vector.shape_cast %get3A_1212 : vector<1x32x512xf32> to vector<32x512xf32>
    %get3A_1214 = arith.constant 29 : index
    %get3A_1215 = arith.constant 0 : index
    %get3A_1216 = arith.constant 0 : index
    %get3A_1217 = vector.load %arg2[%get3A_1214, %get3A_1215, %get3A_1216] : memref<50x32x512xf32, #tpu.memory_space<vmem>>, vector<1x32x512xf32>
    %get3A_1218 = vector.shape_cast %get3A_1217 : vector<1x32x512xf32> to vector<32x512xf32>
    %concatenate3A_1219 = tpu.concatenate %get3A_1213, %get3A_1218 in 0 : vector<32x512xf32>, vector<32x512xf32> -> vector<64x512xf32>
    %mul3A_1220 = arith.mulf %concatenate3A, %concatenate3A_1219 : vector<64x512xf32>
    %concatenate3A_1221 = tpu.concatenate %concatenate3A_1219, %mul3A_1220 in 0 : vector<64x512xf32>, vector<64x512xf32> -> vector<128x512xf32>
    %get3A_1222 = arith.constant 0 : index
    %get3A_1223 = arith.constant 0 : index
    %get3A_1224 = vector.load %arg9[%get3A_1222, %get3A_1223] : memref<80x128xf32, #tpu.memory_space<vmem>>, vector<80x128xf32>
    %dot_general3A_1225 = arith.constant dense<0.000000e+00> : vector<80x512xf32>
    %dot_general3A_1226 = tpu.matmul %get3A_1224, %concatenate3A_1221, %dot_general3A_1225 {dimension_numbers = #tpu.dot_dimension_numbers<[1], [0], [0], [1], [0, 0, 1, 1], [], []>, transpose_lhs_hint = false} : vector<80x128xf32>, vector<128x512xf32>, vector<80x512xf32> -> vector<80x512xf32>
    %add3A_1227 = arith.addf %add3A_12, %dot_general3A_1226 : vector<80x512xf32>
    %max3A_1228 = arith.constant 0.000000e+00 : f32
    %max3A_1229 = vector.broadcast %max3A_1228 : f32 to vector<80x512xf32>
    %max3A_1230 = arith.maximumf %add3A_1227, %max3A_1229 : vector<80x512xf32>
    %mul3A_1231 = vector.broadcast %get3A_15 : vector<80x1xf32> to vector<80x512xf32>
    %mul3A_1232 = arith.mulf %max3A_1230, %mul3A_1231 : vector<80x512xf32>
    %reduce_sum3A_1233 = arith.constant dense<0.000000e+00> : vector<512xf32>
    %reduce_sum3A_1234 = vector.multi_reduction <add>, %mul3A_1232, %reduce_sum3A_1233 [0] : vector<80x512xf32> to vector<512xf32>
    %broadcast_in_dim3A_1235 = vector.shape_cast %reduce_sum3A_1234 : vector<512xf32> to vector<1x512xf32>
    %add3A_1236 = vector.broadcast %get3A_19 : f32 to vector<1x512xf32>
    %add3A_1237 = arith.addf %broadcast_in_dim3A_1235, %add3A_1236 : vector<1x512xf32>
    %max3A_1238 = arith.maximumf %max3A_1197, %add3A_1237 : vector<1x512xf32>
    %sub3A_1239 = arith.subf %max3A_1197, %max3A_1238 : vector<1x512xf32>
    %exp3A_1240 = math.exp %sub3A_1239 : vector<1x512xf32>
    %sub3A_1241 = arith.subf %add3A_1237, %max3A_1238 : vector<1x512xf32>
    %exp3A_1242 = math.exp %sub3A_1241 : vector<1x512xf32>
    %mul3A_1243 = arith.mulf %add3A_1203, %exp3A_1240 : vector<1x512xf32>
    %add3A_1244 = arith.addf %mul3A_1243, %exp3A_1242 : vector<1x512xf32>
    %mul3A_1245 = vector.broadcast %exp3A_1240 : vector<1x512xf32> to vector<64x512xf32>
    %mul3A_1246 = arith.mulf %add3A_1208, %mul3A_1245 : vector<64x512xf32>
    %mul3A_1247 = vector.broadcast %exp3A_1242 : vector<1x512xf32> to vector<64x512xf32>
    %mul3A_1248 = arith.mulf %mul3A_1247, %concatenate3A_1219 : vector<64x512xf32>
    %add3A_1249 = arith.addf %mul3A_1246, %mul3A_1248 : vector<64x512xf32>
    %get3A_1250 = arith.constant 30 : index
    %get3A_1251 = arith.constant 0 : index
    %get3A_1252 = arith.constant 0 : index
    %get3A_1253 = vector.load %arg1[%get3A_1250, %get3A_1251, %get3A_1252] : memref<50x32x512xf32, #tpu.memory_space<vmem>>, vector<1x32x512xf32>
    %get3A_1254 = vector.shape_cast %get3A_1253 : vector<1x32x512xf32> to vector<32x512xf32>
    %get3A_1255 = arith.constant 30 : index
    %get3A_1256 = arith.constant 0 : index
    %get3A_1257 = arith.constant 0 : index
    %get3A_1258 = vector.load %arg2[%get3A_1255, %get3A_1256, %get3A_1257] : memref<50x32x512xf32, #tpu.memory_space<vmem>>, vector<1x32x512xf32>
    %get3A_1259 = vector.shape_cast %get3A_1258 : vector<1x32x512xf32> to vector<32x512xf32>
    %concatenate3A_1260 = tpu.concatenate %get3A_1254, %get3A_1259 in 0 : vector<32x512xf32>, vector<32x512xf32> -> vector<64x512xf32>
    %mul3A_1261 = arith.mulf %concatenate3A, %concatenate3A_1260 : vector<64x512xf32>
    %concatenate3A_1262 = tpu.concatenate %concatenate3A_1260, %mul3A_1261 in 0 : vector<64x512xf32>, vector<64x512xf32> -> vector<128x512xf32>
    %get3A_1263 = arith.constant 0 : index
    %get3A_1264 = arith.constant 0 : index
    %get3A_1265 = vector.load %arg9[%get3A_1263, %get3A_1264] : memref<80x128xf32, #tpu.memory_space<vmem>>, vector<80x128xf32>
    %dot_general3A_1266 = arith.constant dense<0.000000e+00> : vector<80x512xf32>
    %dot_general3A_1267 = tpu.matmul %get3A_1265, %concatenate3A_1262, %dot_general3A_1266 {dimension_numbers = #tpu.dot_dimension_numbers<[1], [0], [0], [1], [0, 0, 1, 1], [], []>, transpose_lhs_hint = false} : vector<80x128xf32>, vector<128x512xf32>, vector<80x512xf32> -> vector<80x512xf32>
    %add3A_1268 = arith.addf %add3A_12, %dot_general3A_1267 : vector<80x512xf32>
    %max3A_1269 = arith.constant 0.000000e+00 : f32
    %max3A_1270 = vector.broadcast %max3A_1269 : f32 to vector<80x512xf32>
    %max3A_1271 = arith.maximumf %add3A_1268, %max3A_1270 : vector<80x512xf32>
    %mul3A_1272 = vector.broadcast %get3A_15 : vector<80x1xf32> to vector<80x512xf32>
    %mul3A_1273 = arith.mulf %max3A_1271, %mul3A_1272 : vector<80x512xf32>
    %reduce_sum3A_1274 = arith.constant dense<0.000000e+00> : vector<512xf32>
    %reduce_sum3A_1275 = vector.multi_reduction <add>, %mul3A_1273, %reduce_sum3A_1274 [0] : vector<80x512xf32> to vector<512xf32>
    %broadcast_in_dim3A_1276 = vector.shape_cast %reduce_sum3A_1275 : vector<512xf32> to vector<1x512xf32>
    %add3A_1277 = vector.broadcast %get3A_19 : f32 to vector<1x512xf32>
    %add3A_1278 = arith.addf %broadcast_in_dim3A_1276, %add3A_1277 : vector<1x512xf32>
    %max3A_1279 = arith.maximumf %max3A_1238, %add3A_1278 : vector<1x512xf32>
    %sub3A_1280 = arith.subf %max3A_1238, %max3A_1279 : vector<1x512xf32>
    %exp3A_1281 = math.exp %sub3A_1280 : vector<1x512xf32>
    %sub3A_1282 = arith.subf %add3A_1278, %max3A_1279 : vector<1x512xf32>
    %exp3A_1283 = math.exp %sub3A_1282 : vector<1x512xf32>
    %mul3A_1284 = arith.mulf %add3A_1244, %exp3A_1281 : vector<1x512xf32>
    %add3A_1285 = arith.addf %mul3A_1284, %exp3A_1283 : vector<1x512xf32>
    %mul3A_1286 = vector.broadcast %exp3A_1281 : vector<1x512xf32> to vector<64x512xf32>
    %mul3A_1287 = arith.mulf %add3A_1249, %mul3A_1286 : vector<64x512xf32>
    %mul3A_1288 = vector.broadcast %exp3A_1283 : vector<1x512xf32> to vector<64x512xf32>
    %mul3A_1289 = arith.mulf %mul3A_1288, %concatenate3A_1260 : vector<64x512xf32>
    %add3A_1290 = arith.addf %mul3A_1287, %mul3A_1289 : vector<64x512xf32>
    %get3A_1291 = arith.constant 31 : index
    %get3A_1292 = arith.constant 0 : index
    %get3A_1293 = arith.constant 0 : index
    %get3A_1294 = vector.load %arg1[%get3A_1291, %get3A_1292, %get3A_1293] : memref<50x32x512xf32, #tpu.memory_space<vmem>>, vector<1x32x512xf32>
    %get3A_1295 = vector.shape_cast %get3A_1294 : vector<1x32x512xf32> to vector<32x512xf32>
    %get3A_1296 = arith.constant 31 : index
    %get3A_1297 = arith.constant 0 : index
    %get3A_1298 = arith.constant 0 : index
    %get3A_1299 = vector.load %arg2[%get3A_1296, %get3A_1297, %get3A_1298] : memref<50x32x512xf32, #tpu.memory_space<vmem>>, vector<1x32x512xf32>
    %get3A_1300 = vector.shape_cast %get3A_1299 : vector<1x32x512xf32> to vector<32x512xf32>
    %concatenate3A_1301 = tpu.concatenate %get3A_1295, %get3A_1300 in 0 : vector<32x512xf32>, vector<32x512xf32> -> vector<64x512xf32>
    %mul3A_1302 = arith.mulf %concatenate3A, %concatenate3A_1301 : vector<64x512xf32>
    %concatenate3A_1303 = tpu.concatenate %concatenate3A_1301, %mul3A_1302 in 0 : vector<64x512xf32>, vector<64x512xf32> -> vector<128x512xf32>
    %get3A_1304 = arith.constant 0 : index
    %get3A_1305 = arith.constant 0 : index
    %get3A_1306 = vector.load %arg9[%get3A_1304, %get3A_1305] : memref<80x128xf32, #tpu.memory_space<vmem>>, vector<80x128xf32>
    %dot_general3A_1307 = arith.constant dense<0.000000e+00> : vector<80x512xf32>
    %dot_general3A_1308 = tpu.matmul %get3A_1306, %concatenate3A_1303, %dot_general3A_1307 {dimension_numbers = #tpu.dot_dimension_numbers<[1], [0], [0], [1], [0, 0, 1, 1], [], []>, transpose_lhs_hint = false} : vector<80x128xf32>, vector<128x512xf32>, vector<80x512xf32> -> vector<80x512xf32>
    %add3A_1309 = arith.addf %add3A_12, %dot_general3A_1308 : vector<80x512xf32>
    %max3A_1310 = arith.constant 0.000000e+00 : f32
    %max3A_1311 = vector.broadcast %max3A_1310 : f32 to vector<80x512xf32>
    %max3A_1312 = arith.maximumf %add3A_1309, %max3A_1311 : vector<80x512xf32>
    %mul3A_1313 = vector.broadcast %get3A_15 : vector<80x1xf32> to vector<80x512xf32>
    %mul3A_1314 = arith.mulf %max3A_1312, %mul3A_1313 : vector<80x512xf32>
    %reduce_sum3A_1315 = arith.constant dense<0.000000e+00> : vector<512xf32>
    %reduce_sum3A_1316 = vector.multi_reduction <add>, %mul3A_1314, %reduce_sum3A_1315 [0] : vector<80x512xf32> to vector<512xf32>
    %broadcast_in_dim3A_1317 = vector.shape_cast %reduce_sum3A_1316 : vector<512xf32> to vector<1x512xf32>
    %add3A_1318 = vector.broadcast %get3A_19 : f32 to vector<1x512xf32>
    %add3A_1319 = arith.addf %broadcast_in_dim3A_1317, %add3A_1318 : vector<1x512xf32>
    %max3A_1320 = arith.maximumf %max3A_1279, %add3A_1319 : vector<1x512xf32>
    %sub3A_1321 = arith.subf %max3A_1279, %max3A_1320 : vector<1x512xf32>
    %exp3A_1322 = math.exp %sub3A_1321 : vector<1x512xf32>
    %sub3A_1323 = arith.subf %add3A_1319, %max3A_1320 : vector<1x512xf32>
    %exp3A_1324 = math.exp %sub3A_1323 : vector<1x512xf32>
    %mul3A_1325 = arith.mulf %add3A_1285, %exp3A_1322 : vector<1x512xf32>
    %add3A_1326 = arith.addf %mul3A_1325, %exp3A_1324 : vector<1x512xf32>
    %mul3A_1327 = vector.broadcast %exp3A_1322 : vector<1x512xf32> to vector<64x512xf32>
    %mul3A_1328 = arith.mulf %add3A_1290, %mul3A_1327 : vector<64x512xf32>
    %mul3A_1329 = vector.broadcast %exp3A_1324 : vector<1x512xf32> to vector<64x512xf32>
    %mul3A_1330 = arith.mulf %mul3A_1329, %concatenate3A_1301 : vector<64x512xf32>
    %add3A_1331 = arith.addf %mul3A_1328, %mul3A_1330 : vector<64x512xf32>
    %get3A_1332 = arith.constant 32 : index
    %get3A_1333 = arith.constant 0 : index
    %get3A_1334 = arith.constant 0 : index
    %get3A_1335 = vector.load %arg1[%get3A_1332, %get3A_1333, %get3A_1334] : memref<50x32x512xf32, #tpu.memory_space<vmem>>, vector<1x32x512xf32>
    %get3A_1336 = vector.shape_cast %get3A_1335 : vector<1x32x512xf32> to vector<32x512xf32>
    %get3A_1337 = arith.constant 32 : index
    %get3A_1338 = arith.constant 0 : index
    %get3A_1339 = arith.constant 0 : index
    %get3A_1340 = vector.load %arg2[%get3A_1337, %get3A_1338, %get3A_1339] : memref<50x32x512xf32, #tpu.memory_space<vmem>>, vector<1x32x512xf32>
    %get3A_1341 = vector.shape_cast %get3A_1340 : vector<1x32x512xf32> to vector<32x512xf32>
    %concatenate3A_1342 = tpu.concatenate %get3A_1336, %get3A_1341 in 0 : vector<32x512xf32>, vector<32x512xf32> -> vector<64x512xf32>
    %mul3A_1343 = arith.mulf %concatenate3A, %concatenate3A_1342 : vector<64x512xf32>
    %concatenate3A_1344 = tpu.concatenate %concatenate3A_1342, %mul3A_1343 in 0 : vector<64x512xf32>, vector<64x512xf32> -> vector<128x512xf32>
    %get3A_1345 = arith.constant 0 : index
    %get3A_1346 = arith.constant 0 : index
    %get3A_1347 = vector.load %arg9[%get3A_1345, %get3A_1346] : memref<80x128xf32, #tpu.memory_space<vmem>>, vector<80x128xf32>
    %dot_general3A_1348 = arith.constant dense<0.000000e+00> : vector<80x512xf32>
    %dot_general3A_1349 = tpu.matmul %get3A_1347, %concatenate3A_1344, %dot_general3A_1348 {dimension_numbers = #tpu.dot_dimension_numbers<[1], [0], [0], [1], [0, 0, 1, 1], [], []>, transpose_lhs_hint = false} : vector<80x128xf32>, vector<128x512xf32>, vector<80x512xf32> -> vector<80x512xf32>
    %add3A_1350 = arith.addf %add3A_12, %dot_general3A_1349 : vector<80x512xf32>
    %max3A_1351 = arith.constant 0.000000e+00 : f32
    %max3A_1352 = vector.broadcast %max3A_1351 : f32 to vector<80x512xf32>
    %max3A_1353 = arith.maximumf %add3A_1350, %max3A_1352 : vector<80x512xf32>
    %mul3A_1354 = vector.broadcast %get3A_15 : vector<80x1xf32> to vector<80x512xf32>
    %mul3A_1355 = arith.mulf %max3A_1353, %mul3A_1354 : vector<80x512xf32>
    %reduce_sum3A_1356 = arith.constant dense<0.000000e+00> : vector<512xf32>
    %reduce_sum3A_1357 = vector.multi_reduction <add>, %mul3A_1355, %reduce_sum3A_1356 [0] : vector<80x512xf32> to vector<512xf32>
    %broadcast_in_dim3A_1358 = vector.shape_cast %reduce_sum3A_1357 : vector<512xf32> to vector<1x512xf32>
    %add3A_1359 = vector.broadcast %get3A_19 : f32 to vector<1x512xf32>
    %add3A_1360 = arith.addf %broadcast_in_dim3A_1358, %add3A_1359 : vector<1x512xf32>
    %max3A_1361 = arith.maximumf %max3A_1320, %add3A_1360 : vector<1x512xf32>
    %sub3A_1362 = arith.subf %max3A_1320, %max3A_1361 : vector<1x512xf32>
    %exp3A_1363 = math.exp %sub3A_1362 : vector<1x512xf32>
    %sub3A_1364 = arith.subf %add3A_1360, %max3A_1361 : vector<1x512xf32>
    %exp3A_1365 = math.exp %sub3A_1364 : vector<1x512xf32>
    %mul3A_1366 = arith.mulf %add3A_1326, %exp3A_1363 : vector<1x512xf32>
    %add3A_1367 = arith.addf %mul3A_1366, %exp3A_1365 : vector<1x512xf32>
    %mul3A_1368 = vector.broadcast %exp3A_1363 : vector<1x512xf32> to vector<64x512xf32>
    %mul3A_1369 = arith.mulf %add3A_1331, %mul3A_1368 : vector<64x512xf32>
    %mul3A_1370 = vector.broadcast %exp3A_1365 : vector<1x512xf32> to vector<64x512xf32>
    %mul3A_1371 = arith.mulf %mul3A_1370, %concatenate3A_1342 : vector<64x512xf32>
    %add3A_1372 = arith.addf %mul3A_1369, %mul3A_1371 : vector<64x512xf32>
    %get3A_1373 = arith.constant 33 : index
    %get3A_1374 = arith.constant 0 : index
    %get3A_1375 = arith.constant 0 : index
    %get3A_1376 = vector.load %arg1[%get3A_1373, %get3A_1374, %get3A_1375] : memref<50x32x512xf32, #tpu.memory_space<vmem>>, vector<1x32x512xf32>
    %get3A_1377 = vector.shape_cast %get3A_1376 : vector<1x32x512xf32> to vector<32x512xf32>
    %get3A_1378 = arith.constant 33 : index
    %get3A_1379 = arith.constant 0 : index
    %get3A_1380 = arith.constant 0 : index
    %get3A_1381 = vector.load %arg2[%get3A_1378, %get3A_1379, %get3A_1380] : memref<50x32x512xf32, #tpu.memory_space<vmem>>, vector<1x32x512xf32>
    %get3A_1382 = vector.shape_cast %get3A_1381 : vector<1x32x512xf32> to vector<32x512xf32>
    %concatenate3A_1383 = tpu.concatenate %get3A_1377, %get3A_1382 in 0 : vector<32x512xf32>, vector<32x512xf32> -> vector<64x512xf32>
    %mul3A_1384 = arith.mulf %concatenate3A, %concatenate3A_1383 : vector<64x512xf32>
    %concatenate3A_1385 = tpu.concatenate %concatenate3A_1383, %mul3A_1384 in 0 : vector<64x512xf32>, vector<64x512xf32> -> vector<128x512xf32>
    %get3A_1386 = arith.constant 0 : index
    %get3A_1387 = arith.constant 0 : index
    %get3A_1388 = vector.load %arg9[%get3A_1386, %get3A_1387] : memref<80x128xf32, #tpu.memory_space<vmem>>, vector<80x128xf32>
    %dot_general3A_1389 = arith.constant dense<0.000000e+00> : vector<80x512xf32>
    %dot_general3A_1390 = tpu.matmul %get3A_1388, %concatenate3A_1385, %dot_general3A_1389 {dimension_numbers = #tpu.dot_dimension_numbers<[1], [0], [0], [1], [0, 0, 1, 1], [], []>, transpose_lhs_hint = false} : vector<80x128xf32>, vector<128x512xf32>, vector<80x512xf32> -> vector<80x512xf32>
    %add3A_1391 = arith.addf %add3A_12, %dot_general3A_1390 : vector<80x512xf32>
    %max3A_1392 = arith.constant 0.000000e+00 : f32
    %max3A_1393 = vector.broadcast %max3A_1392 : f32 to vector<80x512xf32>
    %max3A_1394 = arith.maximumf %add3A_1391, %max3A_1393 : vector<80x512xf32>
    %mul3A_1395 = vector.broadcast %get3A_15 : vector<80x1xf32> to vector<80x512xf32>
    %mul3A_1396 = arith.mulf %max3A_1394, %mul3A_1395 : vector<80x512xf32>
    %reduce_sum3A_1397 = arith.constant dense<0.000000e+00> : vector<512xf32>
    %reduce_sum3A_1398 = vector.multi_reduction <add>, %mul3A_1396, %reduce_sum3A_1397 [0] : vector<80x512xf32> to vector<512xf32>
    %broadcast_in_dim3A_1399 = vector.shape_cast %reduce_sum3A_1398 : vector<512xf32> to vector<1x512xf32>
    %add3A_1400 = vector.broadcast %get3A_19 : f32 to vector<1x512xf32>
    %add3A_1401 = arith.addf %broadcast_in_dim3A_1399, %add3A_1400 : vector<1x512xf32>
    %max3A_1402 = arith.maximumf %max3A_1361, %add3A_1401 : vector<1x512xf32>
    %sub3A_1403 = arith.subf %max3A_1361, %max3A_1402 : vector<1x512xf32>
    %exp3A_1404 = math.exp %sub3A_1403 : vector<1x512xf32>
    %sub3A_1405 = arith.subf %add3A_1401, %max3A_1402 : vector<1x512xf32>
    %exp3A_1406 = math.exp %sub3A_1405 : vector<1x512xf32>
    %mul3A_1407 = arith.mulf %add3A_1367, %exp3A_1404 : vector<1x512xf32>
    %add3A_1408 = arith.addf %mul3A_1407, %exp3A_1406 : vector<1x512xf32>
    %mul3A_1409 = vector.broadcast %exp3A_1404 : vector<1x512xf32> to vector<64x512xf32>
    %mul3A_1410 = arith.mulf %add3A_1372, %mul3A_1409 : vector<64x512xf32>
    %mul3A_1411 = vector.broadcast %exp3A_1406 : vector<1x512xf32> to vector<64x512xf32>
    %mul3A_1412 = arith.mulf %mul3A_1411, %concatenate3A_1383 : vector<64x512xf32>
    %add3A_1413 = arith.addf %mul3A_1410, %mul3A_1412 : vector<64x512xf32>
    %get3A_1414 = arith.constant 34 : index
    %get3A_1415 = arith.constant 0 : index
    %get3A_1416 = arith.constant 0 : index
    %get3A_1417 = vector.load %arg1[%get3A_1414, %get3A_1415, %get3A_1416] : memref<50x32x512xf32, #tpu.memory_space<vmem>>, vector<1x32x512xf32>
    %get3A_1418 = vector.shape_cast %get3A_1417 : vector<1x32x512xf32> to vector<32x512xf32>
    %get3A_1419 = arith.constant 34 : index
    %get3A_1420 = arith.constant 0 : index
    %get3A_1421 = arith.constant 0 : index
    %get3A_1422 = vector.load %arg2[%get3A_1419, %get3A_1420, %get3A_1421] : memref<50x32x512xf32, #tpu.memory_space<vmem>>, vector<1x32x512xf32>
    %get3A_1423 = vector.shape_cast %get3A_1422 : vector<1x32x512xf32> to vector<32x512xf32>
    %concatenate3A_1424 = tpu.concatenate %get3A_1418, %get3A_1423 in 0 : vector<32x512xf32>, vector<32x512xf32> -> vector<64x512xf32>
    %mul3A_1425 = arith.mulf %concatenate3A, %concatenate3A_1424 : vector<64x512xf32>
    %concatenate3A_1426 = tpu.concatenate %concatenate3A_1424, %mul3A_1425 in 0 : vector<64x512xf32>, vector<64x512xf32> -> vector<128x512xf32>
    %get3A_1427 = arith.constant 0 : index
    %get3A_1428 = arith.constant 0 : index
    %get3A_1429 = vector.load %arg9[%get3A_1427, %get3A_1428] : memref<80x128xf32, #tpu.memory_space<vmem>>, vector<80x128xf32>
    %dot_general3A_1430 = arith.constant dense<0.000000e+00> : vector<80x512xf32>
    %dot_general3A_1431 = tpu.matmul %get3A_1429, %concatenate3A_1426, %dot_general3A_1430 {dimension_numbers = #tpu.dot_dimension_numbers<[1], [0], [0], [1], [0, 0, 1, 1], [], []>, transpose_lhs_hint = false} : vector<80x128xf32>, vector<128x512xf32>, vector<80x512xf32> -> vector<80x512xf32>
    %add3A_1432 = arith.addf %add3A_12, %dot_general3A_1431 : vector<80x512xf32>
    %max3A_1433 = arith.constant 0.000000e+00 : f32
    %max3A_1434 = vector.broadcast %max3A_1433 : f32 to vector<80x512xf32>
    %max3A_1435 = arith.maximumf %add3A_1432, %max3A_1434 : vector<80x512xf32>
    %mul3A_1436 = vector.broadcast %get3A_15 : vector<80x1xf32> to vector<80x512xf32>
    %mul3A_1437 = arith.mulf %max3A_1435, %mul3A_1436 : vector<80x512xf32>
    %reduce_sum3A_1438 = arith.constant dense<0.000000e+00> : vector<512xf32>
    %reduce_sum3A_1439 = vector.multi_reduction <add>, %mul3A_1437, %reduce_sum3A_1438 [0] : vector<80x512xf32> to vector<512xf32>
    %broadcast_in_dim3A_1440 = vector.shape_cast %reduce_sum3A_1439 : vector<512xf32> to vector<1x512xf32>
    %add3A_1441 = vector.broadcast %get3A_19 : f32 to vector<1x512xf32>
    %add3A_1442 = arith.addf %broadcast_in_dim3A_1440, %add3A_1441 : vector<1x512xf32>
    %max3A_1443 = arith.maximumf %max3A_1402, %add3A_1442 : vector<1x512xf32>
    %sub3A_1444 = arith.subf %max3A_1402, %max3A_1443 : vector<1x512xf32>
    %exp3A_1445 = math.exp %sub3A_1444 : vector<1x512xf32>
    %sub3A_1446 = arith.subf %add3A_1442, %max3A_1443 : vector<1x512xf32>
    %exp3A_1447 = math.exp %sub3A_1446 : vector<1x512xf32>
    %mul3A_1448 = arith.mulf %add3A_1408, %exp3A_1445 : vector<1x512xf32>
    %add3A_1449 = arith.addf %mul3A_1448, %exp3A_1447 : vector<1x512xf32>
    %mul3A_1450 = vector.broadcast %exp3A_1445 : vector<1x512xf32> to vector<64x512xf32>
    %mul3A_1451 = arith.mulf %add3A_1413, %mul3A_1450 : vector<64x512xf32>
    %mul3A_1452 = vector.broadcast %exp3A_1447 : vector<1x512xf32> to vector<64x512xf32>
    %mul3A_1453 = arith.mulf %mul3A_1452, %concatenate3A_1424 : vector<64x512xf32>
    %add3A_1454 = arith.addf %mul3A_1451, %mul3A_1453 : vector<64x512xf32>
    %get3A_1455 = arith.constant 35 : index
    %get3A_1456 = arith.constant 0 : index
    %get3A_1457 = arith.constant 0 : index
    %get3A_1458 = vector.load %arg1[%get3A_1455, %get3A_1456, %get3A_1457] : memref<50x32x512xf32, #tpu.memory_space<vmem>>, vector<1x32x512xf32>
    %get3A_1459 = vector.shape_cast %get3A_1458 : vector<1x32x512xf32> to vector<32x512xf32>
    %get3A_1460 = arith.constant 35 : index
    %get3A_1461 = arith.constant 0 : index
    %get3A_1462 = arith.constant 0 : index
    %get3A_1463 = vector.load %arg2[%get3A_1460, %get3A_1461, %get3A_1462] : memref<50x32x512xf32, #tpu.memory_space<vmem>>, vector<1x32x512xf32>
    %get3A_1464 = vector.shape_cast %get3A_1463 : vector<1x32x512xf32> to vector<32x512xf32>
    %concatenate3A_1465 = tpu.concatenate %get3A_1459, %get3A_1464 in 0 : vector<32x512xf32>, vector<32x512xf32> -> vector<64x512xf32>
    %mul3A_1466 = arith.mulf %concatenate3A, %concatenate3A_1465 : vector<64x512xf32>
    %concatenate3A_1467 = tpu.concatenate %concatenate3A_1465, %mul3A_1466 in 0 : vector<64x512xf32>, vector<64x512xf32> -> vector<128x512xf32>
    %get3A_1468 = arith.constant 0 : index
    %get3A_1469 = arith.constant 0 : index
    %get3A_1470 = vector.load %arg9[%get3A_1468, %get3A_1469] : memref<80x128xf32, #tpu.memory_space<vmem>>, vector<80x128xf32>
    %dot_general3A_1471 = arith.constant dense<0.000000e+00> : vector<80x512xf32>
    %dot_general3A_1472 = tpu.matmul %get3A_1470, %concatenate3A_1467, %dot_general3A_1471 {dimension_numbers = #tpu.dot_dimension_numbers<[1], [0], [0], [1], [0, 0, 1, 1], [], []>, transpose_lhs_hint = false} : vector<80x128xf32>, vector<128x512xf32>, vector<80x512xf32> -> vector<80x512xf32>
    %add3A_1473 = arith.addf %add3A_12, %dot_general3A_1472 : vector<80x512xf32>
    %max3A_1474 = arith.constant 0.000000e+00 : f32
    %max3A_1475 = vector.broadcast %max3A_1474 : f32 to vector<80x512xf32>
    %max3A_1476 = arith.maximumf %add3A_1473, %max3A_1475 : vector<80x512xf32>
    %mul3A_1477 = vector.broadcast %get3A_15 : vector<80x1xf32> to vector<80x512xf32>
    %mul3A_1478 = arith.mulf %max3A_1476, %mul3A_1477 : vector<80x512xf32>
    %reduce_sum3A_1479 = arith.constant dense<0.000000e+00> : vector<512xf32>
    %reduce_sum3A_1480 = vector.multi_reduction <add>, %mul3A_1478, %reduce_sum3A_1479 [0] : vector<80x512xf32> to vector<512xf32>
    %broadcast_in_dim3A_1481 = vector.shape_cast %reduce_sum3A_1480 : vector<512xf32> to vector<1x512xf32>
    %add3A_1482 = vector.broadcast %get3A_19 : f32 to vector<1x512xf32>
    %add3A_1483 = arith.addf %broadcast_in_dim3A_1481, %add3A_1482 : vector<1x512xf32>
    %max3A_1484 = arith.maximumf %max3A_1443, %add3A_1483 : vector<1x512xf32>
    %sub3A_1485 = arith.subf %max3A_1443, %max3A_1484 : vector<1x512xf32>
    %exp3A_1486 = math.exp %sub3A_1485 : vector<1x512xf32>
    %sub3A_1487 = arith.subf %add3A_1483, %max3A_1484 : vector<1x512xf32>
    %exp3A_1488 = math.exp %sub3A_1487 : vector<1x512xf32>
    %mul3A_1489 = arith.mulf %add3A_1449, %exp3A_1486 : vector<1x512xf32>
    %add3A_1490 = arith.addf %mul3A_1489, %exp3A_1488 : vector<1x512xf32>
    %mul3A_1491 = vector.broadcast %exp3A_1486 : vector<1x512xf32> to vector<64x512xf32>
    %mul3A_1492 = arith.mulf %add3A_1454, %mul3A_1491 : vector<64x512xf32>
    %mul3A_1493 = vector.broadcast %exp3A_1488 : vector<1x512xf32> to vector<64x512xf32>
    %mul3A_1494 = arith.mulf %mul3A_1493, %concatenate3A_1465 : vector<64x512xf32>
    %add3A_1495 = arith.addf %mul3A_1492, %mul3A_1494 : vector<64x512xf32>
    %get3A_1496 = arith.constant 36 : index
    %get3A_1497 = arith.constant 0 : index
    %get3A_1498 = arith.constant 0 : index
    %get3A_1499 = vector.load %arg1[%get3A_1496, %get3A_1497, %get3A_1498] : memref<50x32x512xf32, #tpu.memory_space<vmem>>, vector<1x32x512xf32>
    %get3A_1500 = vector.shape_cast %get3A_1499 : vector<1x32x512xf32> to vector<32x512xf32>
    %get3A_1501 = arith.constant 36 : index
    %get3A_1502 = arith.constant 0 : index
    %get3A_1503 = arith.constant 0 : index
    %get3A_1504 = vector.load %arg2[%get3A_1501, %get3A_1502, %get3A_1503] : memref<50x32x512xf32, #tpu.memory_space<vmem>>, vector<1x32x512xf32>
    %get3A_1505 = vector.shape_cast %get3A_1504 : vector<1x32x512xf32> to vector<32x512xf32>
    %concatenate3A_1506 = tpu.concatenate %get3A_1500, %get3A_1505 in 0 : vector<32x512xf32>, vector<32x512xf32> -> vector<64x512xf32>
    %mul3A_1507 = arith.mulf %concatenate3A, %concatenate3A_1506 : vector<64x512xf32>
    %concatenate3A_1508 = tpu.concatenate %concatenate3A_1506, %mul3A_1507 in 0 : vector<64x512xf32>, vector<64x512xf32> -> vector<128x512xf32>
    %get3A_1509 = arith.constant 0 : index
    %get3A_1510 = arith.constant 0 : index
    %get3A_1511 = vector.load %arg9[%get3A_1509, %get3A_1510] : memref<80x128xf32, #tpu.memory_space<vmem>>, vector<80x128xf32>
    %dot_general3A_1512 = arith.constant dense<0.000000e+00> : vector<80x512xf32>
    %dot_general3A_1513 = tpu.matmul %get3A_1511, %concatenate3A_1508, %dot_general3A_1512 {dimension_numbers = #tpu.dot_dimension_numbers<[1], [0], [0], [1], [0, 0, 1, 1], [], []>, transpose_lhs_hint = false} : vector<80x128xf32>, vector<128x512xf32>, vector<80x512xf32> -> vector<80x512xf32>
    %add3A_1514 = arith.addf %add3A_12, %dot_general3A_1513 : vector<80x512xf32>
    %max3A_1515 = arith.constant 0.000000e+00 : f32
    %max3A_1516 = vector.broadcast %max3A_1515 : f32 to vector<80x512xf32>
    %max3A_1517 = arith.maximumf %add3A_1514, %max3A_1516 : vector<80x512xf32>
    %mul3A_1518 = vector.broadcast %get3A_15 : vector<80x1xf32> to vector<80x512xf32>
    %mul3A_1519 = arith.mulf %max3A_1517, %mul3A_1518 : vector<80x512xf32>
    %reduce_sum3A_1520 = arith.constant dense<0.000000e+00> : vector<512xf32>
    %reduce_sum3A_1521 = vector.multi_reduction <add>, %mul3A_1519, %reduce_sum3A_1520 [0] : vector<80x512xf32> to vector<512xf32>
    %broadcast_in_dim3A_1522 = vector.shape_cast %reduce_sum3A_1521 : vector<512xf32> to vector<1x512xf32>
    %add3A_1523 = vector.broadcast %get3A_19 : f32 to vector<1x512xf32>
    %add3A_1524 = arith.addf %broadcast_in_dim3A_1522, %add3A_1523 : vector<1x512xf32>
    %max3A_1525 = arith.maximumf %max3A_1484, %add3A_1524 : vector<1x512xf32>
    %sub3A_1526 = arith.subf %max3A_1484, %max3A_1525 : vector<1x512xf32>
    %exp3A_1527 = math.exp %sub3A_1526 : vector<1x512xf32>
    %sub3A_1528 = arith.subf %add3A_1524, %max3A_1525 : vector<1x512xf32>
    %exp3A_1529 = math.exp %sub3A_1528 : vector<1x512xf32>
    %mul3A_1530 = arith.mulf %add3A_1490, %exp3A_1527 : vector<1x512xf32>
    %add3A_1531 = arith.addf %mul3A_1530, %exp3A_1529 : vector<1x512xf32>
    %mul3A_1532 = vector.broadcast %exp3A_1527 : vector<1x512xf32> to vector<64x512xf32>
    %mul3A_1533 = arith.mulf %add3A_1495, %mul3A_1532 : vector<64x512xf32>
    %mul3A_1534 = vector.broadcast %exp3A_1529 : vector<1x512xf32> to vector<64x512xf32>
    %mul3A_1535 = arith.mulf %mul3A_1534, %concatenate3A_1506 : vector<64x512xf32>
    %add3A_1536 = arith.addf %mul3A_1533, %mul3A_1535 : vector<64x512xf32>
    %get3A_1537 = arith.constant 37 : index
    %get3A_1538 = arith.constant 0 : index
    %get3A_1539 = arith.constant 0 : index
    %get3A_1540 = vector.load %arg1[%get3A_1537, %get3A_1538, %get3A_1539] : memref<50x32x512xf32, #tpu.memory_space<vmem>>, vector<1x32x512xf32>
    %get3A_1541 = vector.shape_cast %get3A_1540 : vector<1x32x512xf32> to vector<32x512xf32>
    %get3A_1542 = arith.constant 37 : index
    %get3A_1543 = arith.constant 0 : index
    %get3A_1544 = arith.constant 0 : index
    %get3A_1545 = vector.load %arg2[%get3A_1542, %get3A_1543, %get3A_1544] : memref<50x32x512xf32, #tpu.memory_space<vmem>>, vector<1x32x512xf32>
    %get3A_1546 = vector.shape_cast %get3A_1545 : vector<1x32x512xf32> to vector<32x512xf32>
    %concatenate3A_1547 = tpu.concatenate %get3A_1541, %get3A_1546 in 0 : vector<32x512xf32>, vector<32x512xf32> -> vector<64x512xf32>
    %mul3A_1548 = arith.mulf %concatenate3A, %concatenate3A_1547 : vector<64x512xf32>
    %concatenate3A_1549 = tpu.concatenate %concatenate3A_1547, %mul3A_1548 in 0 : vector<64x512xf32>, vector<64x512xf32> -> vector<128x512xf32>
    %get3A_1550 = arith.constant 0 : index
    %get3A_1551 = arith.constant 0 : index
    %get3A_1552 = vector.load %arg9[%get3A_1550, %get3A_1551] : memref<80x128xf32, #tpu.memory_space<vmem>>, vector<80x128xf32>
    %dot_general3A_1553 = arith.constant dense<0.000000e+00> : vector<80x512xf32>
    %dot_general3A_1554 = tpu.matmul %get3A_1552, %concatenate3A_1549, %dot_general3A_1553 {dimension_numbers = #tpu.dot_dimension_numbers<[1], [0], [0], [1], [0, 0, 1, 1], [], []>, transpose_lhs_hint = false} : vector<80x128xf32>, vector<128x512xf32>, vector<80x512xf32> -> vector<80x512xf32>
    %add3A_1555 = arith.addf %add3A_12, %dot_general3A_1554 : vector<80x512xf32>
    %max3A_1556 = arith.constant 0.000000e+00 : f32
    %max3A_1557 = vector.broadcast %max3A_1556 : f32 to vector<80x512xf32>
    %max3A_1558 = arith.maximumf %add3A_1555, %max3A_1557 : vector<80x512xf32>
    %mul3A_1559 = vector.broadcast %get3A_15 : vector<80x1xf32> to vector<80x512xf32>
    %mul3A_1560 = arith.mulf %max3A_1558, %mul3A_1559 : vector<80x512xf32>
    %reduce_sum3A_1561 = arith.constant dense<0.000000e+00> : vector<512xf32>
    %reduce_sum3A_1562 = vector.multi_reduction <add>, %mul3A_1560, %reduce_sum3A_1561 [0] : vector<80x512xf32> to vector<512xf32>
    %broadcast_in_dim3A_1563 = vector.shape_cast %reduce_sum3A_1562 : vector<512xf32> to vector<1x512xf32>
    %add3A_1564 = vector.broadcast %get3A_19 : f32 to vector<1x512xf32>
    %add3A_1565 = arith.addf %broadcast_in_dim3A_1563, %add3A_1564 : vector<1x512xf32>
    %max3A_1566 = arith.maximumf %max3A_1525, %add3A_1565 : vector<1x512xf32>
    %sub3A_1567 = arith.subf %max3A_1525, %max3A_1566 : vector<1x512xf32>
    %exp3A_1568 = math.exp %sub3A_1567 : vector<1x512xf32>
    %sub3A_1569 = arith.subf %add3A_1565, %max3A_1566 : vector<1x512xf32>
    %exp3A_1570 = math.exp %sub3A_1569 : vector<1x512xf32>
    %mul3A_1571 = arith.mulf %add3A_1531, %exp3A_1568 : vector<1x512xf32>
    %add3A_1572 = arith.addf %mul3A_1571, %exp3A_1570 : vector<1x512xf32>
    %mul3A_1573 = vector.broadcast %exp3A_1568 : vector<1x512xf32> to vector<64x512xf32>
    %mul3A_1574 = arith.mulf %add3A_1536, %mul3A_1573 : vector<64x512xf32>
    %mul3A_1575 = vector.broadcast %exp3A_1570 : vector<1x512xf32> to vector<64x512xf32>
    %mul3A_1576 = arith.mulf %mul3A_1575, %concatenate3A_1547 : vector<64x512xf32>
    %add3A_1577 = arith.addf %mul3A_1574, %mul3A_1576 : vector<64x512xf32>
    %get3A_1578 = arith.constant 38 : index
    %get3A_1579 = arith.constant 0 : index
    %get3A_1580 = arith.constant 0 : index
    %get3A_1581 = vector.load %arg1[%get3A_1578, %get3A_1579, %get3A_1580] : memref<50x32x512xf32, #tpu.memory_space<vmem>>, vector<1x32x512xf32>
    %get3A_1582 = vector.shape_cast %get3A_1581 : vector<1x32x512xf32> to vector<32x512xf32>
    %get3A_1583 = arith.constant 38 : index
    %get3A_1584 = arith.constant 0 : index
    %get3A_1585 = arith.constant 0 : index
    %get3A_1586 = vector.load %arg2[%get3A_1583, %get3A_1584, %get3A_1585] : memref<50x32x512xf32, #tpu.memory_space<vmem>>, vector<1x32x512xf32>
    %get3A_1587 = vector.shape_cast %get3A_1586 : vector<1x32x512xf32> to vector<32x512xf32>
    %concatenate3A_1588 = tpu.concatenate %get3A_1582, %get3A_1587 in 0 : vector<32x512xf32>, vector<32x512xf32> -> vector<64x512xf32>
    %mul3A_1589 = arith.mulf %concatenate3A, %concatenate3A_1588 : vector<64x512xf32>
    %concatenate3A_1590 = tpu.concatenate %concatenate3A_1588, %mul3A_1589 in 0 : vector<64x512xf32>, vector<64x512xf32> -> vector<128x512xf32>
    %get3A_1591 = arith.constant 0 : index
    %get3A_1592 = arith.constant 0 : index
    %get3A_1593 = vector.load %arg9[%get3A_1591, %get3A_1592] : memref<80x128xf32, #tpu.memory_space<vmem>>, vector<80x128xf32>
    %dot_general3A_1594 = arith.constant dense<0.000000e+00> : vector<80x512xf32>
    %dot_general3A_1595 = tpu.matmul %get3A_1593, %concatenate3A_1590, %dot_general3A_1594 {dimension_numbers = #tpu.dot_dimension_numbers<[1], [0], [0], [1], [0, 0, 1, 1], [], []>, transpose_lhs_hint = false} : vector<80x128xf32>, vector<128x512xf32>, vector<80x512xf32> -> vector<80x512xf32>
    %add3A_1596 = arith.addf %add3A_12, %dot_general3A_1595 : vector<80x512xf32>
    %max3A_1597 = arith.constant 0.000000e+00 : f32
    %max3A_1598 = vector.broadcast %max3A_1597 : f32 to vector<80x512xf32>
    %max3A_1599 = arith.maximumf %add3A_1596, %max3A_1598 : vector<80x512xf32>
    %mul3A_1600 = vector.broadcast %get3A_15 : vector<80x1xf32> to vector<80x512xf32>
    %mul3A_1601 = arith.mulf %max3A_1599, %mul3A_1600 : vector<80x512xf32>
    %reduce_sum3A_1602 = arith.constant dense<0.000000e+00> : vector<512xf32>
    %reduce_sum3A_1603 = vector.multi_reduction <add>, %mul3A_1601, %reduce_sum3A_1602 [0] : vector<80x512xf32> to vector<512xf32>
    %broadcast_in_dim3A_1604 = vector.shape_cast %reduce_sum3A_1603 : vector<512xf32> to vector<1x512xf32>
    %add3A_1605 = vector.broadcast %get3A_19 : f32 to vector<1x512xf32>
    %add3A_1606 = arith.addf %broadcast_in_dim3A_1604, %add3A_1605 : vector<1x512xf32>
    %max3A_1607 = arith.maximumf %max3A_1566, %add3A_1606 : vector<1x512xf32>
    %sub3A_1608 = arith.subf %max3A_1566, %max3A_1607 : vector<1x512xf32>
    %exp3A_1609 = math.exp %sub3A_1608 : vector<1x512xf32>
    %sub3A_1610 = arith.subf %add3A_1606, %max3A_1607 : vector<1x512xf32>
    %exp3A_1611 = math.exp %sub3A_1610 : vector<1x512xf32>
    %mul3A_1612 = arith.mulf %add3A_1572, %exp3A_1609 : vector<1x512xf32>
    %add3A_1613 = arith.addf %mul3A_1612, %exp3A_1611 : vector<1x512xf32>
    %mul3A_1614 = vector.broadcast %exp3A_1609 : vector<1x512xf32> to vector<64x512xf32>
    %mul3A_1615 = arith.mulf %add3A_1577, %mul3A_1614 : vector<64x512xf32>
    %mul3A_1616 = vector.broadcast %exp3A_1611 : vector<1x512xf32> to vector<64x512xf32>
    %mul3A_1617 = arith.mulf %mul3A_1616, %concatenate3A_1588 : vector<64x512xf32>
    %add3A_1618 = arith.addf %mul3A_1615, %mul3A_1617 : vector<64x512xf32>
    %get3A_1619 = arith.constant 39 : index
    %get3A_1620 = arith.constant 0 : index
    %get3A_1621 = arith.constant 0 : index
    %get3A_1622 = vector.load %arg1[%get3A_1619, %get3A_1620, %get3A_1621] : memref<50x32x512xf32, #tpu.memory_space<vmem>>, vector<1x32x512xf32>
    %get3A_1623 = vector.shape_cast %get3A_1622 : vector<1x32x512xf32> to vector<32x512xf32>
    %get3A_1624 = arith.constant 39 : index
    %get3A_1625 = arith.constant 0 : index
    %get3A_1626 = arith.constant 0 : index
    %get3A_1627 = vector.load %arg2[%get3A_1624, %get3A_1625, %get3A_1626] : memref<50x32x512xf32, #tpu.memory_space<vmem>>, vector<1x32x512xf32>
    %get3A_1628 = vector.shape_cast %get3A_1627 : vector<1x32x512xf32> to vector<32x512xf32>
    %concatenate3A_1629 = tpu.concatenate %get3A_1623, %get3A_1628 in 0 : vector<32x512xf32>, vector<32x512xf32> -> vector<64x512xf32>
    %mul3A_1630 = arith.mulf %concatenate3A, %concatenate3A_1629 : vector<64x512xf32>
    %concatenate3A_1631 = tpu.concatenate %concatenate3A_1629, %mul3A_1630 in 0 : vector<64x512xf32>, vector<64x512xf32> -> vector<128x512xf32>
    %get3A_1632 = arith.constant 0 : index
    %get3A_1633 = arith.constant 0 : index
    %get3A_1634 = vector.load %arg9[%get3A_1632, %get3A_1633] : memref<80x128xf32, #tpu.memory_space<vmem>>, vector<80x128xf32>
    %dot_general3A_1635 = arith.constant dense<0.000000e+00> : vector<80x512xf32>
    %dot_general3A_1636 = tpu.matmul %get3A_1634, %concatenate3A_1631, %dot_general3A_1635 {dimension_numbers = #tpu.dot_dimension_numbers<[1], [0], [0], [1], [0, 0, 1, 1], [], []>, transpose_lhs_hint = false} : vector<80x128xf32>, vector<128x512xf32>, vector<80x512xf32> -> vector<80x512xf32>
    %add3A_1637 = arith.addf %add3A_12, %dot_general3A_1636 : vector<80x512xf32>
    %max3A_1638 = arith.constant 0.000000e+00 : f32
    %max3A_1639 = vector.broadcast %max3A_1638 : f32 to vector<80x512xf32>
    %max3A_1640 = arith.maximumf %add3A_1637, %max3A_1639 : vector<80x512xf32>
    %mul3A_1641 = vector.broadcast %get3A_15 : vector<80x1xf32> to vector<80x512xf32>
    %mul3A_1642 = arith.mulf %max3A_1640, %mul3A_1641 : vector<80x512xf32>
    %reduce_sum3A_1643 = arith.constant dense<0.000000e+00> : vector<512xf32>
    %reduce_sum3A_1644 = vector.multi_reduction <add>, %mul3A_1642, %reduce_sum3A_1643 [0] : vector<80x512xf32> to vector<512xf32>
    %broadcast_in_dim3A_1645 = vector.shape_cast %reduce_sum3A_1644 : vector<512xf32> to vector<1x512xf32>
    %add3A_1646 = vector.broadcast %get3A_19 : f32 to vector<1x512xf32>
    %add3A_1647 = arith.addf %broadcast_in_dim3A_1645, %add3A_1646 : vector<1x512xf32>
    %max3A_1648 = arith.maximumf %max3A_1607, %add3A_1647 : vector<1x512xf32>
    %sub3A_1649 = arith.subf %max3A_1607, %max3A_1648 : vector<1x512xf32>
    %exp3A_1650 = math.exp %sub3A_1649 : vector<1x512xf32>
    %sub3A_1651 = arith.subf %add3A_1647, %max3A_1648 : vector<1x512xf32>
    %exp3A_1652 = math.exp %sub3A_1651 : vector<1x512xf32>
    %mul3A_1653 = arith.mulf %add3A_1613, %exp3A_1650 : vector<1x512xf32>
    %add3A_1654 = arith.addf %mul3A_1653, %exp3A_1652 : vector<1x512xf32>
    %mul3A_1655 = vector.broadcast %exp3A_1650 : vector<1x512xf32> to vector<64x512xf32>
    %mul3A_1656 = arith.mulf %add3A_1618, %mul3A_1655 : vector<64x512xf32>
    %mul3A_1657 = vector.broadcast %exp3A_1652 : vector<1x512xf32> to vector<64x512xf32>
    %mul3A_1658 = arith.mulf %mul3A_1657, %concatenate3A_1629 : vector<64x512xf32>
    %add3A_1659 = arith.addf %mul3A_1656, %mul3A_1658 : vector<64x512xf32>
    %get3A_1660 = arith.constant 40 : index
    %get3A_1661 = arith.constant 0 : index
    %get3A_1662 = arith.constant 0 : index
    %get3A_1663 = vector.load %arg1[%get3A_1660, %get3A_1661, %get3A_1662] : memref<50x32x512xf32, #tpu.memory_space<vmem>>, vector<1x32x512xf32>
    %get3A_1664 = vector.shape_cast %get3A_1663 : vector<1x32x512xf32> to vector<32x512xf32>
    %get3A_1665 = arith.constant 40 : index
    %get3A_1666 = arith.constant 0 : index
    %get3A_1667 = arith.constant 0 : index
    %get3A_1668 = vector.load %arg2[%get3A_1665, %get3A_1666, %get3A_1667] : memref<50x32x512xf32, #tpu.memory_space<vmem>>, vector<1x32x512xf32>
    %get3A_1669 = vector.shape_cast %get3A_1668 : vector<1x32x512xf32> to vector<32x512xf32>
    %concatenate3A_1670 = tpu.concatenate %get3A_1664, %get3A_1669 in 0 : vector<32x512xf32>, vector<32x512xf32> -> vector<64x512xf32>
    %mul3A_1671 = arith.mulf %concatenate3A, %concatenate3A_1670 : vector<64x512xf32>
    %concatenate3A_1672 = tpu.concatenate %concatenate3A_1670, %mul3A_1671 in 0 : vector<64x512xf32>, vector<64x512xf32> -> vector<128x512xf32>
    %get3A_1673 = arith.constant 0 : index
    %get3A_1674 = arith.constant 0 : index
    %get3A_1675 = vector.load %arg9[%get3A_1673, %get3A_1674] : memref<80x128xf32, #tpu.memory_space<vmem>>, vector<80x128xf32>
    %dot_general3A_1676 = arith.constant dense<0.000000e+00> : vector<80x512xf32>
    %dot_general3A_1677 = tpu.matmul %get3A_1675, %concatenate3A_1672, %dot_general3A_1676 {dimension_numbers = #tpu.dot_dimension_numbers<[1], [0], [0], [1], [0, 0, 1, 1], [], []>, transpose_lhs_hint = false} : vector<80x128xf32>, vector<128x512xf32>, vector<80x512xf32> -> vector<80x512xf32>
    %add3A_1678 = arith.addf %add3A_12, %dot_general3A_1677 : vector<80x512xf32>
    %max3A_1679 = arith.constant 0.000000e+00 : f32
    %max3A_1680 = vector.broadcast %max3A_1679 : f32 to vector<80x512xf32>
    %max3A_1681 = arith.maximumf %add3A_1678, %max3A_1680 : vector<80x512xf32>
    %mul3A_1682 = vector.broadcast %get3A_15 : vector<80x1xf32> to vector<80x512xf32>
    %mul3A_1683 = arith.mulf %max3A_1681, %mul3A_1682 : vector<80x512xf32>
    %reduce_sum3A_1684 = arith.constant dense<0.000000e+00> : vector<512xf32>
    %reduce_sum3A_1685 = vector.multi_reduction <add>, %mul3A_1683, %reduce_sum3A_1684 [0] : vector<80x512xf32> to vector<512xf32>
    %broadcast_in_dim3A_1686 = vector.shape_cast %reduce_sum3A_1685 : vector<512xf32> to vector<1x512xf32>
    %add3A_1687 = vector.broadcast %get3A_19 : f32 to vector<1x512xf32>
    %add3A_1688 = arith.addf %broadcast_in_dim3A_1686, %add3A_1687 : vector<1x512xf32>
    %max3A_1689 = arith.maximumf %max3A_1648, %add3A_1688 : vector<1x512xf32>
    %sub3A_1690 = arith.subf %max3A_1648, %max3A_1689 : vector<1x512xf32>
    %exp3A_1691 = math.exp %sub3A_1690 : vector<1x512xf32>
    %sub3A_1692 = arith.subf %add3A_1688, %max3A_1689 : vector<1x512xf32>
    %exp3A_1693 = math.exp %sub3A_1692 : vector<1x512xf32>
    %mul3A_1694 = arith.mulf %add3A_1654, %exp3A_1691 : vector<1x512xf32>
    %add3A_1695 = arith.addf %mul3A_1694, %exp3A_1693 : vector<1x512xf32>
    %mul3A_1696 = vector.broadcast %exp3A_1691 : vector<1x512xf32> to vector<64x512xf32>
    %mul3A_1697 = arith.mulf %add3A_1659, %mul3A_1696 : vector<64x512xf32>
    %mul3A_1698 = vector.broadcast %exp3A_1693 : vector<1x512xf32> to vector<64x512xf32>
    %mul3A_1699 = arith.mulf %mul3A_1698, %concatenate3A_1670 : vector<64x512xf32>
    %add3A_1700 = arith.addf %mul3A_1697, %mul3A_1699 : vector<64x512xf32>
    %get3A_1701 = arith.constant 41 : index
    %get3A_1702 = arith.constant 0 : index
    %get3A_1703 = arith.constant 0 : index
    %get3A_1704 = vector.load %arg1[%get3A_1701, %get3A_1702, %get3A_1703] : memref<50x32x512xf32, #tpu.memory_space<vmem>>, vector<1x32x512xf32>
    %get3A_1705 = vector.shape_cast %get3A_1704 : vector<1x32x512xf32> to vector<32x512xf32>
    %get3A_1706 = arith.constant 41 : index
    %get3A_1707 = arith.constant 0 : index
    %get3A_1708 = arith.constant 0 : index
    %get3A_1709 = vector.load %arg2[%get3A_1706, %get3A_1707, %get3A_1708] : memref<50x32x512xf32, #tpu.memory_space<vmem>>, vector<1x32x512xf32>
    %get3A_1710 = vector.shape_cast %get3A_1709 : vector<1x32x512xf32> to vector<32x512xf32>
    %concatenate3A_1711 = tpu.concatenate %get3A_1705, %get3A_1710 in 0 : vector<32x512xf32>, vector<32x512xf32> -> vector<64x512xf32>
    %mul3A_1712 = arith.mulf %concatenate3A, %concatenate3A_1711 : vector<64x512xf32>
    %concatenate3A_1713 = tpu.concatenate %concatenate3A_1711, %mul3A_1712 in 0 : vector<64x512xf32>, vector<64x512xf32> -> vector<128x512xf32>
    %get3A_1714 = arith.constant 0 : index
    %get3A_1715 = arith.constant 0 : index
    %get3A_1716 = vector.load %arg9[%get3A_1714, %get3A_1715] : memref<80x128xf32, #tpu.memory_space<vmem>>, vector<80x128xf32>
    %dot_general3A_1717 = arith.constant dense<0.000000e+00> : vector<80x512xf32>
    %dot_general3A_1718 = tpu.matmul %get3A_1716, %concatenate3A_1713, %dot_general3A_1717 {dimension_numbers = #tpu.dot_dimension_numbers<[1], [0], [0], [1], [0, 0, 1, 1], [], []>, transpose_lhs_hint = false} : vector<80x128xf32>, vector<128x512xf32>, vector<80x512xf32> -> vector<80x512xf32>
    %add3A_1719 = arith.addf %add3A_12, %dot_general3A_1718 : vector<80x512xf32>
    %max3A_1720 = arith.constant 0.000000e+00 : f32
    %max3A_1721 = vector.broadcast %max3A_1720 : f32 to vector<80x512xf32>
    %max3A_1722 = arith.maximumf %add3A_1719, %max3A_1721 : vector<80x512xf32>
    %mul3A_1723 = vector.broadcast %get3A_15 : vector<80x1xf32> to vector<80x512xf32>
    %mul3A_1724 = arith.mulf %max3A_1722, %mul3A_1723 : vector<80x512xf32>
    %reduce_sum3A_1725 = arith.constant dense<0.000000e+00> : vector<512xf32>
    %reduce_sum3A_1726 = vector.multi_reduction <add>, %mul3A_1724, %reduce_sum3A_1725 [0] : vector<80x512xf32> to vector<512xf32>
    %broadcast_in_dim3A_1727 = vector.shape_cast %reduce_sum3A_1726 : vector<512xf32> to vector<1x512xf32>
    %add3A_1728 = vector.broadcast %get3A_19 : f32 to vector<1x512xf32>
    %add3A_1729 = arith.addf %broadcast_in_dim3A_1727, %add3A_1728 : vector<1x512xf32>
    %max3A_1730 = arith.maximumf %max3A_1689, %add3A_1729 : vector<1x512xf32>
    %sub3A_1731 = arith.subf %max3A_1689, %max3A_1730 : vector<1x512xf32>
    %exp3A_1732 = math.exp %sub3A_1731 : vector<1x512xf32>
    %sub3A_1733 = arith.subf %add3A_1729, %max3A_1730 : vector<1x512xf32>
    %exp3A_1734 = math.exp %sub3A_1733 : vector<1x512xf32>
    %mul3A_1735 = arith.mulf %add3A_1695, %exp3A_1732 : vector<1x512xf32>
    %add3A_1736 = arith.addf %mul3A_1735, %exp3A_1734 : vector<1x512xf32>
    %mul3A_1737 = vector.broadcast %exp3A_1732 : vector<1x512xf32> to vector<64x512xf32>
    %mul3A_1738 = arith.mulf %add3A_1700, %mul3A_1737 : vector<64x512xf32>
    %mul3A_1739 = vector.broadcast %exp3A_1734 : vector<1x512xf32> to vector<64x512xf32>
    %mul3A_1740 = arith.mulf %mul3A_1739, %concatenate3A_1711 : vector<64x512xf32>
    %add3A_1741 = arith.addf %mul3A_1738, %mul3A_1740 : vector<64x512xf32>
    %get3A_1742 = arith.constant 42 : index
    %get3A_1743 = arith.constant 0 : index
    %get3A_1744 = arith.constant 0 : index
    %get3A_1745 = vector.load %arg1[%get3A_1742, %get3A_1743, %get3A_1744] : memref<50x32x512xf32, #tpu.memory_space<vmem>>, vector<1x32x512xf32>
    %get3A_1746 = vector.shape_cast %get3A_1745 : vector<1x32x512xf32> to vector<32x512xf32>
    %get3A_1747 = arith.constant 42 : index
    %get3A_1748 = arith.constant 0 : index
    %get3A_1749 = arith.constant 0 : index
    %get3A_1750 = vector.load %arg2[%get3A_1747, %get3A_1748, %get3A_1749] : memref<50x32x512xf32, #tpu.memory_space<vmem>>, vector<1x32x512xf32>
    %get3A_1751 = vector.shape_cast %get3A_1750 : vector<1x32x512xf32> to vector<32x512xf32>
    %concatenate3A_1752 = tpu.concatenate %get3A_1746, %get3A_1751 in 0 : vector<32x512xf32>, vector<32x512xf32> -> vector<64x512xf32>
    %mul3A_1753 = arith.mulf %concatenate3A, %concatenate3A_1752 : vector<64x512xf32>
    %concatenate3A_1754 = tpu.concatenate %concatenate3A_1752, %mul3A_1753 in 0 : vector<64x512xf32>, vector<64x512xf32> -> vector<128x512xf32>
    %get3A_1755 = arith.constant 0 : index
    %get3A_1756 = arith.constant 0 : index
    %get3A_1757 = vector.load %arg9[%get3A_1755, %get3A_1756] : memref<80x128xf32, #tpu.memory_space<vmem>>, vector<80x128xf32>
    %dot_general3A_1758 = arith.constant dense<0.000000e+00> : vector<80x512xf32>
    %dot_general3A_1759 = tpu.matmul %get3A_1757, %concatenate3A_1754, %dot_general3A_1758 {dimension_numbers = #tpu.dot_dimension_numbers<[1], [0], [0], [1], [0, 0, 1, 1], [], []>, transpose_lhs_hint = false} : vector<80x128xf32>, vector<128x512xf32>, vector<80x512xf32> -> vector<80x512xf32>
    %add3A_1760 = arith.addf %add3A_12, %dot_general3A_1759 : vector<80x512xf32>
    %max3A_1761 = arith.constant 0.000000e+00 : f32
    %max3A_1762 = vector.broadcast %max3A_1761 : f32 to vector<80x512xf32>
    %max3A_1763 = arith.maximumf %add3A_1760, %max3A_1762 : vector<80x512xf32>
    %mul3A_1764 = vector.broadcast %get3A_15 : vector<80x1xf32> to vector<80x512xf32>
    %mul3A_1765 = arith.mulf %max3A_1763, %mul3A_1764 : vector<80x512xf32>
    %reduce_sum3A_1766 = arith.constant dense<0.000000e+00> : vector<512xf32>
    %reduce_sum3A_1767 = vector.multi_reduction <add>, %mul3A_1765, %reduce_sum3A_1766 [0] : vector<80x512xf32> to vector<512xf32>
    %broadcast_in_dim3A_1768 = vector.shape_cast %reduce_sum3A_1767 : vector<512xf32> to vector<1x512xf32>
    %add3A_1769 = vector.broadcast %get3A_19 : f32 to vector<1x512xf32>
    %add3A_1770 = arith.addf %broadcast_in_dim3A_1768, %add3A_1769 : vector<1x512xf32>
    %max3A_1771 = arith.maximumf %max3A_1730, %add3A_1770 : vector<1x512xf32>
    %sub3A_1772 = arith.subf %max3A_1730, %max3A_1771 : vector<1x512xf32>
    %exp3A_1773 = math.exp %sub3A_1772 : vector<1x512xf32>
    %sub3A_1774 = arith.subf %add3A_1770, %max3A_1771 : vector<1x512xf32>
    %exp3A_1775 = math.exp %sub3A_1774 : vector<1x512xf32>
    %mul3A_1776 = arith.mulf %add3A_1736, %exp3A_1773 : vector<1x512xf32>
    %add3A_1777 = arith.addf %mul3A_1776, %exp3A_1775 : vector<1x512xf32>
    %mul3A_1778 = vector.broadcast %exp3A_1773 : vector<1x512xf32> to vector<64x512xf32>
    %mul3A_1779 = arith.mulf %add3A_1741, %mul3A_1778 : vector<64x512xf32>
    %mul3A_1780 = vector.broadcast %exp3A_1775 : vector<1x512xf32> to vector<64x512xf32>
    %mul3A_1781 = arith.mulf %mul3A_1780, %concatenate3A_1752 : vector<64x512xf32>
    %add3A_1782 = arith.addf %mul3A_1779, %mul3A_1781 : vector<64x512xf32>
    %get3A_1783 = arith.constant 43 : index
    %get3A_1784 = arith.constant 0 : index
    %get3A_1785 = arith.constant 0 : index
    %get3A_1786 = vector.load %arg1[%get3A_1783, %get3A_1784, %get3A_1785] : memref<50x32x512xf32, #tpu.memory_space<vmem>>, vector<1x32x512xf32>
    %get3A_1787 = vector.shape_cast %get3A_1786 : vector<1x32x512xf32> to vector<32x512xf32>
    %get3A_1788 = arith.constant 43 : index
    %get3A_1789 = arith.constant 0 : index
    %get3A_1790 = arith.constant 0 : index
    %get3A_1791 = vector.load %arg2[%get3A_1788, %get3A_1789, %get3A_1790] : memref<50x32x512xf32, #tpu.memory_space<vmem>>, vector<1x32x512xf32>
    %get3A_1792 = vector.shape_cast %get3A_1791 : vector<1x32x512xf32> to vector<32x512xf32>
    %concatenate3A_1793 = tpu.concatenate %get3A_1787, %get3A_1792 in 0 : vector<32x512xf32>, vector<32x512xf32> -> vector<64x512xf32>
    %mul3A_1794 = arith.mulf %concatenate3A, %concatenate3A_1793 : vector<64x512xf32>
    %concatenate3A_1795 = tpu.concatenate %concatenate3A_1793, %mul3A_1794 in 0 : vector<64x512xf32>, vector<64x512xf32> -> vector<128x512xf32>
    %get3A_1796 = arith.constant 0 : index
    %get3A_1797 = arith.constant 0 : index
    %get3A_1798 = vector.load %arg9[%get3A_1796, %get3A_1797] : memref<80x128xf32, #tpu.memory_space<vmem>>, vector<80x128xf32>
    %dot_general3A_1799 = arith.constant dense<0.000000e+00> : vector<80x512xf32>
    %dot_general3A_1800 = tpu.matmul %get3A_1798, %concatenate3A_1795, %dot_general3A_1799 {dimension_numbers = #tpu.dot_dimension_numbers<[1], [0], [0], [1], [0, 0, 1, 1], [], []>, transpose_lhs_hint = false} : vector<80x128xf32>, vector<128x512xf32>, vector<80x512xf32> -> vector<80x512xf32>
    %add3A_1801 = arith.addf %add3A_12, %dot_general3A_1800 : vector<80x512xf32>
    %max3A_1802 = arith.constant 0.000000e+00 : f32
    %max3A_1803 = vector.broadcast %max3A_1802 : f32 to vector<80x512xf32>
    %max3A_1804 = arith.maximumf %add3A_1801, %max3A_1803 : vector<80x512xf32>
    %mul3A_1805 = vector.broadcast %get3A_15 : vector<80x1xf32> to vector<80x512xf32>
    %mul3A_1806 = arith.mulf %max3A_1804, %mul3A_1805 : vector<80x512xf32>
    %reduce_sum3A_1807 = arith.constant dense<0.000000e+00> : vector<512xf32>
    %reduce_sum3A_1808 = vector.multi_reduction <add>, %mul3A_1806, %reduce_sum3A_1807 [0] : vector<80x512xf32> to vector<512xf32>
    %broadcast_in_dim3A_1809 = vector.shape_cast %reduce_sum3A_1808 : vector<512xf32> to vector<1x512xf32>
    %add3A_1810 = vector.broadcast %get3A_19 : f32 to vector<1x512xf32>
    %add3A_1811 = arith.addf %broadcast_in_dim3A_1809, %add3A_1810 : vector<1x512xf32>
    %max3A_1812 = arith.maximumf %max3A_1771, %add3A_1811 : vector<1x512xf32>
    %sub3A_1813 = arith.subf %max3A_1771, %max3A_1812 : vector<1x512xf32>
    %exp3A_1814 = math.exp %sub3A_1813 : vector<1x512xf32>
    %sub3A_1815 = arith.subf %add3A_1811, %max3A_1812 : vector<1x512xf32>
    %exp3A_1816 = math.exp %sub3A_1815 : vector<1x512xf32>
    %mul3A_1817 = arith.mulf %add3A_1777, %exp3A_1814 : vector<1x512xf32>
    %add3A_1818 = arith.addf %mul3A_1817, %exp3A_1816 : vector<1x512xf32>
    %mul3A_1819 = vector.broadcast %exp3A_1814 : vector<1x512xf32> to vector<64x512xf32>
    %mul3A_1820 = arith.mulf %add3A_1782, %mul3A_1819 : vector<64x512xf32>
    %mul3A_1821 = vector.broadcast %exp3A_1816 : vector<1x512xf32> to vector<64x512xf32>
    %mul3A_1822 = arith.mulf %mul3A_1821, %concatenate3A_1793 : vector<64x512xf32>
    %add3A_1823 = arith.addf %mul3A_1820, %mul3A_1822 : vector<64x512xf32>
    %get3A_1824 = arith.constant 44 : index
    %get3A_1825 = arith.constant 0 : index
    %get3A_1826 = arith.constant 0 : index
    %get3A_1827 = vector.load %arg1[%get3A_1824, %get3A_1825, %get3A_1826] : memref<50x32x512xf32, #tpu.memory_space<vmem>>, vector<1x32x512xf32>
    %get3A_1828 = vector.shape_cast %get3A_1827 : vector<1x32x512xf32> to vector<32x512xf32>
    %get3A_1829 = arith.constant 44 : index
    %get3A_1830 = arith.constant 0 : index
    %get3A_1831 = arith.constant 0 : index
    %get3A_1832 = vector.load %arg2[%get3A_1829, %get3A_1830, %get3A_1831] : memref<50x32x512xf32, #tpu.memory_space<vmem>>, vector<1x32x512xf32>
    %get3A_1833 = vector.shape_cast %get3A_1832 : vector<1x32x512xf32> to vector<32x512xf32>
    %concatenate3A_1834 = tpu.concatenate %get3A_1828, %get3A_1833 in 0 : vector<32x512xf32>, vector<32x512xf32> -> vector<64x512xf32>
    %mul3A_1835 = arith.mulf %concatenate3A, %concatenate3A_1834 : vector<64x512xf32>
    %concatenate3A_1836 = tpu.concatenate %concatenate3A_1834, %mul3A_1835 in 0 : vector<64x512xf32>, vector<64x512xf32> -> vector<128x512xf32>
    %get3A_1837 = arith.constant 0 : index
    %get3A_1838 = arith.constant 0 : index
    %get3A_1839 = vector.load %arg9[%get3A_1837, %get3A_1838] : memref<80x128xf32, #tpu.memory_space<vmem>>, vector<80x128xf32>
    %dot_general3A_1840 = arith.constant dense<0.000000e+00> : vector<80x512xf32>
    %dot_general3A_1841 = tpu.matmul %get3A_1839, %concatenate3A_1836, %dot_general3A_1840 {dimension_numbers = #tpu.dot_dimension_numbers<[1], [0], [0], [1], [0, 0, 1, 1], [], []>, transpose_lhs_hint = false} : vector<80x128xf32>, vector<128x512xf32>, vector<80x512xf32> -> vector<80x512xf32>
    %add3A_1842 = arith.addf %add3A_12, %dot_general3A_1841 : vector<80x512xf32>
    %max3A_1843 = arith.constant 0.000000e+00 : f32
    %max3A_1844 = vector.broadcast %max3A_1843 : f32 to vector<80x512xf32>
    %max3A_1845 = arith.maximumf %add3A_1842, %max3A_1844 : vector<80x512xf32>
    %mul3A_1846 = vector.broadcast %get3A_15 : vector<80x1xf32> to vector<80x512xf32>
    %mul3A_1847 = arith.mulf %max3A_1845, %mul3A_1846 : vector<80x512xf32>
    %reduce_sum3A_1848 = arith.constant dense<0.000000e+00> : vector<512xf32>
    %reduce_sum3A_1849 = vector.multi_reduction <add>, %mul3A_1847, %reduce_sum3A_1848 [0] : vector<80x512xf32> to vector<512xf32>
    %broadcast_in_dim3A_1850 = vector.shape_cast %reduce_sum3A_1849 : vector<512xf32> to vector<1x512xf32>
    %add3A_1851 = vector.broadcast %get3A_19 : f32 to vector<1x512xf32>
    %add3A_1852 = arith.addf %broadcast_in_dim3A_1850, %add3A_1851 : vector<1x512xf32>
    %max3A_1853 = arith.maximumf %max3A_1812, %add3A_1852 : vector<1x512xf32>
    %sub3A_1854 = arith.subf %max3A_1812, %max3A_1853 : vector<1x512xf32>
    %exp3A_1855 = math.exp %sub3A_1854 : vector<1x512xf32>
    %sub3A_1856 = arith.subf %add3A_1852, %max3A_1853 : vector<1x512xf32>
    %exp3A_1857 = math.exp %sub3A_1856 : vector<1x512xf32>
    %mul3A_1858 = arith.mulf %add3A_1818, %exp3A_1855 : vector<1x512xf32>
    %add3A_1859 = arith.addf %mul3A_1858, %exp3A_1857 : vector<1x512xf32>
    %mul3A_1860 = vector.broadcast %exp3A_1855 : vector<1x512xf32> to vector<64x512xf32>
    %mul3A_1861 = arith.mulf %add3A_1823, %mul3A_1860 : vector<64x512xf32>
    %mul3A_1862 = vector.broadcast %exp3A_1857 : vector<1x512xf32> to vector<64x512xf32>
    %mul3A_1863 = arith.mulf %mul3A_1862, %concatenate3A_1834 : vector<64x512xf32>
    %add3A_1864 = arith.addf %mul3A_1861, %mul3A_1863 : vector<64x512xf32>
    %get3A_1865 = arith.constant 45 : index
    %get3A_1866 = arith.constant 0 : index
    %get3A_1867 = arith.constant 0 : index
    %get3A_1868 = vector.load %arg1[%get3A_1865, %get3A_1866, %get3A_1867] : memref<50x32x512xf32, #tpu.memory_space<vmem>>, vector<1x32x512xf32>
    %get3A_1869 = vector.shape_cast %get3A_1868 : vector<1x32x512xf32> to vector<32x512xf32>
    %get3A_1870 = arith.constant 45 : index
    %get3A_1871 = arith.constant 0 : index
    %get3A_1872 = arith.constant 0 : index
    %get3A_1873 = vector.load %arg2[%get3A_1870, %get3A_1871, %get3A_1872] : memref<50x32x512xf32, #tpu.memory_space<vmem>>, vector<1x32x512xf32>
    %get3A_1874 = vector.shape_cast %get3A_1873 : vector<1x32x512xf32> to vector<32x512xf32>
    %concatenate3A_1875 = tpu.concatenate %get3A_1869, %get3A_1874 in 0 : vector<32x512xf32>, vector<32x512xf32> -> vector<64x512xf32>
    %mul3A_1876 = arith.mulf %concatenate3A, %concatenate3A_1875 : vector<64x512xf32>
    %concatenate3A_1877 = tpu.concatenate %concatenate3A_1875, %mul3A_1876 in 0 : vector<64x512xf32>, vector<64x512xf32> -> vector<128x512xf32>
    %get3A_1878 = arith.constant 0 : index
    %get3A_1879 = arith.constant 0 : index
    %get3A_1880 = vector.load %arg9[%get3A_1878, %get3A_1879] : memref<80x128xf32, #tpu.memory_space<vmem>>, vector<80x128xf32>
    %dot_general3A_1881 = arith.constant dense<0.000000e+00> : vector<80x512xf32>
    %dot_general3A_1882 = tpu.matmul %get3A_1880, %concatenate3A_1877, %dot_general3A_1881 {dimension_numbers = #tpu.dot_dimension_numbers<[1], [0], [0], [1], [0, 0, 1, 1], [], []>, transpose_lhs_hint = false} : vector<80x128xf32>, vector<128x512xf32>, vector<80x512xf32> -> vector<80x512xf32>
    %add3A_1883 = arith.addf %add3A_12, %dot_general3A_1882 : vector<80x512xf32>
    %max3A_1884 = arith.constant 0.000000e+00 : f32
    %max3A_1885 = vector.broadcast %max3A_1884 : f32 to vector<80x512xf32>
    %max3A_1886 = arith.maximumf %add3A_1883, %max3A_1885 : vector<80x512xf32>
    %mul3A_1887 = vector.broadcast %get3A_15 : vector<80x1xf32> to vector<80x512xf32>
    %mul3A_1888 = arith.mulf %max3A_1886, %mul3A_1887 : vector<80x512xf32>
    %reduce_sum3A_1889 = arith.constant dense<0.000000e+00> : vector<512xf32>
    %reduce_sum3A_1890 = vector.multi_reduction <add>, %mul3A_1888, %reduce_sum3A_1889 [0] : vector<80x512xf32> to vector<512xf32>
    %broadcast_in_dim3A_1891 = vector.shape_cast %reduce_sum3A_1890 : vector<512xf32> to vector<1x512xf32>
    %add3A_1892 = vector.broadcast %get3A_19 : f32 to vector<1x512xf32>
    %add3A_1893 = arith.addf %broadcast_in_dim3A_1891, %add3A_1892 : vector<1x512xf32>
    %max3A_1894 = arith.maximumf %max3A_1853, %add3A_1893 : vector<1x512xf32>
    %sub3A_1895 = arith.subf %max3A_1853, %max3A_1894 : vector<1x512xf32>
    %exp3A_1896 = math.exp %sub3A_1895 : vector<1x512xf32>
    %sub3A_1897 = arith.subf %add3A_1893, %max3A_1894 : vector<1x512xf32>
    %exp3A_1898 = math.exp %sub3A_1897 : vector<1x512xf32>
    %mul3A_1899 = arith.mulf %add3A_1859, %exp3A_1896 : vector<1x512xf32>
    %add3A_1900 = arith.addf %mul3A_1899, %exp3A_1898 : vector<1x512xf32>
    %mul3A_1901 = vector.broadcast %exp3A_1896 : vector<1x512xf32> to vector<64x512xf32>
    %mul3A_1902 = arith.mulf %add3A_1864, %mul3A_1901 : vector<64x512xf32>
    %mul3A_1903 = vector.broadcast %exp3A_1898 : vector<1x512xf32> to vector<64x512xf32>
    %mul3A_1904 = arith.mulf %mul3A_1903, %concatenate3A_1875 : vector<64x512xf32>
    %add3A_1905 = arith.addf %mul3A_1902, %mul3A_1904 : vector<64x512xf32>
    %get3A_1906 = arith.constant 46 : index
    %get3A_1907 = arith.constant 0 : index
    %get3A_1908 = arith.constant 0 : index
    %get3A_1909 = vector.load %arg1[%get3A_1906, %get3A_1907, %get3A_1908] : memref<50x32x512xf32, #tpu.memory_space<vmem>>, vector<1x32x512xf32>
    %get3A_1910 = vector.shape_cast %get3A_1909 : vector<1x32x512xf32> to vector<32x512xf32>
    %get3A_1911 = arith.constant 46 : index
    %get3A_1912 = arith.constant 0 : index
    %get3A_1913 = arith.constant 0 : index
    %get3A_1914 = vector.load %arg2[%get3A_1911, %get3A_1912, %get3A_1913] : memref<50x32x512xf32, #tpu.memory_space<vmem>>, vector<1x32x512xf32>
    %get3A_1915 = vector.shape_cast %get3A_1914 : vector<1x32x512xf32> to vector<32x512xf32>
    %concatenate3A_1916 = tpu.concatenate %get3A_1910, %get3A_1915 in 0 : vector<32x512xf32>, vector<32x512xf32> -> vector<64x512xf32>
    %mul3A_1917 = arith.mulf %concatenate3A, %concatenate3A_1916 : vector<64x512xf32>
    %concatenate3A_1918 = tpu.concatenate %concatenate3A_1916, %mul3A_1917 in 0 : vector<64x512xf32>, vector<64x512xf32> -> vector<128x512xf32>
    %get3A_1919 = arith.constant 0 : index
    %get3A_1920 = arith.constant 0 : index
    %get3A_1921 = vector.load %arg9[%get3A_1919, %get3A_1920] : memref<80x128xf32, #tpu.memory_space<vmem>>, vector<80x128xf32>
    %dot_general3A_1922 = arith.constant dense<0.000000e+00> : vector<80x512xf32>
    %dot_general3A_1923 = tpu.matmul %get3A_1921, %concatenate3A_1918, %dot_general3A_1922 {dimension_numbers = #tpu.dot_dimension_numbers<[1], [0], [0], [1], [0, 0, 1, 1], [], []>, transpose_lhs_hint = false} : vector<80x128xf32>, vector<128x512xf32>, vector<80x512xf32> -> vector<80x512xf32>
    %add3A_1924 = arith.addf %add3A_12, %dot_general3A_1923 : vector<80x512xf32>
    %max3A_1925 = arith.constant 0.000000e+00 : f32
    %max3A_1926 = vector.broadcast %max3A_1925 : f32 to vector<80x512xf32>
    %max3A_1927 = arith.maximumf %add3A_1924, %max3A_1926 : vector<80x512xf32>
    %mul3A_1928 = vector.broadcast %get3A_15 : vector<80x1xf32> to vector<80x512xf32>
    %mul3A_1929 = arith.mulf %max3A_1927, %mul3A_1928 : vector<80x512xf32>
    %reduce_sum3A_1930 = arith.constant dense<0.000000e+00> : vector<512xf32>
    %reduce_sum3A_1931 = vector.multi_reduction <add>, %mul3A_1929, %reduce_sum3A_1930 [0] : vector<80x512xf32> to vector<512xf32>
    %broadcast_in_dim3A_1932 = vector.shape_cast %reduce_sum3A_1931 : vector<512xf32> to vector<1x512xf32>
    %add3A_1933 = vector.broadcast %get3A_19 : f32 to vector<1x512xf32>
    %add3A_1934 = arith.addf %broadcast_in_dim3A_1932, %add3A_1933 : vector<1x512xf32>
    %max3A_1935 = arith.maximumf %max3A_1894, %add3A_1934 : vector<1x512xf32>
    %sub3A_1936 = arith.subf %max3A_1894, %max3A_1935 : vector<1x512xf32>
    %exp3A_1937 = math.exp %sub3A_1936 : vector<1x512xf32>
    %sub3A_1938 = arith.subf %add3A_1934, %max3A_1935 : vector<1x512xf32>
    %exp3A_1939 = math.exp %sub3A_1938 : vector<1x512xf32>
    %mul3A_1940 = arith.mulf %add3A_1900, %exp3A_1937 : vector<1x512xf32>
    %add3A_1941 = arith.addf %mul3A_1940, %exp3A_1939 : vector<1x512xf32>
    %mul3A_1942 = vector.broadcast %exp3A_1937 : vector<1x512xf32> to vector<64x512xf32>
    %mul3A_1943 = arith.mulf %add3A_1905, %mul3A_1942 : vector<64x512xf32>
    %mul3A_1944 = vector.broadcast %exp3A_1939 : vector<1x512xf32> to vector<64x512xf32>
    %mul3A_1945 = arith.mulf %mul3A_1944, %concatenate3A_1916 : vector<64x512xf32>
    %add3A_1946 = arith.addf %mul3A_1943, %mul3A_1945 : vector<64x512xf32>
    %get3A_1947 = arith.constant 47 : index
    %get3A_1948 = arith.constant 0 : index
    %get3A_1949 = arith.constant 0 : index
    %get3A_1950 = vector.load %arg1[%get3A_1947, %get3A_1948, %get3A_1949] : memref<50x32x512xf32, #tpu.memory_space<vmem>>, vector<1x32x512xf32>
    %get3A_1951 = vector.shape_cast %get3A_1950 : vector<1x32x512xf32> to vector<32x512xf32>
    %get3A_1952 = arith.constant 47 : index
    %get3A_1953 = arith.constant 0 : index
    %get3A_1954 = arith.constant 0 : index
    %get3A_1955 = vector.load %arg2[%get3A_1952, %get3A_1953, %get3A_1954] : memref<50x32x512xf32, #tpu.memory_space<vmem>>, vector<1x32x512xf32>
    %get3A_1956 = vector.shape_cast %get3A_1955 : vector<1x32x512xf32> to vector<32x512xf32>
    %concatenate3A_1957 = tpu.concatenate %get3A_1951, %get3A_1956 in 0 : vector<32x512xf32>, vector<32x512xf32> -> vector<64x512xf32>
    %mul3A_1958 = arith.mulf %concatenate3A, %concatenate3A_1957 : vector<64x512xf32>
    %concatenate3A_1959 = tpu.concatenate %concatenate3A_1957, %mul3A_1958 in 0 : vector<64x512xf32>, vector<64x512xf32> -> vector<128x512xf32>
    %get3A_1960 = arith.constant 0 : index
    %get3A_1961 = arith.constant 0 : index
    %get3A_1962 = vector.load %arg9[%get3A_1960, %get3A_1961] : memref<80x128xf32, #tpu.memory_space<vmem>>, vector<80x128xf32>
    %dot_general3A_1963 = arith.constant dense<0.000000e+00> : vector<80x512xf32>
    %dot_general3A_1964 = tpu.matmul %get3A_1962, %concatenate3A_1959, %dot_general3A_1963 {dimension_numbers = #tpu.dot_dimension_numbers<[1], [0], [0], [1], [0, 0, 1, 1], [], []>, transpose_lhs_hint = false} : vector<80x128xf32>, vector<128x512xf32>, vector<80x512xf32> -> vector<80x512xf32>
    %add3A_1965 = arith.addf %add3A_12, %dot_general3A_1964 : vector<80x512xf32>
    %max3A_1966 = arith.constant 0.000000e+00 : f32
    %max3A_1967 = vector.broadcast %max3A_1966 : f32 to vector<80x512xf32>
    %max3A_1968 = arith.maximumf %add3A_1965, %max3A_1967 : vector<80x512xf32>
    %mul3A_1969 = vector.broadcast %get3A_15 : vector<80x1xf32> to vector<80x512xf32>
    %mul3A_1970 = arith.mulf %max3A_1968, %mul3A_1969 : vector<80x512xf32>
    %reduce_sum3A_1971 = arith.constant dense<0.000000e+00> : vector<512xf32>
    %reduce_sum3A_1972 = vector.multi_reduction <add>, %mul3A_1970, %reduce_sum3A_1971 [0] : vector<80x512xf32> to vector<512xf32>
    %broadcast_in_dim3A_1973 = vector.shape_cast %reduce_sum3A_1972 : vector<512xf32> to vector<1x512xf32>
    %add3A_1974 = vector.broadcast %get3A_19 : f32 to vector<1x512xf32>
    %add3A_1975 = arith.addf %broadcast_in_dim3A_1973, %add3A_1974 : vector<1x512xf32>
    %max3A_1976 = arith.maximumf %max3A_1935, %add3A_1975 : vector<1x512xf32>
    %sub3A_1977 = arith.subf %max3A_1935, %max3A_1976 : vector<1x512xf32>
    %exp3A_1978 = math.exp %sub3A_1977 : vector<1x512xf32>
    %sub3A_1979 = arith.subf %add3A_1975, %max3A_1976 : vector<1x512xf32>
    %exp3A_1980 = math.exp %sub3A_1979 : vector<1x512xf32>
    %mul3A_1981 = arith.mulf %add3A_1941, %exp3A_1978 : vector<1x512xf32>
    %add3A_1982 = arith.addf %mul3A_1981, %exp3A_1980 : vector<1x512xf32>
    %mul3A_1983 = vector.broadcast %exp3A_1978 : vector<1x512xf32> to vector<64x512xf32>
    %mul3A_1984 = arith.mulf %add3A_1946, %mul3A_1983 : vector<64x512xf32>
    %mul3A_1985 = vector.broadcast %exp3A_1980 : vector<1x512xf32> to vector<64x512xf32>
    %mul3A_1986 = arith.mulf %mul3A_1985, %concatenate3A_1957 : vector<64x512xf32>
    %add3A_1987 = arith.addf %mul3A_1984, %mul3A_1986 : vector<64x512xf32>
    %get3A_1988 = arith.constant 48 : index
    %get3A_1989 = arith.constant 0 : index
    %get3A_1990 = arith.constant 0 : index
    %get3A_1991 = vector.load %arg1[%get3A_1988, %get3A_1989, %get3A_1990] : memref<50x32x512xf32, #tpu.memory_space<vmem>>, vector<1x32x512xf32>
    %get3A_1992 = vector.shape_cast %get3A_1991 : vector<1x32x512xf32> to vector<32x512xf32>
    %get3A_1993 = arith.constant 48 : index
    %get3A_1994 = arith.constant 0 : index
    %get3A_1995 = arith.constant 0 : index
    %get3A_1996 = vector.load %arg2[%get3A_1993, %get3A_1994, %get3A_1995] : memref<50x32x512xf32, #tpu.memory_space<vmem>>, vector<1x32x512xf32>
    %get3A_1997 = vector.shape_cast %get3A_1996 : vector<1x32x512xf32> to vector<32x512xf32>
    %concatenate3A_1998 = tpu.concatenate %get3A_1992, %get3A_1997 in 0 : vector<32x512xf32>, vector<32x512xf32> -> vector<64x512xf32>
    %mul3A_1999 = arith.mulf %concatenate3A, %concatenate3A_1998 : vector<64x512xf32>
    %concatenate3A_2000 = tpu.concatenate %concatenate3A_1998, %mul3A_1999 in 0 : vector<64x512xf32>, vector<64x512xf32> -> vector<128x512xf32>
    %get3A_2001 = arith.constant 0 : index
    %get3A_2002 = arith.constant 0 : index
    %get3A_2003 = vector.load %arg9[%get3A_2001, %get3A_2002] : memref<80x128xf32, #tpu.memory_space<vmem>>, vector<80x128xf32>
    %dot_general3A_2004 = arith.constant dense<0.000000e+00> : vector<80x512xf32>
    %dot_general3A_2005 = tpu.matmul %get3A_2003, %concatenate3A_2000, %dot_general3A_2004 {dimension_numbers = #tpu.dot_dimension_numbers<[1], [0], [0], [1], [0, 0, 1, 1], [], []>, transpose_lhs_hint = false} : vector<80x128xf32>, vector<128x512xf32>, vector<80x512xf32> -> vector<80x512xf32>
    %add3A_2006 = arith.addf %add3A_12, %dot_general3A_2005 : vector<80x512xf32>
    %max3A_2007 = arith.constant 0.000000e+00 : f32
    %max3A_2008 = vector.broadcast %max3A_2007 : f32 to vector<80x512xf32>
    %max3A_2009 = arith.maximumf %add3A_2006, %max3A_2008 : vector<80x512xf32>
    %mul3A_2010 = vector.broadcast %get3A_15 : vector<80x1xf32> to vector<80x512xf32>
    %mul3A_2011 = arith.mulf %max3A_2009, %mul3A_2010 : vector<80x512xf32>
    %reduce_sum3A_2012 = arith.constant dense<0.000000e+00> : vector<512xf32>
    %reduce_sum3A_2013 = vector.multi_reduction <add>, %mul3A_2011, %reduce_sum3A_2012 [0] : vector<80x512xf32> to vector<512xf32>
    %broadcast_in_dim3A_2014 = vector.shape_cast %reduce_sum3A_2013 : vector<512xf32> to vector<1x512xf32>
    %add3A_2015 = vector.broadcast %get3A_19 : f32 to vector<1x512xf32>
    %add3A_2016 = arith.addf %broadcast_in_dim3A_2014, %add3A_2015 : vector<1x512xf32>
    %max3A_2017 = arith.maximumf %max3A_1976, %add3A_2016 : vector<1x512xf32>
    %sub3A_2018 = arith.subf %max3A_1976, %max3A_2017 : vector<1x512xf32>
    %exp3A_2019 = math.exp %sub3A_2018 : vector<1x512xf32>
    %sub3A_2020 = arith.subf %add3A_2016, %max3A_2017 : vector<1x512xf32>
    %exp3A_2021 = math.exp %sub3A_2020 : vector<1x512xf32>
    %mul3A_2022 = arith.mulf %add3A_1982, %exp3A_2019 : vector<1x512xf32>
    %add3A_2023 = arith.addf %mul3A_2022, %exp3A_2021 : vector<1x512xf32>
    %mul3A_2024 = vector.broadcast %exp3A_2019 : vector<1x512xf32> to vector<64x512xf32>
    %mul3A_2025 = arith.mulf %add3A_1987, %mul3A_2024 : vector<64x512xf32>
    %mul3A_2026 = vector.broadcast %exp3A_2021 : vector<1x512xf32> to vector<64x512xf32>
    %mul3A_2027 = arith.mulf %mul3A_2026, %concatenate3A_1998 : vector<64x512xf32>
    %add3A_2028 = arith.addf %mul3A_2025, %mul3A_2027 : vector<64x512xf32>
    %get3A_2029 = arith.constant 49 : index
    %get3A_2030 = arith.constant 0 : index
    %get3A_2031 = arith.constant 0 : index
    %get3A_2032 = vector.load %arg1[%get3A_2029, %get3A_2030, %get3A_2031] : memref<50x32x512xf32, #tpu.memory_space<vmem>>, vector<1x32x512xf32>
    %get3A_2033 = vector.shape_cast %get3A_2032 : vector<1x32x512xf32> to vector<32x512xf32>
    %get3A_2034 = arith.constant 49 : index
    %get3A_2035 = arith.constant 0 : index
    %get3A_2036 = arith.constant 0 : index
    %get3A_2037 = vector.load %arg2[%get3A_2034, %get3A_2035, %get3A_2036] : memref<50x32x512xf32, #tpu.memory_space<vmem>>, vector<1x32x512xf32>
    %get3A_2038 = vector.shape_cast %get3A_2037 : vector<1x32x512xf32> to vector<32x512xf32>
    %concatenate3A_2039 = tpu.concatenate %get3A_2033, %get3A_2038 in 0 : vector<32x512xf32>, vector<32x512xf32> -> vector<64x512xf32>
    %mul3A_2040 = arith.mulf %concatenate3A, %concatenate3A_2039 : vector<64x512xf32>
    %concatenate3A_2041 = tpu.concatenate %concatenate3A_2039, %mul3A_2040 in 0 : vector<64x512xf32>, vector<64x512xf32> -> vector<128x512xf32>
    %get3A_2042 = arith.constant 0 : index
    %get3A_2043 = arith.constant 0 : index
    %get3A_2044 = vector.load %arg9[%get3A_2042, %get3A_2043] : memref<80x128xf32, #tpu.memory_space<vmem>>, vector<80x128xf32>
    %dot_general3A_2045 = arith.constant dense<0.000000e+00> : vector<80x512xf32>
    %dot_general3A_2046 = tpu.matmul %get3A_2044, %concatenate3A_2041, %dot_general3A_2045 {dimension_numbers = #tpu.dot_dimension_numbers<[1], [0], [0], [1], [0, 0, 1, 1], [], []>, transpose_lhs_hint = false} : vector<80x128xf32>, vector<128x512xf32>, vector<80x512xf32> -> vector<80x512xf32>
    %add3A_2047 = arith.addf %add3A_12, %dot_general3A_2046 : vector<80x512xf32>
    %max3A_2048 = arith.constant 0.000000e+00 : f32
    %max3A_2049 = vector.broadcast %max3A_2048 : f32 to vector<80x512xf32>
    %max3A_2050 = arith.maximumf %add3A_2047, %max3A_2049 : vector<80x512xf32>
    %mul3A_2051 = vector.broadcast %get3A_15 : vector<80x1xf32> to vector<80x512xf32>
    %mul3A_2052 = arith.mulf %max3A_2050, %mul3A_2051 : vector<80x512xf32>
    %reduce_sum3A_2053 = arith.constant dense<0.000000e+00> : vector<512xf32>
    %reduce_sum3A_2054 = vector.multi_reduction <add>, %mul3A_2052, %reduce_sum3A_2053 [0] : vector<80x512xf32> to vector<512xf32>
    %broadcast_in_dim3A_2055 = vector.shape_cast %reduce_sum3A_2054 : vector<512xf32> to vector<1x512xf32>
    %add3A_2056 = vector.broadcast %get3A_19 : f32 to vector<1x512xf32>
    %add3A_2057 = arith.addf %broadcast_in_dim3A_2055, %add3A_2056 : vector<1x512xf32>
    %max3A_2058 = arith.maximumf %max3A_2017, %add3A_2057 : vector<1x512xf32>
    %sub3A_2059 = arith.subf %max3A_2017, %max3A_2058 : vector<1x512xf32>
    %exp3A_2060 = math.exp %sub3A_2059 : vector<1x512xf32>
    %sub3A_2061 = arith.subf %add3A_2057, %max3A_2058 : vector<1x512xf32>
    %exp3A_2062 = math.exp %sub3A_2061 : vector<1x512xf32>
    %mul3A_2063 = arith.mulf %add3A_2023, %exp3A_2060 : vector<1x512xf32>
    %add3A_2064 = arith.addf %mul3A_2063, %exp3A_2062 : vector<1x512xf32>
    %mul3A_2065 = vector.broadcast %exp3A_2060 : vector<1x512xf32> to vector<64x512xf32>
    %mul3A_2066 = arith.mulf %add3A_2028, %mul3A_2065 : vector<64x512xf32>
    %mul3A_2067 = vector.broadcast %exp3A_2062 : vector<1x512xf32> to vector<64x512xf32>
    %mul3A_2068 = arith.mulf %mul3A_2067, %concatenate3A_2039 : vector<64x512xf32>
    %add3A_2069 = arith.addf %mul3A_2066, %mul3A_2068 : vector<64x512xf32>
    %div3A = vector.broadcast %add3A_2064 : vector<1x512xf32> to vector<64x512xf32>
    %div3A_2070 = arith.divf %add3A_2069, %div3A : vector<64x512xf32>
    %get3A_2071 = arith.constant 0 : index
    %get3A_2072 = arith.constant 0 : index
    %get3A_2073 = vector.load %arg13[%get3A_2071, %get3A_2072] : memref<256x13xf32, #tpu.memory_space<vmem>>, vector<256x13xf32>
    %get3A_2074 = arith.constant 0 : index
    %get3A_2075 = arith.constant 0 : index
    %get3A_2076 = vector.load %arg7[%get3A_2074, %get3A_2075] : memref<13x512xf32, #tpu.memory_space<vmem>>, vector<13x512xf32>
    %dot_general3A_2077 = arith.constant dense<0.000000e+00> : vector<256x512xf32>
    %dot_general3A_2078 = tpu.matmul %get3A_2073, %get3A_2076, %dot_general3A_2077 {dimension_numbers = #tpu.dot_dimension_numbers<[1], [0], [0], [1], [0, 0, 1, 1], [], []>, transpose_lhs_hint = false} : vector<256x13xf32>, vector<13x512xf32>, vector<256x512xf32> -> vector<256x512xf32>
    %get3A_2079 = arith.constant 0 : index
    %get3A_2080 = arith.constant 0 : index
    %get3A_2081 = vector.load %arg14[%get3A_2079, %get3A_2080] : memref<256x64xf32, #tpu.memory_space<vmem>>, vector<256x64xf32>
    %dot_general3A_2082 = arith.constant dense<0.000000e+00> : vector<256x512xf32>
    %dot_general3A_2083 = tpu.matmul %get3A_2081, %concatenate3A, %dot_general3A_2082 {dimension_numbers = #tpu.dot_dimension_numbers<[1], [0], [0], [1], [0, 0, 1, 1], [], []>, transpose_lhs_hint = false} : vector<256x64xf32>, vector<64x512xf32>, vector<256x512xf32> -> vector<256x512xf32>
    %add3A_2084 = arith.addf %dot_general3A_2078, %dot_general3A_2083 : vector<256x512xf32>
    %get3A_2085 = arith.constant 0 : index
    %get3A_2086 = arith.constant 0 : index
    %get3A_2087 = vector.load %arg15[%get3A_2085, %get3A_2086] : memref<256x64xf32, #tpu.memory_space<vmem>>, vector<256x64xf32>
    %dot_general3A_2088 = arith.constant dense<0.000000e+00> : vector<256x512xf32>
    %dot_general3A_2089 = tpu.matmul %get3A_2087, %div3A_2070, %dot_general3A_2088 {dimension_numbers = #tpu.dot_dimension_numbers<[1], [0], [0], [1], [0, 0, 1, 1], [], []>, transpose_lhs_hint = false} : vector<256x64xf32>, vector<64x512xf32>, vector<256x512xf32> -> vector<256x512xf32>
    %add3A_2090 = arith.addf %add3A_2084, %dot_general3A_2089 : vector<256x512xf32>
    %get3A_2091 = arith.constant 0 : index
    %get3A_2092 = arith.constant 0 : index
    %get3A_2093 = vector.load %arg16[%get3A_2091, %get3A_2092] : memref<256x32xf32, #tpu.memory_space<vmem>>, vector<256x32xf32>
    %get3A_2094 = arith.constant 0 : index
    %get3A_2095 = arith.constant 0 : index
    %get3A_2096 = vector.load %arg5[%get3A_2094, %get3A_2095] : memref<32x512xf32, #tpu.memory_space<vmem>>, vector<32x512xf32>
    %dot_general3A_2097 = arith.constant dense<0.000000e+00> : vector<256x512xf32>
    %dot_general3A_2098 = tpu.matmul %get3A_2093, %get3A_2096, %dot_general3A_2097 {dimension_numbers = #tpu.dot_dimension_numbers<[1], [0], [0], [1], [0, 0, 1, 1], [], []>, transpose_lhs_hint = false} : vector<256x32xf32>, vector<32x512xf32>, vector<256x512xf32> -> vector<256x512xf32>
    %add3A_2099 = arith.addf %add3A_2090, %dot_general3A_2098 : vector<256x512xf32>
    %get3A_2100 = arith.constant 0 : index
    %get3A_2101 = arith.constant 0 : index
    %get3A_2102 = vector.load %arg17[%get3A_2100, %get3A_2101] : memref<256x32xf32, #tpu.memory_space<vmem>>, vector<256x32xf32>
    %get3A_2103 = arith.constant 0 : index
    %get3A_2104 = arith.constant 0 : index
    %get3A_2105 = vector.load %arg6[%get3A_2103, %get3A_2104] : memref<32x512xf32, #tpu.memory_space<vmem>>, vector<32x512xf32>
    %dot_general3A_2106 = arith.constant dense<0.000000e+00> : vector<256x512xf32>
    %dot_general3A_2107 = tpu.matmul %get3A_2102, %get3A_2105, %dot_general3A_2106 {dimension_numbers = #tpu.dot_dimension_numbers<[1], [0], [0], [1], [0, 0, 1, 1], [], []>, transpose_lhs_hint = false} : vector<256x32xf32>, vector<32x512xf32>, vector<256x512xf32> -> vector<256x512xf32>
    %add3A_2108 = arith.addf %add3A_2099, %dot_general3A_2107 : vector<256x512xf32>
    %get3A_2109 = arith.constant 0 : index
    %get3A_2110 = arith.constant 0 : index
    %get3A_2111 = vector.load %arg18[%get3A_2109, %get3A_2110] : memref<256x1xf32, #tpu.memory_space<vmem>>, vector<256x1xf32>
    %add3A_2112 = vector.broadcast %get3A_2111 : vector<256x1xf32> to vector<256x512xf32>
    %add3A_2113 = arith.addf %add3A_2108, %add3A_2112 : vector<256x512xf32>
    %max3A_2114 = arith.constant 0.000000e+00 : f32
    %max3A_2115 = vector.broadcast %max3A_2114 : f32 to vector<256x512xf32>
    %max3A_2116 = arith.maximumf %add3A_2113, %max3A_2115 : vector<256x512xf32>
    %get3A_2117 = arith.constant 0 : index
    %get3A_2118 = arith.constant 0 : index
    %get3A_2119 = vector.load %arg19[%get3A_2117, %get3A_2118] : memref<128x256xf32, #tpu.memory_space<vmem>>, vector<128x256xf32>
    %dot_general3A_2120 = arith.constant dense<0.000000e+00> : vector<128x512xf32>
    %dot_general3A_2121 = tpu.matmul %get3A_2119, %max3A_2116, %dot_general3A_2120 {dimension_numbers = #tpu.dot_dimension_numbers<[1], [0], [0], [1], [0, 0, 1, 1], [], []>, transpose_lhs_hint = false} : vector<128x256xf32>, vector<256x512xf32>, vector<128x512xf32> -> vector<128x512xf32>
    %get3A_2122 = arith.constant 0 : index
    %get3A_2123 = arith.constant 0 : index
    %get3A_2124 = vector.load %arg20[%get3A_2122, %get3A_2123] : memref<128x1xf32, #tpu.memory_space<vmem>>, vector<128x1xf32>
    %add3A_2125 = vector.broadcast %get3A_2124 : vector<128x1xf32> to vector<128x512xf32>
    %add3A_2126 = arith.addf %dot_general3A_2121, %add3A_2125 : vector<128x512xf32>
    %max3A_2127 = arith.constant 0.000000e+00 : f32
    %max3A_2128 = vector.broadcast %max3A_2127 : f32 to vector<128x512xf32>
    %max3A_2129 = arith.maximumf %add3A_2126, %max3A_2128 : vector<128x512xf32>
    %get3A_2130 = arith.constant 0 : index
    %get3A_2131 = arith.constant 0 : index
    %get3A_2132 = vector.load %arg21[%get3A_2130, %get3A_2131] : memref<128x1xf32, #tpu.memory_space<vmem>>, vector<128x1xf32>
    %mul3A_2133 = vector.broadcast %get3A_2132 : vector<128x1xf32> to vector<128x512xf32>
    %mul3A_2134 = arith.mulf %max3A_2129, %mul3A_2133 : vector<128x512xf32>
    %reduce_sum3A_2135 = arith.constant dense<0.000000e+00> : vector<512xf32>
    %reduce_sum3A_2136 = vector.multi_reduction <add>, %mul3A_2134, %reduce_sum3A_2135 [0] : vector<128x512xf32> to vector<512xf32>
    %broadcast_in_dim3A_2137 = vector.shape_cast %reduce_sum3A_2136 : vector<512xf32> to vector<1x512xf32>
    %get3A_2138 = arith.constant 0 : index
    %get3A_2139 = arith.constant 0 : index
    %get3A_2140 = vector.load %arg22[%get3A_2138, %get3A_2139] : memref<1x1xf32, #tpu.memory_space<vmem>>, vector<1x1xf32>
    %get3A_2141 = vector.extract %get3A_2140[0, 0] : f32 from vector<1x1xf32>
    %add3A_2142 = vector.broadcast %get3A_2141 : f32 to vector<1x512xf32>
    %add3A_2143 = arith.addf %broadcast_in_dim3A_2137, %add3A_2142 : vector<1x512xf32>
    %neg3A = arith.constant 0.000000e+00 : f32
    %neg3A_2144 = vector.broadcast %neg3A : f32 to vector<1x512xf32>
    %neg3A_2145 = arith.subf %neg3A_2144, %add3A_2143 : vector<1x512xf32>
    %exp3A_2146 = math.exp %neg3A_2145 : vector<1x512xf32>
    %add3A_2147 = arith.constant 1.000000e+00 : f32
    %add3A_2148 = vector.broadcast %add3A_2147 : f32 to vector<1x512xf32>
    %add3A_2149 = arith.addf %add3A_2148, %exp3A_2146 : vector<1x512xf32>
    %div3A_2150 = arith.constant 1.000000e+00 : f32
    %div3A_2151 = vector.broadcast %div3A_2150 : f32 to vector<1x512xf32>
    %div3A_2152 = arith.divf %div3A_2151, %add3A_2149 : vector<1x512xf32>
    %swap3A = arith.constant 0 : index
    %swap3A_2153 = arith.constant 0 : index
    %swap3A_2154 = vector.load %arg23[%swap3A, %swap3A_2153] : memref<1x512xf32, #tpu.memory_space<vmem>>, vector<1x512xf32>
    tpu.vector_store %arg23[%swap3A, %swap3A_2153], %div3A_2152 {strides = array<i32>} : memref<1x512xf32, #tpu.memory_space<vmem>>, vector<1x512xf32>,
    return
  }
  func.func @transform_0(%arg0: i32) -> (i32, i32, i32) {
    %c0_i32 = arith.constant 0 : i32
    %c0_i32_0 = arith.constant 0 : i32
    %c0_i32_1 = arith.constant 0 : i32
    return %c0_i32, %c0_i32_0, %arg0 : i32, i32, i32
  }
  func.func @transform_1(%arg0: i32) -> (i32, i32, i32) {
    %c0_i32 = arith.constant 0 : i32
    %c0_i32_0 = arith.constant 0 : i32
    %c0_i32_1 = arith.constant 0 : i32
    return %c0_i32, %c0_i32_0, %arg0 : i32, i32, i32
  }
  func.func @transform_2(%arg0: i32) -> (i32, i32) {
    %c0_i32 = arith.constant 0 : i32
    %c0_i32_0 = arith.constant 0 : i32
    return %c0_i32, %arg0 : i32, i32
  }
  func.func @transform_3(%arg0: i32) -> (i32, i32) {
    %c0_i32 = arith.constant 0 : i32
    %c0_i32_0 = arith.constant 0 : i32
    return %c0_i32, %arg0 : i32, i32
  }
  func.func @transform_4(%arg0: i32) -> (i32, i32) {
    %c0_i32 = arith.constant 0 : i32
    %c0_i32_0 = arith.constant 0 : i32
    return %c0_i32, %arg0 : i32, i32
  }
  func.func @transform_5(%arg0: i32) -> (i32, i32) {
    %c0_i32 = arith.constant 0 : i32
    %c0_i32_0 = arith.constant 0 : i32
    return %c0_i32, %arg0 : i32, i32
  }
  func.func @transform_6(%arg0: i32) -> (i32, i32) {
    %c0_i32 = arith.constant 0 : i32
    %c0_i32_0 = arith.constant 0 : i32
    return %c0_i32, %arg0 : i32, i32
  }
  func.func @transform_7(%arg0: i32) -> (i32, i32) {
    %c0_i32 = arith.constant 0 : i32
    %c0_i32_0 = arith.constant 0 : i32
    %c0_i32_1 = arith.constant 0 : i32
    return %c0_i32, %c0_i32_0 : i32, i32
  }
  func.func @transform_8(%arg0: i32) -> (i32, i32) {
    %c0_i32 = arith.constant 0 : i32
    %c0_i32_0 = arith.constant 0 : i32
    %c0_i32_1 = arith.constant 0 : i32
    return %c0_i32, %c0_i32_0 : i32, i32
  }
  func.func @transform_9(%arg0: i32) -> (i32, i32) {
    %c0_i32 = arith.constant 0 : i32
    %c0_i32_0 = arith.constant 0 : i32
    %c0_i32_1 = arith.constant 0 : i32
    return %c0_i32, %c0_i32_0 : i32, i32
  }
  func.func @transform_10(%arg0: i32) -> (i32, i32) {
    %c0_i32 = arith.constant 0 : i32
    %c0_i32_0 = arith.constant 0 : i32
    %c0_i32_1 = arith.constant 0 : i32
    return %c0_i32, %c0_i32_0 : i32, i32
  }
  func.func @transform_11(%arg0: i32) -> (i32, i32) {
    %c0_i32 = arith.constant 0 : i32
    %c0_i32_0 = arith.constant 0 : i32
    %c0_i32_1 = arith.constant 0 : i32
    return %c0_i32, %c0_i32_0 : i32, i32
  }
  func.func @transform_12(%arg0: i32) -> (i32, i32) {
    %c0_i32 = arith.constant 0 : i32
    %c0_i32_0 = arith.constant 0 : i32
    %c0_i32_1 = arith.constant 0 : i32
    return %c0_i32, %c0_i32_0 : i32, i32
  }
  func.func @transform_13(%arg0: i32) -> (i32, i32) {
    %c0_i32 = arith.constant 0 : i32
    %c0_i32_0 = arith.constant 0 : i32
    %c0_i32_1 = arith.constant 0 : i32
    return %c0_i32, %c0_i32_0 : i32, i32
  }
  func.func @transform_14(%arg0: i32) -> (i32, i32) {
    %c0_i32 = arith.constant 0 : i32
    %c0_i32_0 = arith.constant 0 : i32
    %c0_i32_1 = arith.constant 0 : i32
    return %c0_i32, %c0_i32_0 : i32, i32
  }
  func.func @transform_15(%arg0: i32) -> (i32, i32) {
    %c0_i32 = arith.constant 0 : i32
    %c0_i32_0 = arith.constant 0 : i32
    %c0_i32_1 = arith.constant 0 : i32
    return %c0_i32, %c0_i32_0 : i32, i32
  }
  func.func @transform_16(%arg0: i32) -> (i32, i32) {
    %c0_i32 = arith.constant 0 : i32
    %c0_i32_0 = arith.constant 0 : i32
    %c0_i32_1 = arith.constant 0 : i32
    return %c0_i32, %c0_i32_0 : i32, i32
  }
  func.func @transform_17(%arg0: i32) -> (i32, i32) {
    %c0_i32 = arith.constant 0 : i32
    %c0_i32_0 = arith.constant 0 : i32
    %c0_i32_1 = arith.constant 0 : i32
    return %c0_i32, %c0_i32_0 : i32, i32
  }
  func.func @transform_18(%arg0: i32) -> (i32, i32) {
    %c0_i32 = arith.constant 0 : i32
    %c0_i32_0 = arith.constant 0 : i32
    %c0_i32_1 = arith.constant 0 : i32
    return %c0_i32, %c0_i32_0 : i32, i32
  }
  func.func @transform_19(%arg0: i32) -> (i32, i32) {
    %c0_i32 = arith.constant 0 : i32
    %c0_i32_0 = arith.constant 0 : i32
    %c0_i32_1 = arith.constant 0 : i32
    return %c0_i32, %c0_i32_0 : i32, i32
  }
  func.func @transform_20(%arg0: i32) -> (i32, i32) {
    %c0_i32 = arith.constant 0 : i32
    %c0_i32_0 = arith.constant 0 : i32
    %c0_i32_1 = arith.constant 0 : i32
    return %c0_i32, %c0_i32_0 : i32, i32
  }
  func.func @transform_21(%arg0: i32) -> (i32, i32) {
    %c0_i32 = arith.constant 0 : i32
    %c0_i32_0 = arith.constant 0 : i32
    %c0_i32_1 = arith.constant 0 : i32
    return %c0_i32, %c0_i32_0 : i32, i32
  }
  func.func @transform_22(%arg0: i32) -> (i32, i32) {
    %c0_i32 = arith.constant 0 : i32
    %c0_i32_0 = arith.constant 0 : i32
    return %c0_i32, %arg0 : i32, i32
  }
}

</mosaic_0001>

<sc_bundles>
// kernel: kernel.5.cloned.1.call-start
scs
__scs_entry_jumppad:
0x0: {  	(pc) =	sbr.rel $0x88, $3  }
0x1: {  	(tag) =	ssettag $0x0;
	lr =	simm.s32 $0x1  }
0x2: {  	[smem:$0x3F8C] =	sst lr;
	_ =	strace $0xD0000000  }
0x3: {  	_ = 	snop  }
0x4: {  	_ = 	snop  }
0x5: {  	_ = 	snop  }
0x6: {  	_ = 	snop  }
0x7: {  	_ = 	snop  }
__scs_overlays_trampoline_lowered:
0x8: {  	[smem:$0x3F9B] =	sst s0  }
0x9: {  	[smem:$0x3F9C] =	sst s1  }
0xa: {  	[smem:$0x3F9D] =	sst s2  }
0xb: {  	[smem:$0x3F9E] =	sst s3  }
0xc: {  	[smem:$0x3F9F] =	sst s4  }
0xd: {  	[smem:$0x3FA0] =	sst s5  }
0xe: {  	[smem:$0x3FA1] =	sst s6  }
0xf: {  	[smem:$0x3FA2] =	sst s7  }
0x10: {  	[smem:$0x3FA3] =	sst s8  }
0x11: {  	[smem:$0x3FA4] =	sst s9;
	s0 =	simm.s32 @!p0 $0x0  }
0x12: {  	s1 =	sld [smem:$0x3F8A];
	s0 =	simm.s32 @p0 $0x1  }
0x13: {  	[smem:$0x3FA5] =	sst s0;
	s0 =	simm.s32 @!p1 $0x0  }
0x14: {  	s2 =	sld [smem:$0x3F89];
	s0 =	simm.s32 @p1 $0x1  }
0x15: {  	[smem:$0x3FA6] =	sst s0;
	s0 =	simm.s32 @!p2 $0x0  }
0x16: {  	s3 =	sld [smem:$0x3FDB];
	s0 =	simm.s32 @p2 $0x1  }
0x17: {  	s4 =	simm.s32 $0x1BF5;
	[smem:$0x3FA8] =	sst s0  }
0x18: {  	s0 =	sld [smem:$0x3F8B];
	_ =	swait.ge [sflag:s4], $0x0  }
0x19: {  	s7 =	sld [smem:$0x3F8C]  }
0x1a: {  	s8 =	sadd.s32 $0xFFFFE003, lr  }
0x1b: {  	s9 =	sadd.s32 $0xFFFFFEF7, lr;
	s5 =	simm.s32 $0xFFFFFFFF;
	p2 =	slt.u32 s8, $0xFFFFF086  }
0x1c: {  	p1 =	slt.u32 s9, $0xF7A;
	s5 =	simm.s32 @!p2 $0x0  }
0x1d: {  	s5 =	simm.s32 @p1 $0x1;
	p0 =	seq.s32 s7, s2  }
0x1e: {  	s7 =	smul.u32 @!p0 $0xF7A, s2;
	p2 =	seq.s32 @!p0 s5, $0x0  }
0x1f: {  	s9 =	smul.u32 $0xF7A, s1;
	s8 =	simm.s32 @!p0 $0x1BF5;
	p2 =	por !p2, p0  }
0x20: {  	[sflag:s8] =	ssyncset.s32 @!p0 $0xFFFFF086;
	s6 =	sadd.s32 @!p0 s3, s7;
	s7 =	simm.s32 @!p0 $0x108  }
0x21: {  	s3 =	sadd.s32 s3, s9;
	s6 =	sadd.s32 @!p0 $0x88, s6;
	s7 =	simm.s32 @p2 $0x1082  }
0x22: {  	[simem:s7], [sflag:s8] =	dma.local @!p0 [hbm:s6], $0xF7A  }
0x23: {  	s9 =	sor.u32 $0xD0000000, s2;
	s6 =	simm.s32 $0x108;
	_ =	swait.ge @!p0 [sflag:s8], $0x0  }
0x24: {  	s3 =	sadd.s32 $0x88, s3;
	s6 =	simm.s32 @!p1 $0x1082;
	[sflag:s4] =	ssyncset.s32 $0xFFFFF086  }
0x25: {  	[simem:s6], [sflag:s4] =	dma.local [hbm:s3], $0xF7A  }
0x26: {  	[smem:$0x3F8C] =	sst s1;
	(tag) =	ssettag s2;
	_ =	strace s9  }
0x27: {  	s1 =	sld [smem:$0x3F9C]  }
0x28: {  	s2 =	sld [smem:$0x3F9D]  }
0x29: {  	s4 =	sld [smem:$0x3F9F]  }
0x2a: {  	p0 =	seq.s32 s5, $0x0;
	s5 =	sld [smem:$0x3FA0]  }
0x2b: {  	s6 =	sld [smem:$0x3FA1]  }
0x2c: {  	s7 =	sld [smem:$0x3FA2]  }
0x2d: {  	s3 =	simm.s32 $0x108;
	s8 =	sld [smem:$0x3FA3]  }
0x2e: {  	s3 =	simm.s32 @!p0 $0x1082;
	s9 =	sld [smem:$0x3FA4]  }
0x2f: {  	lr =	sadd.s32 s0, s3;
	s0 =	sld [smem:$0x3F9B]  }
0x30: {  	s3 =	sld [smem:$0x3F9E]  }
0x31: {  	[smem:$0x3FA7] =	sst s10  }
0x32: {  	s10 =	sld [smem:$0x3FA5];
	_ =	sdelay $0x3  }
0x33: {  	p0 =	seq.s32 s10, $0x1;
	s10 =	sld [smem:$0x3FA7];
	_ =	sdelay $0x3  }
0x34: {  	[smem:$0x3FA7] =	sst s10  }
0x35: {  	s10 =	sld [smem:$0x3FA6];
	_ =	sdelay $0x3  }
0x36: {  	p1 =	seq.s32 s10, $0x1;
	s10 =	sld [smem:$0x3FA7];
	_ =	sdelay $0x3  }
0x37: {  	[smem:$0x3FA7] =	sst s10  }
0x38: {  	s10 =	sld [smem:$0x3FA8]  }
0x39: {  	_ = 	snop;
	(pc) =	sbr.ind lr, $3  }
0x3a: {  	_ = 	snop  }
0x3b: {  	_ = 	snop  }
0x3c: {  	p2 =	seq.s32 s10, $0x1;
	s10 =	sld [smem:$0x3FA7]  }
0x3d: {  	_ =	shalt  }
0x3e: {  	_ =	shalt  }
0x3f: {  	_ =	shalt  }
0x40: {  	_ =	shalt  }
0x41: {  	_ =	shalt  }
0x42: {  	_ =	shalt  }
0x43: {  	_ =	shalt  }
0x44: {  	_ =	shalt  }
0x45: {  	_ =	shalt  }
0x46: {  	_ =	shalt  }
0x47: {  	_ =	shalt  }
0x48: {  	_ =	shalt  }
0x49: {  	_ =	shalt  }
0x4a: {  	_ =	shalt  }
0x4b: {  	_ =	shalt  }
0x4c: {  	_ =	shalt  }
0x4d: {  	_ =	shalt  }
0x4e: {  	_ =	shalt  }
0x4f: {  	_ =	shalt  }
0x50: {  	_ =	shalt  }
0x51: {  	_ =	shalt  }
0x52: {  	_ =	shalt  }
0x53: {  	_ =	shalt  }
0x54: {  	_ =	shalt  }
0x55: {  	_ =	shalt  }
0x56: {  	_ =	shalt  }
0x57: {  	_ =	shalt  }
0x58: {  	_ =	shalt  }
0x59: {  	_ =	shalt  }
0x5a: {  	_ =	shalt  }
0x5b: {  	_ =	shalt  }
0x5c: {  	_ =	shalt  }
0x5d: {  	_ =	shalt  }
0x5e: {  	_ =	shalt  }
0x5f: {  	_ =	shalt  }
0x60: {  	_ =	shalt  }
0x61: {  	_ =	shalt  }
0x62: {  	_ =	shalt  }
0x63: {  	_ =	shalt  }
0x64: {  	_ =	shalt  }
0x65: {  	_ =	shalt  }
0x66: {  	_ =	shalt  }
0x67: {  	_ =	shalt  }
0x68: {  	_ =	shalt  }
0x69: {  	_ =	shalt  }
0x6a: {  	_ =	shalt  }
0x6b: {  	_ =	shalt  }
0x6c: {  	_ =	shalt  }
0x6d: {  	_ =	shalt  }
0x6e: {  	_ =	shalt  }
0x6f: {  	_ =	shalt  }
0x70: {  	_ =	shalt  }
0x71: {  	_ =	shalt  }
0x72: {  	_ =	shalt  }
0x73: {  	_ =	shalt  }
0x74: {  	_ =	shalt  }
0x75: {  	_ =	shalt  }
0x76: {  	_ =	shalt  }
0x77: {  	_ =	shalt  }
0x78: {  	_ =	shalt  }
0x79: {  	_ =	shalt  }
0x7a: {  	_ =	shalt  }
0x7b: {  	_ =	shalt  }
0x7c: {  	_ =	shalt  }
0x7d: {  	_ =	shalt  }
0x7e: {  	_ =	shalt  }
0x7f: {  	_ =	shalt  }
0x80: {  	_ =	shalt  }
0x81: {  	_ =	shalt  }
0x82: {  	_ =	shalt  }
0x83: {  	_ =	shalt  }
0x84: {  	_ =	shalt  }
0x85: {  	_ =	shalt  }
0x86: {  	_ =	shalt  }
0x87: {  	_ =	shalt  }
.Lfunc_end0:
.L_simem_size_0:
called_computation_lowered:
.L_overlay_start_0:
0x88: {  	s2 =	sld [smem:$0x3FD9]  }
0x89: {  	s3 =	sld [smem:$0x3FFE];
	_ =	sdelay $0x1  }
0x8a: {  	s1 =	srdreg.scid  }
0x8b: {  	s0 =	sand.u32 $0x1, s1  }
0x8c: {  	s17 =	sshll.u32 s0, $0xA;
	s2 =	sadd.s32 s3, s2  }
0x8d: {  	s2 =	sadd.s32 s2, s17  }
0x8e: {  	[smem:$0x3FB3] =	sst s2  }
0x8f: {  	_ = 	snop  }
0x90: {  	(tm) =	ssettm $0x1  }
0x91: {  	s18 =	sld [smem:$0x3FFB];
	_ =	sdelay $0x3  }
0x92: {  	_ =	strace s18  }
0x93: {  	s2 =	sld [smem:$0x3FFC];
	_ =	sdelay $0x3  }
0x94: {  	_ =	strace s2  }
0x95: {  	s2 =	sld [smem:$0x3FFD];
	_ =	sdelay $0x3  }
0x96: {  	_ =	strace s2  }
0x97: {  	_ =	strace $0x8FFFFFFF  }
0x98: {  	s19 =	sld [smem:$0x3FDB];
	_ =	sdelay $0x1  }
0x99: {  	s20 =	simm.s32 $_scs_section_size  }
0x9a: {  	s4 =	simm.s32 $_size__tile_overlayer_lowered;
	s5 =	simm.s32 $_tile_overlayer_lowered  }
0x9b: {  	s6 =	simm.s32 $0x1BFF;
	s21 =	sshll.u32 s5, $0x1;
	s3 =	sadd.s32 s20, s19  }
0x9c: {  	s22 =	simm.s32 $0x0;
	s4 =	sshll.u32 s4, $0x1;
	s5 =	sadd.s32 s21, s3  }
0x9d: {  	[timem:s22], [sflag:s6] =	dma.local [hbm:s5], s4  }
0x9e: {  	_ =	swait.ge [sflag:s6], s4  }
0x9f: {  	s4 =	ssub.s32 $0x0, s4;
	[sflag:s6] =	ssyncset.done $0x0  }
0xa0: {  	[sflag:s6] =	ssyncadd.s32 s4;
	_ =	sdelay $0x1  }
0xa1: {  	s23 =	simm.s32 $0x1B8B  }
0xa2: {  	_ =	swait.ge [sflag:s23], $0x1  }
0xa3: {  	[sflag:s23] =	ssyncset.done $0x0  }
0xa4: {  	[sflag:s23] =	ssyncadd.s32 $0xFFFFFFFF  }
0xa5: {  	s4 =	sld [smem:$0x0]  }
0xa6: {  	s5 =	sand.u32 $0xFFFFFFFE, s1  }
0xa7: {  	p0 =	sne.s32 s1, s5  }
0xa8: {  	s5 =	sshll.u32 @p0 s5, $0xE  }
0xa9: {  	s5 =	sadd.s32 @p0 $0x11B8D, s5;
	s6 =	sshll.u32 @p0 s4, $0x11  }
0xaa: {  	s5 =	sor.u32 @p0 s6, s5  }
0xab: {  	[sflag:s5] =	ssyncadd.remote.s32 @p0 $0x1;
	_ =	sdelay $0x1  }
0xac: {  	s5 =	simm.s32 @p0 $0x1B8D  }
0xad: {  	_ =	swait.eq @p0 [sflag:s5], $0x1  }
0xae: {  	[sflag:s5] =	ssyncadd.s32 @p0 $0xFFFFFFFF  }
0xaf: {  	s6 =	sshll.u32 @!p0 s1, $0xE  }
0xb0: {  	s6 =	sor.u32 @!p0 $0x4000, s6;
	s5 =	simm.s32 @!p0 $0x1B8D  }
0xb1: {  	s4 =	sshll.u32 @!p0 s4, $0x11;
	s6 =	sadd.s32 @!p0 $0x11B8D, s6;
	_ =	swait.eq @!p0 [sflag:s5], $0x1  }
0xb2: {  	s4 =	sor.u32 @!p0 s4, s6;
	[sflag:s5] =	ssyncadd.s32 @!p0 $0xFFFFFFFF  }
0xb3: {  	s25 =	simm.s32 $0x1B8E;
	s24 =	sld [smem:$0x3FFE];
	[sflag:s4] =	ssyncadd.remote.s32 @!p0 $0x1  }
0xb4: {  	s26 =	simm.s32 $execute0_lowered;
	[smem:$0x3FD2] =	sst s25  }
0xb5: {  	s5 =	sshll.u32 s26, $0x1;
	_ =	strace $0x80000049;
	[dreg:$0x1] =	wrdreg $0xFFFFFFFF  }
0xb6: {  	s28 =	simm.s32 $_size_execute0_lowered;
	s3 =	sadd.s32 s3, s5;
	[dreg:$0x0] =	wrdreg $0x0  }
0xb7: {  	s5 =	sshll.u32 s28, $0x1;
	[dreg:$0x2] =	wrdreg s3  }
0xb8: {  	[dreg:$0x3] =	wrdreg s5  }
0xb9: {  	[dreg:$0x4] =	wrdreg $0xC0  }
0xba: {  	_ =	task [dreg:s22], $0x5FFFF  }
0xbb: {  	[dreg:$0x1] =	wrdreg $0xFFFFFFFF  }
0xbc: {  	[dreg:$0x0] =	wrdreg $0x60  }
0xbd: {  	[dreg:$0x2] =	wrdreg s24  }
0xbe: {  	[dreg:$0x3] =	wrdreg $0x9  }
0xbf: {  	_ =	task.clear_ibuf [dreg:s22], $0x4FFFF;
	_ =	strace $0x90000049  }
0xc0: {  	s29 =	simm.s32 $0x9;
	_ =	strace $0x8000004B  }
0xc1: {  	_ =	swait.ge [sflag:s29], $0x1  }
0xc2: {  	[sflag:s29] =	ssyncadd.s32 $0xFFFFFFFF  }
0xc3: {  	_ =	strace $0x9000004B  }
0xc4: {  	_ =	sfence  }
0xc5: {  	s30 =	sld [smem:$0x0];
	_ =	sdelay $0x2  }
0xc6: {  	s31 =	sshll.u32 s1, $0xD;
	s1 =	sshrl.u32 s1, $0x2  }
0xc7: {  	s4 =	sand.u32 $0x4000, s31;
	s1 =	sadd.s32 s1, s30  }
0xc8: {  	s0 =	sor.u32 s4, s0;
	s1 =	sshll.u32 s1, $0x11  }
0xc9: {  	s0 =	sor.u32 s1, s0  }
0xca: {  	s0 =	sadd.s32 $0x8F2B, s0  }
0xcb: {  	[sflag:s0] =	ssyncadd.remote.s32 $0x1  }
0xcc: {  	_ =	sfence.sel $0xFFFF  }
0xcd: {  	[dreg:$0x0] =	wrdreg $0xFFFFFFFF;
	(pc) =	sbr.abs _section_cstart, $3  }
0xce: {  	[dreg:$0x1] =	wrdreg $0xFFFFFFFF  }
0xcf: {  	_ =	task.clear_ibuf [dreg:s22], $0x2FFFF;
	_ =	strace $0x9FFFFFFF  }
0xd0: {  	(tm) =	ssettm $0x7FFFFFFF  }
0xd1: {  	_ =	shalt  }
tec
execute0_lowered:
.L_overlay_start_1:
0x0: {  	(tag) =	ssettag $0x1  }
0x1: {  	s1 =	srdreg.scid  }
0x2: {  	s0 =	stileid.u32;
	s5 =	rddreg [dreg:$0x0];
	s2 =	simm.s32 $0x0  }
0x3: {  	s10 =	simm.s32 $0x2;
	s11 =	simm.s32 $0x80;
	s12 =	simm.s32 $0x1900  }
0x4: {  	s13 =	simm.s32 $0x2900;
	s14 =	simm.s32 $0x3900;
	s15 =	simm.s32 $0x4900  }
0x5: {  	s16 =	simm.s32 $0x5900;
	s17 =	simm.s32 $0x6900;
	s18 =	simm.s32 $0x7900  }
0x6: {  	s19 =	simm.s32 $0x8900;
	s20 =	simm.s32 $0x9900;
	s21 =	simm.s32 $0xA900  }
0x7: {  	s22 =	simm.s32 $0x1;
	s23 =	simm.s32 $0x0;
	s4 =	sand.u32 $0x1, s1  }
0x8: {  	s30 =	sshll.u32 s0, $0x1;
	s1 =	rddreg [dreg:$0x1];
	s7 =	smul.u32 $0xC800, s0  }
0x9: {  	[smem:$0x7FF] =	sst s2;
	s3 =	sor.u32 s4, s30;
	s9 =	smul.u32 $0x6400, s4  }
0xa: {  	_ =	strace $0x8000004A;
	s8 =	ssub.s32 $0x2, s4;
	s3 =	smul.u32 $0x320, s3  }
0xb: {  	s4 =	sadd.s32 $0x18EA00, s5;
	s7 =	sadd.s32 s7, s5;
	s31 =	sshrl.u32 s8, $0x1  }
0xc: {  	s8 =	ssub.s32 s8, s31;
	s9 =	sadd.s32 s9, s7;
	s6 =	sadd.s32 s3, s5  }
0xd: {  	s3 =	sadd.s32 $0x1F0600, s5;
	s7 =	smax.u32 s8, $0x1;
	s8 =	sadd.s32 $0x24800, s9  }
0xe: {  	s9 =	sadd.s32 $0x315A00, s9;
	s5 =	sadd.s32 $0x1E400, s6;
	s6 =	sadd.s32 $0x18000, s6  }
.LBB2_1:
0xf: {  	[tilespmem:s2], [sflag:$0x2] =	stream.linear.gather [hbm4b:s5+s2], $0x1900, $0x38;
	[tilespmem:$0xB900] =	vst v63  }
0x10: {  	_ =	swait.ge [sflag:s10], $0x1900  }
0x11: {  	[sflag:s10] =	ssyncset.done $0x0  }
0x12: {  	s24 =	simm.s32 $0x0;
	[sflag:s10] =	ssyncadd.s32 $0xFFFFE700  }
0x13: {  	[tilespmem:s12], [sflag:$0x1] =	stream.indirect.gather [hbm4b:s3+s11], $0x20, s24, s11, $0xb8;
	[tilespmem:$0xB900] =	vst v63  }
0x14: {  	s25 =	simm.s32 $0x80  }
0x15: {  	[tilespmem:s13], [sflag:$0x1] =	stream.indirect.gather [hbm4b:s3+s11], $0x20, s25, s11, $0xb8;
	[tilespmem:$0xB900] =	vst v63  }
0x16: {  	s26 =	simm.s32 $0x100  }
0x17: {  	[tilespmem:s14], [sflag:$0x1] =	stream.indirect.gather [hbm4b:s3+s11], $0x20, s26, s11, $0xb8;
	[tilespmem:$0xB900] =	vst v63  }
0x18: {  	s29 =	simm.s32 $0x180  }
0x19: {  	[tilespmem:s15], [sflag:$0x1] =	stream.indirect.gather [hbm4b:s3+s11], $0x20, s29, s11, $0xb8;
	[tilespmem:$0xB900] =	vst v63  }
0x1a: {  	s30 =	simm.s32 $0x200  }
0x1b: {  	[tilespmem:s16], [sflag:$0x1] =	stream.indirect.gather [hbm4b:s3+s11], $0x20, s30, s11, $0xb8;
	[tilespmem:$0xB900] =	vst v63  }
0x1c: {  	s31 =	simm.s32 $0x280  }
0x1d: {  	[tilespmem:s17], [sflag:$0x1] =	stream.indirect.gather [hbm4b:s3+s11], $0x20, s31, s11, $0xb8;
	[tilespmem:$0xB900] =	vst v63  }
0x1e: {  	s25 =	simm.s32 $0x300  }
0x1f: {  	[tilespmem:s18], [sflag:$0x1] =	stream.indirect.gather [hbm4b:s3+s11], $0x20, s25, s11, $0xb8;
	[tilespmem:$0xB900] =	vst v63  }
0x20: {  	s26 =	simm.s32 $0x380  }
0x21: {  	[tilespmem:s19], [sflag:$0x1] =	stream.indirect.gather [hbm4b:s3+s11], $0x20, s26, s11, $0xb8;
	[tilespmem:$0xB900] =	vst v63  }
0x22: {  	s29 =	simm.s32 $0x400  }
0x23: {  	[tilespmem:s20], [sflag:$0x1] =	stream.indirect.gather [hbm4b:s3+s11], $0x20, s29, s11, $0xb8;
	[tilespmem:$0xB900] =	vst v63  }
0x24: {  	s30 =	simm.s32 $0x480  }
0x25: {  	[tilespmem:s21], [sflag:$0x1] =	stream.indirect.gather [hbm4b:s3+s11], $0x20, s30, s11, $0xb8;
	[tilespmem:$0xB900] =	vst v63  }
0x26: {  	_ =	swait.ge [sflag:s22], $0x1000  }
0x27: {  	[sflag:s22] =	ssyncset.done $0x0  }
0x28: {  	[sflag:s22] =	ssyncadd.s32 $0xFFFFF000  }
0x29: {  	_ =	swait.ge [sflag:s22], $0x1000  }
0x2a: {  	[sflag:s22] =	ssyncset.done $0x0  }
0x2b: {  	[sflag:s22] =	ssyncadd.s32 $0xFFFFF000  }
0x2c: {  	_ =	swait.ge [sflag:s22], $0x1000  }
0x2d: {  	[sflag:s22] =	ssyncset.done $0x0  }
0x2e: {  	[sflag:s22] =	ssyncadd.s32 $0xFFFFF000  }
0x2f: {  	_ =	swait.ge [sflag:s22], $0x1000  }
0x30: {  	[sflag:s22] =	ssyncset.done $0x0  }
0x31: {  	[sflag:s22] =	ssyncadd.s32 $0xFFFFF000  }
0x32: {  	_ =	swait.ge [sflag:s22], $0x1000  }
0x33: {  	[sflag:s22] =	ssyncset.done $0x0  }
0x34: {  	[sflag:s22] =	ssyncadd.s32 $0xFFFFF000  }
0x35: {  	_ =	swait.ge [sflag:s22], $0x1000  }
0x36: {  	[sflag:s22] =	ssyncset.done $0x0  }
0x37: {  	[sflag:s22] =	ssyncadd.s32 $0xFFFFF000  }
0x38: {  	_ =	swait.ge [sflag:s22], $0x1000  }
0x39: {  	[sflag:s22] =	ssyncset.done $0x0  }
0x3a: {  	[sflag:s22] =	ssyncadd.s32 $0xFFFFF000  }
0x3b: {  	_ =	swait.ge [sflag:s22], $0x1000  }
0x3c: {  	[sflag:s22] =	ssyncset.done $0x0  }
0x3d: {  	[sflag:s22] =	ssyncadd.s32 $0xFFFFF000  }
0x3e: {  	_ =	swait.ge [sflag:s22], $0x1000  }
0x3f: {  	[sflag:s22] =	ssyncset.done $0x0  }
0x40: {  	[sflag:s22] =	ssyncadd.s32 $0xFFFFF000  }
0x41: {  	_ =	swait.ge [sflag:s22], $0x1000  }
0x42: {  	[sflag:s22] =	ssyncset.done $0x0  }
0x43: {  	s31 =	sadd.s32 $0x0, s8;
	[sflag:s22] =	ssyncadd.s32 $0xFFFFF000  }
0x44: {  	[hbm4b:s31+s2] =	stream.linear.scatter [tilespmem:s12], [sflag:$0x2], $0xA000, $0x38;
	[tilespmem:$0xB900] =	vst v63  }
0x45: {  	_ =	swait.ge [sflag:s10], $0xA000  }
0x46: {  	s28 =	simm.s32 $0x2800;
	s24 =	simm.s32 $0x1400;
	[sflag:s10] =	ssyncset.done $0x0  }
.LBB2_2:
0x47: {  	s29 =	sshra.s32 s24, $0x2  }
0x48: {  	[sflag:s10] =	ssyncadd.s32 $0xFFFF6000;
	s26 =	smov.u32 s28;
	s25 =	sadd.s32 $0x1400, s28  }
0x49: {  	[tilespmem:s12], [sflag:$0x1] =	stream.indirect.gather [hbm4b:s3+s11], $0x20, s29, s11, $0xb8;
	[tilespmem:$0xB900] =	vst v63  }
0x4a: {  	p0 =	sne.s32 s28, $0x5000;
	s28 =	sadd.s32 $0x80, s29  }
0x4b: {  	[tilespmem:s13], [sflag:$0x1] =	stream.indirect.gather [hbm4b:s3+s11], $0x20, s28, s11, $0xb8;
	[tilespmem:$0xB900] =	vst v63  }
0x4c: {  	s28 =	sadd.s32 $0x100, s29  }
0x4d: {  	[tilespmem:s14], [sflag:$0x1] =	stream.indirect.gather [hbm4b:s3+s11], $0x20, s28, s11, $0xb8;
	[tilespmem:$0xB900] =	vst v63  }
0x4e: {  	s28 =	sadd.s32 $0x180, s29  }
0x4f: {  	[tilespmem:s15], [sflag:$0x1] =	stream.indirect.gather [hbm4b:s3+s11], $0x20, s28, s11, $0xb8;
	[tilespmem:$0xB900] =	vst v63  }
0x50: {  	s28 =	sadd.s32 $0x200, s29  }
0x51: {  	[tilespmem:s16], [sflag:$0x1] =	stream.indirect.gather [hbm4b:s3+s11], $0x20, s28, s11, $0xb8;
	[tilespmem:$0xB900] =	vst v63  }
0x52: {  	s28 =	sadd.s32 $0x280, s29  }
0x53: {  	[tilespmem:s17], [sflag:$0x1] =	stream.indirect.gather [hbm4b:s3+s11], $0x20, s28, s11, $0xb8;
	[tilespmem:$0xB900] =	vst v63  }
0x54: {  	s28 =	sadd.s32 $0x300, s29  }
0x55: {  	[tilespmem:s18], [sflag:$0x1] =	stream.indirect.gather [hbm4b:s3+s11], $0x20, s28, s11, $0xb8;
	[tilespmem:$0xB900] =	vst v63  }
0x56: {  	s28 =	sadd.s32 $0x380, s29  }
0x57: {  	[tilespmem:s19], [sflag:$0x1] =	stream.indirect.gather [hbm4b:s3+s11], $0x20, s28, s11, $0xb8;
	[tilespmem:$0xB900] =	vst v63  }
0x58: {  	s28 =	sadd.s32 $0x400, s29  }
0x59: {  	[tilespmem:s20], [sflag:$0x1] =	stream.indirect.gather [hbm4b:s3+s11], $0x20, s28, s11, $0xb8;
	[tilespmem:$0xB900] =	vst v63  }
0x5a: {  	s28 =	sadd.s32 $0x480, s29  }
0x5b: {  	[tilespmem:s21], [sflag:$0x1] =	stream.indirect.gather [hbm4b:s3+s11], $0x20, s28, s11, $0xb8;
	[tilespmem:$0xB900] =	vst v63  }
0x5c: {  	_ =	swait.ge [sflag:s22], $0x1000  }
0x5d: {  	[sflag:s22] =	ssyncset.done $0x0  }
0x5e: {  	[sflag:s22] =	ssyncadd.s32 $0xFFFFF000  }
0x5f: {  	_ =	swait.ge [sflag:s22], $0x1000  }
0x60: {  	[sflag:s22] =	ssyncset.done $0x0  }
0x61: {  	[sflag:s22] =	ssyncadd.s32 $0xFFFFF000  }
0x62: {  	_ =	swait.ge [sflag:s22], $0x1000  }
0x63: {  	[sflag:s22] =	ssyncset.done $0x0  }
0x64: {  	[sflag:s22] =	ssyncadd.s32 $0xFFFFF000  }
0x65: {  	_ =	swait.ge [sflag:s22], $0x1000  }
0x66: {  	[sflag:s22] =	ssyncset.done $0x0  }
0x67: {  	[sflag:s22] =	ssyncadd.s32 $0xFFFFF000  }
0x68: {  	_ =	swait.ge [sflag:s22], $0x1000  }
0x69: {  	[sflag:s22] =	ssyncset.done $0x0  }
0x6a: {  	[sflag:s22] =	ssyncadd.s32 $0xFFFFF000  }
0x6b: {  	_ =	swait.ge [sflag:s22], $0x1000  }
0x6c: {  	[sflag:s22] =	ssyncset.done $0x0  }
0x6d: {  	[sflag:s22] =	ssyncadd.s32 $0xFFFFF000  }
0x6e: {  	_ =	swait.ge [sflag:s22], $0x1000  }
0x6f: {  	[sflag:s22] =	ssyncset.done $0x0  }
0x70: {  	[sflag:s22] =	ssyncadd.s32 $0xFFFFF000  }
0x71: {  	_ =	swait.ge [sflag:s22], $0x1000  }
0x72: {  	[sflag:s22] =	ssyncset.done $0x0  }
0x73: {  	[sflag:s22] =	ssyncadd.s32 $0xFFFFF000  }
0x74: {  	_ =	swait.ge [sflag:s22], $0x1000  }
0x75: {  	[sflag:s22] =	ssyncset.done $0x0  }
0x76: {  	[sflag:s22] =	ssyncadd.s32 $0xFFFFF000  }
0x77: {  	_ =	swait.ge [sflag:s22], $0x1000  }
.Ltmp0:
0x78: {  	[sflag:s22] =	ssyncset.done $0x0;
	(pc) =	sbr.rel @p0 .LBB2_2-.Ltmp0, $4  }
0x79: {  	s28 =	sadd.s32 s24, s8;
	s24 =	smov.u32 s26;
	[sflag:s22] =	ssyncadd.s32 $0xFFFFF000  }
0x7a: {  	[hbm4b:s28+s2] =	stream.linear.scatter [tilespmem:s12], [sflag:$0x2], $0xA000, $0x38;
	[tilespmem:$0xB900] =	vst v63  }
0x7b: {  	_ =	swait.ge [sflag:s10], $0xA000  }
0x7c: {  	s28 =	smov.u32 s25;
	[sflag:s10] =	ssyncset.done $0x0  }
0x7d: {  	s25 =	sshra.s32 s24, $0x2;
	[sflag:s10] =	ssyncadd.s32 $0xFFFF6000  }
0x7e: {  	[tilespmem:s12], [sflag:$0x1] =	stream.indirect.gather [hbm4b:s3+s11], $0x20, s25, s11, $0xb8;
	[tilespmem:$0xB900] =	vst v63  }
0x7f: {  	s26 =	sadd.s32 $0x80, s25  }
0x80: {  	[tilespmem:s13], [sflag:$0x1] =	stream.indirect.gather [hbm4b:s3+s11], $0x20, s26, s11, $0xb8;
	[tilespmem:$0xB900] =	vst v63  }
0x81: {  	s31 =	sadd.s32 $0x100, s25  }
0x82: {  	[tilespmem:s14], [sflag:$0x1] =	stream.indirect.gather [hbm4b:s3+s11], $0x20, s31, s11, $0xb8;
	[tilespmem:$0xB900] =	vst v63  }
0x83: {  	s29 =	sadd.s32 $0x180, s25  }
0x84: {  	[tilespmem:s15], [sflag:$0x1] =	stream.indirect.gather [hbm4b:s3+s11], $0x20, s29, s11, $0xb8;
	[tilespmem:$0xB900] =	vst v63  }
0x85: {  	s30 =	sadd.s32 $0x200, s25  }
0x86: {  	[tilespmem:s16], [sflag:$0x1] =	stream.indirect.gather [hbm4b:s3+s11], $0x20, s30, s11, $0xb8;
	[tilespmem:$0xB900] =	vst v63  }
0x87: {  	s31 =	sadd.s32 $0x280, s25  }
0x88: {  	[tilespmem:s17], [sflag:$0x1] =	stream.indirect.gather [hbm4b:s3+s11], $0x20, s31, s11, $0xb8;
	[tilespmem:$0xB900] =	vst v63  }
0x89: {  	s29 =	sadd.s32 $0x300, s25  }
0x8a: {  	[tilespmem:s18], [sflag:$0x1] =	stream.indirect.gather [hbm4b:s3+s11], $0x20, s29, s11, $0xb8;
	[tilespmem:$0xB900] =	vst v63  }
0x8b: {  	s30 =	sadd.s32 $0x380, s25  }
0x8c: {  	[tilespmem:s19], [sflag:$0x1] =	stream.indirect.gather [hbm4b:s3+s11], $0x20, s30, s11, $0xb8;
	[tilespmem:$0xB900] =	vst v63  }
0x8d: {  	s31 =	sadd.s32 $0x400, s25  }
0x8e: {  	[tilespmem:s20], [sflag:$0x1] =	stream.indirect.gather [hbm4b:s3+s11], $0x20, s31, s11, $0xb8;
	[tilespmem:$0xB900] =	vst v63  }
0x8f: {  	s25 =	sadd.s32 $0x480, s25  }
0x90: {  	[tilespmem:s21], [sflag:$0x1] =	stream.indirect.gather [hbm4b:s3+s11], $0x20, s25, s11, $0xb8;
	[tilespmem:$0xB900] =	vst v63  }
0x91: {  	_ =	swait.ge [sflag:s22], $0x1000  }
0x92: {  	[sflag:s22] =	ssyncset.done $0x0  }
0x93: {  	[sflag:s22] =	ssyncadd.s32 $0xFFFFF000  }
0x94: {  	_ =	swait.ge [sflag:s22], $0x1000  }
0x95: {  	[sflag:s22] =	ssyncset.done $0x0  }
0x96: {  	[sflag:s22] =	ssyncadd.s32 $0xFFFFF000  }
0x97: {  	_ =	swait.ge [sflag:s22], $0x1000  }
0x98: {  	[sflag:s22] =	ssyncset.done $0x0  }
0x99: {  	[sflag:s22] =	ssyncadd.s32 $0xFFFFF000  }
0x9a: {  	_ =	swait.ge [sflag:s22], $0x1000  }
0x9b: {  	[sflag:s22] =	ssyncset.done $0x0  }
0x9c: {  	[sflag:s22] =	ssyncadd.s32 $0xFFFFF000  }
0x9d: {  	_ =	swait.ge [sflag:s22], $0x1000  }
0x9e: {  	[sflag:s22] =	ssyncset.done $0x0  }
0x9f: {  	[sflag:s22] =	ssyncadd.s32 $0xFFFFF000  }
0xa0: {  	_ =	swait.ge [sflag:s22], $0x1000  }
0xa1: {  	[sflag:s22] =	ssyncset.done $0x0  }
0xa2: {  	[sflag:s22] =	ssyncadd.s32 $0xFFFFF000  }
0xa3: {  	_ =	swait.ge [sflag:s22], $0x1000  }
0xa4: {  	[sflag:s22] =	ssyncset.done $0x0  }
0xa5: {  	[sflag:s22] =	ssyncadd.s32 $0xFFFFF000  }
0xa6: {  	_ =	swait.ge [sflag:s22], $0x1000  }
0xa7: {  	[sflag:s22] =	ssyncset.done $0x0  }
0xa8: {  	[sflag:s22] =	ssyncadd.s32 $0xFFFFF000  }
0xa9: {  	_ =	swait.ge [sflag:s22], $0x1000  }
0xaa: {  	[sflag:s22] =	ssyncset.done $0x0  }
0xab: {  	[sflag:s22] =	ssyncadd.s32 $0xFFFFF000  }
0xac: {  	_ =	swait.ge [sflag:s22], $0x1000  }
0xad: {  	[sflag:s22] =	ssyncset.done $0x0  }
0xae: {  	s29 =	sadd.s32 s24, s8;
	[sflag:s22] =	ssyncadd.s32 $0xFFFFF000  }
0xaf: {  	[hbm4b:s29+s2] =	stream.linear.scatter [tilespmem:s12], [sflag:$0x2], $0xA000, $0x38;
	[tilespmem:$0xB900] =	vst v63  }
0xb0: {  	_ =	swait.ge [sflag:s10], $0xA000  }
0xb1: {  	[sflag:s10] =	ssyncset.done $0x0  }
0xb2: {  	s30 =	simm.s32 $0x0;
	[sflag:s10] =	ssyncadd.s32 $0xFFFF6000  }
0xb3: {  	[tilespmem:s30], [sflag:$0x2] =	stream.linear.gather [hbm4b:s6+s30], $0x1900, $0x38;
	[tilespmem:$0xB900] =	vst v63  }
0xb4: {  	_ =	swait.ge [sflag:s10], $0x1900  }
0xb5: {  	[sflag:s10] =	ssyncset.done $0x0  }
0xb6: {  	s31 =	simm.s32 $0x0;
	[sflag:s10] =	ssyncadd.s32 $0xFFFFE700  }
0xb7: {  	[tilespmem:s12], [sflag:$0x1] =	stream.indirect.gather [hbm4b:s4+s11], $0x20, s31, s11, $0xb8;
	[tilespmem:$0xB900] =	vst v63  }
0xb8: {  	s25 =	simm.s32 $0x80  }
0xb9: {  	[tilespmem:s13], [sflag:$0x1] =	stream.indirect.gather [hbm4b:s4+s11], $0x20, s25, s11, $0xb8;
	[tilespmem:$0xB900] =	vst v63  }
0xba: {  	s26 =	simm.s32 $0x100  }
0xbb: {  	[tilespmem:s14], [sflag:$0x1] =	stream.indirect.gather [hbm4b:s4+s11], $0x20, s26, s11, $0xb8;
	[tilespmem:$0xB900] =	vst v63  }
0xbc: {  	s29 =	simm.s32 $0x180  }
0xbd: {  	[tilespmem:s15], [sflag:$0x1] =	stream.indirect.gather [hbm4b:s4+s11], $0x20, s29, s11, $0xb8;
	[tilespmem:$0xB900] =	vst v63  }
0xbe: {  	s30 =	simm.s32 $0x200  }
0xbf: {  	[tilespmem:s16], [sflag:$0x1] =	stream.indirect.gather [hbm4b:s4+s11], $0x20, s30, s11, $0xb8;
	[tilespmem:$0xB900] =	vst v63  }
0xc0: {  	s31 =	simm.s32 $0x280  }
0xc1: {  	[tilespmem:s17], [sflag:$0x1] =	stream.indirect.gather [hbm4b:s4+s11], $0x20, s31, s11, $0xb8;
	[tilespmem:$0xB900] =	vst v63  }
0xc2: {  	s25 =	simm.s32 $0x300  }
0xc3: {  	[tilespmem:s18], [sflag:$0x1] =	stream.indirect.gather [hbm4b:s4+s11], $0x20, s25, s11, $0xb8;
	[tilespmem:$0xB900] =	vst v63  }
0xc4: {  	s26 =	simm.s32 $0x380  }
0xc5: {  	[tilespmem:s19], [sflag:$0x1] =	stream.indirect.gather [hbm4b:s4+s11], $0x20, s26, s11, $0xb8;
	[tilespmem:$0xB900] =	vst v63  }
0xc6: {  	s29 =	simm.s32 $0x400  }
0xc7: {  	[tilespmem:s20], [sflag:$0x1] =	stream.indirect.gather [hbm4b:s4+s11], $0x20, s29, s11, $0xb8;
	[tilespmem:$0xB900] =	vst v63  }
0xc8: {  	s30 =	simm.s32 $0x480  }
0xc9: {  	[tilespmem:s21], [sflag:$0x1] =	stream.indirect.gather [hbm4b:s4+s11], $0x20, s30, s11, $0xb8;
	[tilespmem:$0xB900] =	vst v63  }
0xca: {  	_ =	swait.ge [sflag:s22], $0x1000  }
0xcb: {  	[sflag:s22] =	ssyncset.done $0x0  }
0xcc: {  	[sflag:s22] =	ssyncadd.s32 $0xFFFFF000  }
0xcd: {  	_ =	swait.ge [sflag:s22], $0x1000  }
0xce: {  	[sflag:s22] =	ssyncset.done $0x0  }
0xcf: {  	[sflag:s22] =	ssyncadd.s32 $0xFFFFF000  }
0xd0: {  	_ =	swait.ge [sflag:s22], $0x1000  }
0xd1: {  	[sflag:s22] =	ssyncset.done $0x0  }
0xd2: {  	[sflag:s22] =	ssyncadd.s32 $0xFFFFF000  }
0xd3: {  	_ =	swait.ge [sflag:s22], $0x1000  }
0xd4: {  	[sflag:s22] =	ssyncset.done $0x0  }
0xd5: {  	[sflag:s22] =	ssyncadd.s32 $0xFFFFF000  }
0xd6: {  	_ =	swait.ge [sflag:s22], $0x1000  }
0xd7: {  	[sflag:s22] =	ssyncset.done $0x0  }
0xd8: {  	[sflag:s22] =	ssyncadd.s32 $0xFFFFF000  }
0xd9: {  	_ =	swait.ge [sflag:s22], $0x1000  }
0xda: {  	[sflag:s22] =	ssyncset.done $0x0  }
0xdb: {  	[sflag:s22] =	ssyncadd.s32 $0xFFFFF000  }
0xdc: {  	_ =	swait.ge [sflag:s22], $0x1000  }
0xdd: {  	[sflag:s22] =	ssyncset.done $0x0  }
0xde: {  	[sflag:s22] =	ssyncadd.s32 $0xFFFFF000  }
0xdf: {  	_ =	swait.ge [sflag:s22], $0x1000  }
0xe0: {  	[sflag:s22] =	ssyncset.done $0x0  }
0xe1: {  	[sflag:s22] =	ssyncadd.s32 $0xFFFFF000  }
0xe2: {  	_ =	swait.ge [sflag:s22], $0x1000  }
0xe3: {  	[sflag:s22] =	ssyncset.done $0x0  }
0xe4: {  	[sflag:s22] =	ssyncadd.s32 $0xFFFFF000  }
0xe5: {  	_ =	swait.ge [sflag:s22], $0x1000  }
0xe6: {  	[sflag:s22] =	ssyncset.done $0x0  }
0xe7: {  	s31 =	sadd.s32 $0x0, s9;
	[sflag:s22] =	ssyncadd.s32 $0xFFFFF000  }
0xe8: {  	[hbm4b:s31+s2] =	stream.linear.scatter [tilespmem:s12], [sflag:$0x2], $0xA000, $0x38;
	[tilespmem:$0xB900] =	vst v63  }
0xe9: {  	_ =	swait.ge [sflag:s10], $0xA000  }
0xea: {  	s28 =	simm.s32 $0x2800;
	s24 =	simm.s32 $0x1400;
	[sflag:s10] =	ssyncset.done $0x0  }
.LBB2_4:
0xeb: {  	s29 =	sshra.s32 s24, $0x2  }
0xec: {  	[sflag:s10] =	ssyncadd.s32 $0xFFFF6000;
	s26 =	smov.u32 s28;
	s25 =	sadd.s32 $0x1400, s28  }
0xed: {  	[tilespmem:s12], [sflag:$0x1] =	stream.indirect.gather [hbm4b:s4+s11], $0x20, s29, s11, $0xb8;
	[tilespmem:$0xB900] =	vst v63  }
0xee: {  	p0 =	sne.s32 s28, $0x5000;
	s28 =	sadd.s32 $0x80, s29  }
0xef: {  	[tilespmem:s13], [sflag:$0x1] =	stream.indirect.gather [hbm4b:s4+s11], $0x20, s28, s11, $0xb8;
	[tilespmem:$0xB900] =	vst v63  }
0xf0: {  	s28 =	sadd.s32 $0x100, s29  }
0xf1: {  	[tilespmem:s14], [sflag:$0x1] =	stream.indirect.gather [hbm4b:s4+s11], $0x20, s28, s11, $0xb8;
	[tilespmem:$0xB900] =	vst v63  }
0xf2: {  	s28 =	sadd.s32 $0x180, s29  }
0xf3: {  	[tilespmem:s15], [sflag:$0x1] =	stream.indirect.gather [hbm4b:s4+s11], $0x20, s28, s11, $0xb8;
	[tilespmem:$0xB900] =	vst v63  }
0xf4: {  	s28 =	sadd.s32 $0x200, s29  }
0xf5: {  	[tilespmem:s16], [sflag:$0x1] =	stream.indirect.gather [hbm4b:s4+s11], $0x20, s28, s11, $0xb8;
	[tilespmem:$0xB900] =	vst v63  }
0xf6: {  	s28 =	sadd.s32 $0x280, s29  }
0xf7: {  	[tilespmem:s17], [sflag:$0x1] =	stream.indirect.gather [hbm4b:s4+s11], $0x20, s28, s11, $0xb8;
	[tilespmem:$0xB900] =	vst v63  }
0xf8: {  	s28 =	sadd.s32 $0x300, s29  }
0xf9: {  	[tilespmem:s18], [sflag:$0x1] =	stream.indirect.gather [hbm4b:s4+s11], $0x20, s28, s11, $0xb8;
	[tilespmem:$0xB900] =	vst v63  }
0xfa: {  	s28 =	sadd.s32 $0x380, s29  }
0xfb: {  	[tilespmem:s19], [sflag:$0x1] =	stream.indirect.gather [hbm4b:s4+s11], $0x20, s28, s11, $0xb8;
	[tilespmem:$0xB900] =	vst v63  }
0xfc: {  	s28 =	sadd.s32 $0x400, s29  }
0xfd: {  	[tilespmem:s20], [sflag:$0x1] =	stream.indirect.gather [hbm4b:s4+s11], $0x20, s28, s11, $0xb8;
	[tilespmem:$0xB900] =	vst v63  }
0xfe: {  	s28 =	sadd.s32 $0x480, s29  }
0xff: {  	[tilespmem:s21], [sflag:$0x1] =	stream.indirect.gather [hbm4b:s4+s11], $0x20, s28, s11, $0xb8;
	[tilespmem:$0xB900] =	vst v63  }
0x100: {  	_ =	swait.ge [sflag:s22], $0x1000  }
0x101: {  	[sflag:s22] =	ssyncset.done $0x0  }
0x102: {  	[sflag:s22] =	ssyncadd.s32 $0xFFFFF000  }
0x103: {  	_ =	swait.ge [sflag:s22], $0x1000  }
0x104: {  	[sflag:s22] =	ssyncset.done $0x0  }
0x105: {  	[sflag:s22] =	ssyncadd.s32 $0xFFFFF000  }
0x106: {  	_ =	swait.ge [sflag:s22], $0x1000  }
0x107: {  	[sflag:s22] =	ssyncset.done $0x0  }
0x108: {  	[sflag:s22] =	ssyncadd.s32 $0xFFFFF000  }
0x109: {  	_ =	swait.ge [sflag:s22], $0x1000  }
0x10a: {  	[sflag:s22] =	ssyncset.done $0x0  }
0x10b: {  	[sflag:s22] =	ssyncadd.s32 $0xFFFFF000  }
0x10c: {  	_ =	swait.ge [sflag:s22], $0x1000  }
0x10d: {  	[sflag:s22] =	ssyncset.done $0x0  }
0x10e: {  	[sflag:s22] =	ssyncadd.s32 $0xFFFFF000  }
0x10f: {  	_ =	swait.ge [sflag:s22], $0x1000  }
0x110: {  	[sflag:s22] =	ssyncset.done $0x0  }
0x111: {  	[sflag:s22] =	ssyncadd.s32 $0xFFFFF000  }
0x112: {  	_ =	swait.ge [sflag:s22], $0x1000  }
0x113: {  	[sflag:s22] =	ssyncset.done $0x0  }
0x114: {  	[sflag:s22] =	ssyncadd.s32 $0xFFFFF000  }
0x115: {  	_ =	swait.ge [sflag:s22], $0x1000  }
0x116: {  	[sflag:s22] =	ssyncset.done $0x0  }
0x117: {  	[sflag:s22] =	ssyncadd.s32 $0xFFFFF000  }
0x118: {  	_ =	swait.ge [sflag:s22], $0x1000  }
0x119: {  	[sflag:s22] =	ssyncset.done $0x0  }
0x11a: {  	[sflag:s22] =	ssyncadd.s32 $0xFFFFF000  }
0x11b: {  	_ =	swait.ge [sflag:s22], $0x1000  }
.Ltmp1:
0x11c: {  	[sflag:s22] =	ssyncset.done $0x0;
	(pc) =	sbr.rel @p0 .LBB2_4-.Ltmp1, $4  }
0x11d: {  	s28 =	sadd.s32 s24, s9;
	s24 =	smov.u32 s26;
	[sflag:s22] =	ssyncadd.s32 $0xFFFFF000  }
0x11e: {  	[hbm4b:s28+s2] =	stream.linear.scatter [tilespmem:s12], [sflag:$0x2], $0xA000, $0x38;
	[tilespmem:$0xB900] =	vst v63  }
0x11f: {  	_ =	swait.ge [sflag:s10], $0xA000  }
0x120: {  	s28 =	smov.u32 s25;
	[sflag:s10] =	ssyncset.done $0x0  }
0x121: {  	s25 =	sshra.s32 s24, $0x2;
	[sflag:s10] =	ssyncadd.s32 $0xFFFF6000  }
0x122: {  	[tilespmem:s12], [sflag:$0x1] =	stream.indirect.gather [hbm4b:s4+s11], $0x20, s25, s11, $0xb8;
	[tilespmem:$0xB900] =	vst v63  }
0x123: {  	s26 =	sadd.s32 $0x80, s25  }
0x124: {  	[tilespmem:s13], [sflag:$0x1] =	stream.indirect.gather [hbm4b:s4+s11], $0x20, s26, s11, $0xb8;
	[tilespmem:$0xB900] =	vst v63  }
0x125: {  	s28 =	sadd.s32 $0x100, s25  }
0x126: {  	[tilespmem:s14], [sflag:$0x1] =	stream.indirect.gather [hbm4b:s4+s11], $0x20, s28, s11, $0xb8;
	[tilespmem:$0xB900] =	vst v63  }
0x127: {  	s29 =	sadd.s32 $0x180, s25  }
0x128: {  	[tilespmem:s15], [sflag:$0x1] =	stream.indirect.gather [hbm4b:s4+s11], $0x20, s29, s11, $0xb8;
	[tilespmem:$0xB900] =	vst v63  }
0x129: {  	s30 =	sadd.s32 $0x200, s25  }
0x12a: {  	[tilespmem:s16], [sflag:$0x1] =	stream.indirect.gather [hbm4b:s4+s11], $0x20, s30, s11, $0xb8;
	[tilespmem:$0xB900] =	vst v63  }
0x12b: {  	s31 =	sadd.s32 $0x280, s25  }
0x12c: {  	[tilespmem:s17], [sflag:$0x1] =	stream.indirect.gather [hbm4b:s4+s11], $0x20, s31, s11, $0xb8;
	[tilespmem:$0xB900] =	vst v63  }
0x12d: {  	s28 =	sadd.s32 $0x300, s25  }
0x12e: {  	[tilespmem:s18], [sflag:$0x1] =	stream.indirect.gather [hbm4b:s4+s11], $0x20, s28, s11, $0xb8;
	[tilespmem:$0xB900] =	vst v63  }
0x12f: {  	s29 =	sadd.s32 $0x380, s25  }
0x130: {  	[tilespmem:s19], [sflag:$0x1] =	stream.indirect.gather [hbm4b:s4+s11], $0x20, s29, s11, $0xb8;
	[tilespmem:$0xB900] =	vst v63  }
0x131: {  	s30 =	sadd.s32 $0x400, s25  }
0x132: {  	[tilespmem:s20], [sflag:$0x1] =	stream.indirect.gather [hbm4b:s4+s11], $0x20, s30, s11, $0xb8;
	[tilespmem:$0xB900] =	vst v63  }
0x133: {  	s25 =	sadd.s32 $0x480, s25  }
0x134: {  	[tilespmem:s21], [sflag:$0x1] =	stream.indirect.gather [hbm4b:s4+s11], $0x20, s25, s11, $0xb8;
	[tilespmem:$0xB900] =	vst v63  }
0x135: {  	_ =	swait.ge [sflag:s22], $0x1000  }
0x136: {  	[sflag:s22] =	ssyncset.done $0x0  }
0x137: {  	[sflag:s22] =	ssyncadd.s32 $0xFFFFF000  }
0x138: {  	_ =	swait.ge [sflag:s22], $0x1000  }
0x139: {  	[sflag:s22] =	ssyncset.done $0x0  }
0x13a: {  	[sflag:s22] =	ssyncadd.s32 $0xFFFFF000  }
0x13b: {  	_ =	swait.ge [sflag:s22], $0x1000  }
0x13c: {  	[sflag:s22] =	ssyncset.done $0x0  }
0x13d: {  	[sflag:s22] =	ssyncadd.s32 $0xFFFFF000  }
0x13e: {  	_ =	swait.ge [sflag:s22], $0x1000  }
0x13f: {  	[sflag:s22] =	ssyncset.done $0x0  }
0x140: {  	[sflag:s22] =	ssyncadd.s32 $0xFFFFF000  }
0x141: {  	_ =	swait.ge [sflag:s22], $0x1000  }
0x142: {  	[sflag:s22] =	ssyncset.done $0x0  }
0x143: {  	[sflag:s22] =	ssyncadd.s32 $0xFFFFF000  }
0x144: {  	_ =	swait.ge [sflag:s22], $0x1000  }
0x145: {  	[sflag:s22] =	ssyncset.done $0x0  }
0x146: {  	[sflag:s22] =	ssyncadd.s32 $0xFFFFF000  }
0x147: {  	_ =	swait.ge [sflag:s22], $0x1000  }
0x148: {  	[sflag:s22] =	ssyncset.done $0x0  }
0x149: {  	[sflag:s22] =	ssyncadd.s32 $0xFFFFF000  }
0x14a: {  	_ =	swait.ge [sflag:s22], $0x1000  }
0x14b: {  	[sflag:s22] =	ssyncset.done $0x0  }
0x14c: {  	[sflag:s22] =	ssyncadd.s32 $0xFFFFF000  }
0x14d: {  	_ =	swait.ge [sflag:s22], $0x1000  }
0x14e: {  	[sflag:s22] =	ssyncset.done $0x0  }
0x14f: {  	[sflag:s22] =	ssyncadd.s32 $0xFFFFF000  }
0x150: {  	s23 =	sadd.s32 $0x1, s23;
	_ =	swait.ge [sflag:s22], $0x1000  }
0x151: {  	p0 =	sne.s32 s23, s7;
	[sflag:s22] =	ssyncset.done $0x0  }
.Ltmp2:
0x152: {  	s31 =	sadd.s32 s24, s9;
	[sflag:s22] =	ssyncadd.s32 $0xFFFFF000;
	(pc) =	sbr.rel @p0 .LBB2_1-.Ltmp2, $4  }
0x153: {  	[hbm4b:s31+s2] =	stream.linear.scatter [tilespmem:s12], [sflag:$0x2], $0xA000, $0x38;
	[tilespmem:$0xB900] =	vst v63  }
0x154: {  	_ =	swait.ge [sflag:s10], $0xA000  }
0x155: {  	[sflag:s10] =	ssyncset.done $0x0  }
0x156: {  	[sflag:s10] =	ssyncadd.s32 $0xFFFF6000  }
0x157: {  	_ =	sfence.sel $0x180000  }
0x158: {  	[bflag:$0x0] =	sbarrier.arrive $0xFFFF  }
0x159: {  	p0 =	sne.s32 s0, $0x0;
	_ =	strace $0x9000004A  }
0x15a: {  	s0 =	sadd.s32 @!p0 $0x100000, s1;
	[bflag:$0x2] =	sbarrier.arrive $0xFFFF  }
0x15b: {  	[sflag:s0] =	ssyncadd.tile.s32 @!p0 $0x1;
	_ =	shalt  }
.Lfunc_end2:
_tile_overlayer_lowered:
.L_overlay_start_2:
0x15c: {  	(tag) =	ssettag $0x2  }
0x15d: {  	s0 =	rddreg [dreg:$0x0];
	s2 =	stileid.u32  }
0x15e: {  	s1 =	rddreg [dreg:$0x1];
	p0 =	sne.s32 s2, $0x0  }
0x15f: {  	s3 =	rddreg [dreg:$0x2];
	[bflag:$0x3] =	sbarrier.arrive $0xFFFF;
	s2 =	simm.s32 @!p0 $0x1C02  }
0x160: {  	[timem:s3], [sflag:s2] =	dma.local @!p0 [hbm:s0], s1  }
0x161: {  	s0 =	simm.s32 @!p0 $0x2  }
0x162: {  	_ =	swait.ge @!p0 [sflag:s0], s1  }
0x163: {  	s1 =	ssub.s32 @!p0 $0x0, s1;
	[sflag:s0] =	ssyncset.done @!p0 $0x0  }
0x164: {  	[sflag:s0] =	ssyncadd.s32 @!p0 s1  }
0x165: {  	[bflag:$0x3] =	sbarrier.arrive $0xFFFF  }
0x166: {  	_ =	shalt  }

// kernel: kernel.8.cloned.1.call-start
scs
__scs_entry_jumppad:
0x0: {  	(pc) =	sbr.rel $0x88, $3  }
0x1: {  	(tag) =	ssettag $0x0;
	lr =	simm.s32 $0x1  }
0x2: {  	[smem:$0x3F8C] =	sst lr;
	_ =	strace $0xD0000000  }
0x3: {  	_ = 	snop  }
0x4: {  	_ = 	snop  }
0x5: {  	_ = 	snop  }
0x6: {  	_ = 	snop  }
0x7: {  	_ = 	snop  }
__scs_overlays_trampoline_lowered:
0x8: {  	[smem:$0x3F9B] =	sst s0  }
0x9: {  	[smem:$0x3F9C] =	sst s1  }
0xa: {  	[smem:$0x3F9D] =	sst s2  }
0xb: {  	[smem:$0x3F9E] =	sst s3  }
0xc: {  	[smem:$0x3F9F] =	sst s4  }
0xd: {  	[smem:$0x3FA0] =	sst s5  }
0xe: {  	[smem:$0x3FA1] =	sst s6  }
0xf: {  	[smem:$0x3FA2] =	sst s7  }
0x10: {  	[smem:$0x3FA3] =	sst s8  }
0x11: {  	[smem:$0x3FA4] =	sst s9;
	s0 =	simm.s32 @!p0 $0x0  }
0x12: {  	s1 =	sld [smem:$0x3F8A];
	s0 =	simm.s32 @p0 $0x1  }
0x13: {  	[smem:$0x3FA5] =	sst s0;
	s0 =	simm.s32 @!p1 $0x0  }
0x14: {  	s2 =	sld [smem:$0x3F89];
	s0 =	simm.s32 @p1 $0x1  }
0x15: {  	[smem:$0x3FA6] =	sst s0;
	s0 =	simm.s32 @!p2 $0x0  }
0x16: {  	s3 =	sld [smem:$0x3FDB];
	s0 =	simm.s32 @p2 $0x1  }
0x17: {  	s4 =	simm.s32 $0x1BF5;
	[smem:$0x3FA8] =	sst s0  }
0x18: {  	s0 =	sld [smem:$0x3F8B];
	_ =	swait.ge [sflag:s4], $0x0  }
0x19: {  	s7 =	sld [smem:$0x3F8C]  }
0x1a: {  	s8 =	sadd.s32 $0xFFFFE003, lr  }
0x1b: {  	s9 =	sadd.s32 $0xFFFFFEF7, lr;
	s5 =	simm.s32 $0xFFFFFFFF;
	p2 =	slt.u32 s8, $0xFFFFF086  }
0x1c: {  	p1 =	slt.u32 s9, $0xF7A;
	s5 =	simm.s32 @!p2 $0x0  }
0x1d: {  	s5 =	simm.s32 @p1 $0x1;
	p0 =	seq.s32 s7, s2  }
0x1e: {  	s7 =	smul.u32 @!p0 $0xF7A, s2;
	p2 =	seq.s32 @!p0 s5, $0x0  }
0x1f: {  	s9 =	smul.u32 $0xF7A, s1;
	s8 =	simm.s32 @!p0 $0x1BF5;
	p2 =	por !p2, p0  }
0x20: {  	[sflag:s8] =	ssyncset.s32 @!p0 $0xFFFFF086;
	s6 =	sadd.s32 @!p0 s3, s7;
	s7 =	simm.s32 @!p0 $0x108  }
0x21: {  	s3 =	sadd.s32 s3, s9;
	s6 =	sadd.s32 @!p0 $0x88, s6;
	s7 =	simm.s32 @p2 $0x1082  }
0x22: {  	[simem:s7], [sflag:s8] =	dma.local @!p0 [hbm:s6], $0xF7A  }
0x23: {  	s9 =	sor.u32 $0xD0000000, s2;
	s6 =	simm.s32 $0x108;
	_ =	swait.ge @!p0 [sflag:s8], $0x0  }
0x24: {  	s3 =	sadd.s32 $0x88, s3;
	s6 =	simm.s32 @!p1 $0x1082;
	[sflag:s4] =	ssyncset.s32 $0xFFFFF086  }
0x25: {  	[simem:s6], [sflag:s4] =	dma.local [hbm:s3], $0xF7A  }
0x26: {  	[smem:$0x3F8C] =	sst s1;
	(tag) =	ssettag s2;
	_ =	strace s9  }
0x27: {  	s1 =	sld [smem:$0x3F9C]  }
0x28: {  	s2 =	sld [smem:$0x3F9D]  }
0x29: {  	s4 =	sld [smem:$0x3F9F]  }
0x2a: {  	p0 =	seq.s32 s5, $0x0;
	s5 =	sld [smem:$0x3FA0]  }
0x2b: {  	s6 =	sld [smem:$0x3FA1]  }
0x2c: {  	s7 =	sld [smem:$0x3FA2]  }
0x2d: {  	s3 =	simm.s32 $0x108;
	s8 =	sld [smem:$0x3FA3]  }
0x2e: {  	s3 =	simm.s32 @!p0 $0x1082;
	s9 =	sld [smem:$0x3FA4]  }
0x2f: {  	lr =	sadd.s32 s0, s3;
	s0 =	sld [smem:$0x3F9B]  }
0x30: {  	s3 =	sld [smem:$0x3F9E]  }
0x31: {  	[smem:$0x3FA7] =	sst s10  }
0x32: {  	s10 =	sld [smem:$0x3FA5];
	_ =	sdelay $0x3  }
0x33: {  	p0 =	seq.s32 s10, $0x1;
	s10 =	sld [smem:$0x3FA7];
	_ =	sdelay $0x3  }
0x34: {  	[smem:$0x3FA7] =	sst s10  }
0x35: {  	s10 =	sld [smem:$0x3FA6];
	_ =	sdelay $0x3  }
0x36: {  	p1 =	seq.s32 s10, $0x1;
	s10 =	sld [smem:$0x3FA7];
	_ =	sdelay $0x3  }
0x37: {  	[smem:$0x3FA7] =	sst s10  }
0x38: {  	s10 =	sld [smem:$0x3FA8]  }
0x39: {  	_ = 	snop;
	(pc) =	sbr.ind lr, $3  }
0x3a: {  	_ = 	snop  }
0x3b: {  	_ = 	snop  }
0x3c: {  	p2 =	seq.s32 s10, $0x1;
	s10 =	sld [smem:$0x3FA7]  }
0x3d: {  	_ =	shalt  }
0x3e: {  	_ =	shalt  }
0x3f: {  	_ =	shalt  }
0x40: {  	_ =	shalt  }
0x41: {  	_ =	shalt  }
0x42: {  	_ =	shalt  }
0x43: {  	_ =	shalt  }
0x44: {  	_ =	shalt  }
0x45: {  	_ =	shalt  }
0x46: {  	_ =	shalt  }
0x47: {  	_ =	shalt  }
0x48: {  	_ =	shalt  }
0x49: {  	_ =	shalt  }
0x4a: {  	_ =	shalt  }
0x4b: {  	_ =	shalt  }
0x4c: {  	_ =	shalt  }
0x4d: {  	_ =	shalt  }
0x4e: {  	_ =	shalt  }
0x4f: {  	_ =	shalt  }
0x50: {  	_ =	shalt  }
0x51: {  	_ =	shalt  }
0x52: {  	_ =	shalt  }
0x53: {  	_ =	shalt  }
0x54: {  	_ =	shalt  }
0x55: {  	_ =	shalt  }
0x56: {  	_ =	shalt  }
0x57: {  	_ =	shalt  }
0x58: {  	_ =	shalt  }
0x59: {  	_ =	shalt  }
0x5a: {  	_ =	shalt  }
0x5b: {  	_ =	shalt  }
0x5c: {  	_ =	shalt  }
0x5d: {  	_ =	shalt  }
0x5e: {  	_ =	shalt  }
0x5f: {  	_ =	shalt  }
0x60: {  	_ =	shalt  }
0x61: {  	_ =	shalt  }
0x62: {  	_ =	shalt  }
0x63: {  	_ =	shalt  }
0x64: {  	_ =	shalt  }
0x65: {  	_ =	shalt  }
0x66: {  	_ =	shalt  }
0x67: {  	_ =	shalt  }
0x68: {  	_ =	shalt  }
0x69: {  	_ =	shalt  }
0x6a: {  	_ =	shalt  }
0x6b: {  	_ =	shalt  }
0x6c: {  	_ =	shalt  }
0x6d: {  	_ =	shalt  }
0x6e: {  	_ =	shalt  }
0x6f: {  	_ =	shalt  }
0x70: {  	_ =	shalt  }
0x71: {  	_ =	shalt  }
0x72: {  	_ =	shalt  }
0x73: {  	_ =	shalt  }
0x74: {  	_ =	shalt  }
0x75: {  	_ =	shalt  }
0x76: {  	_ =	shalt  }
0x77: {  	_ =	shalt  }
0x78: {  	_ =	shalt  }
0x79: {  	_ =	shalt  }
0x7a: {  	_ =	shalt  }
0x7b: {  	_ =	shalt  }
0x7c: {  	_ =	shalt  }
0x7d: {  	_ =	shalt  }
0x7e: {  	_ =	shalt  }
0x7f: {  	_ =	shalt  }
0x80: {  	_ =	shalt  }
0x81: {  	_ =	shalt  }
0x82: {  	_ =	shalt  }
0x83: {  	_ =	shalt  }
0x84: {  	_ =	shalt  }
0x85: {  	_ =	shalt  }
0x86: {  	_ =	shalt  }
0x87: {  	_ =	shalt  }
.Lfunc_end0:
.L_simem_size_0:
called_computation.1_lowered:
.L_overlay_start_0:
0x88: {  	s2 =	sld [smem:$0x3FD9]  }
0x89: {  	s3 =	sld [smem:$0x3FFE];
	_ =	sdelay $0x1  }
0x8a: {  	s1 =	srdreg.scid  }
0x8b: {  	s0 =	sand.u32 $0x1, s1  }
0x8c: {  	s17 =	sshll.u32 s0, $0xA;
	s2 =	sadd.s32 s3, s2  }
0x8d: {  	s2 =	sadd.s32 s2, s17  }
0x8e: {  	[smem:$0x3FB3] =	sst s2  }
0x8f: {  	_ = 	snop  }
0x90: {  	s2 =	sld [smem:$0x3FC8]  }
0x91: {  	s18 =	sld [smem:$0x3FC7]  }
0x92: {  	s4 =	sld [smem:$0x3FC4]  }
0x93: {  	s5 =	sld [smem:$0x3FC3];
	(tm) =	ssettm $0x1  }
0x94: {  	s6 =	sld [smem:$0x3FFB];
	_ =	sdelay $0x3  }
0x95: {  	_ =	strace s6  }
0x96: {  	s6 =	sld [smem:$0x3FFC];
	_ =	sdelay $0x3  }
0x97: {  	_ =	strace s6  }
0x98: {  	s6 =	sld [smem:$0x3FFD];
	_ =	sdelay $0x3  }
0x99: {  	_ =	strace s6  }
0x9a: {  	_ =	strace $0x8FFFFFFF  }
0x9b: {  	s19 =	sld [smem:$0x3FDB];
	_ =	sdelay $0x1  }
0x9c: {  	s7 =	simm.s32 $_scs_section_size  }
0x9d: {  	s8 =	simm.s32 $_size__tile_overlayer_lowered;
	s9 =	simm.s32 $_tile_overlayer_lowered  }
0x9e: {  	s22 =	simm.s32 $0x1BFF;
	s21 =	sshll.u32 s9, $0x1;
	s6 =	sadd.s32 s7, s19  }
0x9f: {  	s10 =	simm.s32 $0x0;
	s20 =	sshll.u32 s8, $0x1;
	s8 =	sadd.s32 s21, s6  }
0xa0: {  	[timem:s10], [sflag:s22] =	dma.local [hbm:s8], s20  }
0xa1: {  	_ =	swait.ge [sflag:s22], s20  }
0xa2: {  	s7 =	ssub.s32 $0x0, s20;
	[sflag:s22] =	ssyncset.done $0x0  }
0xa3: {  	[sflag:s22] =	ssyncadd.s32 s7;
	_ =	sdelay $0x1  }
0xa4: {  	s23 =	simm.s32 $0x1B8B  }
0xa5: {  	_ =	swait.ge [sflag:s23], $0x1  }
0xa6: {  	[sflag:s23] =	ssyncset.done $0x0  }
0xa7: {  	s25 =	simm.s32 $0x1B8E;
	s24 =	sld [smem:$0x3FFE];
	[sflag:s23] =	ssyncadd.s32 $0xFFFFFFFF  }
0xa8: {  	s26 =	simm.s32 $execute0_lowered;
	[smem:$0x3FD2] =	sst s25  }
0xa9: {  	s8 =	sshll.u32 s26, $0x1;
	_ =	strace $0x80000046;
	[dreg:$0x1] =	wrdreg $0xFFFFFFFF  }
0xaa: {  	s28 =	simm.s32 $_size_execute0_lowered;
	s6 =	sadd.s32 s6, s8;
	[dreg:$0x0] =	wrdreg $0x0  }
0xab: {  	s8 =	sshll.u32 s28, $0x1;
	[dreg:$0x2] =	wrdreg s6  }
0xac: {  	[dreg:$0x3] =	wrdreg s8  }
0xad: {  	[dreg:$0x4] =	wrdreg $0xC0  }
0xae: {  	_ =	task [dreg:s10], $0x5FFFF  }
0xaf: {  	[dreg:$0x1] =	wrdreg $0xFFFFFFFF  }
0xb0: {  	[dreg:$0x0] =	wrdreg $0x60  }
0xb1: {  	[dreg:$0x2] =	wrdreg s2  }
0xb2: {  	[dreg:$0x3] =	wrdreg s18  }
0xb3: {  	[dreg:$0x4] =	wrdreg s4  }
0xb4: {  	[dreg:$0x5] =	wrdreg s5  }
0xb5: {  	[dreg:$0x6] =	wrdreg s24  }
0xb6: {  	[dreg:$0x7] =	wrdreg $0xA  }
0xb7: {  	_ =	task.clear_ibuf [dreg:s10], $0x8FFFF;
	_ =	strace $0x90000046  }
0xb8: {  	s29 =	simm.s32 $0xA;
	_ =	strace $0x80000048  }
0xb9: {  	_ =	swait.ge [sflag:s29], $0x1  }
0xba: {  	[sflag:s29] =	ssyncadd.s32 $0xFFFFFFFF  }
0xbb: {  	_ =	strace $0x90000048  }
0xbc: {  	_ =	sfence  }
0xbd: {  	s30 =	sld [smem:$0x0];
	_ =	sdelay $0x2  }
0xbe: {  	s31 =	sshll.u32 s1, $0xD;
	s1 =	sshrl.u32 s1, $0x2  }
0xbf: {  	s3 =	sand.u32 $0x4000, s31;
	s1 =	sadd.s32 s1, s30  }
0xc0: {  	s0 =	sor.u32 s3, s0;
	s1 =	sshll.u32 s1, $0x11  }
0xc1: {  	s0 =	sor.u32 s1, s0  }
0xc2: {  	s0 =	sadd.s32 $0x8F2B, s0  }
0xc3: {  	[sflag:s0] =	ssyncadd.remote.s32 $0x1  }
0xc4: {  	_ =	sfence.sel $0xFFFF  }
0xc5: {  	[dreg:$0x0] =	wrdreg $0xFFFFFFFF;
	(pc) =	sbr.abs _section_cstart, $3  }
0xc6: {  	[dreg:$0x1] =	wrdreg $0xFFFFFFFF  }
0xc7: {  	_ =	task.clear_ibuf [dreg:s10], $0x2FFFF;
	_ =	strace $0x9FFFFFFF  }
0xc8: {  	(tm) =	ssettm $0x7FFFFFFF  }
0xc9: {  	_ =	shalt  }
tec
execute0_lowered:
.L_overlay_start_1:
0x0: {  	(tag) =	ssettag $0x1  }
0x1: {  	s3 =	rddreg [dreg:$0x0]  }
0x2: {  	s9 =	rddreg [dreg:$0x1]  }
0x3: {  	s12 =	rddreg [dreg:$0x2];
	s1 =	srdreg.scid  }
0x4: {  	s15 =	rddreg [dreg:$0x3];
	s0 =	stileid.u32;
	s17 =	sand.u32 $0x1, s1  }
0x5: {  	s16 =	rddreg [dreg:$0x4];
	s4 =	sshll.u32 s0, $0x8;
	s5 =	sshll.u32 s17, $0x7  }
0x6: {  	s2 =	simm.s32 $0x0;
	s1 =	rddreg [dreg:$0x5];
	s8 =	sor.u32 s5, s4  }
0x7: {  	[smem:$0x7FF] =	sst s2;
	s18 =	sshrl.u32 s8, $0x3  }
0x8: {  	_ =	strace $0x80000047;
	s4 =	sadd.s32 s3, s18;
	s3 =	simm.s32 $0x2  }
0x9: {  	[tilespmem:s2], [sflag:$0x2] =	stream.linear.gather [hbm4b:s4+s2], $0x80, $0x38;
	[tilespmem:$0x1080] =	vst v63  }
0xa: {  	_ =	swait.ge [sflag:s3], $0x80  }
0xb: {  	s6 =	simm.s32 $0x80;
	[sflag:s3] =	ssyncset.done $0x0  }
0xc: {  	s7 =	simm.s32 $0x1;
	s5 =	sadd.s32 $0x1F0600, s16;
	[sflag:s3] =	ssyncadd.s32 $0xFFFFFF80  }
0xd: {  	[tilespmem:s6], [sflag:$0x1] =	stream.indirect.gather [hbm4b:s5+s6], $0x20, s2, s6, $0xb8;
	[tilespmem:$0x1080] =	vst v63  }
0xe: {  	s8 =	sshll.u32 s8, $0x2;
	_ =	swait.ge [sflag:s7], $0x1000  }
0xf: {  	s19 =	sadd.s32 s8, s16;
	[sflag:s7] =	ssyncset.done $0x0  }
0x10: {  	s8 =	sadd.s32 $0x8000, s19;
	[sflag:s7] =	ssyncadd.s32 $0xFFFFF000  }
0x11: {  	[hbm4b:s8+s2] =	stream.linear.scatter [tilespmem:s6], [sflag:$0x2], $0x1000, $0x38;
	[tilespmem:$0x1080] =	vst v63  }
0x12: {  	_ =	swait.ge [sflag:s3], $0x1000  }
0x13: {  	[sflag:s3] =	ssyncset.done $0x0  }
0x14: {  	s9 =	sadd.s32 s9, s18;
	[sflag:s3] =	ssyncadd.s32 $0xFFFFF000  }
0x15: {  	[tilespmem:s2], [sflag:$0x2] =	stream.linear.gather [hbm4b:s9+s2], $0x80, $0x38;
	[tilespmem:$0x1080] =	vst v63  }
0x16: {  	_ =	swait.ge [sflag:s3], $0x80  }
0x17: {  	[sflag:s3] =	ssyncset.done $0x0  }
0x18: {  	s10 =	sadd.s32 $0x18EA00, s16;
	[sflag:s3] =	ssyncadd.s32 $0xFFFFFF80  }
0x19: {  	[tilespmem:s6], [sflag:$0x1] =	stream.indirect.gather [hbm4b:s10+s6], $0x20, s2, s6, $0xb8;
	[tilespmem:$0x1080] =	vst v63  }
0x1a: {  	_ =	swait.ge [sflag:s7], $0x1000  }
0x1b: {  	[sflag:s7] =	ssyncset.done $0x0  }
0x1c: {  	s11 =	sadd.s32 $0xC000, s19;
	[sflag:s7] =	ssyncadd.s32 $0xFFFFF000  }
0x1d: {  	[hbm4b:s11+s2] =	stream.linear.scatter [tilespmem:s6], [sflag:$0x2], $0x1000, $0x38;
	[tilespmem:$0x1080] =	vst v63  }
0x1e: {  	_ =	swait.ge [sflag:s3], $0x1000  }
0x1f: {  	[sflag:s3] =	ssyncset.done $0x0  }
0x20: {  	s12 =	sadd.s32 s12, s18;
	[sflag:s3] =	ssyncadd.s32 $0xFFFFF000  }
0x21: {  	[tilespmem:s2], [sflag:$0x2] =	stream.linear.gather [hbm4b:s12+s2], $0x80, $0x38;
	[tilespmem:$0x1080] =	vst v63  }
0x22: {  	_ =	swait.ge [sflag:s3], $0x80  }
0x23: {  	[sflag:s3] =	ssyncset.done $0x0  }
0x24: {  	s13 =	sadd.s32 $0x2B3E00, s16;
	[sflag:s3] =	ssyncadd.s32 $0xFFFFFF80  }
0x25: {  	[tilespmem:s6], [sflag:$0x1] =	stream.indirect.gather [hbm4b:s13+s6], $0x20, s2, s6, $0xb8;
	[tilespmem:$0x1080] =	vst v63  }
0x26: {  	_ =	swait.ge [sflag:s7], $0x1000  }
0x27: {  	[sflag:s7] =	ssyncset.done $0x0  }
0x28: {  	s14 =	sadd.s32 $0x10000, s19;
	[sflag:s7] =	ssyncadd.s32 $0xFFFFF000  }
0x29: {  	[hbm4b:s14+s2] =	stream.linear.scatter [tilespmem:s6], [sflag:$0x2], $0x1000, $0x38;
	[tilespmem:$0x1080] =	vst v63  }
0x2a: {  	_ =	swait.ge [sflag:s3], $0x1000  }
0x2b: {  	[sflag:s3] =	ssyncset.done $0x0  }
0x2c: {  	s17 =	ssub.s32 $0x2, s17;
	s15 =	sadd.s32 s15, s18;
	[sflag:s3] =	ssyncadd.s32 $0xFFFFF000  }
0x2d: {  	[tilespmem:s2], [sflag:$0x2] =	stream.linear.gather [hbm4b:s15+s2], $0x80, $0x38;
	[tilespmem:$0x1080] =	vst v63  }
0x2e: {  	s31 =	sshrl.u32 s17, $0x1;
	_ =	swait.ge [sflag:s3], $0x80  }
0x2f: {  	s18 =	ssub.s32 s17, s31;
	[sflag:s3] =	ssyncset.done $0x0  }
0x30: {  	s16 =	sadd.s32 $0x252200, s16;
	s18 =	smax.u32 s18, $0x1;
	[sflag:s3] =	ssyncadd.s32 $0xFFFFFF80  }
0x31: {  	[tilespmem:s6], [sflag:$0x1] =	stream.indirect.gather [hbm4b:s16+s6], $0x20, s2, s6, $0xb8;
	[tilespmem:$0x1080] =	vst v63  }
0x32: {  	p0 =	sne.s32 s18, $0x1;
	_ =	swait.ge [sflag:s7], $0x1000  }
.Ltmp0:
0x33: {  	[sflag:s7] =	ssyncset.done $0x0;
	(pc) =	sbr.rel @!p0 .LBB2_2-.Ltmp0, $4  }
0x34: {  	s17 =	sadd.s32 $0x14000, s19;
	[sflag:s7] =	ssyncadd.s32 $0xFFFFF000  }
0x35: {  	[hbm4b:s17+s2] =	stream.linear.scatter [tilespmem:s6], [sflag:$0x2], $0x1000, $0x38;
	[tilespmem:$0x1080] =	vst v63  }
0x36: {  	_ =	swait.ge [sflag:s3], $0x1000  }
0x37: {  	s18 =	sadd.s32 $0xFFFFFFFF, s18;
	[sflag:s3] =	ssyncset.done $0x0  }
.LBB2_1:
0x38: {  	p0 =	sne.s32 s18, $0x1;
	s18 =	sadd.s32 $0xFFFFFFFF, s18;
	[sflag:s3] =	ssyncadd.s32 $0xFFFFF000  }
0x39: {  	[tilespmem:s2], [sflag:$0x2] =	stream.linear.gather [hbm4b:s4+s2], $0x80, $0x38;
	[tilespmem:$0x1080] =	vst v63  }
0x3a: {  	_ =	swait.ge [sflag:s3], $0x80  }
0x3b: {  	[sflag:s3] =	ssyncset.done $0x0  }
0x3c: {  	[sflag:s3] =	ssyncadd.s32 $0xFFFFFF80  }
0x3d: {  	[tilespmem:s6], [sflag:$0x1] =	stream.indirect.gather [hbm4b:s5+s6], $0x20, s2, s6, $0xb8;
	[tilespmem:$0x1080] =	vst v63  }
0x3e: {  	_ =	swait.ge [sflag:s7], $0x1000  }
0x3f: {  	[sflag:s7] =	ssyncset.done $0x0  }
0x40: {  	[sflag:s7] =	ssyncadd.s32 $0xFFFFF000  }
0x41: {  	[hbm4b:s8+s2] =	stream.linear.scatter [tilespmem:s6], [sflag:$0x2], $0x1000, $0x38;
	[tilespmem:$0x1080] =	vst v63  }
0x42: {  	_ =	swait.ge [sflag:s3], $0x1000  }
0x43: {  	[sflag:s3] =	ssyncset.done $0x0  }
0x44: {  	[sflag:s3] =	ssyncadd.s32 $0xFFFFF000  }
0x45: {  	[tilespmem:s2], [sflag:$0x2] =	stream.linear.gather [hbm4b:s9+s2], $0x80, $0x38;
	[tilespmem:$0x1080] =	vst v63  }
0x46: {  	_ =	swait.ge [sflag:s3], $0x80  }
0x47: {  	[sflag:s3] =	ssyncset.done $0x0  }
0x48: {  	[sflag:s3] =	ssyncadd.s32 $0xFFFFFF80  }
0x49: {  	[tilespmem:s6], [sflag:$0x1] =	stream.indirect.gather [hbm4b:s10+s6], $0x20, s2, s6, $0xb8;
	[tilespmem:$0x1080] =	vst v63  }
0x4a: {  	_ =	swait.ge [sflag:s7], $0x1000  }
0x4b: {  	[sflag:s7] =	ssyncset.done $0x0  }
0x4c: {  	[sflag:s7] =	ssyncadd.s32 $0xFFFFF000  }
0x4d: {  	[hbm4b:s11+s2] =	stream.linear.scatter [tilespmem:s6], [sflag:$0x2], $0x1000, $0x38;
	[tilespmem:$0x1080] =	vst v63  }
0x4e: {  	_ =	swait.ge [sflag:s3], $0x1000  }
0x4f: {  	[sflag:s3] =	ssyncset.done $0x0  }
0x50: {  	[sflag:s3] =	ssyncadd.s32 $0xFFFFF000  }
0x51: {  	[tilespmem:s2], [sflag:$0x2] =	stream.linear.gather [hbm4b:s12+s2], $0x80, $0x38;
	[tilespmem:$0x1080] =	vst v63  }
0x52: {  	_ =	swait.ge [sflag:s3], $0x80  }
0x53: {  	[sflag:s3] =	ssyncset.done $0x0  }
0x54: {  	[sflag:s3] =	ssyncadd.s32 $0xFFFFFF80  }
0x55: {  	[tilespmem:s6], [sflag:$0x1] =	stream.indirect.gather [hbm4b:s13+s6], $0x20, s2, s6, $0xb8;
	[tilespmem:$0x1080] =	vst v63  }
0x56: {  	_ =	swait.ge [sflag:s7], $0x1000  }
0x57: {  	[sflag:s7] =	ssyncset.done $0x0  }
0x58: {  	[sflag:s7] =	ssyncadd.s32 $0xFFFFF000  }
0x59: {  	[hbm4b:s14+s2] =	stream.linear.scatter [tilespmem:s6], [sflag:$0x2], $0x1000, $0x38;
	[tilespmem:$0x1080] =	vst v63  }
0x5a: {  	_ =	swait.ge [sflag:s3], $0x1000  }
0x5b: {  	[sflag:s3] =	ssyncset.done $0x0  }
0x5c: {  	[sflag:s3] =	ssyncadd.s32 $0xFFFFF000  }
0x5d: {  	[tilespmem:s2], [sflag:$0x2] =	stream.linear.gather [hbm4b:s15+s2], $0x80, $0x38;
	[tilespmem:$0x1080] =	vst v63  }
0x5e: {  	_ =	swait.ge [sflag:s3], $0x80  }
0x5f: {  	[sflag:s3] =	ssyncset.done $0x0  }
0x60: {  	[sflag:s3] =	ssyncadd.s32 $0xFFFFFF80  }
0x61: {  	[tilespmem:s6], [sflag:$0x1] =	stream.indirect.gather [hbm4b:s16+s6], $0x20, s2, s6, $0xb8;
	[tilespmem:$0x1080] =	vst v63  }
0x62: {  	_ =	swait.ge [sflag:s7], $0x1000  }
.Ltmp1:
0x63: {  	[sflag:s7] =	ssyncset.done $0x0;
	(pc) =	sbr.rel @p0 .LBB2_1-.Ltmp1, $4  }
0x64: {  	[sflag:s7] =	ssyncadd.s32 $0xFFFFF000  }
0x65: {  	[hbm4b:s17+s2] =	stream.linear.scatter [tilespmem:s6], [sflag:$0x2], $0x1000, $0x38;
	[tilespmem:$0x1080] =	vst v63  }
0x66: {  	_ =	swait.ge [sflag:s3], $0x1000  }
0x67: {  	[sflag:s3] =	ssyncset.done $0x0  }
.LBB2_2:
0x68: {  	[sflag:s3] =	ssyncadd.s32 $0xFFFFF000  }
0x69: {  	_ =	sfence.sel $0x180000  }
0x6a: {  	[bflag:$0x0] =	sbarrier.arrive $0xFFFF  }
0x6b: {  	p0 =	sne.s32 s0, $0x0;
	_ =	strace $0x90000047  }
0x6c: {  	s0 =	sadd.s32 @!p0 $0x100000, s1;
	[bflag:$0x2] =	sbarrier.arrive $0xFFFF  }
0x6d: {  	[sflag:s0] =	ssyncadd.tile.s32 @!p0 $0x1;
	_ =	shalt  }
.Lfunc_end2:
_tile_overlayer_lowered:
.L_overlay_start_2:
0x6e: {  	(tag) =	ssettag $0x2  }
0x6f: {  	s0 =	rddreg [dreg:$0x0];
	s2 =	stileid.u32  }
0x70: {  	s1 =	rddreg [dreg:$0x1];
	p0 =	sne.s32 s2, $0x0  }
0x71: {  	s3 =	rddreg [dreg:$0x2];
	[bflag:$0x3] =	sbarrier.arrive $0xFFFF;
	s2 =	simm.s32 @!p0 $0x1C02  }
0x72: {  	[timem:s3], [sflag:s2] =	dma.local @!p0 [hbm:s0], s1  }
0x73: {  	s0 =	simm.s32 @!p0 $0x2  }
0x74: {  	_ =	swait.ge @!p0 [sflag:s0], s1  }
0x75: {  	s1 =	ssub.s32 @!p0 $0x0, s1;
	[sflag:s0] =	ssyncset.done @!p0 $0x0  }
0x76: {  	[sflag:s0] =	ssyncadd.s32 @!p0 s1  }
0x77: {  	[bflag:$0x3] =	sbarrier.arrive $0xFFFF  }
0x78: {  	_ =	shalt  }

</sc_bundles>
